<compile_context>
chip_gen: v7x
topology: tpu7x:2x2x1
jax: 0.10.2.dev20260603
libtpu: 0.0.44.dev20260713+nightly
codegen_flags: <defaults>
</compile_context>

<pallas_src>
import jax
import jax.numpy as jnp
from jax import lax
from jax.experimental import pallas as pl
from jax.experimental.pallas import tpu as pltpu
from jax.experimental.pallas import tpu_sc as plsc

N_EDGES = 1_600_000
EMB_DIM = 32
NUM_TYPES = 32
NUM_WORKERS = 32
PER_W = N_EDGES // NUM_WORKERS
GROUP = 1000
NG = PER_W // GROUP
NBUF = 2
UNROLL = 4
GW = GROUP * EMB_DIM


def _body(idx_hbm, table_hbm, out_hbm, table_v, *bufs):
    idxb = bufs[0:NBUF]
    rows = bufs[NBUF:2 * NBUF]
    isem = bufs[2 * NBUF:3 * NBUF]
    osem = bufs[3 * NBUF:4 * NBUF]
    c = lax.axis_index("c")
    s = lax.axis_index("s")
    wid = s * 2 + c
    ebase = wid * PER_W

    def idx_copy(g, b):
        return pltpu.make_async_copy(
            idx_hbm.at[pl.ds(ebase + g * GROUP, GROUP)], idxb[b], isem[b])

    def out_copy(g, b):
        return pltpu.make_async_copy(
            rows[b], out_hbm.at[pl.ds((ebase + g * GROUP) * EMB_DIM, GW)],
            osem[b])

    pltpu.sync_copy(table_hbm, table_v)
    for b in range(NBUF):
        idx_copy(b, b).start()

    def step(g, b):
        idx_copy(g, b).wait()

        @pl.when(g >= NBUF)
        def _():
            out_copy(g - NBUF, b).wait()

        def do16(e0):
            ivec = idxb[b][pl.ds(e0, 16)] * EMB_DIM
            o16 = e0 * EMB_DIM
            for k in range(16):
                base = ivec[k]
                o = o16 + k * EMB_DIM
                rows[b][pl.ds(o, 16)] = table_v[pl.ds(base, 16)]
                rows[b][pl.ds(o + 16, 16)] = table_v[pl.ds(base + 16, 16)]

        @plsc.parallel_loop(0, GROUP // 16, unroll=UNROLL)
        def _(q):
            do16(q * 16)

        if GROUP % 16:
            do16(GROUP - 16)

        out_copy(g, b).start()

        @pl.when(g + NBUF < NG)
        def _():
            idx_copy(g + NBUF, b).start()

    def ring(p, carry):
        for r in range(NBUF):
            step(p * NBUF + r, r)
        return carry

    lax.fori_loop(0, NG // NBUF, ring, 0)

    for b in range(NBUF):
        out_copy(NG - NBUF + b, b).wait()


_sc_gather = pl.kernel(
    _body,
    out_type=jax.ShapeDtypeStruct((N_EDGES * EMB_DIM,), jnp.float32),
    mesh=plsc.VectorSubcoreMesh(core_axis_name="c", subcore_axis_name="s"),
    compiler_params=pltpu.CompilerParams(use_tc_tiling_on_sc=False),
    scratch_types=(
        [pltpu.VMEM((NUM_TYPES * EMB_DIM,), jnp.float32)]
        + [pltpu.VMEM((GROUP,), jnp.int32) for _ in range(NBUF)]
        + [pltpu.VMEM((GW,), jnp.float32) for _ in range(NBUF)]
        + [pltpu.SemaphoreType.DMA for _ in range(2 * NBUF)]
    ),
)


def kernel(edge_attr, edge_index, table):
    del edge_index
    idx = edge_attr.astype(jnp.int32)
    flat = _sc_gather(idx, table.reshape(-1))
    return flat.reshape(N_EDGES, EMB_DIM)

# --- scband reference (transcript-rebuilt; emitter-appended) ---
"""Pipeline reference for scband-type-dict-edge-encoder-80711025426651 (READ-ONLY COPY).

The authoritative reference and input builder live on the scoring server;
editing this copy changes nothing except your own understanding.
"""

import jax, jax.numpy as jnp
import numpy as np

NUM_TYPES = 32
EMB_DIM = 32
N_EDGES = 1600000
N_NODES = 50000


def setup_inputs(seed: int = 0) -> dict:
    key = jax.random.key(seed)
    k1, k2, k3 = jax.random.split(key, 3)
    edge_attr = jax.random.randint(k1, (N_EDGES,), 0, NUM_TYPES, dtype=jnp.int64 if jax.config.jax_enable_x64 else jnp.int32)
    edge_index = jax.random.randint(k2, (2, N_EDGES), 0, N_NODES, dtype=jnp.int64 if jax.config.jax_enable_x64 else jnp.int32)
    # Embedding table: torch.nn.Embedding default init is N(0, 1)
    table = jax.random.normal(k3, (NUM_TYPES, EMB_DIM), dtype=jnp.float32)
    return {"edge_attr": edge_attr, "edge_index": edge_index, "table": table}


def reference(edge_attr, edge_index, table):
    # pad_to_full_graph=False (cfg.get default): forward is just an embedding lookup
    # batch.edge_attr = self.encoder(batch.edge_attr); edge_index passes through unchanged.
    out_val = jnp.take(table, edge_attr, axis=0)
    return out_val

if __name__ == "__main__":
    import jax
    _d = setup_inputs()
    print(jax.jit(kernel)(*tuple(_d.values())))

</pallas_src>

<mosaic_0001>
#map = affine_map<(d0, d1) -> (0)>
module attributes {stable_mosaic.version = 14 : i64} {
  func.func @_body(%arg0: i32, %arg1: i32, %arg2: memref<1600000xi32, #tpu.memory_space<hbm>>, %arg3: memref<1024xf32, #tpu.memory_space<hbm>>, %arg4: memref<51200000xf32, #tpu.memory_space<hbm>>, %arg5: memref<1024xf32, #tpu.memory_space<vmem>>, %arg6: memref<1000xi32, #tpu.memory_space<vmem>>, %arg7: memref<1000xi32, #tpu.memory_space<vmem>>, %arg8: memref<32000xf32, #tpu.memory_space<vmem>>, %arg9: memref<32000xf32, #tpu.memory_space<vmem>>, %arg10: memref<!tpu.dma_semaphore, #tpu.memory_space<semaphore_mem>>, %arg11: memref<!tpu.dma_semaphore, #tpu.memory_space<semaphore_mem>>, %arg12: memref<!tpu.dma_semaphore, #tpu.memory_space<semaphore_mem>>, %arg13: memref<!tpu.dma_semaphore, #tpu.memory_space<semaphore_mem>>) attributes {dimension_semantics = [#tpu.dimension_semantics<core_parallel>, #tpu.dimension_semantics<subcore_parallel>], iteration_bounds = array<i64: 2, 16>, scalar_prefetch = 0 : i64, scratch_operands = 9 : i64, tpu.core_type = #tpu.core_type<sc_vector_subcore>, window_params = [{transform_indices = #map}, {transform_indices = #map}, {transform_indices = #map}]} {
    %mul3A = arith.constant 2 : i32
    %mul3A_0 = arith.muli %arg1, %mul3A : i32
    %add3A = arith.addi %mul3A_0, %arg0 : i32
    %mul3A_1 = arith.constant 50000 : i32
    %mul3A_2 = arith.muli %add3A, %mul3A_1 : i32
    "tpu.region"() ({
      %run_scoped3A = tpu.sem_alloc : memref<!tpu.dma_semaphore, #tpu.memory_space<semaphore_mem>>
      tpu.enqueue_dma source(%arg3 : memref<1024xf32, #tpu.memory_space<hbm>>) target(%arg5 : memref<1024xf32, #tpu.memory_space<vmem>>) target_semaphore(%run_scoped3A : memref<!tpu.dma_semaphore, #tpu.memory_space<semaphore_mem>>)
      tpu.wait_dma2 semaphore(%run_scoped3A : memref<!tpu.dma_semaphore, #tpu.memory_space<semaphore_mem>>) src(%arg3 : memref<1024xf32, #tpu.memory_space<hbm>>) dst(%arg5 : memref<1024xf32, #tpu.memory_space<vmem>>)
      tpu.yield
    }) : () -> ()
    %add3A_3 = arith.constant 0 : i32
    %add3A_4 = arith.addi %mul3A_2, %add3A_3 : i32
    %dma_start3A = tpu.memref_slice %arg2[%add3A_4] : memref<1600000xi32, #tpu.memory_space<hbm>> -> memref<1000xi32, #tpu.memory_space<hbm>>
    %dma_start3A_5 = tpu.memref_slice %arg2[%add3A_4] : memref<1600000xi32, #tpu.memory_space<hbm>> -> memref<1000xi32, #tpu.memory_space<hbm>>
    tpu.enqueue_dma source(%dma_start3A_5 : memref<1000xi32, #tpu.memory_space<hbm>>) target(%arg6 : memref<1000xi32, #tpu.memory_space<vmem>>) target_semaphore(%arg10 : memref<!tpu.dma_semaphore, #tpu.memory_space<semaphore_mem>>)
    %add3A_6 = arith.constant 1000 : i32
    %add3A_7 = arith.addi %mul3A_2, %add3A_6 : i32
    %dma_start3A_8 = tpu.memref_slice %arg2[%add3A_7] : memref<1600000xi32, #tpu.memory_space<hbm>> -> memref<1000xi32, #tpu.memory_space<hbm>>
    %dma_start3A_9 = tpu.memref_slice %arg2[%add3A_7] : memref<1600000xi32, #tpu.memory_space<hbm>> -> memref<1000xi32, #tpu.memory_space<hbm>>
    tpu.enqueue_dma source(%dma_start3A_9 : memref<1000xi32, #tpu.memory_space<hbm>>) target(%arg7 : memref<1000xi32, #tpu.memory_space<vmem>>) target_semaphore(%arg11 : memref<!tpu.dma_semaphore, #tpu.memory_space<semaphore_mem>>)
    %scan3A = arith.constant 0 : i32
    %scan3A_10 = arith.constant 0 : i32
    %scan3A_11 = arith.constant 25 : i32
    %scan3A_12 = arith.addi %scan3A_10, %scan3A_11 : i32
    %scan3A_13 = arith.constant 1 : i32
    scf.for %scan3A_26 = %scan3A_10 to %scan3A_12 step %scan3A_13  : i32 {
      %mul3A_27 = arith.constant 2 : i32
      %mul3A_28 = arith.muli %scan3A_26, %mul3A_27 : i32
      %add3A_29 = arith.constant 0 : i32
      %add3A_30 = arith.addi %mul3A_28, %add3A_29 : i32
      %mul3A_31 = arith.constant 1000 : i32
      %mul3A_32 = arith.muli %add3A_30, %mul3A_31 : i32
      %add3A_33 = arith.addi %mul3A_2, %mul3A_32 : i32
      %dma_wait3A_34 = tpu.memref_slice %arg2[%add3A_33] : memref<1600000xi32, #tpu.memory_space<hbm>> -> memref<1000xi32, #tpu.memory_space<hbm>>
      %dma_wait3A_35 = tpu.memref_slice %arg2[%add3A_33] : memref<1600000xi32, #tpu.memory_space<hbm>> -> memref<1000xi32, #tpu.memory_space<hbm>>
      tpu.wait_dma2 semaphore(%arg10 : memref<!tpu.dma_semaphore, #tpu.memory_space<semaphore_mem>>) src(%dma_wait3A_35 : memref<1000xi32, #tpu.memory_space<hbm>>) dst(%arg6 : memref<1000xi32, #tpu.memory_space<vmem>>)
      %ge3A = arith.constant 2 : i32
      %ge3A_36 = arith.cmpi sge, %add3A_30, %ge3A : i32
      %convert_element_type3A = arith.extui %ge3A_36 : i1 to i32
      %cond3A = arith.constant 0 : i32
      %cond3A_37 = arith.cmpi ne, %convert_element_type3A, %cond3A : i32
      scf.if %cond3A_37 {
        %sub3A = arith.constant 2 : i32
        %sub3A_668 = arith.subi %add3A_30, %sub3A : i32
        %mul3A_669 = arith.constant 1000 : i32
        %mul3A_670 = arith.muli %sub3A_668, %mul3A_669 : i32
        %add3A_671 = arith.addi %mul3A_2, %mul3A_670 : i32
        %mul3A_672 = arith.constant 32 : i32
        %mul3A_673 = arith.muli %add3A_671, %mul3A_672 : i32
        %dma_wait3A_674 = tpu.memref_slice %arg4[%mul3A_673] : memref<51200000xf32, #tpu.memory_space<hbm>> -> memref<32000xf32, #tpu.memory_space<hbm>>
        %dma_wait3A_675 = tpu.memref_slice %arg4[%mul3A_673] : memref<51200000xf32, #tpu.memory_space<hbm>> -> memref<32000xf32, #tpu.memory_space<hbm>>
        tpu.wait_dma2 semaphore(%arg12 : memref<!tpu.dma_semaphore, #tpu.memory_space<semaphore_mem>>) src(%arg8 : memref<32000xf32, #tpu.memory_space<vmem>>) dst(%dma_wait3A_675 : memref<32000xf32, #tpu.memory_space<hbm>>)
      } else {
      }
      %parallel_loop3A = arith.constant 0 : i32
      %parallel_loop3A_38 = arith.constant 62 : i32
      %parallel_loop3A_39 = arith.constant 1 : i32
      scf.for %parallel_loop3A_668 = %parallel_loop3A to %parallel_loop3A_38 step %parallel_loop3A_39  : i32 {
        %parallel_loop3A_669 = arith.constant 16 : i32
        %parallel_loop3A_670 = arith.muli %parallel_loop3A_668, %parallel_loop3A_669 : i32
        %parallel_loop3A_671 = arith.index_cast %parallel_loop3A_670 : i32 to index
        %parallel_loop3A_672 = tpu.vector_load %arg6[%parallel_loop3A_671] {strides = array<i32>} : memref<1000xi32, #tpu.memory_space<vmem>>, vector<16xi32>,
        %parallel_loop3A_673 = vector.shape_cast %parallel_loop3A_672 : vector<16xi32> to vector<16xi32>
        %parallel_loop3A_674 = arith.constant 32 : i32
        %parallel_loop3A_675 = vector.broadcast %parallel_loop3A_674 : i32 to vector<16xi32>
        %parallel_loop3A_676 = arith.muli %parallel_loop3A_673, %parallel_loop3A_675 : vector<16xi32>
        %parallel_loop3A_677 = arith.constant 32 : i32
        %parallel_loop3A_678 = arith.muli %parallel_loop3A_670, %parallel_loop3A_677 : i32
        %parallel_loop3A_679 = vector.extract_strided_slice %parallel_loop3A_676 {offsets = [0], sizes = [1], strides = [1]} : vector<16xi32> to vector<1xi32>
        %parallel_loop3A_680 = vector.extract %parallel_loop3A_679[0] : i32 from vector<1xi32>
        %parallel_loop3A_681 = arith.constant 0 : i32
        %parallel_loop3A_682 = arith.addi %parallel_loop3A_678, %parallel_loop3A_681 : i32
        %parallel_loop3A_683 = arith.index_cast %parallel_loop3A_680 : i32 to index
        %parallel_loop3A_684 = tpu.vector_load %arg5[%parallel_loop3A_683] {strides = array<i32>} : memref<1024xf32, #tpu.memory_space<vmem>>, vector<16xf32>,
        %parallel_loop3A_685 = vector.shape_cast %parallel_loop3A_684 : vector<16xf32> to vector<16xf32>
        %parallel_loop3A_686 = arith.index_cast %parallel_loop3A_682 : i32 to index
        %parallel_loop3A_687 = tpu.vector_load %arg8[%parallel_loop3A_686] {strides = array<i32>} : memref<32000xf32, #tpu.memory_space<vmem>>, vector<16xf32>,
        %parallel_loop3A_688 = vector.shape_cast %parallel_loop3A_687 : vector<16xf32> to vector<16xf32>
        %parallel_loop3A_689 = vector.shape_cast %parallel_loop3A_685 : vector<16xf32> to vector<16xf32>
        tpu.vector_store %arg8[%parallel_loop3A_686], %parallel_loop3A_689 {strides = array<i32>} : memref<32000xf32, #tpu.memory_space<vmem>>, vector<16xf32>,
        %parallel_loop3A_690 = arith.constant 16 : i32
        %parallel_loop3A_691 = arith.addi %parallel_loop3A_680, %parallel_loop3A_690 : i32
        %parallel_loop3A_692 = arith.index_cast %parallel_loop3A_691 : i32 to index
        %parallel_loop3A_693 = tpu.vector_load %arg5[%parallel_loop3A_692] {strides = array<i32>} : memref<1024xf32, #tpu.memory_space<vmem>>, vector<16xf32>,
        %parallel_loop3A_694 = vector.shape_cast %parallel_loop3A_693 : vector<16xf32> to vector<16xf32>
        %parallel_loop3A_695 = arith.constant 16 : i32
        %parallel_loop3A_696 = arith.addi %parallel_loop3A_682, %parallel_loop3A_695 : i32
        %parallel_loop3A_697 = arith.index_cast %parallel_loop3A_696 : i32 to index
        %parallel_loop3A_698 = tpu.vector_load %arg8[%parallel_loop3A_697] {strides = array<i32>} : memref<32000xf32, #tpu.memory_space<vmem>>, vector<16xf32>,
        %parallel_loop3A_699 = vector.shape_cast %parallel_loop3A_698 : vector<16xf32> to vector<16xf32>
        %parallel_loop3A_700 = vector.shape_cast %parallel_loop3A_694 : vector<16xf32> to vector<16xf32>
        tpu.vector_store %arg8[%parallel_loop3A_697], %parallel_loop3A_700 {strides = array<i32>} : memref<32000xf32, #tpu.memory_space<vmem>>, vector<16xf32>,
        %parallel_loop3A_701 = vector.extract_strided_slice %parallel_loop3A_676 {offsets = [1], sizes = [1], strides = [1]} : vector<16xi32> to vector<1xi32>
        %parallel_loop3A_702 = vector.extract %parallel_loop3A_701[0] : i32 from vector<1xi32>
        %parallel_loop3A_703 = arith.constant 32 : i32
        %parallel_loop3A_704 = arith.addi %parallel_loop3A_678, %parallel_loop3A_703 : i32
        %parallel_loop3A_705 = arith.index_cast %parallel_loop3A_702 : i32 to index
        %parallel_loop3A_706 = tpu.vector_load %arg5[%parallel_loop3A_705] {strides = array<i32>} : memref<1024xf32, #tpu.memory_space<vmem>>, vector<16xf32>,
        %parallel_loop3A_707 = vector.shape_cast %parallel_loop3A_706 : vector<16xf32> to vector<16xf32>
        %parallel_loop3A_708 = arith.index_cast %parallel_loop3A_704 : i32 to index
        %parallel_loop3A_709 = tpu.vector_load %arg8[%parallel_loop3A_708] {strides = array<i32>} : memref<32000xf32, #tpu.memory_space<vmem>>, vector<16xf32>,
        %parallel_loop3A_710 = vector.shape_cast %parallel_loop3A_709 : vector<16xf32> to vector<16xf32>
        %parallel_loop3A_711 = vector.shape_cast %parallel_loop3A_707 : vector<16xf32> to vector<16xf32>
        tpu.vector_store %arg8[%parallel_loop3A_708], %parallel_loop3A_711 {strides = array<i32>} : memref<32000xf32, #tpu.memory_space<vmem>>, vector<16xf32>,
        %parallel_loop3A_712 = arith.constant 16 : i32
        %parallel_loop3A_713 = arith.addi %parallel_loop3A_702, %parallel_loop3A_712 : i32
        %parallel_loop3A_714 = arith.index_cast %parallel_loop3A_713 : i32 to index
        %parallel_loop3A_715 = tpu.vector_load %arg5[%parallel_loop3A_714] {strides = array<i32>} : memref<1024xf32, #tpu.memory_space<vmem>>, vector<16xf32>,
        %parallel_loop3A_716 = vector.shape_cast %parallel_loop3A_715 : vector<16xf32> to vector<16xf32>
        %parallel_loop3A_717 = arith.constant 16 : i32
        %parallel_loop3A_718 = arith.addi %parallel_loop3A_704, %parallel_loop3A_717 : i32
        %parallel_loop3A_719 = arith.index_cast %parallel_loop3A_718 : i32 to index
        %parallel_loop3A_720 = tpu.vector_load %arg8[%parallel_loop3A_719] {strides = array<i32>} : memref<32000xf32, #tpu.memory_space<vmem>>, vector<16xf32>,
        %parallel_loop3A_721 = vector.shape_cast %parallel_loop3A_720 : vector<16xf32> to vector<16xf32>
        %parallel_loop3A_722 = vector.shape_cast %parallel_loop3A_716 : vector<16xf32> to vector<16xf32>
        tpu.vector_store %arg8[%parallel_loop3A_719], %parallel_loop3A_722 {strides = array<i32>} : memref<32000xf32, #tpu.memory_space<vmem>>, vector<16xf32>,
        %parallel_loop3A_723 = vector.extract_strided_slice %parallel_loop3A_676 {offsets = [2], sizes = [1], strides = [1]} : vector<16xi32> to vector<1xi32>
        %parallel_loop3A_724 = vector.extract %parallel_loop3A_723[0] : i32 from vector<1xi32>
        %parallel_loop3A_725 = arith.constant 64 : i32
        %parallel_loop3A_726 = arith.addi %parallel_loop3A_678, %parallel_loop3A_725 : i32
        %parallel_loop3A_727 = arith.index_cast %parallel_loop3A_724 : i32 to index
        %parallel_loop3A_728 = tpu.vector_load %arg5[%parallel_loop3A_727] {strides = array<i32>} : memref<1024xf32, #tpu.memory_space<vmem>>, vector<16xf32>,
        %parallel_loop3A_729 = vector.shape_cast %parallel_loop3A_728 : vector<16xf32> to vector<16xf32>
        %parallel_loop3A_730 = arith.index_cast %parallel_loop3A_726 : i32 to index
        %parallel_loop3A_731 = tpu.vector_load %arg8[%parallel_loop3A_730] {strides = array<i32>} : memref<32000xf32, #tpu.memory_space<vmem>>, vector<16xf32>,
        %parallel_loop3A_732 = vector.shape_cast %parallel_loop3A_731 : vector<16xf32> to vector<16xf32>
        %parallel_loop3A_733 = vector.shape_cast %parallel_loop3A_729 : vector<16xf32> to vector<16xf32>
        tpu.vector_store %arg8[%parallel_loop3A_730], %parallel_loop3A_733 {strides = array<i32>} : memref<32000xf32, #tpu.memory_space<vmem>>, vector<16xf32>,
        %parallel_loop3A_734 = arith.constant 16 : i32
        %parallel_loop3A_735 = arith.addi %parallel_loop3A_724, %parallel_loop3A_734 : i32
        %parallel_loop3A_736 = arith.index_cast %parallel_loop3A_735 : i32 to index
        %parallel_loop3A_737 = tpu.vector_load %arg5[%parallel_loop3A_736] {strides = array<i32>} : memref<1024xf32, #tpu.memory_space<vmem>>, vector<16xf32>,
        %parallel_loop3A_738 = vector.shape_cast %parallel_loop3A_737 : vector<16xf32> to vector<16xf32>
        %parallel_loop3A_739 = arith.constant 16 : i32
        %parallel_loop3A_740 = arith.addi %parallel_loop3A_726, %parallel_loop3A_739 : i32
        %parallel_loop3A_741 = arith.index_cast %parallel_loop3A_740 : i32 to index
        %parallel_loop3A_742 = tpu.vector_load %arg8[%parallel_loop3A_741] {strides = array<i32>} : memref<32000xf32, #tpu.memory_space<vmem>>, vector<16xf32>,
        %parallel_loop3A_743 = vector.shape_cast %parallel_loop3A_742 : vector<16xf32> to vector<16xf32>
        %parallel_loop3A_744 = vector.shape_cast %parallel_loop3A_738 : vector<16xf32> to vector<16xf32>
        tpu.vector_store %arg8[%parallel_loop3A_741], %parallel_loop3A_744 {strides = array<i32>} : memref<32000xf32, #tpu.memory_space<vmem>>, vector<16xf32>,
        %parallel_loop3A_745 = vector.extract_strided_slice %parallel_loop3A_676 {offsets = [3], sizes = [1], strides = [1]} : vector<16xi32> to vector<1xi32>
        %parallel_loop3A_746 = vector.extract %parallel_loop3A_745[0] : i32 from vector<1xi32>
        %parallel_loop3A_747 = arith.constant 96 : i32
        %parallel_loop3A_748 = arith.addi %parallel_loop3A_678, %parallel_loop3A_747 : i32
        %parallel_loop3A_749 = arith.index_cast %parallel_loop3A_746 : i32 to index
        %parallel_loop3A_750 = tpu.vector_load %arg5[%parallel_loop3A_749] {strides = array<i32>} : memref<1024xf32, #tpu.memory_space<vmem>>, vector<16xf32>,
        %parallel_loop3A_751 = vector.shape_cast %parallel_loop3A_750 : vector<16xf32> to vector<16xf32>
        %parallel_loop3A_752 = arith.index_cast %parallel_loop3A_748 : i32 to index
        %parallel_loop3A_753 = tpu.vector_load %arg8[%parallel_loop3A_752] {strides = array<i32>} : memref<32000xf32, #tpu.memory_space<vmem>>, vector<16xf32>,
        %parallel_loop3A_754 = vector.shape_cast %parallel_loop3A_753 : vector<16xf32> to vector<16xf32>
        %parallel_loop3A_755 = vector.shape_cast %parallel_loop3A_751 : vector<16xf32> to vector<16xf32>
        tpu.vector_store %arg8[%parallel_loop3A_752], %parallel_loop3A_755 {strides = array<i32>} : memref<32000xf32, #tpu.memory_space<vmem>>, vector<16xf32>,
        %parallel_loop3A_756 = arith.constant 16 : i32
        %parallel_loop3A_757 = arith.addi %parallel_loop3A_746, %parallel_loop3A_756 : i32
        %parallel_loop3A_758 = arith.index_cast %parallel_loop3A_757 : i32 to index
        %parallel_loop3A_759 = tpu.vector_load %arg5[%parallel_loop3A_758] {strides = array<i32>} : memref<1024xf32, #tpu.memory_space<vmem>>, vector<16xf32>,
        %parallel_loop3A_760 = vector.shape_cast %parallel_loop3A_759 : vector<16xf32> to vector<16xf32>
        %parallel_loop3A_761 = arith.constant 16 : i32
        %parallel_loop3A_762 = arith.addi %parallel_loop3A_748, %parallel_loop3A_761 : i32
        %parallel_loop3A_763 = arith.index_cast %parallel_loop3A_762 : i32 to index
        %parallel_loop3A_764 = tpu.vector_load %arg8[%parallel_loop3A_763] {strides = array<i32>} : memref<32000xf32, #tpu.memory_space<vmem>>, vector<16xf32>,
        %parallel_loop3A_765 = vector.shape_cast %parallel_loop3A_764 : vector<16xf32> to vector<16xf32>
        %parallel_loop3A_766 = vector.shape_cast %parallel_loop3A_760 : vector<16xf32> to vector<16xf32>
        tpu.vector_store %arg8[%parallel_loop3A_763], %parallel_loop3A_766 {strides = array<i32>} : memref<32000xf32, #tpu.memory_space<vmem>>, vector<16xf32>,
        %parallel_loop3A_767 = vector.extract_strided_slice %parallel_loop3A_676 {offsets = [4], sizes = [1], strides = [1]} : vector<16xi32> to vector<1xi32>
        %parallel_loop3A_768 = vector.extract %parallel_loop3A_767[0] : i32 from vector<1xi32>
        %parallel_loop3A_769 = arith.constant 128 : i32
        %parallel_loop3A_770 = arith.addi %parallel_loop3A_678, %parallel_loop3A_769 : i32
        %parallel_loop3A_771 = arith.index_cast %parallel_loop3A_768 : i32 to index
        %parallel_loop3A_772 = tpu.vector_load %arg5[%parallel_loop3A_771] {strides = array<i32>} : memref<1024xf32, #tpu.memory_space<vmem>>, vector<16xf32>,
        %parallel_loop3A_773 = vector.shape_cast %parallel_loop3A_772 : vector<16xf32> to vector<16xf32>
        %parallel_loop3A_774 = arith.index_cast %parallel_loop3A_770 : i32 to index
        %parallel_loop3A_775 = tpu.vector_load %arg8[%parallel_loop3A_774] {strides = array<i32>} : memref<32000xf32, #tpu.memory_space<vmem>>, vector<16xf32>,
        %parallel_loop3A_776 = vector.shape_cast %parallel_loop3A_775 : vector<16xf32> to vector<16xf32>
        %parallel_loop3A_777 = vector.shape_cast %parallel_loop3A_773 : vector<16xf32> to vector<16xf32>
        tpu.vector_store %arg8[%parallel_loop3A_774], %parallel_loop3A_777 {strides = array<i32>} : memref<32000xf32, #tpu.memory_space<vmem>>, vector<16xf32>,
        %parallel_loop3A_778 = arith.constant 16 : i32
        %parallel_loop3A_779 = arith.addi %parallel_loop3A_768, %parallel_loop3A_778 : i32
        %parallel_loop3A_780 = arith.index_cast %parallel_loop3A_779 : i32 to index
        %parallel_loop3A_781 = tpu.vector_load %arg5[%parallel_loop3A_780] {strides = array<i32>} : memref<1024xf32, #tpu.memory_space<vmem>>, vector<16xf32>,
        %parallel_loop3A_782 = vector.shape_cast %parallel_loop3A_781 : vector<16xf32> to vector<16xf32>
        %parallel_loop3A_783 = arith.constant 16 : i32
        %parallel_loop3A_784 = arith.addi %parallel_loop3A_770, %parallel_loop3A_783 : i32
        %parallel_loop3A_785 = arith.index_cast %parallel_loop3A_784 : i32 to index
        %parallel_loop3A_786 = tpu.vector_load %arg8[%parallel_loop3A_785] {strides = array<i32>} : memref<32000xf32, #tpu.memory_space<vmem>>, vector<16xf32>,
        %parallel_loop3A_787 = vector.shape_cast %parallel_loop3A_786 : vector<16xf32> to vector<16xf32>
        %parallel_loop3A_788 = vector.shape_cast %parallel_loop3A_782 : vector<16xf32> to vector<16xf32>
        tpu.vector_store %arg8[%parallel_loop3A_785], %parallel_loop3A_788 {strides = array<i32>} : memref<32000xf32, #tpu.memory_space<vmem>>, vector<16xf32>,
        %parallel_loop3A_789 = vector.extract_strided_slice %parallel_loop3A_676 {offsets = [5], sizes = [1], strides = [1]} : vector<16xi32> to vector<1xi32>
        %parallel_loop3A_790 = vector.extract %parallel_loop3A_789[0] : i32 from vector<1xi32>
        %parallel_loop3A_791 = arith.constant 160 : i32
        %parallel_loop3A_792 = arith.addi %parallel_loop3A_678, %parallel_loop3A_791 : i32
        %parallel_loop3A_793 = arith.index_cast %parallel_loop3A_790 : i32 to index
        %parallel_loop3A_794 = tpu.vector_load %arg5[%parallel_loop3A_793] {strides = array<i32>} : memref<1024xf32, #tpu.memory_space<vmem>>, vector<16xf32>,
        %parallel_loop3A_795 = vector.shape_cast %parallel_loop3A_794 : vector<16xf32> to vector<16xf32>
        %parallel_loop3A_796 = arith.index_cast %parallel_loop3A_792 : i32 to index
        %parallel_loop3A_797 = tpu.vector_load %arg8[%parallel_loop3A_796] {strides = array<i32>} : memref<32000xf32, #tpu.memory_space<vmem>>, vector<16xf32>,
        %parallel_loop3A_798 = vector.shape_cast %parallel_loop3A_797 : vector<16xf32> to vector<16xf32>
        %parallel_loop3A_799 = vector.shape_cast %parallel_loop3A_795 : vector<16xf32> to vector<16xf32>
        tpu.vector_store %arg8[%parallel_loop3A_796], %parallel_loop3A_799 {strides = array<i32>} : memref<32000xf32, #tpu.memory_space<vmem>>, vector<16xf32>,
        %parallel_loop3A_800 = arith.constant 16 : i32
        %parallel_loop3A_801 = arith.addi %parallel_loop3A_790, %parallel_loop3A_800 : i32
        %parallel_loop3A_802 = arith.index_cast %parallel_loop3A_801 : i32 to index
        %parallel_loop3A_803 = tpu.vector_load %arg5[%parallel_loop3A_802] {strides = array<i32>} : memref<1024xf32, #tpu.memory_space<vmem>>, vector<16xf32>,
        %parallel_loop3A_804 = vector.shape_cast %parallel_loop3A_803 : vector<16xf32> to vector<16xf32>
        %parallel_loop3A_805 = arith.constant 16 : i32
        %parallel_loop3A_806 = arith.addi %parallel_loop3A_792, %parallel_loop3A_805 : i32
        %parallel_loop3A_807 = arith.index_cast %parallel_loop3A_806 : i32 to index
        %parallel_loop3A_808 = tpu.vector_load %arg8[%parallel_loop3A_807] {strides = array<i32>} : memref<32000xf32, #tpu.memory_space<vmem>>, vector<16xf32>,
        %parallel_loop3A_809 = vector.shape_cast %parallel_loop3A_808 : vector<16xf32> to vector<16xf32>
        %parallel_loop3A_810 = vector.shape_cast %parallel_loop3A_804 : vector<16xf32> to vector<16xf32>
        tpu.vector_store %arg8[%parallel_loop3A_807], %parallel_loop3A_810 {strides = array<i32>} : memref<32000xf32, #tpu.memory_space<vmem>>, vector<16xf32>,
        %parallel_loop3A_811 = vector.extract_strided_slice %parallel_loop3A_676 {offsets = [6], sizes = [1], strides = [1]} : vector<16xi32> to vector<1xi32>
        %parallel_loop3A_812 = vector.extract %parallel_loop3A_811[0] : i32 from vector<1xi32>
        %parallel_loop3A_813 = arith.constant 192 : i32
        %parallel_loop3A_814 = arith.addi %parallel_loop3A_678, %parallel_loop3A_813 : i32
        %parallel_loop3A_815 = arith.index_cast %parallel_loop3A_812 : i32 to index
        %parallel_loop3A_816 = tpu.vector_load %arg5[%parallel_loop3A_815] {strides = array<i32>} : memref<1024xf32, #tpu.memory_space<vmem>>, vector<16xf32>,
        %parallel_loop3A_817 = vector.shape_cast %parallel_loop3A_816 : vector<16xf32> to vector<16xf32>
        %parallel_loop3A_818 = arith.index_cast %parallel_loop3A_814 : i32 to index
        %parallel_loop3A_819 = tpu.vector_load %arg8[%parallel_loop3A_818] {strides = array<i32>} : memref<32000xf32, #tpu.memory_space<vmem>>, vector<16xf32>,
        %parallel_loop3A_820 = vector.shape_cast %parallel_loop3A_819 : vector<16xf32> to vector<16xf32>
        %parallel_loop3A_821 = vector.shape_cast %parallel_loop3A_817 : vector<16xf32> to vector<16xf32>
        tpu.vector_store %arg8[%parallel_loop3A_818], %parallel_loop3A_821 {strides = array<i32>} : memref<32000xf32, #tpu.memory_space<vmem>>, vector<16xf32>,
        %parallel_loop3A_822 = arith.constant 16 : i32
        %parallel_loop3A_823 = arith.addi %parallel_loop3A_812, %parallel_loop3A_822 : i32
        %parallel_loop3A_824 = arith.index_cast %parallel_loop3A_823 : i32 to index
        %parallel_loop3A_825 = tpu.vector_load %arg5[%parallel_loop3A_824] {strides = array<i32>} : memref<1024xf32, #tpu.memory_space<vmem>>, vector<16xf32>,
        %parallel_loop3A_826 = vector.shape_cast %parallel_loop3A_825 : vector<16xf32> to vector<16xf32>
        %parallel_loop3A_827 = arith.constant 16 : i32
        %parallel_loop3A_828 = arith.addi %parallel_loop3A_814, %parallel_loop3A_827 : i32
        %parallel_loop3A_829 = arith.index_cast %parallel_loop3A_828 : i32 to index
        %parallel_loop3A_830 = tpu.vector_load %arg8[%parallel_loop3A_829] {strides = array<i32>} : memref<32000xf32, #tpu.memory_space<vmem>>, vector<16xf32>,
        %parallel_loop3A_831 = vector.shape_cast %parallel_loop3A_830 : vector<16xf32> to vector<16xf32>
        %parallel_loop3A_832 = vector.shape_cast %parallel_loop3A_826 : vector<16xf32> to vector<16xf32>
        tpu.vector_store %arg8[%parallel_loop3A_829], %parallel_loop3A_832 {strides = array<i32>} : memref<32000xf32, #tpu.memory_space<vmem>>, vector<16xf32>,
        %parallel_loop3A_833 = vector.extract_strided_slice %parallel_loop3A_676 {offsets = [7], sizes = [1], strides = [1]} : vector<16xi32> to vector<1xi32>
        %parallel_loop3A_834 = vector.extract %parallel_loop3A_833[0] : i32 from vector<1xi32>
        %parallel_loop3A_835 = arith.constant 224 : i32
        %parallel_loop3A_836 = arith.addi %parallel_loop3A_678, %parallel_loop3A_835 : i32
        %parallel_loop3A_837 = arith.index_cast %parallel_loop3A_834 : i32 to index
        %parallel_loop3A_838 = tpu.vector_load %arg5[%parallel_loop3A_837] {strides = array<i32>} : memref<1024xf32, #tpu.memory_space<vmem>>, vector<16xf32>,
        %parallel_loop3A_839 = vector.shape_cast %parallel_loop3A_838 : vector<16xf32> to vector<16xf32>
        %parallel_loop3A_840 = arith.index_cast %parallel_loop3A_836 : i32 to index
        %parallel_loop3A_841 = tpu.vector_load %arg8[%parallel_loop3A_840] {strides = array<i32>} : memref<32000xf32, #tpu.memory_space<vmem>>, vector<16xf32>,
        %parallel_loop3A_842 = vector.shape_cast %parallel_loop3A_841 : vector<16xf32> to vector<16xf32>
        %parallel_loop3A_843 = vector.shape_cast %parallel_loop3A_839 : vector<16xf32> to vector<16xf32>
        tpu.vector_store %arg8[%parallel_loop3A_840], %parallel_loop3A_843 {strides = array<i32>} : memref<32000xf32, #tpu.memory_space<vmem>>, vector<16xf32>,
        %parallel_loop3A_844 = arith.constant 16 : i32
        %parallel_loop3A_845 = arith.addi %parallel_loop3A_834, %parallel_loop3A_844 : i32
        %parallel_loop3A_846 = arith.index_cast %parallel_loop3A_845 : i32 to index
        %parallel_loop3A_847 = tpu.vector_load %arg5[%parallel_loop3A_846] {strides = array<i32>} : memref<1024xf32, #tpu.memory_space<vmem>>, vector<16xf32>,
        %parallel_loop3A_848 = vector.shape_cast %parallel_loop3A_847 : vector<16xf32> to vector<16xf32>
        %parallel_loop3A_849 = arith.constant 16 : i32
        %parallel_loop3A_850 = arith.addi %parallel_loop3A_836, %parallel_loop3A_849 : i32
        %parallel_loop3A_851 = arith.index_cast %parallel_loop3A_850 : i32 to index
        %parallel_loop3A_852 = tpu.vector_load %arg8[%parallel_loop3A_851] {strides = array<i32>} : memref<32000xf32, #tpu.memory_space<vmem>>, vector<16xf32>,
        %parallel_loop3A_853 = vector.shape_cast %parallel_loop3A_852 : vector<16xf32> to vector<16xf32>
        %parallel_loop3A_854 = vector.shape_cast %parallel_loop3A_848 : vector<16xf32> to vector<16xf32>
        tpu.vector_store %arg8[%parallel_loop3A_851], %parallel_loop3A_854 {strides = array<i32>} : memref<32000xf32, #tpu.memory_space<vmem>>, vector<16xf32>,
        %parallel_loop3A_855 = vector.extract_strided_slice %parallel_loop3A_676 {offsets = [8], sizes = [1], strides = [1]} : vector<16xi32> to vector<1xi32>
        %parallel_loop3A_856 = vector.extract %parallel_loop3A_855[0] : i32 from vector<1xi32>
        %parallel_loop3A_857 = arith.constant 256 : i32
        %parallel_loop3A_858 = arith.addi %parallel_loop3A_678, %parallel_loop3A_857 : i32
        %parallel_loop3A_859 = arith.index_cast %parallel_loop3A_856 : i32 to index
        %parallel_loop3A_860 = tpu.vector_load %arg5[%parallel_loop3A_859] {strides = array<i32>} : memref<1024xf32, #tpu.memory_space<vmem>>, vector<16xf32>,
        %parallel_loop3A_861 = vector.shape_cast %parallel_loop3A_860 : vector<16xf32> to vector<16xf32>
        %parallel_loop3A_862 = arith.index_cast %parallel_loop3A_858 : i32 to index
        %parallel_loop3A_863 = tpu.vector_load %arg8[%parallel_loop3A_862] {strides = array<i32>} : memref<32000xf32, #tpu.memory_space<vmem>>, vector<16xf32>,
        %parallel_loop3A_864 = vector.shape_cast %parallel_loop3A_863 : vector<16xf32> to vector<16xf32>
        %parallel_loop3A_865 = vector.shape_cast %parallel_loop3A_861 : vector<16xf32> to vector<16xf32>
        tpu.vector_store %arg8[%parallel_loop3A_862], %parallel_loop3A_865 {strides = array<i32>} : memref<32000xf32, #tpu.memory_space<vmem>>, vector<16xf32>,
        %parallel_loop3A_866 = arith.constant 16 : i32
        %parallel_loop3A_867 = arith.addi %parallel_loop3A_856, %parallel_loop3A_866 : i32
        %parallel_loop3A_868 = arith.index_cast %parallel_loop3A_867 : i32 to index
        %parallel_loop3A_869 = tpu.vector_load %arg5[%parallel_loop3A_868] {strides = array<i32>} : memref<1024xf32, #tpu.memory_space<vmem>>, vector<16xf32>,
        %parallel_loop3A_870 = vector.shape_cast %parallel_loop3A_869 : vector<16xf32> to vector<16xf32>
        %parallel_loop3A_871 = arith.constant 16 : i32
        %parallel_loop3A_872 = arith.addi %parallel_loop3A_858, %parallel_loop3A_871 : i32
        %parallel_loop3A_873 = arith.index_cast %parallel_loop3A_872 : i32 to index
        %parallel_loop3A_874 = tpu.vector_load %arg8[%parallel_loop3A_873] {strides = array<i32>} : memref<32000xf32, #tpu.memory_space<vmem>>, vector<16xf32>,
        %parallel_loop3A_875 = vector.shape_cast %parallel_loop3A_874 : vector<16xf32> to vector<16xf32>
        %parallel_loop3A_876 = vector.shape_cast %parallel_loop3A_870 : vector<16xf32> to vector<16xf32>
        tpu.vector_store %arg8[%parallel_loop3A_873], %parallel_loop3A_876 {strides = array<i32>} : memref<32000xf32, #tpu.memory_space<vmem>>, vector<16xf32>,
        %parallel_loop3A_877 = vector.extract_strided_slice %parallel_loop3A_676 {offsets = [9], sizes = [1], strides = [1]} : vector<16xi32> to vector<1xi32>
        %parallel_loop3A_878 = vector.extract %parallel_loop3A_877[0] : i32 from vector<1xi32>
        %parallel_loop3A_879 = arith.constant 288 : i32
        %parallel_loop3A_880 = arith.addi %parallel_loop3A_678, %parallel_loop3A_879 : i32
        %parallel_loop3A_881 = arith.index_cast %parallel_loop3A_878 : i32 to index
        %parallel_loop3A_882 = tpu.vector_load %arg5[%parallel_loop3A_881] {strides = array<i32>} : memref<1024xf32, #tpu.memory_space<vmem>>, vector<16xf32>,
        %parallel_loop3A_883 = vector.shape_cast %parallel_loop3A_882 : vector<16xf32> to vector<16xf32>
        %parallel_loop3A_884 = arith.index_cast %parallel_loop3A_880 : i32 to index
        %parallel_loop3A_885 = tpu.vector_load %arg8[%parallel_loop3A_884] {strides = array<i32>} : memref<32000xf32, #tpu.memory_space<vmem>>, vector<16xf32>,
        %parallel_loop3A_886 = vector.shape_cast %parallel_loop3A_885 : vector<16xf32> to vector<16xf32>
        %parallel_loop3A_887 = vector.shape_cast %parallel_loop3A_883 : vector<16xf32> to vector<16xf32>
        tpu.vector_store %arg8[%parallel_loop3A_884], %parallel_loop3A_887 {strides = array<i32>} : memref<32000xf32, #tpu.memory_space<vmem>>, vector<16xf32>,
        %parallel_loop3A_888 = arith.constant 16 : i32
        %parallel_loop3A_889 = arith.addi %parallel_loop3A_878, %parallel_loop3A_888 : i32
        %parallel_loop3A_890 = arith.index_cast %parallel_loop3A_889 : i32 to index
        %parallel_loop3A_891 = tpu.vector_load %arg5[%parallel_loop3A_890] {strides = array<i32>} : memref<1024xf32, #tpu.memory_space<vmem>>, vector<16xf32>,
        %parallel_loop3A_892 = vector.shape_cast %parallel_loop3A_891 : vector<16xf32> to vector<16xf32>
        %parallel_loop3A_893 = arith.constant 16 : i32
        %parallel_loop3A_894 = arith.addi %parallel_loop3A_880, %parallel_loop3A_893 : i32
        %parallel_loop3A_895 = arith.index_cast %parallel_loop3A_894 : i32 to index
        %parallel_loop3A_896 = tpu.vector_load %arg8[%parallel_loop3A_895] {strides = array<i32>} : memref<32000xf32, #tpu.memory_space<vmem>>, vector<16xf32>,
        %parallel_loop3A_897 = vector.shape_cast %parallel_loop3A_896 : vector<16xf32> to vector<16xf32>
        %parallel_loop3A_898 = vector.shape_cast %parallel_loop3A_892 : vector<16xf32> to vector<16xf32>
        tpu.vector_store %arg8[%parallel_loop3A_895], %parallel_loop3A_898 {strides = array<i32>} : memref<32000xf32, #tpu.memory_space<vmem>>, vector<16xf32>,
        %parallel_loop3A_899 = vector.extract_strided_slice %parallel_loop3A_676 {offsets = [10], sizes = [1], strides = [1]} : vector<16xi32> to vector<1xi32>
        %parallel_loop3A_900 = vector.extract %parallel_loop3A_899[0] : i32 from vector<1xi32>
        %parallel_loop3A_901 = arith.constant 320 : i32
        %parallel_loop3A_902 = arith.addi %parallel_loop3A_678, %parallel_loop3A_901 : i32
        %parallel_loop3A_903 = arith.index_cast %parallel_loop3A_900 : i32 to index
        %parallel_loop3A_904 = tpu.vector_load %arg5[%parallel_loop3A_903] {strides = array<i32>} : memref<1024xf32, #tpu.memory_space<vmem>>, vector<16xf32>,
        %parallel_loop3A_905 = vector.shape_cast %parallel_loop3A_904 : vector<16xf32> to vector<16xf32>
        %parallel_loop3A_906 = arith.index_cast %parallel_loop3A_902 : i32 to index
        %parallel_loop3A_907 = tpu.vector_load %arg8[%parallel_loop3A_906] {strides = array<i32>} : memref<32000xf32, #tpu.memory_space<vmem>>, vector<16xf32>,
        %parallel_loop3A_908 = vector.shape_cast %parallel_loop3A_907 : vector<16xf32> to vector<16xf32>
        %parallel_loop3A_909 = vector.shape_cast %parallel_loop3A_905 : vector<16xf32> to vector<16xf32>
        tpu.vector_store %arg8[%parallel_loop3A_906], %parallel_loop3A_909 {strides = array<i32>} : memref<32000xf32, #tpu.memory_space<vmem>>, vector<16xf32>,
        %parallel_loop3A_910 = arith.constant 16 : i32
        %parallel_loop3A_911 = arith.addi %parallel_loop3A_900, %parallel_loop3A_910 : i32
        %parallel_loop3A_912 = arith.index_cast %parallel_loop3A_911 : i32 to index
        %parallel_loop3A_913 = tpu.vector_load %arg5[%parallel_loop3A_912] {strides = array<i32>} : memref<1024xf32, #tpu.memory_space<vmem>>, vector<16xf32>,
        %parallel_loop3A_914 = vector.shape_cast %parallel_loop3A_913 : vector<16xf32> to vector<16xf32>
        %parallel_loop3A_915 = arith.constant 16 : i32
        %parallel_loop3A_916 = arith.addi %parallel_loop3A_902, %parallel_loop3A_915 : i32
        %parallel_loop3A_917 = arith.index_cast %parallel_loop3A_916 : i32 to index
        %parallel_loop3A_918 = tpu.vector_load %arg8[%parallel_loop3A_917] {strides = array<i32>} : memref<32000xf32, #tpu.memory_space<vmem>>, vector<16xf32>,
        %parallel_loop3A_919 = vector.shape_cast %parallel_loop3A_918 : vector<16xf32> to vector<16xf32>
        %parallel_loop3A_920 = vector.shape_cast %parallel_loop3A_914 : vector<16xf32> to vector<16xf32>
        tpu.vector_store %arg8[%parallel_loop3A_917], %parallel_loop3A_920 {strides = array<i32>} : memref<32000xf32, #tpu.memory_space<vmem>>, vector<16xf32>,
        %parallel_loop3A_921 = vector.extract_strided_slice %parallel_loop3A_676 {offsets = [11], sizes = [1], strides = [1]} : vector<16xi32> to vector<1xi32>
        %parallel_loop3A_922 = vector.extract %parallel_loop3A_921[0] : i32 from vector<1xi32>
        %parallel_loop3A_923 = arith.constant 352 : i32
        %parallel_loop3A_924 = arith.addi %parallel_loop3A_678, %parallel_loop3A_923 : i32
        %parallel_loop3A_925 = arith.index_cast %parallel_loop3A_922 : i32 to index
        %parallel_loop3A_926 = tpu.vector_load %arg5[%parallel_loop3A_925] {strides = array<i32>} : memref<1024xf32, #tpu.memory_space<vmem>>, vector<16xf32>,
        %parallel_loop3A_927 = vector.shape_cast %parallel_loop3A_926 : vector<16xf32> to vector<16xf32>
        %parallel_loop3A_928 = arith.index_cast %parallel_loop3A_924 : i32 to index
        %parallel_loop3A_929 = tpu.vector_load %arg8[%parallel_loop3A_928] {strides = array<i32>} : memref<32000xf32, #tpu.memory_space<vmem>>, vector<16xf32>,
        %parallel_loop3A_930 = vector.shape_cast %parallel_loop3A_929 : vector<16xf32> to vector<16xf32>
        %parallel_loop3A_931 = vector.shape_cast %parallel_loop3A_927 : vector<16xf32> to vector<16xf32>
        tpu.vector_store %arg8[%parallel_loop3A_928], %parallel_loop3A_931 {strides = array<i32>} : memref<32000xf32, #tpu.memory_space<vmem>>, vector<16xf32>,
        %parallel_loop3A_932 = arith.constant 16 : i32
        %parallel_loop3A_933 = arith.addi %parallel_loop3A_922, %parallel_loop3A_932 : i32
        %parallel_loop3A_934 = arith.index_cast %parallel_loop3A_933 : i32 to index
        %parallel_loop3A_935 = tpu.vector_load %arg5[%parallel_loop3A_934] {strides = array<i32>} : memref<1024xf32, #tpu.memory_space<vmem>>, vector<16xf32>,
        %parallel_loop3A_936 = vector.shape_cast %parallel_loop3A_935 : vector<16xf32> to vector<16xf32>
        %parallel_loop3A_937 = arith.constant 16 : i32
        %parallel_loop3A_938 = arith.addi %parallel_loop3A_924, %parallel_loop3A_937 : i32
        %parallel_loop3A_939 = arith.index_cast %parallel_loop3A_938 : i32 to index
        %parallel_loop3A_940 = tpu.vector_load %arg8[%parallel_loop3A_939] {strides = array<i32>} : memref<32000xf32, #tpu.memory_space<vmem>>, vector<16xf32>,
        %parallel_loop3A_941 = vector.shape_cast %parallel_loop3A_940 : vector<16xf32> to vector<16xf32>
        %parallel_loop3A_942 = vector.shape_cast %parallel_loop3A_936 : vector<16xf32> to vector<16xf32>
        tpu.vector_store %arg8[%parallel_loop3A_939], %parallel_loop3A_942 {strides = array<i32>} : memref<32000xf32, #tpu.memory_space<vmem>>, vector<16xf32>,
        %parallel_loop3A_943 = vector.extract_strided_slice %parallel_loop3A_676 {offsets = [12], sizes = [1], strides = [1]} : vector<16xi32> to vector<1xi32>
        %parallel_loop3A_944 = vector.extract %parallel_loop3A_943[0] : i32 from vector<1xi32>
        %parallel_loop3A_945 = arith.constant 384 : i32
        %parallel_loop3A_946 = arith.addi %parallel_loop3A_678, %parallel_loop3A_945 : i32
        %parallel_loop3A_947 = arith.index_cast %parallel_loop3A_944 : i32 to index
        %parallel_loop3A_948 = tpu.vector_load %arg5[%parallel_loop3A_947] {strides = array<i32>} : memref<1024xf32, #tpu.memory_space<vmem>>, vector<16xf32>,
        %parallel_loop3A_949 = vector.shape_cast %parallel_loop3A_948 : vector<16xf32> to vector<16xf32>
        %parallel_loop3A_950 = arith.index_cast %parallel_loop3A_946 : i32 to index
        %parallel_loop3A_951 = tpu.vector_load %arg8[%parallel_loop3A_950] {strides = array<i32>} : memref<32000xf32, #tpu.memory_space<vmem>>, vector<16xf32>,
        %parallel_loop3A_952 = vector.shape_cast %parallel_loop3A_951 : vector<16xf32> to vector<16xf32>
        %parallel_loop3A_953 = vector.shape_cast %parallel_loop3A_949 : vector<16xf32> to vector<16xf32>
        tpu.vector_store %arg8[%parallel_loop3A_950], %parallel_loop3A_953 {strides = array<i32>} : memref<32000xf32, #tpu.memory_space<vmem>>, vector<16xf32>,
        %parallel_loop3A_954 = arith.constant 16 : i32
        %parallel_loop3A_955 = arith.addi %parallel_loop3A_944, %parallel_loop3A_954 : i32
        %parallel_loop3A_956 = arith.index_cast %parallel_loop3A_955 : i32 to index
        %parallel_loop3A_957 = tpu.vector_load %arg5[%parallel_loop3A_956] {strides = array<i32>} : memref<1024xf32, #tpu.memory_space<vmem>>, vector<16xf32>,
        %parallel_loop3A_958 = vector.shape_cast %parallel_loop3A_957 : vector<16xf32> to vector<16xf32>
        %parallel_loop3A_959 = arith.constant 16 : i32
        %parallel_loop3A_960 = arith.addi %parallel_loop3A_946, %parallel_loop3A_959 : i32
        %parallel_loop3A_961 = arith.index_cast %parallel_loop3A_960 : i32 to index
        %parallel_loop3A_962 = tpu.vector_load %arg8[%parallel_loop3A_961] {strides = array<i32>} : memref<32000xf32, #tpu.memory_space<vmem>>, vector<16xf32>,
        %parallel_loop3A_963 = vector.shape_cast %parallel_loop3A_962 : vector<16xf32> to vector<16xf32>
        %parallel_loop3A_964 = vector.shape_cast %parallel_loop3A_958 : vector<16xf32> to vector<16xf32>
        tpu.vector_store %arg8[%parallel_loop3A_961], %parallel_loop3A_964 {strides = array<i32>} : memref<32000xf32, #tpu.memory_space<vmem>>, vector<16xf32>,
        %parallel_loop3A_965 = vector.extract_strided_slice %parallel_loop3A_676 {offsets = [13], sizes = [1], strides = [1]} : vector<16xi32> to vector<1xi32>
        %parallel_loop3A_966 = vector.extract %parallel_loop3A_965[0] : i32 from vector<1xi32>
        %parallel_loop3A_967 = arith.constant 416 : i32
        %parallel_loop3A_968 = arith.addi %parallel_loop3A_678, %parallel_loop3A_967 : i32
        %parallel_loop3A_969 = arith.index_cast %parallel_loop3A_966 : i32 to index
        %parallel_loop3A_970 = tpu.vector_load %arg5[%parallel_loop3A_969] {strides = array<i32>} : memref<1024xf32, #tpu.memory_space<vmem>>, vector<16xf32>,
        %parallel_loop3A_971 = vector.shape_cast %parallel_loop3A_970 : vector<16xf32> to vector<16xf32>
        %parallel_loop3A_972 = arith.index_cast %parallel_loop3A_968 : i32 to index
        %parallel_loop3A_973 = tpu.vector_load %arg8[%parallel_loop3A_972] {strides = array<i32>} : memref<32000xf32, #tpu.memory_space<vmem>>, vector<16xf32>,
        %parallel_loop3A_974 = vector.shape_cast %parallel_loop3A_973 : vector<16xf32> to vector<16xf32>
        %parallel_loop3A_975 = vector.shape_cast %parallel_loop3A_971 : vector<16xf32> to vector<16xf32>
        tpu.vector_store %arg8[%parallel_loop3A_972], %parallel_loop3A_975 {strides = array<i32>} : memref<32000xf32, #tpu.memory_space<vmem>>, vector<16xf32>,
        %parallel_loop3A_976 = arith.constant 16 : i32
        %parallel_loop3A_977 = arith.addi %parallel_loop3A_966, %parallel_loop3A_976 : i32
        %parallel_loop3A_978 = arith.index_cast %parallel_loop3A_977 : i32 to index
        %parallel_loop3A_979 = tpu.vector_load %arg5[%parallel_loop3A_978] {strides = array<i32>} : memref<1024xf32, #tpu.memory_space<vmem>>, vector<16xf32>,
        %parallel_loop3A_980 = vector.shape_cast %parallel_loop3A_979 : vector<16xf32> to vector<16xf32>
        %parallel_loop3A_981 = arith.constant 16 : i32
        %parallel_loop3A_982 = arith.addi %parallel_loop3A_968, %parallel_loop3A_981 : i32
        %parallel_loop3A_983 = arith.index_cast %parallel_loop3A_982 : i32 to index
        %parallel_loop3A_984 = tpu.vector_load %arg8[%parallel_loop3A_983] {strides = array<i32>} : memref<32000xf32, #tpu.memory_space<vmem>>, vector<16xf32>,
        %parallel_loop3A_985 = vector.shape_cast %parallel_loop3A_984 : vector<16xf32> to vector<16xf32>
        %parallel_loop3A_986 = vector.shape_cast %parallel_loop3A_980 : vector<16xf32> to vector<16xf32>
        tpu.vector_store %arg8[%parallel_loop3A_983], %parallel_loop3A_986 {strides = array<i32>} : memref<32000xf32, #tpu.memory_space<vmem>>, vector<16xf32>,
        %parallel_loop3A_987 = vector.extract_strided_slice %parallel_loop3A_676 {offsets = [14], sizes = [1], strides = [1]} : vector<16xi32> to vector<1xi32>
        %parallel_loop3A_988 = vector.extract %parallel_loop3A_987[0] : i32 from vector<1xi32>
        %parallel_loop3A_989 = arith.constant 448 : i32
        %parallel_loop3A_990 = arith.addi %parallel_loop3A_678, %parallel_loop3A_989 : i32
        %parallel_loop3A_991 = arith.index_cast %parallel_loop3A_988 : i32 to index
        %parallel_loop3A_992 = tpu.vector_load %arg5[%parallel_loop3A_991] {strides = array<i32>} : memref<1024xf32, #tpu.memory_space<vmem>>, vector<16xf32>,
        %parallel_loop3A_993 = vector.shape_cast %parallel_loop3A_992 : vector<16xf32> to vector<16xf32>
        %parallel_loop3A_994 = arith.index_cast %parallel_loop3A_990 : i32 to index
        %parallel_loop3A_995 = tpu.vector_load %arg8[%parallel_loop3A_994] {strides = array<i32>} : memref<32000xf32, #tpu.memory_space<vmem>>, vector<16xf32>,
        %parallel_loop3A_996 = vector.shape_cast %parallel_loop3A_995 : vector<16xf32> to vector<16xf32>
        %parallel_loop3A_997 = vector.shape_cast %parallel_loop3A_993 : vector<16xf32> to vector<16xf32>
        tpu.vector_store %arg8[%parallel_loop3A_994], %parallel_loop3A_997 {strides = array<i32>} : memref<32000xf32, #tpu.memory_space<vmem>>, vector<16xf32>,
        %parallel_loop3A_998 = arith.constant 16 : i32
        %parallel_loop3A_999 = arith.addi %parallel_loop3A_988, %parallel_loop3A_998 : i32
        %parallel_loop3A_1000 = arith.index_cast %parallel_loop3A_999 : i32 to index
        %parallel_loop3A_1001 = tpu.vector_load %arg5[%parallel_loop3A_1000] {strides = array<i32>} : memref<1024xf32, #tpu.memory_space<vmem>>, vector<16xf32>,
        %parallel_loop3A_1002 = vector.shape_cast %parallel_loop3A_1001 : vector<16xf32> to vector<16xf32>
        %parallel_loop3A_1003 = arith.constant 16 : i32
        %parallel_loop3A_1004 = arith.addi %parallel_loop3A_990, %parallel_loop3A_1003 : i32
        %parallel_loop3A_1005 = arith.index_cast %parallel_loop3A_1004 : i32 to index
        %parallel_loop3A_1006 = tpu.vector_load %arg8[%parallel_loop3A_1005] {strides = array<i32>} : memref<32000xf32, #tpu.memory_space<vmem>>, vector<16xf32>,
        %parallel_loop3A_1007 = vector.shape_cast %parallel_loop3A_1006 : vector<16xf32> to vector<16xf32>
        %parallel_loop3A_1008 = vector.shape_cast %parallel_loop3A_1002 : vector<16xf32> to vector<16xf32>
        tpu.vector_store %arg8[%parallel_loop3A_1005], %parallel_loop3A_1008 {strides = array<i32>} : memref<32000xf32, #tpu.memory_space<vmem>>, vector<16xf32>,
        %parallel_loop3A_1009 = vector.extract_strided_slice %parallel_loop3A_676 {offsets = [15], sizes = [1], strides = [1]} : vector<16xi32> to vector<1xi32>
        %parallel_loop3A_1010 = vector.extract %parallel_loop3A_1009[0] : i32 from vector<1xi32>
        %parallel_loop3A_1011 = arith.constant 480 : i32
        %parallel_loop3A_1012 = arith.addi %parallel_loop3A_678, %parallel_loop3A_1011 : i32
        %parallel_loop3A_1013 = arith.index_cast %parallel_loop3A_1010 : i32 to index
        %parallel_loop3A_1014 = tpu.vector_load %arg5[%parallel_loop3A_1013] {strides = array<i32>} : memref<1024xf32, #tpu.memory_space<vmem>>, vector<16xf32>,
        %parallel_loop3A_1015 = vector.shape_cast %parallel_loop3A_1014 : vector<16xf32> to vector<16xf32>
        %parallel_loop3A_1016 = arith.index_cast %parallel_loop3A_1012 : i32 to index
        %parallel_loop3A_1017 = tpu.vector_load %arg8[%parallel_loop3A_1016] {strides = array<i32>} : memref<32000xf32, #tpu.memory_space<vmem>>, vector<16xf32>,
        %parallel_loop3A_1018 = vector.shape_cast %parallel_loop3A_1017 : vector<16xf32> to vector<16xf32>
        %parallel_loop3A_1019 = vector.shape_cast %parallel_loop3A_1015 : vector<16xf32> to vector<16xf32>
        tpu.vector_store %arg8[%parallel_loop3A_1016], %parallel_loop3A_1019 {strides = array<i32>} : memref<32000xf32, #tpu.memory_space<vmem>>, vector<16xf32>,
        %parallel_loop3A_1020 = arith.constant 16 : i32
        %parallel_loop3A_1021 = arith.addi %parallel_loop3A_1010, %parallel_loop3A_1020 : i32
        %parallel_loop3A_1022 = arith.index_cast %parallel_loop3A_1021 : i32 to index
        %parallel_loop3A_1023 = tpu.vector_load %arg5[%parallel_loop3A_1022] {strides = array<i32>} : memref<1024xf32, #tpu.memory_space<vmem>>, vector<16xf32>,
        %parallel_loop3A_1024 = vector.shape_cast %parallel_loop3A_1023 : vector<16xf32> to vector<16xf32>
        %parallel_loop3A_1025 = arith.constant 16 : i32
        %parallel_loop3A_1026 = arith.addi %parallel_loop3A_1012, %parallel_loop3A_1025 : i32
        %parallel_loop3A_1027 = arith.index_cast %parallel_loop3A_1026 : i32 to index
        %parallel_loop3A_1028 = tpu.vector_load %arg8[%parallel_loop3A_1027] {strides = array<i32>} : memref<32000xf32, #tpu.memory_space<vmem>>, vector<16xf32>,
        %parallel_loop3A_1029 = vector.shape_cast %parallel_loop3A_1028 : vector<16xf32> to vector<16xf32>
        %parallel_loop3A_1030 = vector.shape_cast %parallel_loop3A_1024 : vector<16xf32> to vector<16xf32>
        tpu.vector_store %arg8[%parallel_loop3A_1027], %parallel_loop3A_1030 {strides = array<i32>} : memref<32000xf32, #tpu.memory_space<vmem>>, vector<16xf32>,
      } {sc.loop_unroll_factor = 4 : i64, sc.parallel_access}
      %get3A = arith.constant 984 : index
      %get3A_40 = tpu.vector_load %arg6[%get3A] {strides = array<i32>} : memref<1000xi32, #tpu.memory_space<vmem>>, vector<16xi32>,
      %get3A_41 = vector.shape_cast %get3A_40 : vector<16xi32> to vector<16xi32>
      %mul3A_42 = arith.constant 32 : i32
      %mul3A_43 = vector.broadcast %mul3A_42 : i32 to vector<16xi32>
      %mul3A_44 = arith.muli %get3A_41, %mul3A_43 : vector<16xi32>
      %slice3A = vector.extract_strided_slice %mul3A_44 {offsets = [0], sizes = [1], strides = [1]} : vector<16xi32> to vector<1xi32>
      %squeeze3A = vector.extract %slice3A[0] : i32 from vector<1xi32>
      %get3A_45 = arith.index_cast %squeeze3A : i32 to index
      %get3A_46 = tpu.vector_load %arg5[%get3A_45] {strides = array<i32>} : memref<1024xf32, #tpu.memory_space<vmem>>, vector<16xf32>,
      %get3A_47 = vector.shape_cast %get3A_46 : vector<16xf32> to vector<16xf32>
      %swap3A = arith.constant 31488 : index
      %swap3A_48 = tpu.vector_load %arg8[%swap3A] {strides = array<i32>} : memref<32000xf32, #tpu.memory_space<vmem>>, vector<16xf32>,
      %swap3A_49 = vector.shape_cast %swap3A_48 : vector<16xf32> to vector<16xf32>
      %swap3A_50 = vector.shape_cast %get3A_47 : vector<16xf32> to vector<16xf32>
      tpu.vector_store %arg8[%swap3A], %swap3A_50 {strides = array<i32>} : memref<32000xf32, #tpu.memory_space<vmem>>, vector<16xf32>,
      %add3A_51 = arith.constant 16 : i32
      %add3A_52 = arith.addi %squeeze3A, %add3A_51 : i32
      %get3A_53 = arith.index_cast %add3A_52 : i32 to index
      %get3A_54 = tpu.vector_load %arg5[%get3A_53] {strides = array<i32>} : memref<1024xf32, #tpu.memory_space<vmem>>, vector<16xf32>,
      %get3A_55 = vector.shape_cast %get3A_54 : vector<16xf32> to vector<16xf32>
      %swap3A_56 = arith.constant 31504 : index
      %swap3A_57 = tpu.vector_load %arg8[%swap3A_56] {strides = array<i32>} : memref<32000xf32, #tpu.memory_space<vmem>>, vector<16xf32>,
      %swap3A_58 = vector.shape_cast %swap3A_57 : vector<16xf32> to vector<16xf32>
      %swap3A_59 = vector.shape_cast %get3A_55 : vector<16xf32> to vector<16xf32>
      tpu.vector_store %arg8[%swap3A_56], %swap3A_59 {strides = array<i32>} : memref<32000xf32, #tpu.memory_space<vmem>>, vector<16xf32>,
      %slice3A_60 = vector.extract_strided_slice %mul3A_44 {offsets = [1], sizes = [1], strides = [1]} : vector<16xi32> to vector<1xi32>
      %squeeze3A_61 = vector.extract %slice3A_60[0] : i32 from vector<1xi32>
      %get3A_62 = arith.index_cast %squeeze3A_61 : i32 to index
      %get3A_63 = tpu.vector_load %arg5[%get3A_62] {strides = array<i32>} : memref<1024xf32, #tpu.memory_space<vmem>>, vector<16xf32>,
      %get3A_64 = vector.shape_cast %get3A_63 : vector<16xf32> to vector<16xf32>
      %swap3A_65 = arith.constant 31520 : index
      %swap3A_66 = tpu.vector_load %arg8[%swap3A_65] {strides = array<i32>} : memref<32000xf32, #tpu.memory_space<vmem>>, vector<16xf32>,
      %swap3A_67 = vector.shape_cast %swap3A_66 : vector<16xf32> to vector<16xf32>
      %swap3A_68 = vector.shape_cast %get3A_64 : vector<16xf32> to vector<16xf32>
      tpu.vector_store %arg8[%swap3A_65], %swap3A_68 {strides = array<i32>} : memref<32000xf32, #tpu.memory_space<vmem>>, vector<16xf32>,
      %add3A_69 = arith.constant 16 : i32
      %add3A_70 = arith.addi %squeeze3A_61, %add3A_69 : i32
      %get3A_71 = arith.index_cast %add3A_70 : i32 to index
      %get3A_72 = tpu.vector_load %arg5[%get3A_71] {strides = array<i32>} : memref<1024xf32, #tpu.memory_space<vmem>>, vector<16xf32>,
      %get3A_73 = vector.shape_cast %get3A_72 : vector<16xf32> to vector<16xf32>
      %swap3A_74 = arith.constant 31536 : index
      %swap3A_75 = tpu.vector_load %arg8[%swap3A_74] {strides = array<i32>} : memref<32000xf32, #tpu.memory_space<vmem>>, vector<16xf32>,
      %swap3A_76 = vector.shape_cast %swap3A_75 : vector<16xf32> to vector<16xf32>
      %swap3A_77 = vector.shape_cast %get3A_73 : vector<16xf32> to vector<16xf32>
      tpu.vector_store %arg8[%swap3A_74], %swap3A_77 {strides = array<i32>} : memref<32000xf32, #tpu.memory_space<vmem>>, vector<16xf32>,
      %slice3A_78 = vector.extract_strided_slice %mul3A_44 {offsets = [2], sizes = [1], strides = [1]} : vector<16xi32> to vector<1xi32>
      %squeeze3A_79 = vector.extract %slice3A_78[0] : i32 from vector<1xi32>
      %get3A_80 = arith.index_cast %squeeze3A_79 : i32 to index
      %get3A_81 = tpu.vector_load %arg5[%get3A_80] {strides = array<i32>} : memref<1024xf32, #tpu.memory_space<vmem>>, vector<16xf32>,
      %get3A_82 = vector.shape_cast %get3A_81 : vector<16xf32> to vector<16xf32>
      %swap3A_83 = arith.constant 31552 : index
      %swap3A_84 = tpu.vector_load %arg8[%swap3A_83] {strides = array<i32>} : memref<32000xf32, #tpu.memory_space<vmem>>, vector<16xf32>,
      %swap3A_85 = vector.shape_cast %swap3A_84 : vector<16xf32> to vector<16xf32>
      %swap3A_86 = vector.shape_cast %get3A_82 : vector<16xf32> to vector<16xf32>
      tpu.vector_store %arg8[%swap3A_83], %swap3A_86 {strides = array<i32>} : memref<32000xf32, #tpu.memory_space<vmem>>, vector<16xf32>,
      %add3A_87 = arith.constant 16 : i32
      %add3A_88 = arith.addi %squeeze3A_79, %add3A_87 : i32
      %get3A_89 = arith.index_cast %add3A_88 : i32 to index
      %get3A_90 = tpu.vector_load %arg5[%get3A_89] {strides = array<i32>} : memref<1024xf32, #tpu.memory_space<vmem>>, vector<16xf32>,
      %get3A_91 = vector.shape_cast %get3A_90 : vector<16xf32> to vector<16xf32>
      %swap3A_92 = arith.constant 31568 : index
      %swap3A_93 = tpu.vector_load %arg8[%swap3A_92] {strides = array<i32>} : memref<32000xf32, #tpu.memory_space<vmem>>, vector<16xf32>,
      %swap3A_94 = vector.shape_cast %swap3A_93 : vector<16xf32> to vector<16xf32>
      %swap3A_95 = vector.shape_cast %get3A_91 : vector<16xf32> to vector<16xf32>
      tpu.vector_store %arg8[%swap3A_92], %swap3A_95 {strides = array<i32>} : memref<32000xf32, #tpu.memory_space<vmem>>, vector<16xf32>,
      %slice3A_96 = vector.extract_strided_slice %mul3A_44 {offsets = [3], sizes = [1], strides = [1]} : vector<16xi32> to vector<1xi32>
      %squeeze3A_97 = vector.extract %slice3A_96[0] : i32 from vector<1xi32>
      %get3A_98 = arith.index_cast %squeeze3A_97 : i32 to index
      %get3A_99 = tpu.vector_load %arg5[%get3A_98] {strides = array<i32>} : memref<1024xf32, #tpu.memory_space<vmem>>, vector<16xf32>,
      %get3A_100 = vector.shape_cast %get3A_99 : vector<16xf32> to vector<16xf32>
      %swap3A_101 = arith.constant 31584 : index
      %swap3A_102 = tpu.vector_load %arg8[%swap3A_101] {strides = array<i32>} : memref<32000xf32, #tpu.memory_space<vmem>>, vector<16xf32>,
      %swap3A_103 = vector.shape_cast %swap3A_102 : vector<16xf32> to vector<16xf32>
      %swap3A_104 = vector.shape_cast %get3A_100 : vector<16xf32> to vector<16xf32>
      tpu.vector_store %arg8[%swap3A_101], %swap3A_104 {strides = array<i32>} : memref<32000xf32, #tpu.memory_space<vmem>>, vector<16xf32>,
      %add3A_105 = arith.constant 16 : i32
      %add3A_106 = arith.addi %squeeze3A_97, %add3A_105 : i32
      %get3A_107 = arith.index_cast %add3A_106 : i32 to index
      %get3A_108 = tpu.vector_load %arg5[%get3A_107] {strides = array<i32>} : memref<1024xf32, #tpu.memory_space<vmem>>, vector<16xf32>,
      %get3A_109 = vector.shape_cast %get3A_108 : vector<16xf32> to vector<16xf32>
      %swap3A_110 = arith.constant 31600 : index
      %swap3A_111 = tpu.vector_load %arg8[%swap3A_110] {strides = array<i32>} : memref<32000xf32, #tpu.memory_space<vmem>>, vector<16xf32>,
      %swap3A_112 = vector.shape_cast %swap3A_111 : vector<16xf32> to vector<16xf32>
      %swap3A_113 = vector.shape_cast %get3A_109 : vector<16xf32> to vector<16xf32>
      tpu.vector_store %arg8[%swap3A_110], %swap3A_113 {strides = array<i32>} : memref<32000xf32, #tpu.memory_space<vmem>>, vector<16xf32>,
      %slice3A_114 = vector.extract_strided_slice %mul3A_44 {offsets = [4], sizes = [1], strides = [1]} : vector<16xi32> to vector<1xi32>
      %squeeze3A_115 = vector.extract %slice3A_114[0] : i32 from vector<1xi32>
      %get3A_116 = arith.index_cast %squeeze3A_115 : i32 to index
      %get3A_117 = tpu.vector_load %arg5[%get3A_116] {strides = array<i32>} : memref<1024xf32, #tpu.memory_space<vmem>>, vector<16xf32>,
      %get3A_118 = vector.shape_cast %get3A_117 : vector<16xf32> to vector<16xf32>
      %swap3A_119 = arith.constant 31616 : index
      %swap3A_120 = tpu.vector_load %arg8[%swap3A_119] {strides = array<i32>} : memref<32000xf32, #tpu.memory_space<vmem>>, vector<16xf32>,
      %swap3A_121 = vector.shape_cast %swap3A_120 : vector<16xf32> to vector<16xf32>
      %swap3A_122 = vector.shape_cast %get3A_118 : vector<16xf32> to vector<16xf32>
      tpu.vector_store %arg8[%swap3A_119], %swap3A_122 {strides = array<i32>} : memref<32000xf32, #tpu.memory_space<vmem>>, vector<16xf32>,
      %add3A_123 = arith.constant 16 : i32
      %add3A_124 = arith.addi %squeeze3A_115, %add3A_123 : i32
      %get3A_125 = arith.index_cast %add3A_124 : i32 to index
      %get3A_126 = tpu.vector_load %arg5[%get3A_125] {strides = array<i32>} : memref<1024xf32, #tpu.memory_space<vmem>>, vector<16xf32>,
      %get3A_127 = vector.shape_cast %get3A_126 : vector<16xf32> to vector<16xf32>
      %swap3A_128 = arith.constant 31632 : index
      %swap3A_129 = tpu.vector_load %arg8[%swap3A_128] {strides = array<i32>} : memref<32000xf32, #tpu.memory_space<vmem>>, vector<16xf32>,
      %swap3A_130 = vector.shape_cast %swap3A_129 : vector<16xf32> to vector<16xf32>
      %swap3A_131 = vector.shape_cast %get3A_127 : vector<16xf32> to vector<16xf32>
      tpu.vector_store %arg8[%swap3A_128], %swap3A_131 {strides = array<i32>} : memref<32000xf32, #tpu.memory_space<vmem>>, vector<16xf32>,
      %slice3A_132 = vector.extract_strided_slice %mul3A_44 {offsets = [5], sizes = [1], strides = [1]} : vector<16xi32> to vector<1xi32>
      %squeeze3A_133 = vector.extract %slice3A_132[0] : i32 from vector<1xi32>
      %get3A_134 = arith.index_cast %squeeze3A_133 : i32 to index
      %get3A_135 = tpu.vector_load %arg5[%get3A_134] {strides = array<i32>} : memref<1024xf32, #tpu.memory_space<vmem>>, vector<16xf32>,
      %get3A_136 = vector.shape_cast %get3A_135 : vector<16xf32> to vector<16xf32>
      %swap3A_137 = arith.constant 31648 : index
      %swap3A_138 = tpu.vector_load %arg8[%swap3A_137] {strides = array<i32>} : memref<32000xf32, #tpu.memory_space<vmem>>, vector<16xf32>,
      %swap3A_139 = vector.shape_cast %swap3A_138 : vector<16xf32> to vector<16xf32>
      %swap3A_140 = vector.shape_cast %get3A_136 : vector<16xf32> to vector<16xf32>
      tpu.vector_store %arg8[%swap3A_137], %swap3A_140 {strides = array<i32>} : memref<32000xf32, #tpu.memory_space<vmem>>, vector<16xf32>,
      %add3A_141 = arith.constant 16 : i32
      %add3A_142 = arith.addi %squeeze3A_133, %add3A_141 : i32
      %get3A_143 = arith.index_cast %add3A_142 : i32 to index
      %get3A_144 = tpu.vector_load %arg5[%get3A_143] {strides = array<i32>} : memref<1024xf32, #tpu.memory_space<vmem>>, vector<16xf32>,
      %get3A_145 = vector.shape_cast %get3A_144 : vector<16xf32> to vector<16xf32>
      %swap3A_146 = arith.constant 31664 : index
      %swap3A_147 = tpu.vector_load %arg8[%swap3A_146] {strides = array<i32>} : memref<32000xf32, #tpu.memory_space<vmem>>, vector<16xf32>,
      %swap3A_148 = vector.shape_cast %swap3A_147 : vector<16xf32> to vector<16xf32>
      %swap3A_149 = vector.shape_cast %get3A_145 : vector<16xf32> to vector<16xf32>
      tpu.vector_store %arg8[%swap3A_146], %swap3A_149 {strides = array<i32>} : memref<32000xf32, #tpu.memory_space<vmem>>, vector<16xf32>,
      %slice3A_150 = vector.extract_strided_slice %mul3A_44 {offsets = [6], sizes = [1], strides = [1]} : vector<16xi32> to vector<1xi32>
      %squeeze3A_151 = vector.extract %slice3A_150[0] : i32 from vector<1xi32>
      %get3A_152 = arith.index_cast %squeeze3A_151 : i32 to index
      %get3A_153 = tpu.vector_load %arg5[%get3A_152] {strides = array<i32>} : memref<1024xf32, #tpu.memory_space<vmem>>, vector<16xf32>,
      %get3A_154 = vector.shape_cast %get3A_153 : vector<16xf32> to vector<16xf32>
      %swap3A_155 = arith.constant 31680 : index
      %swap3A_156 = tpu.vector_load %arg8[%swap3A_155] {strides = array<i32>} : memref<32000xf32, #tpu.memory_space<vmem>>, vector<16xf32>,
      %swap3A_157 = vector.shape_cast %swap3A_156 : vector<16xf32> to vector<16xf32>
      %swap3A_158 = vector.shape_cast %get3A_154 : vector<16xf32> to vector<16xf32>
      tpu.vector_store %arg8[%swap3A_155], %swap3A_158 {strides = array<i32>} : memref<32000xf32, #tpu.memory_space<vmem>>, vector<16xf32>,
      %add3A_159 = arith.constant 16 : i32
      %add3A_160 = arith.addi %squeeze3A_151, %add3A_159 : i32
      %get3A_161 = arith.index_cast %add3A_160 : i32 to index
      %get3A_162 = tpu.vector_load %arg5[%get3A_161] {strides = array<i32>} : memref<1024xf32, #tpu.memory_space<vmem>>, vector<16xf32>,
      %get3A_163 = vector.shape_cast %get3A_162 : vector<16xf32> to vector<16xf32>
      %swap3A_164 = arith.constant 31696 : index
      %swap3A_165 = tpu.vector_load %arg8[%swap3A_164] {strides = array<i32>} : memref<32000xf32, #tpu.memory_space<vmem>>, vector<16xf32>,
      %swap3A_166 = vector.shape_cast %swap3A_165 : vector<16xf32> to vector<16xf32>
      %swap3A_167 = vector.shape_cast %get3A_163 : vector<16xf32> to vector<16xf32>
      tpu.vector_store %arg8[%swap3A_164], %swap3A_167 {strides = array<i32>} : memref<32000xf32, #tpu.memory_space<vmem>>, vector<16xf32>,
      %slice3A_168 = vector.extract_strided_slice %mul3A_44 {offsets = [7], sizes = [1], strides = [1]} : vector<16xi32> to vector<1xi32>
      %squeeze3A_169 = vector.extract %slice3A_168[0] : i32 from vector<1xi32>
      %get3A_170 = arith.index_cast %squeeze3A_169 : i32 to index
      %get3A_171 = tpu.vector_load %arg5[%get3A_170] {strides = array<i32>} : memref<1024xf32, #tpu.memory_space<vmem>>, vector<16xf32>,
      %get3A_172 = vector.shape_cast %get3A_171 : vector<16xf32> to vector<16xf32>
      %swap3A_173 = arith.constant 31712 : index
      %swap3A_174 = tpu.vector_load %arg8[%swap3A_173] {strides = array<i32>} : memref<32000xf32, #tpu.memory_space<vmem>>, vector<16xf32>,
      %swap3A_175 = vector.shape_cast %swap3A_174 : vector<16xf32> to vector<16xf32>
      %swap3A_176 = vector.shape_cast %get3A_172 : vector<16xf32> to vector<16xf32>
      tpu.vector_store %arg8[%swap3A_173], %swap3A_176 {strides = array<i32>} : memref<32000xf32, #tpu.memory_space<vmem>>, vector<16xf32>,
      %add3A_177 = arith.constant 16 : i32
      %add3A_178 = arith.addi %squeeze3A_169, %add3A_177 : i32
      %get3A_179 = arith.index_cast %add3A_178 : i32 to index
      %get3A_180 = tpu.vector_load %arg5[%get3A_179] {strides = array<i32>} : memref<1024xf32, #tpu.memory_space<vmem>>, vector<16xf32>,
      %get3A_181 = vector.shape_cast %get3A_180 : vector<16xf32> to vector<16xf32>
      %swap3A_182 = arith.constant 31728 : index
      %swap3A_183 = tpu.vector_load %arg8[%swap3A_182] {strides = array<i32>} : memref<32000xf32, #tpu.memory_space<vmem>>, vector<16xf32>,
      %swap3A_184 = vector.shape_cast %swap3A_183 : vector<16xf32> to vector<16xf32>
      %swap3A_185 = vector.shape_cast %get3A_181 : vector<16xf32> to vector<16xf32>
      tpu.vector_store %arg8[%swap3A_182], %swap3A_185 {strides = array<i32>} : memref<32000xf32, #tpu.memory_space<vmem>>, vector<16xf32>,
      %slice3A_186 = vector.extract_strided_slice %mul3A_44 {offsets = [8], sizes = [1], strides = [1]} : vector<16xi32> to vector<1xi32>
      %squeeze3A_187 = vector.extract %slice3A_186[0] : i32 from vector<1xi32>
      %get3A_188 = arith.index_cast %squeeze3A_187 : i32 to index
      %get3A_189 = tpu.vector_load %arg5[%get3A_188] {strides = array<i32>} : memref<1024xf32, #tpu.memory_space<vmem>>, vector<16xf32>,
      %get3A_190 = vector.shape_cast %get3A_189 : vector<16xf32> to vector<16xf32>
      %swap3A_191 = arith.constant 31744 : index
      %swap3A_192 = tpu.vector_load %arg8[%swap3A_191] {strides = array<i32>} : memref<32000xf32, #tpu.memory_space<vmem>>, vector<16xf32>,
      %swap3A_193 = vector.shape_cast %swap3A_192 : vector<16xf32> to vector<16xf32>
      %swap3A_194 = vector.shape_cast %get3A_190 : vector<16xf32> to vector<16xf32>
      tpu.vector_store %arg8[%swap3A_191], %swap3A_194 {strides = array<i32>} : memref<32000xf32, #tpu.memory_space<vmem>>, vector<16xf32>,
      %add3A_195 = arith.constant 16 : i32
      %add3A_196 = arith.addi %squeeze3A_187, %add3A_195 : i32
      %get3A_197 = arith.index_cast %add3A_196 : i32 to index
      %get3A_198 = tpu.vector_load %arg5[%get3A_197] {strides = array<i32>} : memref<1024xf32, #tpu.memory_space<vmem>>, vector<16xf32>,
      %get3A_199 = vector.shape_cast %get3A_198 : vector<16xf32> to vector<16xf32>
      %swap3A_200 = arith.constant 31760 : index
      %swap3A_201 = tpu.vector_load %arg8[%swap3A_200] {strides = array<i32>} : memref<32000xf32, #tpu.memory_space<vmem>>, vector<16xf32>,
      %swap3A_202 = vector.shape_cast %swap3A_201 : vector<16xf32> to vector<16xf32>
      %swap3A_203 = vector.shape_cast %get3A_199 : vector<16xf32> to vector<16xf32>
      tpu.vector_store %arg8[%swap3A_200], %swap3A_203 {strides = array<i32>} : memref<32000xf32, #tpu.memory_space<vmem>>, vector<16xf32>,
      %slice3A_204 = vector.extract_strided_slice %mul3A_44 {offsets = [9], sizes = [1], strides = [1]} : vector<16xi32> to vector<1xi32>
      %squeeze3A_205 = vector.extract %slice3A_204[0] : i32 from vector<1xi32>
      %get3A_206 = arith.index_cast %squeeze3A_205 : i32 to index
      %get3A_207 = tpu.vector_load %arg5[%get3A_206] {strides = array<i32>} : memref<1024xf32, #tpu.memory_space<vmem>>, vector<16xf32>,
      %get3A_208 = vector.shape_cast %get3A_207 : vector<16xf32> to vector<16xf32>
      %swap3A_209 = arith.constant 31776 : index
      %swap3A_210 = tpu.vector_load %arg8[%swap3A_209] {strides = array<i32>} : memref<32000xf32, #tpu.memory_space<vmem>>, vector<16xf32>,
      %swap3A_211 = vector.shape_cast %swap3A_210 : vector<16xf32> to vector<16xf32>
      %swap3A_212 = vector.shape_cast %get3A_208 : vector<16xf32> to vector<16xf32>
      tpu.vector_store %arg8[%swap3A_209], %swap3A_212 {strides = array<i32>} : memref<32000xf32, #tpu.memory_space<vmem>>, vector<16xf32>,
      %add3A_213 = arith.constant 16 : i32
      %add3A_214 = arith.addi %squeeze3A_205, %add3A_213 : i32
      %get3A_215 = arith.index_cast %add3A_214 : i32 to index
      %get3A_216 = tpu.vector_load %arg5[%get3A_215] {strides = array<i32>} : memref<1024xf32, #tpu.memory_space<vmem>>, vector<16xf32>,
      %get3A_217 = vector.shape_cast %get3A_216 : vector<16xf32> to vector<16xf32>
      %swap3A_218 = arith.constant 31792 : index
      %swap3A_219 = tpu.vector_load %arg8[%swap3A_218] {strides = array<i32>} : memref<32000xf32, #tpu.memory_space<vmem>>, vector<16xf32>,
      %swap3A_220 = vector.shape_cast %swap3A_219 : vector<16xf32> to vector<16xf32>
      %swap3A_221 = vector.shape_cast %get3A_217 : vector<16xf32> to vector<16xf32>
      tpu.vector_store %arg8[%swap3A_218], %swap3A_221 {strides = array<i32>} : memref<32000xf32, #tpu.memory_space<vmem>>, vector<16xf32>,
      %slice3A_222 = vector.extract_strided_slice %mul3A_44 {offsets = [10], sizes = [1], strides = [1]} : vector<16xi32> to vector<1xi32>
      %squeeze3A_223 = vector.extract %slice3A_222[0] : i32 from vector<1xi32>
      %get3A_224 = arith.index_cast %squeeze3A_223 : i32 to index
      %get3A_225 = tpu.vector_load %arg5[%get3A_224] {strides = array<i32>} : memref<1024xf32, #tpu.memory_space<vmem>>, vector<16xf32>,
      %get3A_226 = vector.shape_cast %get3A_225 : vector<16xf32> to vector<16xf32>
      %swap3A_227 = arith.constant 31808 : index
      %swap3A_228 = tpu.vector_load %arg8[%swap3A_227] {strides = array<i32>} : memref<32000xf32, #tpu.memory_space<vmem>>, vector<16xf32>,
      %swap3A_229 = vector.shape_cast %swap3A_228 : vector<16xf32> to vector<16xf32>
      %swap3A_230 = vector.shape_cast %get3A_226 : vector<16xf32> to vector<16xf32>
      tpu.vector_store %arg8[%swap3A_227], %swap3A_230 {strides = array<i32>} : memref<32000xf32, #tpu.memory_space<vmem>>, vector<16xf32>,
      %add3A_231 = arith.constant 16 : i32
      %add3A_232 = arith.addi %squeeze3A_223, %add3A_231 : i32
      %get3A_233 = arith.index_cast %add3A_232 : i32 to index
      %get3A_234 = tpu.vector_load %arg5[%get3A_233] {strides = array<i32>} : memref<1024xf32, #tpu.memory_space<vmem>>, vector<16xf32>,
      %get3A_235 = vector.shape_cast %get3A_234 : vector<16xf32> to vector<16xf32>
      %swap3A_236 = arith.constant 31824 : index
      %swap3A_237 = tpu.vector_load %arg8[%swap3A_236] {strides = array<i32>} : memref<32000xf32, #tpu.memory_space<vmem>>, vector<16xf32>,
      %swap3A_238 = vector.shape_cast %swap3A_237 : vector<16xf32> to vector<16xf32>
      %swap3A_239 = vector.shape_cast %get3A_235 : vector<16xf32> to vector<16xf32>
      tpu.vector_store %arg8[%swap3A_236], %swap3A_239 {strides = array<i32>} : memref<32000xf32, #tpu.memory_space<vmem>>, vector<16xf32>,
      %slice3A_240 = vector.extract_strided_slice %mul3A_44 {offsets = [11], sizes = [1], strides = [1]} : vector<16xi32> to vector<1xi32>
      %squeeze3A_241 = vector.extract %slice3A_240[0] : i32 from vector<1xi32>
      %get3A_242 = arith.index_cast %squeeze3A_241 : i32 to index
      %get3A_243 = tpu.vector_load %arg5[%get3A_242] {strides = array<i32>} : memref<1024xf32, #tpu.memory_space<vmem>>, vector<16xf32>,
      %get3A_244 = vector.shape_cast %get3A_243 : vector<16xf32> to vector<16xf32>
      %swap3A_245 = arith.constant 31840 : index
      %swap3A_246 = tpu.vector_load %arg8[%swap3A_245] {strides = array<i32>} : memref<32000xf32, #tpu.memory_space<vmem>>, vector<16xf32>,
      %swap3A_247 = vector.shape_cast %swap3A_246 : vector<16xf32> to vector<16xf32>
      %swap3A_248 = vector.shape_cast %get3A_244 : vector<16xf32> to vector<16xf32>
      tpu.vector_store %arg8[%swap3A_245], %swap3A_248 {strides = array<i32>} : memref<32000xf32, #tpu.memory_space<vmem>>, vector<16xf32>,
      %add3A_249 = arith.constant 16 : i32
      %add3A_250 = arith.addi %squeeze3A_241, %add3A_249 : i32
      %get3A_251 = arith.index_cast %add3A_250 : i32 to index
      %get3A_252 = tpu.vector_load %arg5[%get3A_251] {strides = array<i32>} : memref<1024xf32, #tpu.memory_space<vmem>>, vector<16xf32>,
      %get3A_253 = vector.shape_cast %get3A_252 : vector<16xf32> to vector<16xf32>
      %swap3A_254 = arith.constant 31856 : index
      %swap3A_255 = tpu.vector_load %arg8[%swap3A_254] {strides = array<i32>} : memref<32000xf32, #tpu.memory_space<vmem>>, vector<16xf32>,
      %swap3A_256 = vector.shape_cast %swap3A_255 : vector<16xf32> to vector<16xf32>
      %swap3A_257 = vector.shape_cast %get3A_253 : vector<16xf32> to vector<16xf32>
      tpu.vector_store %arg8[%swap3A_254], %swap3A_257 {strides = array<i32>} : memref<32000xf32, #tpu.memory_space<vmem>>, vector<16xf32>,
      %slice3A_258 = vector.extract_strided_slice %mul3A_44 {offsets = [12], sizes = [1], strides = [1]} : vector<16xi32> to vector<1xi32>
      %squeeze3A_259 = vector.extract %slice3A_258[0] : i32 from vector<1xi32>
      %get3A_260 = arith.index_cast %squeeze3A_259 : i32 to index
      %get3A_261 = tpu.vector_load %arg5[%get3A_260] {strides = array<i32>} : memref<1024xf32, #tpu.memory_space<vmem>>, vector<16xf32>,
      %get3A_262 = vector.shape_cast %get3A_261 : vector<16xf32> to vector<16xf32>
      %swap3A_263 = arith.constant 31872 : index
      %swap3A_264 = tpu.vector_load %arg8[%swap3A_263] {strides = array<i32>} : memref<32000xf32, #tpu.memory_space<vmem>>, vector<16xf32>,
      %swap3A_265 = vector.shape_cast %swap3A_264 : vector<16xf32> to vector<16xf32>
      %swap3A_266 = vector.shape_cast %get3A_262 : vector<16xf32> to vector<16xf32>
      tpu.vector_store %arg8[%swap3A_263], %swap3A_266 {strides = array<i32>} : memref<32000xf32, #tpu.memory_space<vmem>>, vector<16xf32>,
      %add3A_267 = arith.constant 16 : i32
      %add3A_268 = arith.addi %squeeze3A_259, %add3A_267 : i32
      %get3A_269 = arith.index_cast %add3A_268 : i32 to index
      %get3A_270 = tpu.vector_load %arg5[%get3A_269] {strides = array<i32>} : memref<1024xf32, #tpu.memory_space<vmem>>, vector<16xf32>,
      %get3A_271 = vector.shape_cast %get3A_270 : vector<16xf32> to vector<16xf32>
      %swap3A_272 = arith.constant 31888 : index
      %swap3A_273 = tpu.vector_load %arg8[%swap3A_272] {strides = array<i32>} : memref<32000xf32, #tpu.memory_space<vmem>>, vector<16xf32>,
      %swap3A_274 = vector.shape_cast %swap3A_273 : vector<16xf32> to vector<16xf32>
      %swap3A_275 = vector.shape_cast %get3A_271 : vector<16xf32> to vector<16xf32>
      tpu.vector_store %arg8[%swap3A_272], %swap3A_275 {strides = array<i32>} : memref<32000xf32, #tpu.memory_space<vmem>>, vector<16xf32>,
      %slice3A_276 = vector.extract_strided_slice %mul3A_44 {offsets = [13], sizes = [1], strides = [1]} : vector<16xi32> to vector<1xi32>
      %squeeze3A_277 = vector.extract %slice3A_276[0] : i32 from vector<1xi32>
      %get3A_278 = arith.index_cast %squeeze3A_277 : i32 to index
      %get3A_279 = tpu.vector_load %arg5[%get3A_278] {strides = array<i32>} : memref<1024xf32, #tpu.memory_space<vmem>>, vector<16xf32>,
      %get3A_280 = vector.shape_cast %get3A_279 : vector<16xf32> to vector<16xf32>
      %swap3A_281 = arith.constant 31904 : index
      %swap3A_282 = tpu.vector_load %arg8[%swap3A_281] {strides = array<i32>} : memref<32000xf32, #tpu.memory_space<vmem>>, vector<16xf32>,
      %swap3A_283 = vector.shape_cast %swap3A_282 : vector<16xf32> to vector<16xf32>
      %swap3A_284 = vector.shape_cast %get3A_280 : vector<16xf32> to vector<16xf32>
      tpu.vector_store %arg8[%swap3A_281], %swap3A_284 {strides = array<i32>} : memref<32000xf32, #tpu.memory_space<vmem>>, vector<16xf32>,
      %add3A_285 = arith.constant 16 : i32
      %add3A_286 = arith.addi %squeeze3A_277, %add3A_285 : i32
      %get3A_287 = arith.index_cast %add3A_286 : i32 to index
      %get3A_288 = tpu.vector_load %arg5[%get3A_287] {strides = array<i32>} : memref<1024xf32, #tpu.memory_space<vmem>>, vector<16xf32>,
      %get3A_289 = vector.shape_cast %get3A_288 : vector<16xf32> to vector<16xf32>
      %swap3A_290 = arith.constant 31920 : index
      %swap3A_291 = tpu.vector_load %arg8[%swap3A_290] {strides = array<i32>} : memref<32000xf32, #tpu.memory_space<vmem>>, vector<16xf32>,
      %swap3A_292 = vector.shape_cast %swap3A_291 : vector<16xf32> to vector<16xf32>
      %swap3A_293 = vector.shape_cast %get3A_289 : vector<16xf32> to vector<16xf32>
      tpu.vector_store %arg8[%swap3A_290], %swap3A_293 {strides = array<i32>} : memref<32000xf32, #tpu.memory_space<vmem>>, vector<16xf32>,
      %slice3A_294 = vector.extract_strided_slice %mul3A_44 {offsets = [14], sizes = [1], strides = [1]} : vector<16xi32> to vector<1xi32>
      %squeeze3A_295 = vector.extract %slice3A_294[0] : i32 from vector<1xi32>
      %get3A_296 = arith.index_cast %squeeze3A_295 : i32 to index
      %get3A_297 = tpu.vector_load %arg5[%get3A_296] {strides = array<i32>} : memref<1024xf32, #tpu.memory_space<vmem>>, vector<16xf32>,
      %get3A_298 = vector.shape_cast %get3A_297 : vector<16xf32> to vector<16xf32>
      %swap3A_299 = arith.constant 31936 : index
      %swap3A_300 = tpu.vector_load %arg8[%swap3A_299] {strides = array<i32>} : memref<32000xf32, #tpu.memory_space<vmem>>, vector<16xf32>,
      %swap3A_301 = vector.shape_cast %swap3A_300 : vector<16xf32> to vector<16xf32>
      %swap3A_302 = vector.shape_cast %get3A_298 : vector<16xf32> to vector<16xf32>
      tpu.vector_store %arg8[%swap3A_299], %swap3A_302 {strides = array<i32>} : memref<32000xf32, #tpu.memory_space<vmem>>, vector<16xf32>,
      %add3A_303 = arith.constant 16 : i32
      %add3A_304 = arith.addi %squeeze3A_295, %add3A_303 : i32
      %get3A_305 = arith.index_cast %add3A_304 : i32 to index
      %get3A_306 = tpu.vector_load %arg5[%get3A_305] {strides = array<i32>} : memref<1024xf32, #tpu.memory_space<vmem>>, vector<16xf32>,
      %get3A_307 = vector.shape_cast %get3A_306 : vector<16xf32> to vector<16xf32>
      %swap3A_308 = arith.constant 31952 : index
      %swap3A_309 = tpu.vector_load %arg8[%swap3A_308] {strides = array<i32>} : memref<32000xf32, #tpu.memory_space<vmem>>, vector<16xf32>,
      %swap3A_310 = vector.shape_cast %swap3A_309 : vector<16xf32> to vector<16xf32>
      %swap3A_311 = vector.shape_cast %get3A_307 : vector<16xf32> to vector<16xf32>
      tpu.vector_store %arg8[%swap3A_308], %swap3A_311 {strides = array<i32>} : memref<32000xf32, #tpu.memory_space<vmem>>, vector<16xf32>,
      %slice3A_312 = vector.extract_strided_slice %mul3A_44 {offsets = [15], sizes = [1], strides = [1]} : vector<16xi32> to vector<1xi32>
      %squeeze3A_313 = vector.extract %slice3A_312[0] : i32 from vector<1xi32>
      %get3A_314 = arith.index_cast %squeeze3A_313 : i32 to index
      %get3A_315 = tpu.vector_load %arg5[%get3A_314] {strides = array<i32>} : memref<1024xf32, #tpu.memory_space<vmem>>, vector<16xf32>,
      %get3A_316 = vector.shape_cast %get3A_315 : vector<16xf32> to vector<16xf32>
      %swap3A_317 = arith.constant 31968 : index
      %swap3A_318 = tpu.vector_load %arg8[%swap3A_317] {strides = array<i32>} : memref<32000xf32, #tpu.memory_space<vmem>>, vector<16xf32>,
      %swap3A_319 = vector.shape_cast %swap3A_318 : vector<16xf32> to vector<16xf32>
      %swap3A_320 = vector.shape_cast %get3A_316 : vector<16xf32> to vector<16xf32>
      tpu.vector_store %arg8[%swap3A_317], %swap3A_320 {strides = array<i32>} : memref<32000xf32, #tpu.memory_space<vmem>>, vector<16xf32>,
      %add3A_321 = arith.constant 16 : i32
      %add3A_322 = arith.addi %squeeze3A_313, %add3A_321 : i32
      %get3A_323 = arith.index_cast %add3A_322 : i32 to index
      %get3A_324 = tpu.vector_load %arg5[%get3A_323] {strides = array<i32>} : memref<1024xf32, #tpu.memory_space<vmem>>, vector<16xf32>,
      %get3A_325 = vector.shape_cast %get3A_324 : vector<16xf32> to vector<16xf32>
      %swap3A_326 = arith.constant 31984 : index
      %swap3A_327 = tpu.vector_load %arg8[%swap3A_326] {strides = array<i32>} : memref<32000xf32, #tpu.memory_space<vmem>>, vector<16xf32>,
      %swap3A_328 = vector.shape_cast %swap3A_327 : vector<16xf32> to vector<16xf32>
      %swap3A_329 = vector.shape_cast %get3A_325 : vector<16xf32> to vector<16xf32>
      tpu.vector_store %arg8[%swap3A_326], %swap3A_329 {strides = array<i32>} : memref<32000xf32, #tpu.memory_space<vmem>>, vector<16xf32>,
      %mul3A_330 = arith.constant 1000 : i32
      %mul3A_331 = arith.muli %add3A_30, %mul3A_330 : i32
      %add3A_332 = arith.addi %mul3A_2, %mul3A_331 : i32
      %mul3A_333 = arith.constant 32 : i32
      %mul3A_334 = arith.muli %add3A_332, %mul3A_333 : i32
      %dma_start3A_335 = tpu.memref_slice %arg4[%mul3A_334] : memref<51200000xf32, #tpu.memory_space<hbm>> -> memref<32000xf32, #tpu.memory_space<hbm>>
      %dma_start3A_336 = tpu.memref_slice %arg4[%mul3A_334] : memref<51200000xf32, #tpu.memory_space<hbm>> -> memref<32000xf32, #tpu.memory_space<hbm>>
      tpu.enqueue_dma source(%arg8 : memref<32000xf32, #tpu.memory_space<vmem>>) target(%dma_start3A_336 : memref<32000xf32, #tpu.memory_space<hbm>>) target_semaphore(%arg12 : memref<!tpu.dma_semaphore, #tpu.memory_space<semaphore_mem>>)
      %add3A_337 = arith.constant 2 : i32
      %add3A_338 = arith.addi %add3A_30, %add3A_337 : i32
      %lt3A = arith.constant 50 : i32
      %lt3A_339 = arith.cmpi slt, %add3A_338, %lt3A : i32
      %convert_element_type3A_340 = arith.extui %lt3A_339 : i1 to i32
      %cond3A_341 = arith.constant 0 : i32
      %cond3A_342 = arith.cmpi ne, %convert_element_type3A_340, %cond3A_341 : i32
      scf.if %cond3A_342 {
        %add3A_668 = arith.constant 2 : i32
        %add3A_669 = arith.addi %add3A_30, %add3A_668 : i32
        %mul3A_670 = arith.constant 1000 : i32
        %mul3A_671 = arith.muli %add3A_669, %mul3A_670 : i32
        %add3A_672 = arith.addi %mul3A_2, %mul3A_671 : i32
        %dma_start3A_673 = tpu.memref_slice %arg2[%add3A_672] : memref<1600000xi32, #tpu.memory_space<hbm>> -> memref<1000xi32, #tpu.memory_space<hbm>>
        %dma_start3A_674 = tpu.memref_slice %arg2[%add3A_672] : memref<1600000xi32, #tpu.memory_space<hbm>> -> memref<1000xi32, #tpu.memory_space<hbm>>
        tpu.enqueue_dma source(%dma_start3A_674 : memref<1000xi32, #tpu.memory_space<hbm>>) target(%arg6 : memref<1000xi32, #tpu.memory_space<vmem>>) target_semaphore(%arg10 : memref<!tpu.dma_semaphore, #tpu.memory_space<semaphore_mem>>)
      } else {
      }
      %mul3A_343 = arith.constant 2 : i32
      %mul3A_344 = arith.muli %scan3A_26, %mul3A_343 : i32
      %add3A_345 = arith.constant 1 : i32
      %add3A_346 = arith.addi %mul3A_344, %add3A_345 : i32
      %mul3A_347 = arith.constant 1000 : i32
      %mul3A_348 = arith.muli %add3A_346, %mul3A_347 : i32
      %add3A_349 = arith.addi %mul3A_2, %mul3A_348 : i32
      %dma_wait3A_350 = tpu.memref_slice %arg2[%add3A_349] : memref<1600000xi32, #tpu.memory_space<hbm>> -> memref<1000xi32, #tpu.memory_space<hbm>>
      %dma_wait3A_351 = tpu.memref_slice %arg2[%add3A_349] : memref<1600000xi32, #tpu.memory_space<hbm>> -> memref<1000xi32, #tpu.memory_space<hbm>>
      tpu.wait_dma2 semaphore(%arg11 : memref<!tpu.dma_semaphore, #tpu.memory_space<semaphore_mem>>) src(%dma_wait3A_351 : memref<1000xi32, #tpu.memory_space<hbm>>) dst(%arg7 : memref<1000xi32, #tpu.memory_space<vmem>>)
      %ge3A_352 = arith.constant 2 : i32
      %ge3A_353 = arith.cmpi sge, %add3A_346, %ge3A_352 : i32
      %convert_element_type3A_354 = arith.extui %ge3A_353 : i1 to i32
      %cond3A_355 = arith.constant 0 : i32
      %cond3A_356 = arith.cmpi ne, %convert_element_type3A_354, %cond3A_355 : i32
      scf.if %cond3A_356 {
        %sub3A = arith.constant 2 : i32
        %sub3A_668 = arith.subi %add3A_346, %sub3A : i32
        %mul3A_669 = arith.constant 1000 : i32
        %mul3A_670 = arith.muli %sub3A_668, %mul3A_669 : i32
        %add3A_671 = arith.addi %mul3A_2, %mul3A_670 : i32
        %mul3A_672 = arith.constant 32 : i32
        %mul3A_673 = arith.muli %add3A_671, %mul3A_672 : i32
        %dma_wait3A_674 = tpu.memref_slice %arg4[%mul3A_673] : memref<51200000xf32, #tpu.memory_space<hbm>> -> memref<32000xf32, #tpu.memory_space<hbm>>
        %dma_wait3A_675 = tpu.memref_slice %arg4[%mul3A_673] : memref<51200000xf32, #tpu.memory_space<hbm>> -> memref<32000xf32, #tpu.memory_space<hbm>>
        tpu.wait_dma2 semaphore(%arg13 : memref<!tpu.dma_semaphore, #tpu.memory_space<semaphore_mem>>) src(%arg9 : memref<32000xf32, #tpu.memory_space<vmem>>) dst(%dma_wait3A_675 : memref<32000xf32, #tpu.memory_space<hbm>>)
      } else {
      }
      %parallel_loop3A_357 = arith.constant 0 : i32
      %parallel_loop3A_358 = arith.constant 62 : i32
      %parallel_loop3A_359 = arith.constant 1 : i32
      scf.for %parallel_loop3A_668 = %parallel_loop3A_357 to %parallel_loop3A_358 step %parallel_loop3A_359  : i32 {
        %parallel_loop3A_669 = arith.constant 16 : i32
        %parallel_loop3A_670 = arith.muli %parallel_loop3A_668, %parallel_loop3A_669 : i32
        %parallel_loop3A_671 = arith.index_cast %parallel_loop3A_670 : i32 to index
        %parallel_loop3A_672 = tpu.vector_load %arg7[%parallel_loop3A_671] {strides = array<i32>} : memref<1000xi32, #tpu.memory_space<vmem>>, vector<16xi32>,
        %parallel_loop3A_673 = vector.shape_cast %parallel_loop3A_672 : vector<16xi32> to vector<16xi32>
        %parallel_loop3A_674 = arith.constant 32 : i32
        %parallel_loop3A_675 = vector.broadcast %parallel_loop3A_674 : i32 to vector<16xi32>
        %parallel_loop3A_676 = arith.muli %parallel_loop3A_673, %parallel_loop3A_675 : vector<16xi32>
        %parallel_loop3A_677 = arith.constant 32 : i32
        %parallel_loop3A_678 = arith.muli %parallel_loop3A_670, %parallel_loop3A_677 : i32
        %parallel_loop3A_679 = vector.extract_strided_slice %parallel_loop3A_676 {offsets = [0], sizes = [1], strides = [1]} : vector<16xi32> to vector<1xi32>
        %parallel_loop3A_680 = vector.extract %parallel_loop3A_679[0] : i32 from vector<1xi32>
        %parallel_loop3A_681 = arith.constant 0 : i32
        %parallel_loop3A_682 = arith.addi %parallel_loop3A_678, %parallel_loop3A_681 : i32
        %parallel_loop3A_683 = arith.index_cast %parallel_loop3A_680 : i32 to index
        %parallel_loop3A_684 = tpu.vector_load %arg5[%parallel_loop3A_683] {strides = array<i32>} : memref<1024xf32, #tpu.memory_space<vmem>>, vector<16xf32>,
        %parallel_loop3A_685 = vector.shape_cast %parallel_loop3A_684 : vector<16xf32> to vector<16xf32>
        %parallel_loop3A_686 = arith.index_cast %parallel_loop3A_682 : i32 to index
        %parallel_loop3A_687 = tpu.vector_load %arg9[%parallel_loop3A_686] {strides = array<i32>} : memref<32000xf32, #tpu.memory_space<vmem>>, vector<16xf32>,
        %parallel_loop3A_688 = vector.shape_cast %parallel_loop3A_687 : vector<16xf32> to vector<16xf32>
        %parallel_loop3A_689 = vector.shape_cast %parallel_loop3A_685 : vector<16xf32> to vector<16xf32>
        tpu.vector_store %arg9[%parallel_loop3A_686], %parallel_loop3A_689 {strides = array<i32>} : memref<32000xf32, #tpu.memory_space<vmem>>, vector<16xf32>,
        %parallel_loop3A_690 = arith.constant 16 : i32
        %parallel_loop3A_691 = arith.addi %parallel_loop3A_680, %parallel_loop3A_690 : i32
        %parallel_loop3A_692 = arith.index_cast %parallel_loop3A_691 : i32 to index
        %parallel_loop3A_693 = tpu.vector_load %arg5[%parallel_loop3A_692] {strides = array<i32>} : memref<1024xf32, #tpu.memory_space<vmem>>, vector<16xf32>,
        %parallel_loop3A_694 = vector.shape_cast %parallel_loop3A_693 : vector<16xf32> to vector<16xf32>
        %parallel_loop3A_695 = arith.constant 16 : i32
        %parallel_loop3A_696 = arith.addi %parallel_loop3A_682, %parallel_loop3A_695 : i32
        %parallel_loop3A_697 = arith.index_cast %parallel_loop3A_696 : i32 to index
        %parallel_loop3A_698 = tpu.vector_load %arg9[%parallel_loop3A_697] {strides = array<i32>} : memref<32000xf32, #tpu.memory_space<vmem>>, vector<16xf32>,
        %parallel_loop3A_699 = vector.shape_cast %parallel_loop3A_698 : vector<16xf32> to vector<16xf32>
        %parallel_loop3A_700 = vector.shape_cast %parallel_loop3A_694 : vector<16xf32> to vector<16xf32>
        tpu.vector_store %arg9[%parallel_loop3A_697], %parallel_loop3A_700 {strides = array<i32>} : memref<32000xf32, #tpu.memory_space<vmem>>, vector<16xf32>,
        %parallel_loop3A_701 = vector.extract_strided_slice %parallel_loop3A_676 {offsets = [1], sizes = [1], strides = [1]} : vector<16xi32> to vector<1xi32>
        %parallel_loop3A_702 = vector.extract %parallel_loop3A_701[0] : i32 from vector<1xi32>
        %parallel_loop3A_703 = arith.constant 32 : i32
        %parallel_loop3A_704 = arith.addi %parallel_loop3A_678, %parallel_loop3A_703 : i32
        %parallel_loop3A_705 = arith.index_cast %parallel_loop3A_702 : i32 to index
        %parallel_loop3A_706 = tpu.vector_load %arg5[%parallel_loop3A_705] {strides = array<i32>} : memref<1024xf32, #tpu.memory_space<vmem>>, vector<16xf32>,
        %parallel_loop3A_707 = vector.shape_cast %parallel_loop3A_706 : vector<16xf32> to vector<16xf32>
        %parallel_loop3A_708 = arith.index_cast %parallel_loop3A_704 : i32 to index
        %parallel_loop3A_709 = tpu.vector_load %arg9[%parallel_loop3A_708] {strides = array<i32>} : memref<32000xf32, #tpu.memory_space<vmem>>, vector<16xf32>,
        %parallel_loop3A_710 = vector.shape_cast %parallel_loop3A_709 : vector<16xf32> to vector<16xf32>
        %parallel_loop3A_711 = vector.shape_cast %parallel_loop3A_707 : vector<16xf32> to vector<16xf32>
        tpu.vector_store %arg9[%parallel_loop3A_708], %parallel_loop3A_711 {strides = array<i32>} : memref<32000xf32, #tpu.memory_space<vmem>>, vector<16xf32>,
        %parallel_loop3A_712 = arith.constant 16 : i32
        %parallel_loop3A_713 = arith.addi %parallel_loop3A_702, %parallel_loop3A_712 : i32
        %parallel_loop3A_714 = arith.index_cast %parallel_loop3A_713 : i32 to index
        %parallel_loop3A_715 = tpu.vector_load %arg5[%parallel_loop3A_714] {strides = array<i32>} : memref<1024xf32, #tpu.memory_space<vmem>>, vector<16xf32>,
        %parallel_loop3A_716 = vector.shape_cast %parallel_loop3A_715 : vector<16xf32> to vector<16xf32>
        %parallel_loop3A_717 = arith.constant 16 : i32
        %parallel_loop3A_718 = arith.addi %parallel_loop3A_704, %parallel_loop3A_717 : i32
        %parallel_loop3A_719 = arith.index_cast %parallel_loop3A_718 : i32 to index
        %parallel_loop3A_720 = tpu.vector_load %arg9[%parallel_loop3A_719] {strides = array<i32>} : memref<32000xf32, #tpu.memory_space<vmem>>, vector<16xf32>,
        %parallel_loop3A_721 = vector.shape_cast %parallel_loop3A_720 : vector<16xf32> to vector<16xf32>
        %parallel_loop3A_722 = vector.shape_cast %parallel_loop3A_716 : vector<16xf32> to vector<16xf32>
        tpu.vector_store %arg9[%parallel_loop3A_719], %parallel_loop3A_722 {strides = array<i32>} : memref<32000xf32, #tpu.memory_space<vmem>>, vector<16xf32>,
        %parallel_loop3A_723 = vector.extract_strided_slice %parallel_loop3A_676 {offsets = [2], sizes = [1], strides = [1]} : vector<16xi32> to vector<1xi32>
        %parallel_loop3A_724 = vector.extract %parallel_loop3A_723[0] : i32 from vector<1xi32>
        %parallel_loop3A_725 = arith.constant 64 : i32
        %parallel_loop3A_726 = arith.addi %parallel_loop3A_678, %parallel_loop3A_725 : i32
        %parallel_loop3A_727 = arith.index_cast %parallel_loop3A_724 : i32 to index
        %parallel_loop3A_728 = tpu.vector_load %arg5[%parallel_loop3A_727] {strides = array<i32>} : memref<1024xf32, #tpu.memory_space<vmem>>, vector<16xf32>,
        %parallel_loop3A_729 = vector.shape_cast %parallel_loop3A_728 : vector<16xf32> to vector<16xf32>
        %parallel_loop3A_730 = arith.index_cast %parallel_loop3A_726 : i32 to index
        %parallel_loop3A_731 = tpu.vector_load %arg9[%parallel_loop3A_730] {strides = array<i32>} : memref<32000xf32, #tpu.memory_space<vmem>>, vector<16xf32>,
        %parallel_loop3A_732 = vector.shape_cast %parallel_loop3A_731 : vector<16xf32> to vector<16xf32>
        %parallel_loop3A_733 = vector.shape_cast %parallel_loop3A_729 : vector<16xf32> to vector<16xf32>
        tpu.vector_store %arg9[%parallel_loop3A_730], %parallel_loop3A_733 {strides = array<i32>} : memref<32000xf32, #tpu.memory_space<vmem>>, vector<16xf32>,
        %parallel_loop3A_734 = arith.constant 16 : i32
        %parallel_loop3A_735 = arith.addi %parallel_loop3A_724, %parallel_loop3A_734 : i32
        %parallel_loop3A_736 = arith.index_cast %parallel_loop3A_735 : i32 to index
        %parallel_loop3A_737 = tpu.vector_load %arg5[%parallel_loop3A_736] {strides = array<i32>} : memref<1024xf32, #tpu.memory_space<vmem>>, vector<16xf32>,
        %parallel_loop3A_738 = vector.shape_cast %parallel_loop3A_737 : vector<16xf32> to vector<16xf32>
        %parallel_loop3A_739 = arith.constant 16 : i32
        %parallel_loop3A_740 = arith.addi %parallel_loop3A_726, %parallel_loop3A_739 : i32
        %parallel_loop3A_741 = arith.index_cast %parallel_loop3A_740 : i32 to index
        %parallel_loop3A_742 = tpu.vector_load %arg9[%parallel_loop3A_741] {strides = array<i32>} : memref<32000xf32, #tpu.memory_space<vmem>>, vector<16xf32>,
        %parallel_loop3A_743 = vector.shape_cast %parallel_loop3A_742 : vector<16xf32> to vector<16xf32>
        %parallel_loop3A_744 = vector.shape_cast %parallel_loop3A_738 : vector<16xf32> to vector<16xf32>
        tpu.vector_store %arg9[%parallel_loop3A_741], %parallel_loop3A_744 {strides = array<i32>} : memref<32000xf32, #tpu.memory_space<vmem>>, vector<16xf32>,
        %parallel_loop3A_745 = vector.extract_strided_slice %parallel_loop3A_676 {offsets = [3], sizes = [1], strides = [1]} : vector<16xi32> to vector<1xi32>
        %parallel_loop3A_746 = vector.extract %parallel_loop3A_745[0] : i32 from vector<1xi32>
        %parallel_loop3A_747 = arith.constant 96 : i32
        %parallel_loop3A_748 = arith.addi %parallel_loop3A_678, %parallel_loop3A_747 : i32
        %parallel_loop3A_749 = arith.index_cast %parallel_loop3A_746 : i32 to index
        %parallel_loop3A_750 = tpu.vector_load %arg5[%parallel_loop3A_749] {strides = array<i32>} : memref<1024xf32, #tpu.memory_space<vmem>>, vector<16xf32>,
        %parallel_loop3A_751 = vector.shape_cast %parallel_loop3A_750 : vector<16xf32> to vector<16xf32>
        %parallel_loop3A_752 = arith.index_cast %parallel_loop3A_748 : i32 to index
        %parallel_loop3A_753 = tpu.vector_load %arg9[%parallel_loop3A_752] {strides = array<i32>} : memref<32000xf32, #tpu.memory_space<vmem>>, vector<16xf32>,
        %parallel_loop3A_754 = vector.shape_cast %parallel_loop3A_753 : vector<16xf32> to vector<16xf32>
        %parallel_loop3A_755 = vector.shape_cast %parallel_loop3A_751 : vector<16xf32> to vector<16xf32>
        tpu.vector_store %arg9[%parallel_loop3A_752], %parallel_loop3A_755 {strides = array<i32>} : memref<32000xf32, #tpu.memory_space<vmem>>, vector<16xf32>,
        %parallel_loop3A_756 = arith.constant 16 : i32
        %parallel_loop3A_757 = arith.addi %parallel_loop3A_746, %parallel_loop3A_756 : i32
        %parallel_loop3A_758 = arith.index_cast %parallel_loop3A_757 : i32 to index
        %parallel_loop3A_759 = tpu.vector_load %arg5[%parallel_loop3A_758] {strides = array<i32>} : memref<1024xf32, #tpu.memory_space<vmem>>, vector<16xf32>,
        %parallel_loop3A_760 = vector.shape_cast %parallel_loop3A_759 : vector<16xf32> to vector<16xf32>
        %parallel_loop3A_761 = arith.constant 16 : i32
        %parallel_loop3A_762 = arith.addi %parallel_loop3A_748, %parallel_loop3A_761 : i32
        %parallel_loop3A_763 = arith.index_cast %parallel_loop3A_762 : i32 to index
        %parallel_loop3A_764 = tpu.vector_load %arg9[%parallel_loop3A_763] {strides = array<i32>} : memref<32000xf32, #tpu.memory_space<vmem>>, vector<16xf32>,
        %parallel_loop3A_765 = vector.shape_cast %parallel_loop3A_764 : vector<16xf32> to vector<16xf32>
        %parallel_loop3A_766 = vector.shape_cast %parallel_loop3A_760 : vector<16xf32> to vector<16xf32>
        tpu.vector_store %arg9[%parallel_loop3A_763], %parallel_loop3A_766 {strides = array<i32>} : memref<32000xf32, #tpu.memory_space<vmem>>, vector<16xf32>,
        %parallel_loop3A_767 = vector.extract_strided_slice %parallel_loop3A_676 {offsets = [4], sizes = [1], strides = [1]} : vector<16xi32> to vector<1xi32>
        %parallel_loop3A_768 = vector.extract %parallel_loop3A_767[0] : i32 from vector<1xi32>
        %parallel_loop3A_769 = arith.constant 128 : i32
        %parallel_loop3A_770 = arith.addi %parallel_loop3A_678, %parallel_loop3A_769 : i32
        %parallel_loop3A_771 = arith.index_cast %parallel_loop3A_768 : i32 to index
        %parallel_loop3A_772 = tpu.vector_load %arg5[%parallel_loop3A_771] {strides = array<i32>} : memref<1024xf32, #tpu.memory_space<vmem>>, vector<16xf32>,
        %parallel_loop3A_773 = vector.shape_cast %parallel_loop3A_772 : vector<16xf32> to vector<16xf32>
        %parallel_loop3A_774 = arith.index_cast %parallel_loop3A_770 : i32 to index
        %parallel_loop3A_775 = tpu.vector_load %arg9[%parallel_loop3A_774] {strides = array<i32>} : memref<32000xf32, #tpu.memory_space<vmem>>, vector<16xf32>,
        %parallel_loop3A_776 = vector.shape_cast %parallel_loop3A_775 : vector<16xf32> to vector<16xf32>
        %parallel_loop3A_777 = vector.shape_cast %parallel_loop3A_773 : vector<16xf32> to vector<16xf32>
        tpu.vector_store %arg9[%parallel_loop3A_774], %parallel_loop3A_777 {strides = array<i32>} : memref<32000xf32, #tpu.memory_space<vmem>>, vector<16xf32>,
        %parallel_loop3A_778 = arith.constant 16 : i32
        %parallel_loop3A_779 = arith.addi %parallel_loop3A_768, %parallel_loop3A_778 : i32
        %parallel_loop3A_780 = arith.index_cast %parallel_loop3A_779 : i32 to index
        %parallel_loop3A_781 = tpu.vector_load %arg5[%parallel_loop3A_780] {strides = array<i32>} : memref<1024xf32, #tpu.memory_space<vmem>>, vector<16xf32>,
        %parallel_loop3A_782 = vector.shape_cast %parallel_loop3A_781 : vector<16xf32> to vector<16xf32>
        %parallel_loop3A_783 = arith.constant 16 : i32
        %parallel_loop3A_784 = arith.addi %parallel_loop3A_770, %parallel_loop3A_783 : i32
        %parallel_loop3A_785 = arith.index_cast %parallel_loop3A_784 : i32 to index
        %parallel_loop3A_786 = tpu.vector_load %arg9[%parallel_loop3A_785] {strides = array<i32>} : memref<32000xf32, #tpu.memory_space<vmem>>, vector<16xf32>,
        %parallel_loop3A_787 = vector.shape_cast %parallel_loop3A_786 : vector<16xf32> to vector<16xf32>
        %parallel_loop3A_788 = vector.shape_cast %parallel_loop3A_782 : vector<16xf32> to vector<16xf32>
        tpu.vector_store %arg9[%parallel_loop3A_785], %parallel_loop3A_788 {strides = array<i32>} : memref<32000xf32, #tpu.memory_space<vmem>>, vector<16xf32>,
        %parallel_loop3A_789 = vector.extract_strided_slice %parallel_loop3A_676 {offsets = [5], sizes = [1], strides = [1]} : vector<16xi32> to vector<1xi32>
        %parallel_loop3A_790 = vector.extract %parallel_loop3A_789[0] : i32 from vector<1xi32>
        %parallel_loop3A_791 = arith.constant 160 : i32
        %parallel_loop3A_792 = arith.addi %parallel_loop3A_678, %parallel_loop3A_791 : i32
        %parallel_loop3A_793 = arith.index_cast %parallel_loop3A_790 : i32 to index
        %parallel_loop3A_794 = tpu.vector_load %arg5[%parallel_loop3A_793] {strides = array<i32>} : memref<1024xf32, #tpu.memory_space<vmem>>, vector<16xf32>,
        %parallel_loop3A_795 = vector.shape_cast %parallel_loop3A_794 : vector<16xf32> to vector<16xf32>
        %parallel_loop3A_796 = arith.index_cast %parallel_loop3A_792 : i32 to index
        %parallel_loop3A_797 = tpu.vector_load %arg9[%parallel_loop3A_796] {strides = array<i32>} : memref<32000xf32, #tpu.memory_space<vmem>>, vector<16xf32>,
        %parallel_loop3A_798 = vector.shape_cast %parallel_loop3A_797 : vector<16xf32> to vector<16xf32>
        %parallel_loop3A_799 = vector.shape_cast %parallel_loop3A_795 : vector<16xf32> to vector<16xf32>
        tpu.vector_store %arg9[%parallel_loop3A_796], %parallel_loop3A_799 {strides = array<i32>} : memref<32000xf32, #tpu.memory_space<vmem>>, vector<16xf32>,
        %parallel_loop3A_800 = arith.constant 16 : i32
        %parallel_loop3A_801 = arith.addi %parallel_loop3A_790, %parallel_loop3A_800 : i32
        %parallel_loop3A_802 = arith.index_cast %parallel_loop3A_801 : i32 to index
        %parallel_loop3A_803 = tpu.vector_load %arg5[%parallel_loop3A_802] {strides = array<i32>} : memref<1024xf32, #tpu.memory_space<vmem>>, vector<16xf32>,
        %parallel_loop3A_804 = vector.shape_cast %parallel_loop3A_803 : vector<16xf32> to vector<16xf32>
        %parallel_loop3A_805 = arith.constant 16 : i32
        %parallel_loop3A_806 = arith.addi %parallel_loop3A_792, %parallel_loop3A_805 : i32
        %parallel_loop3A_807 = arith.index_cast %parallel_loop3A_806 : i32 to index
        %parallel_loop3A_808 = tpu.vector_load %arg9[%parallel_loop3A_807] {strides = array<i32>} : memref<32000xf32, #tpu.memory_space<vmem>>, vector<16xf32>,
        %parallel_loop3A_809 = vector.shape_cast %parallel_loop3A_808 : vector<16xf32> to vector<16xf32>
        %parallel_loop3A_810 = vector.shape_cast %parallel_loop3A_804 : vector<16xf32> to vector<16xf32>
        tpu.vector_store %arg9[%parallel_loop3A_807], %parallel_loop3A_810 {strides = array<i32>} : memref<32000xf32, #tpu.memory_space<vmem>>, vector<16xf32>,
        %parallel_loop3A_811 = vector.extract_strided_slice %parallel_loop3A_676 {offsets = [6], sizes = [1], strides = [1]} : vector<16xi32> to vector<1xi32>
        %parallel_loop3A_812 = vector.extract %parallel_loop3A_811[0] : i32 from vector<1xi32>
        %parallel_loop3A_813 = arith.constant 192 : i32
        %parallel_loop3A_814 = arith.addi %parallel_loop3A_678, %parallel_loop3A_813 : i32
        %parallel_loop3A_815 = arith.index_cast %parallel_loop3A_812 : i32 to index
        %parallel_loop3A_816 = tpu.vector_load %arg5[%parallel_loop3A_815] {strides = array<i32>} : memref<1024xf32, #tpu.memory_space<vmem>>, vector<16xf32>,
        %parallel_loop3A_817 = vector.shape_cast %parallel_loop3A_816 : vector<16xf32> to vector<16xf32>
        %parallel_loop3A_818 = arith.index_cast %parallel_loop3A_814 : i32 to index
        %parallel_loop3A_819 = tpu.vector_load %arg9[%parallel_loop3A_818] {strides = array<i32>} : memref<32000xf32, #tpu.memory_space<vmem>>, vector<16xf32>,
        %parallel_loop3A_820 = vector.shape_cast %parallel_loop3A_819 : vector<16xf32> to vector<16xf32>
        %parallel_loop3A_821 = vector.shape_cast %parallel_loop3A_817 : vector<16xf32> to vector<16xf32>
        tpu.vector_store %arg9[%parallel_loop3A_818], %parallel_loop3A_821 {strides = array<i32>} : memref<32000xf32, #tpu.memory_space<vmem>>, vector<16xf32>,
        %parallel_loop3A_822 = arith.constant 16 : i32
        %parallel_loop3A_823 = arith.addi %parallel_loop3A_812, %parallel_loop3A_822 : i32
        %parallel_loop3A_824 = arith.index_cast %parallel_loop3A_823 : i32 to index
        %parallel_loop3A_825 = tpu.vector_load %arg5[%parallel_loop3A_824] {strides = array<i32>} : memref<1024xf32, #tpu.memory_space<vmem>>, vector<16xf32>,
        %parallel_loop3A_826 = vector.shape_cast %parallel_loop3A_825 : vector<16xf32> to vector<16xf32>
        %parallel_loop3A_827 = arith.constant 16 : i32
        %parallel_loop3A_828 = arith.addi %parallel_loop3A_814, %parallel_loop3A_827 : i32
        %parallel_loop3A_829 = arith.index_cast %parallel_loop3A_828 : i32 to index
        %parallel_loop3A_830 = tpu.vector_load %arg9[%parallel_loop3A_829] {strides = array<i32>} : memref<32000xf32, #tpu.memory_space<vmem>>, vector<16xf32>,
        %parallel_loop3A_831 = vector.shape_cast %parallel_loop3A_830 : vector<16xf32> to vector<16xf32>
        %parallel_loop3A_832 = vector.shape_cast %parallel_loop3A_826 : vector<16xf32> to vector<16xf32>
        tpu.vector_store %arg9[%parallel_loop3A_829], %parallel_loop3A_832 {strides = array<i32>} : memref<32000xf32, #tpu.memory_space<vmem>>, vector<16xf32>,
        %parallel_loop3A_833 = vector.extract_strided_slice %parallel_loop3A_676 {offsets = [7], sizes = [1], strides = [1]} : vector<16xi32> to vector<1xi32>
        %parallel_loop3A_834 = vector.extract %parallel_loop3A_833[0] : i32 from vector<1xi32>
        %parallel_loop3A_835 = arith.constant 224 : i32
        %parallel_loop3A_836 = arith.addi %parallel_loop3A_678, %parallel_loop3A_835 : i32
        %parallel_loop3A_837 = arith.index_cast %parallel_loop3A_834 : i32 to index
        %parallel_loop3A_838 = tpu.vector_load %arg5[%parallel_loop3A_837] {strides = array<i32>} : memref<1024xf32, #tpu.memory_space<vmem>>, vector<16xf32>,
        %parallel_loop3A_839 = vector.shape_cast %parallel_loop3A_838 : vector<16xf32> to vector<16xf32>
        %parallel_loop3A_840 = arith.index_cast %parallel_loop3A_836 : i32 to index
        %parallel_loop3A_841 = tpu.vector_load %arg9[%parallel_loop3A_840] {strides = array<i32>} : memref<32000xf32, #tpu.memory_space<vmem>>, vector<16xf32>,
        %parallel_loop3A_842 = vector.shape_cast %parallel_loop3A_841 : vector<16xf32> to vector<16xf32>
        %parallel_loop3A_843 = vector.shape_cast %parallel_loop3A_839 : vector<16xf32> to vector<16xf32>
        tpu.vector_store %arg9[%parallel_loop3A_840], %parallel_loop3A_843 {strides = array<i32>} : memref<32000xf32, #tpu.memory_space<vmem>>, vector<16xf32>,
        %parallel_loop3A_844 = arith.constant 16 : i32
        %parallel_loop3A_845 = arith.addi %parallel_loop3A_834, %parallel_loop3A_844 : i32
        %parallel_loop3A_846 = arith.index_cast %parallel_loop3A_845 : i32 to index
        %parallel_loop3A_847 = tpu.vector_load %arg5[%parallel_loop3A_846] {strides = array<i32>} : memref<1024xf32, #tpu.memory_space<vmem>>, vector<16xf32>,
        %parallel_loop3A_848 = vector.shape_cast %parallel_loop3A_847 : vector<16xf32> to vector<16xf32>
        %parallel_loop3A_849 = arith.constant 16 : i32
        %parallel_loop3A_850 = arith.addi %parallel_loop3A_836, %parallel_loop3A_849 : i32
        %parallel_loop3A_851 = arith.index_cast %parallel_loop3A_850 : i32 to index
        %parallel_loop3A_852 = tpu.vector_load %arg9[%parallel_loop3A_851] {strides = array<i32>} : memref<32000xf32, #tpu.memory_space<vmem>>, vector<16xf32>,
        %parallel_loop3A_853 = vector.shape_cast %parallel_loop3A_852 : vector<16xf32> to vector<16xf32>
        %parallel_loop3A_854 = vector.shape_cast %parallel_loop3A_848 : vector<16xf32> to vector<16xf32>
        tpu.vector_store %arg9[%parallel_loop3A_851], %parallel_loop3A_854 {strides = array<i32>} : memref<32000xf32, #tpu.memory_space<vmem>>, vector<16xf32>,
        %parallel_loop3A_855 = vector.extract_strided_slice %parallel_loop3A_676 {offsets = [8], sizes = [1], strides = [1]} : vector<16xi32> to vector<1xi32>
        %parallel_loop3A_856 = vector.extract %parallel_loop3A_855[0] : i32 from vector<1xi32>
        %parallel_loop3A_857 = arith.constant 256 : i32
        %parallel_loop3A_858 = arith.addi %parallel_loop3A_678, %parallel_loop3A_857 : i32
        %parallel_loop3A_859 = arith.index_cast %parallel_loop3A_856 : i32 to index
        %parallel_loop3A_860 = tpu.vector_load %arg5[%parallel_loop3A_859] {strides = array<i32>} : memref<1024xf32, #tpu.memory_space<vmem>>, vector<16xf32>,
        %parallel_loop3A_861 = vector.shape_cast %parallel_loop3A_860 : vector<16xf32> to vector<16xf32>
        %parallel_loop3A_862 = arith.index_cast %parallel_loop3A_858 : i32 to index
        %parallel_loop3A_863 = tpu.vector_load %arg9[%parallel_loop3A_862] {strides = array<i32>} : memref<32000xf32, #tpu.memory_space<vmem>>, vector<16xf32>,
        %parallel_loop3A_864 = vector.shape_cast %parallel_loop3A_863 : vector<16xf32> to vector<16xf32>
        %parallel_loop3A_865 = vector.shape_cast %parallel_loop3A_861 : vector<16xf32> to vector<16xf32>
        tpu.vector_store %arg9[%parallel_loop3A_862], %parallel_loop3A_865 {strides = array<i32>} : memref<32000xf32, #tpu.memory_space<vmem>>, vector<16xf32>,
        %parallel_loop3A_866 = arith.constant 16 : i32
        %parallel_loop3A_867 = arith.addi %parallel_loop3A_856, %parallel_loop3A_866 : i32
        %parallel_loop3A_868 = arith.index_cast %parallel_loop3A_867 : i32 to index
        %parallel_loop3A_869 = tpu.vector_load %arg5[%parallel_loop3A_868] {strides = array<i32>} : memref<1024xf32, #tpu.memory_space<vmem>>, vector<16xf32>,
        %parallel_loop3A_870 = vector.shape_cast %parallel_loop3A_869 : vector<16xf32> to vector<16xf32>
        %parallel_loop3A_871 = arith.constant 16 : i32
        %parallel_loop3A_872 = arith.addi %parallel_loop3A_858, %parallel_loop3A_871 : i32
        %parallel_loop3A_873 = arith.index_cast %parallel_loop3A_872 : i32 to index
        %parallel_loop3A_874 = tpu.vector_load %arg9[%parallel_loop3A_873] {strides = array<i32>} : memref<32000xf32, #tpu.memory_space<vmem>>, vector<16xf32>,
        %parallel_loop3A_875 = vector.shape_cast %parallel_loop3A_874 : vector<16xf32> to vector<16xf32>
        %parallel_loop3A_876 = vector.shape_cast %parallel_loop3A_870 : vector<16xf32> to vector<16xf32>
        tpu.vector_store %arg9[%parallel_loop3A_873], %parallel_loop3A_876 {strides = array<i32>} : memref<32000xf32, #tpu.memory_space<vmem>>, vector<16xf32>,
        %parallel_loop3A_877 = vector.extract_strided_slice %parallel_loop3A_676 {offsets = [9], sizes = [1], strides = [1]} : vector<16xi32> to vector<1xi32>
        %parallel_loop3A_878 = vector.extract %parallel_loop3A_877[0] : i32 from vector<1xi32>
        %parallel_loop3A_879 = arith.constant 288 : i32
        %parallel_loop3A_880 = arith.addi %parallel_loop3A_678, %parallel_loop3A_879 : i32
        %parallel_loop3A_881 = arith.index_cast %parallel_loop3A_878 : i32 to index
        %parallel_loop3A_882 = tpu.vector_load %arg5[%parallel_loop3A_881] {strides = array<i32>} : memref<1024xf32, #tpu.memory_space<vmem>>, vector<16xf32>,
        %parallel_loop3A_883 = vector.shape_cast %parallel_loop3A_882 : vector<16xf32> to vector<16xf32>
        %parallel_loop3A_884 = arith.index_cast %parallel_loop3A_880 : i32 to index
        %parallel_loop3A_885 = tpu.vector_load %arg9[%parallel_loop3A_884] {strides = array<i32>} : memref<32000xf32, #tpu.memory_space<vmem>>, vector<16xf32>,
        %parallel_loop3A_886 = vector.shape_cast %parallel_loop3A_885 : vector<16xf32> to vector<16xf32>
        %parallel_loop3A_887 = vector.shape_cast %parallel_loop3A_883 : vector<16xf32> to vector<16xf32>
        tpu.vector_store %arg9[%parallel_loop3A_884], %parallel_loop3A_887 {strides = array<i32>} : memref<32000xf32, #tpu.memory_space<vmem>>, vector<16xf32>,
        %parallel_loop3A_888 = arith.constant 16 : i32
        %parallel_loop3A_889 = arith.addi %parallel_loop3A_878, %parallel_loop3A_888 : i32
        %parallel_loop3A_890 = arith.index_cast %parallel_loop3A_889 : i32 to index
        %parallel_loop3A_891 = tpu.vector_load %arg5[%parallel_loop3A_890] {strides = array<i32>} : memref<1024xf32, #tpu.memory_space<vmem>>, vector<16xf32>,
        %parallel_loop3A_892 = vector.shape_cast %parallel_loop3A_891 : vector<16xf32> to vector<16xf32>
        %parallel_loop3A_893 = arith.constant 16 : i32
        %parallel_loop3A_894 = arith.addi %parallel_loop3A_880, %parallel_loop3A_893 : i32
        %parallel_loop3A_895 = arith.index_cast %parallel_loop3A_894 : i32 to index
        %parallel_loop3A_896 = tpu.vector_load %arg9[%parallel_loop3A_895] {strides = array<i32>} : memref<32000xf32, #tpu.memory_space<vmem>>, vector<16xf32>,
        %parallel_loop3A_897 = vector.shape_cast %parallel_loop3A_896 : vector<16xf32> to vector<16xf32>
        %parallel_loop3A_898 = vector.shape_cast %parallel_loop3A_892 : vector<16xf32> to vector<16xf32>
        tpu.vector_store %arg9[%parallel_loop3A_895], %parallel_loop3A_898 {strides = array<i32>} : memref<32000xf32, #tpu.memory_space<vmem>>, vector<16xf32>,
        %parallel_loop3A_899 = vector.extract_strided_slice %parallel_loop3A_676 {offsets = [10], sizes = [1], strides = [1]} : vector<16xi32> to vector<1xi32>
        %parallel_loop3A_900 = vector.extract %parallel_loop3A_899[0] : i32 from vector<1xi32>
        %parallel_loop3A_901 = arith.constant 320 : i32
        %parallel_loop3A_902 = arith.addi %parallel_loop3A_678, %parallel_loop3A_901 : i32
        %parallel_loop3A_903 = arith.index_cast %parallel_loop3A_900 : i32 to index
        %parallel_loop3A_904 = tpu.vector_load %arg5[%parallel_loop3A_903] {strides = array<i32>} : memref<1024xf32, #tpu.memory_space<vmem>>, vector<16xf32>,
        %parallel_loop3A_905 = vector.shape_cast %parallel_loop3A_904 : vector<16xf32> to vector<16xf32>
        %parallel_loop3A_906 = arith.index_cast %parallel_loop3A_902 : i32 to index
        %parallel_loop3A_907 = tpu.vector_load %arg9[%parallel_loop3A_906] {strides = array<i32>} : memref<32000xf32, #tpu.memory_space<vmem>>, vector<16xf32>,
        %parallel_loop3A_908 = vector.shape_cast %parallel_loop3A_907 : vector<16xf32> to vector<16xf32>
        %parallel_loop3A_909 = vector.shape_cast %parallel_loop3A_905 : vector<16xf32> to vector<16xf32>
        tpu.vector_store %arg9[%parallel_loop3A_906], %parallel_loop3A_909 {strides = array<i32>} : memref<32000xf32, #tpu.memory_space<vmem>>, vector<16xf32>,
        %parallel_loop3A_910 = arith.constant 16 : i32
        %parallel_loop3A_911 = arith.addi %parallel_loop3A_900, %parallel_loop3A_910 : i32
        %parallel_loop3A_912 = arith.index_cast %parallel_loop3A_911 : i32 to index
        %parallel_loop3A_913 = tpu.vector_load %arg5[%parallel_loop3A_912] {strides = array<i32>} : memref<1024xf32, #tpu.memory_space<vmem>>, vector<16xf32>,
        %parallel_loop3A_914 = vector.shape_cast %parallel_loop3A_913 : vector<16xf32> to vector<16xf32>
        %parallel_loop3A_915 = arith.constant 16 : i32
        %parallel_loop3A_916 = arith.addi %parallel_loop3A_902, %parallel_loop3A_915 : i32
        %parallel_loop3A_917 = arith.index_cast %parallel_loop3A_916 : i32 to index
        %parallel_loop3A_918 = tpu.vector_load %arg9[%parallel_loop3A_917] {strides = array<i32>} : memref<32000xf32, #tpu.memory_space<vmem>>, vector<16xf32>,
        %parallel_loop3A_919 = vector.shape_cast %parallel_loop3A_918 : vector<16xf32> to vector<16xf32>
        %parallel_loop3A_920 = vector.shape_cast %parallel_loop3A_914 : vector<16xf32> to vector<16xf32>
        tpu.vector_store %arg9[%parallel_loop3A_917], %parallel_loop3A_920 {strides = array<i32>} : memref<32000xf32, #tpu.memory_space<vmem>>, vector<16xf32>,
        %parallel_loop3A_921 = vector.extract_strided_slice %parallel_loop3A_676 {offsets = [11], sizes = [1], strides = [1]} : vector<16xi32> to vector<1xi32>
        %parallel_loop3A_922 = vector.extract %parallel_loop3A_921[0] : i32 from vector<1xi32>
        %parallel_loop3A_923 = arith.constant 352 : i32
        %parallel_loop3A_924 = arith.addi %parallel_loop3A_678, %parallel_loop3A_923 : i32
        %parallel_loop3A_925 = arith.index_cast %parallel_loop3A_922 : i32 to index
        %parallel_loop3A_926 = tpu.vector_load %arg5[%parallel_loop3A_925] {strides = array<i32>} : memref<1024xf32, #tpu.memory_space<vmem>>, vector<16xf32>,
        %parallel_loop3A_927 = vector.shape_cast %parallel_loop3A_926 : vector<16xf32> to vector<16xf32>
        %parallel_loop3A_928 = arith.index_cast %parallel_loop3A_924 : i32 to index
        %parallel_loop3A_929 = tpu.vector_load %arg9[%parallel_loop3A_928] {strides = array<i32>} : memref<32000xf32, #tpu.memory_space<vmem>>, vector<16xf32>,
        %parallel_loop3A_930 = vector.shape_cast %parallel_loop3A_929 : vector<16xf32> to vector<16xf32>
        %parallel_loop3A_931 = vector.shape_cast %parallel_loop3A_927 : vector<16xf32> to vector<16xf32>
        tpu.vector_store %arg9[%parallel_loop3A_928], %parallel_loop3A_931 {strides = array<i32>} : memref<32000xf32, #tpu.memory_space<vmem>>, vector<16xf32>,
        %parallel_loop3A_932 = arith.constant 16 : i32
        %parallel_loop3A_933 = arith.addi %parallel_loop3A_922, %parallel_loop3A_932 : i32
        %parallel_loop3A_934 = arith.index_cast %parallel_loop3A_933 : i32 to index
        %parallel_loop3A_935 = tpu.vector_load %arg5[%parallel_loop3A_934] {strides = array<i32>} : memref<1024xf32, #tpu.memory_space<vmem>>, vector<16xf32>,
        %parallel_loop3A_936 = vector.shape_cast %parallel_loop3A_935 : vector<16xf32> to vector<16xf32>
        %parallel_loop3A_937 = arith.constant 16 : i32
        %parallel_loop3A_938 = arith.addi %parallel_loop3A_924, %parallel_loop3A_937 : i32
        %parallel_loop3A_939 = arith.index_cast %parallel_loop3A_938 : i32 to index
        %parallel_loop3A_940 = tpu.vector_load %arg9[%parallel_loop3A_939] {strides = array<i32>} : memref<32000xf32, #tpu.memory_space<vmem>>, vector<16xf32>,
        %parallel_loop3A_941 = vector.shape_cast %parallel_loop3A_940 : vector<16xf32> to vector<16xf32>
        %parallel_loop3A_942 = vector.shape_cast %parallel_loop3A_936 : vector<16xf32> to vector<16xf32>
        tpu.vector_store %arg9[%parallel_loop3A_939], %parallel_loop3A_942 {strides = array<i32>} : memref<32000xf32, #tpu.memory_space<vmem>>, vector<16xf32>,
        %parallel_loop3A_943 = vector.extract_strided_slice %parallel_loop3A_676 {offsets = [12], sizes = [1], strides = [1]} : vector<16xi32> to vector<1xi32>
        %parallel_loop3A_944 = vector.extract %parallel_loop3A_943[0] : i32 from vector<1xi32>
        %parallel_loop3A_945 = arith.constant 384 : i32
        %parallel_loop3A_946 = arith.addi %parallel_loop3A_678, %parallel_loop3A_945 : i32
        %parallel_loop3A_947 = arith.index_cast %parallel_loop3A_944 : i32 to index
        %parallel_loop3A_948 = tpu.vector_load %arg5[%parallel_loop3A_947] {strides = array<i32>} : memref<1024xf32, #tpu.memory_space<vmem>>, vector<16xf32>,
        %parallel_loop3A_949 = vector.shape_cast %parallel_loop3A_948 : vector<16xf32> to vector<16xf32>
        %parallel_loop3A_950 = arith.index_cast %parallel_loop3A_946 : i32 to index
        %parallel_loop3A_951 = tpu.vector_load %arg9[%parallel_loop3A_950] {strides = array<i32>} : memref<32000xf32, #tpu.memory_space<vmem>>, vector<16xf32>,
        %parallel_loop3A_952 = vector.shape_cast %parallel_loop3A_951 : vector<16xf32> to vector<16xf32>
        %parallel_loop3A_953 = vector.shape_cast %parallel_loop3A_949 : vector<16xf32> to vector<16xf32>
        tpu.vector_store %arg9[%parallel_loop3A_950], %parallel_loop3A_953 {strides = array<i32>} : memref<32000xf32, #tpu.memory_space<vmem>>, vector<16xf32>,
        %parallel_loop3A_954 = arith.constant 16 : i32
        %parallel_loop3A_955 = arith.addi %parallel_loop3A_944, %parallel_loop3A_954 : i32
        %parallel_loop3A_956 = arith.index_cast %parallel_loop3A_955 : i32 to index
        %parallel_loop3A_957 = tpu.vector_load %arg5[%parallel_loop3A_956] {strides = array<i32>} : memref<1024xf32, #tpu.memory_space<vmem>>, vector<16xf32>,
        %parallel_loop3A_958 = vector.shape_cast %parallel_loop3A_957 : vector<16xf32> to vector<16xf32>
        %parallel_loop3A_959 = arith.constant 16 : i32
        %parallel_loop3A_960 = arith.addi %parallel_loop3A_946, %parallel_loop3A_959 : i32
        %parallel_loop3A_961 = arith.index_cast %parallel_loop3A_960 : i32 to index
        %parallel_loop3A_962 = tpu.vector_load %arg9[%parallel_loop3A_961] {strides = array<i32>} : memref<32000xf32, #tpu.memory_space<vmem>>, vector<16xf32>,
        %parallel_loop3A_963 = vector.shape_cast %parallel_loop3A_962 : vector<16xf32> to vector<16xf32>
        %parallel_loop3A_964 = vector.shape_cast %parallel_loop3A_958 : vector<16xf32> to vector<16xf32>
        tpu.vector_store %arg9[%parallel_loop3A_961], %parallel_loop3A_964 {strides = array<i32>} : memref<32000xf32, #tpu.memory_space<vmem>>, vector<16xf32>,
        %parallel_loop3A_965 = vector.extract_strided_slice %parallel_loop3A_676 {offsets = [13], sizes = [1], strides = [1]} : vector<16xi32> to vector<1xi32>
        %parallel_loop3A_966 = vector.extract %parallel_loop3A_965[0] : i32 from vector<1xi32>
        %parallel_loop3A_967 = arith.constant 416 : i32
        %parallel_loop3A_968 = arith.addi %parallel_loop3A_678, %parallel_loop3A_967 : i32
        %parallel_loop3A_969 = arith.index_cast %parallel_loop3A_966 : i32 to index
        %parallel_loop3A_970 = tpu.vector_load %arg5[%parallel_loop3A_969] {strides = array<i32>} : memref<1024xf32, #tpu.memory_space<vmem>>, vector<16xf32>,
        %parallel_loop3A_971 = vector.shape_cast %parallel_loop3A_970 : vector<16xf32> to vector<16xf32>
        %parallel_loop3A_972 = arith.index_cast %parallel_loop3A_968 : i32 to index
        %parallel_loop3A_973 = tpu.vector_load %arg9[%parallel_loop3A_972] {strides = array<i32>} : memref<32000xf32, #tpu.memory_space<vmem>>, vector<16xf32>,
        %parallel_loop3A_974 = vector.shape_cast %parallel_loop3A_973 : vector<16xf32> to vector<16xf32>
        %parallel_loop3A_975 = vector.shape_cast %parallel_loop3A_971 : vector<16xf32> to vector<16xf32>
        tpu.vector_store %arg9[%parallel_loop3A_972], %parallel_loop3A_975 {strides = array<i32>} : memref<32000xf32, #tpu.memory_space<vmem>>, vector<16xf32>,
        %parallel_loop3A_976 = arith.constant 16 : i32
        %parallel_loop3A_977 = arith.addi %parallel_loop3A_966, %parallel_loop3A_976 : i32
        %parallel_loop3A_978 = arith.index_cast %parallel_loop3A_977 : i32 to index
        %parallel_loop3A_979 = tpu.vector_load %arg5[%parallel_loop3A_978] {strides = array<i32>} : memref<1024xf32, #tpu.memory_space<vmem>>, vector<16xf32>,
        %parallel_loop3A_980 = vector.shape_cast %parallel_loop3A_979 : vector<16xf32> to vector<16xf32>
        %parallel_loop3A_981 = arith.constant 16 : i32
        %parallel_loop3A_982 = arith.addi %parallel_loop3A_968, %parallel_loop3A_981 : i32
        %parallel_loop3A_983 = arith.index_cast %parallel_loop3A_982 : i32 to index
        %parallel_loop3A_984 = tpu.vector_load %arg9[%parallel_loop3A_983] {strides = array<i32>} : memref<32000xf32, #tpu.memory_space<vmem>>, vector<16xf32>,
        %parallel_loop3A_985 = vector.shape_cast %parallel_loop3A_984 : vector<16xf32> to vector<16xf32>
        %parallel_loop3A_986 = vector.shape_cast %parallel_loop3A_980 : vector<16xf32> to vector<16xf32>
        tpu.vector_store %arg9[%parallel_loop3A_983], %parallel_loop3A_986 {strides = array<i32>} : memref<32000xf32, #tpu.memory_space<vmem>>, vector<16xf32>,
        %parallel_loop3A_987 = vector.extract_strided_slice %parallel_loop3A_676 {offsets = [14], sizes = [1], strides = [1]} : vector<16xi32> to vector<1xi32>
        %parallel_loop3A_988 = vector.extract %parallel_loop3A_987[0] : i32 from vector<1xi32>
        %parallel_loop3A_989 = arith.constant 448 : i32
        %parallel_loop3A_990 = arith.addi %parallel_loop3A_678, %parallel_loop3A_989 : i32
        %parallel_loop3A_991 = arith.index_cast %parallel_loop3A_988 : i32 to index
        %parallel_loop3A_992 = tpu.vector_load %arg5[%parallel_loop3A_991] {strides = array<i32>} : memref<1024xf32, #tpu.memory_space<vmem>>, vector<16xf32>,
        %parallel_loop3A_993 = vector.shape_cast %parallel_loop3A_992 : vector<16xf32> to vector<16xf32>
        %parallel_loop3A_994 = arith.index_cast %parallel_loop3A_990 : i32 to index
        %parallel_loop3A_995 = tpu.vector_load %arg9[%parallel_loop3A_994] {strides = array<i32>} : memref<32000xf32, #tpu.memory_space<vmem>>, vector<16xf32>,
        %parallel_loop3A_996 = vector.shape_cast %parallel_loop3A_995 : vector<16xf32> to vector<16xf32>
        %parallel_loop3A_997 = vector.shape_cast %parallel_loop3A_993 : vector<16xf32> to vector<16xf32>
        tpu.vector_store %arg9[%parallel_loop3A_994], %parallel_loop3A_997 {strides = array<i32>} : memref<32000xf32, #tpu.memory_space<vmem>>, vector<16xf32>,
        %parallel_loop3A_998 = arith.constant 16 : i32
        %parallel_loop3A_999 = arith.addi %parallel_loop3A_988, %parallel_loop3A_998 : i32
        %parallel_loop3A_1000 = arith.index_cast %parallel_loop3A_999 : i32 to index
        %parallel_loop3A_1001 = tpu.vector_load %arg5[%parallel_loop3A_1000] {strides = array<i32>} : memref<1024xf32, #tpu.memory_space<vmem>>, vector<16xf32>,
        %parallel_loop3A_1002 = vector.shape_cast %parallel_loop3A_1001 : vector<16xf32> to vector<16xf32>
        %parallel_loop3A_1003 = arith.constant 16 : i32
        %parallel_loop3A_1004 = arith.addi %parallel_loop3A_990, %parallel_loop3A_1003 : i32
        %parallel_loop3A_1005 = arith.index_cast %parallel_loop3A_1004 : i32 to index
        %parallel_loop3A_1006 = tpu.vector_load %arg9[%parallel_loop3A_1005] {strides = array<i32>} : memref<32000xf32, #tpu.memory_space<vmem>>, vector<16xf32>,
        %parallel_loop3A_1007 = vector.shape_cast %parallel_loop3A_1006 : vector<16xf32> to vector<16xf32>
        %parallel_loop3A_1008 = vector.shape_cast %parallel_loop3A_1002 : vector<16xf32> to vector<16xf32>
        tpu.vector_store %arg9[%parallel_loop3A_1005], %parallel_loop3A_1008 {strides = array<i32>} : memref<32000xf32, #tpu.memory_space<vmem>>, vector<16xf32>,
        %parallel_loop3A_1009 = vector.extract_strided_slice %parallel_loop3A_676 {offsets = [15], sizes = [1], strides = [1]} : vector<16xi32> to vector<1xi32>
        %parallel_loop3A_1010 = vector.extract %parallel_loop3A_1009[0] : i32 from vector<1xi32>
        %parallel_loop3A_1011 = arith.constant 480 : i32
        %parallel_loop3A_1012 = arith.addi %parallel_loop3A_678, %parallel_loop3A_1011 : i32
        %parallel_loop3A_1013 = arith.index_cast %parallel_loop3A_1010 : i32 to index
        %parallel_loop3A_1014 = tpu.vector_load %arg5[%parallel_loop3A_1013] {strides = array<i32>} : memref<1024xf32, #tpu.memory_space<vmem>>, vector<16xf32>,
        %parallel_loop3A_1015 = vector.shape_cast %parallel_loop3A_1014 : vector<16xf32> to vector<16xf32>
        %parallel_loop3A_1016 = arith.index_cast %parallel_loop3A_1012 : i32 to index
        %parallel_loop3A_1017 = tpu.vector_load %arg9[%parallel_loop3A_1016] {strides = array<i32>} : memref<32000xf32, #tpu.memory_space<vmem>>, vector<16xf32>,
        %parallel_loop3A_1018 = vector.shape_cast %parallel_loop3A_1017 : vector<16xf32> to vector<16xf32>
        %parallel_loop3A_1019 = vector.shape_cast %parallel_loop3A_1015 : vector<16xf32> to vector<16xf32>
        tpu.vector_store %arg9[%parallel_loop3A_1016], %parallel_loop3A_1019 {strides = array<i32>} : memref<32000xf32, #tpu.memory_space<vmem>>, vector<16xf32>,
        %parallel_loop3A_1020 = arith.constant 16 : i32
        %parallel_loop3A_1021 = arith.addi %parallel_loop3A_1010, %parallel_loop3A_1020 : i32
        %parallel_loop3A_1022 = arith.index_cast %parallel_loop3A_1021 : i32 to index
        %parallel_loop3A_1023 = tpu.vector_load %arg5[%parallel_loop3A_1022] {strides = array<i32>} : memref<1024xf32, #tpu.memory_space<vmem>>, vector<16xf32>,
        %parallel_loop3A_1024 = vector.shape_cast %parallel_loop3A_1023 : vector<16xf32> to vector<16xf32>
        %parallel_loop3A_1025 = arith.constant 16 : i32
        %parallel_loop3A_1026 = arith.addi %parallel_loop3A_1012, %parallel_loop3A_1025 : i32
        %parallel_loop3A_1027 = arith.index_cast %parallel_loop3A_1026 : i32 to index
        %parallel_loop3A_1028 = tpu.vector_load %arg9[%parallel_loop3A_1027] {strides = array<i32>} : memref<32000xf32, #tpu.memory_space<vmem>>, vector<16xf32>,
        %parallel_loop3A_1029 = vector.shape_cast %parallel_loop3A_1028 : vector<16xf32> to vector<16xf32>
        %parallel_loop3A_1030 = vector.shape_cast %parallel_loop3A_1024 : vector<16xf32> to vector<16xf32>
        tpu.vector_store %arg9[%parallel_loop3A_1027], %parallel_loop3A_1030 {strides = array<i32>} : memref<32000xf32, #tpu.memory_space<vmem>>, vector<16xf32>,
      } {sc.loop_unroll_factor = 4 : i64, sc.parallel_access}
      %get3A_360 = arith.constant 984 : index
      %get3A_361 = tpu.vector_load %arg7[%get3A_360] {strides = array<i32>} : memref<1000xi32, #tpu.memory_space<vmem>>, vector<16xi32>,
      %get3A_362 = vector.shape_cast %get3A_361 : vector<16xi32> to vector<16xi32>
      %mul3A_363 = arith.constant 32 : i32
      %mul3A_364 = vector.broadcast %mul3A_363 : i32 to vector<16xi32>
      %mul3A_365 = arith.muli %get3A_362, %mul3A_364 : vector<16xi32>
      %slice3A_366 = vector.extract_strided_slice %mul3A_365 {offsets = [0], sizes = [1], strides = [1]} : vector<16xi32> to vector<1xi32>
      %squeeze3A_367 = vector.extract %slice3A_366[0] : i32 from vector<1xi32>
      %get3A_368 = arith.index_cast %squeeze3A_367 : i32 to index
      %get3A_369 = tpu.vector_load %arg5[%get3A_368] {strides = array<i32>} : memref<1024xf32, #tpu.memory_space<vmem>>, vector<16xf32>,
      %get3A_370 = vector.shape_cast %get3A_369 : vector<16xf32> to vector<16xf32>
      %swap3A_371 = arith.constant 31488 : index
      %swap3A_372 = tpu.vector_load %arg9[%swap3A_371] {strides = array<i32>} : memref<32000xf32, #tpu.memory_space<vmem>>, vector<16xf32>,
      %swap3A_373 = vector.shape_cast %swap3A_372 : vector<16xf32> to vector<16xf32>
      %swap3A_374 = vector.shape_cast %get3A_370 : vector<16xf32> to vector<16xf32>
      tpu.vector_store %arg9[%swap3A_371], %swap3A_374 {strides = array<i32>} : memref<32000xf32, #tpu.memory_space<vmem>>, vector<16xf32>,
      %add3A_375 = arith.constant 16 : i32
      %add3A_376 = arith.addi %squeeze3A_367, %add3A_375 : i32
      %get3A_377 = arith.index_cast %add3A_376 : i32 to index
      %get3A_378 = tpu.vector_load %arg5[%get3A_377] {strides = array<i32>} : memref<1024xf32, #tpu.memory_space<vmem>>, vector<16xf32>,
      %get3A_379 = vector.shape_cast %get3A_378 : vector<16xf32> to vector<16xf32>
      %swap3A_380 = arith.constant 31504 : index
      %swap3A_381 = tpu.vector_load %arg9[%swap3A_380] {strides = array<i32>} : memref<32000xf32, #tpu.memory_space<vmem>>, vector<16xf32>,
      %swap3A_382 = vector.shape_cast %swap3A_381 : vector<16xf32> to vector<16xf32>
      %swap3A_383 = vector.shape_cast %get3A_379 : vector<16xf32> to vector<16xf32>
      tpu.vector_store %arg9[%swap3A_380], %swap3A_383 {strides = array<i32>} : memref<32000xf32, #tpu.memory_space<vmem>>, vector<16xf32>,
      %slice3A_384 = vector.extract_strided_slice %mul3A_365 {offsets = [1], sizes = [1], strides = [1]} : vector<16xi32> to vector<1xi32>
      %squeeze3A_385 = vector.extract %slice3A_384[0] : i32 from vector<1xi32>
      %get3A_386 = arith.index_cast %squeeze3A_385 : i32 to index
      %get3A_387 = tpu.vector_load %arg5[%get3A_386] {strides = array<i32>} : memref<1024xf32, #tpu.memory_space<vmem>>, vector<16xf32>,
      %get3A_388 = vector.shape_cast %get3A_387 : vector<16xf32> to vector<16xf32>
      %swap3A_389 = arith.constant 31520 : index
      %swap3A_390 = tpu.vector_load %arg9[%swap3A_389] {strides = array<i32>} : memref<32000xf32, #tpu.memory_space<vmem>>, vector<16xf32>,
      %swap3A_391 = vector.shape_cast %swap3A_390 : vector<16xf32> to vector<16xf32>
      %swap3A_392 = vector.shape_cast %get3A_388 : vector<16xf32> to vector<16xf32>
      tpu.vector_store %arg9[%swap3A_389], %swap3A_392 {strides = array<i32>} : memref<32000xf32, #tpu.memory_space<vmem>>, vector<16xf32>,
      %add3A_393 = arith.constant 16 : i32
      %add3A_394 = arith.addi %squeeze3A_385, %add3A_393 : i32
      %get3A_395 = arith.index_cast %add3A_394 : i32 to index
      %get3A_396 = tpu.vector_load %arg5[%get3A_395] {strides = array<i32>} : memref<1024xf32, #tpu.memory_space<vmem>>, vector<16xf32>,
      %get3A_397 = vector.shape_cast %get3A_396 : vector<16xf32> to vector<16xf32>
      %swap3A_398 = arith.constant 31536 : index
      %swap3A_399 = tpu.vector_load %arg9[%swap3A_398] {strides = array<i32>} : memref<32000xf32, #tpu.memory_space<vmem>>, vector<16xf32>,
      %swap3A_400 = vector.shape_cast %swap3A_399 : vector<16xf32> to vector<16xf32>
      %swap3A_401 = vector.shape_cast %get3A_397 : vector<16xf32> to vector<16xf32>
      tpu.vector_store %arg9[%swap3A_398], %swap3A_401 {strides = array<i32>} : memref<32000xf32, #tpu.memory_space<vmem>>, vector<16xf32>,
      %slice3A_402 = vector.extract_strided_slice %mul3A_365 {offsets = [2], sizes = [1], strides = [1]} : vector<16xi32> to vector<1xi32>
      %squeeze3A_403 = vector.extract %slice3A_402[0] : i32 from vector<1xi32>
      %get3A_404 = arith.index_cast %squeeze3A_403 : i32 to index
      %get3A_405 = tpu.vector_load %arg5[%get3A_404] {strides = array<i32>} : memref<1024xf32, #tpu.memory_space<vmem>>, vector<16xf32>,
      %get3A_406 = vector.shape_cast %get3A_405 : vector<16xf32> to vector<16xf32>
      %swap3A_407 = arith.constant 31552 : index
      %swap3A_408 = tpu.vector_load %arg9[%swap3A_407] {strides = array<i32>} : memref<32000xf32, #tpu.memory_space<vmem>>, vector<16xf32>,
      %swap3A_409 = vector.shape_cast %swap3A_408 : vector<16xf32> to vector<16xf32>
      %swap3A_410 = vector.shape_cast %get3A_406 : vector<16xf32> to vector<16xf32>
      tpu.vector_store %arg9[%swap3A_407], %swap3A_410 {strides = array<i32>} : memref<32000xf32, #tpu.memory_space<vmem>>, vector<16xf32>,
      %add3A_411 = arith.constant 16 : i32
      %add3A_412 = arith.addi %squeeze3A_403, %add3A_411 : i32
      %get3A_413 = arith.index_cast %add3A_412 : i32 to index
      %get3A_414 = tpu.vector_load %arg5[%get3A_413] {strides = array<i32>} : memref<1024xf32, #tpu.memory_space<vmem>>, vector<16xf32>,
      %get3A_415 = vector.shape_cast %get3A_414 : vector<16xf32> to vector<16xf32>
      %swap3A_416 = arith.constant 31568 : index
      %swap3A_417 = tpu.vector_load %arg9[%swap3A_416] {strides = array<i32>} : memref<32000xf32, #tpu.memory_space<vmem>>, vector<16xf32>,
      %swap3A_418 = vector.shape_cast %swap3A_417 : vector<16xf32> to vector<16xf32>
      %swap3A_419 = vector.shape_cast %get3A_415 : vector<16xf32> to vector<16xf32>
      tpu.vector_store %arg9[%swap3A_416], %swap3A_419 {strides = array<i32>} : memref<32000xf32, #tpu.memory_space<vmem>>, vector<16xf32>,
      %slice3A_420 = vector.extract_strided_slice %mul3A_365 {offsets = [3], sizes = [1], strides = [1]} : vector<16xi32> to vector<1xi32>
      %squeeze3A_421 = vector.extract %slice3A_420[0] : i32 from vector<1xi32>
      %get3A_422 = arith.index_cast %squeeze3A_421 : i32 to index
      %get3A_423 = tpu.vector_load %arg5[%get3A_422] {strides = array<i32>} : memref<1024xf32, #tpu.memory_space<vmem>>, vector<16xf32>,
      %get3A_424 = vector.shape_cast %get3A_423 : vector<16xf32> to vector<16xf32>
      %swap3A_425 = arith.constant 31584 : index
      %swap3A_426 = tpu.vector_load %arg9[%swap3A_425] {strides = array<i32>} : memref<32000xf32, #tpu.memory_space<vmem>>, vector<16xf32>,
      %swap3A_427 = vector.shape_cast %swap3A_426 : vector<16xf32> to vector<16xf32>
      %swap3A_428 = vector.shape_cast %get3A_424 : vector<16xf32> to vector<16xf32>
      tpu.vector_store %arg9[%swap3A_425], %swap3A_428 {strides = array<i32>} : memref<32000xf32, #tpu.memory_space<vmem>>, vector<16xf32>,
      %add3A_429 = arith.constant 16 : i32
      %add3A_430 = arith.addi %squeeze3A_421, %add3A_429 : i32
      %get3A_431 = arith.index_cast %add3A_430 : i32 to index
      %get3A_432 = tpu.vector_load %arg5[%get3A_431] {strides = array<i32>} : memref<1024xf32, #tpu.memory_space<vmem>>, vector<16xf32>,
      %get3A_433 = vector.shape_cast %get3A_432 : vector<16xf32> to vector<16xf32>
      %swap3A_434 = arith.constant 31600 : index
      %swap3A_435 = tpu.vector_load %arg9[%swap3A_434] {strides = array<i32>} : memref<32000xf32, #tpu.memory_space<vmem>>, vector<16xf32>,
      %swap3A_436 = vector.shape_cast %swap3A_435 : vector<16xf32> to vector<16xf32>
      %swap3A_437 = vector.shape_cast %get3A_433 : vector<16xf32> to vector<16xf32>
      tpu.vector_store %arg9[%swap3A_434], %swap3A_437 {strides = array<i32>} : memref<32000xf32, #tpu.memory_space<vmem>>, vector<16xf32>,
      %slice3A_438 = vector.extract_strided_slice %mul3A_365 {offsets = [4], sizes = [1], strides = [1]} : vector<16xi32> to vector<1xi32>
      %squeeze3A_439 = vector.extract %slice3A_438[0] : i32 from vector<1xi32>
      %get3A_440 = arith.index_cast %squeeze3A_439 : i32 to index
      %get3A_441 = tpu.vector_load %arg5[%get3A_440] {strides = array<i32>} : memref<1024xf32, #tpu.memory_space<vmem>>, vector<16xf32>,
      %get3A_442 = vector.shape_cast %get3A_441 : vector<16xf32> to vector<16xf32>
      %swap3A_443 = arith.constant 31616 : index
      %swap3A_444 = tpu.vector_load %arg9[%swap3A_443] {strides = array<i32>} : memref<32000xf32, #tpu.memory_space<vmem>>, vector<16xf32>,
      %swap3A_445 = vector.shape_cast %swap3A_444 : vector<16xf32> to vector<16xf32>
      %swap3A_446 = vector.shape_cast %get3A_442 : vector<16xf32> to vector<16xf32>
      tpu.vector_store %arg9[%swap3A_443], %swap3A_446 {strides = array<i32>} : memref<32000xf32, #tpu.memory_space<vmem>>, vector<16xf32>,
      %add3A_447 = arith.constant 16 : i32
      %add3A_448 = arith.addi %squeeze3A_439, %add3A_447 : i32
      %get3A_449 = arith.index_cast %add3A_448 : i32 to index
      %get3A_450 = tpu.vector_load %arg5[%get3A_449] {strides = array<i32>} : memref<1024xf32, #tpu.memory_space<vmem>>, vector<16xf32>,
      %get3A_451 = vector.shape_cast %get3A_450 : vector<16xf32> to vector<16xf32>
      %swap3A_452 = arith.constant 31632 : index
      %swap3A_453 = tpu.vector_load %arg9[%swap3A_452] {strides = array<i32>} : memref<32000xf32, #tpu.memory_space<vmem>>, vector<16xf32>,
      %swap3A_454 = vector.shape_cast %swap3A_453 : vector<16xf32> to vector<16xf32>
      %swap3A_455 = vector.shape_cast %get3A_451 : vector<16xf32> to vector<16xf32>
      tpu.vector_store %arg9[%swap3A_452], %swap3A_455 {strides = array<i32>} : memref<32000xf32, #tpu.memory_space<vmem>>, vector<16xf32>,
      %slice3A_456 = vector.extract_strided_slice %mul3A_365 {offsets = [5], sizes = [1], strides = [1]} : vector<16xi32> to vector<1xi32>
      %squeeze3A_457 = vector.extract %slice3A_456[0] : i32 from vector<1xi32>
      %get3A_458 = arith.index_cast %squeeze3A_457 : i32 to index
      %get3A_459 = tpu.vector_load %arg5[%get3A_458] {strides = array<i32>} : memref<1024xf32, #tpu.memory_space<vmem>>, vector<16xf32>,
      %get3A_460 = vector.shape_cast %get3A_459 : vector<16xf32> to vector<16xf32>
      %swap3A_461 = arith.constant 31648 : index
      %swap3A_462 = tpu.vector_load %arg9[%swap3A_461] {strides = array<i32>} : memref<32000xf32, #tpu.memory_space<vmem>>, vector<16xf32>,
      %swap3A_463 = vector.shape_cast %swap3A_462 : vector<16xf32> to vector<16xf32>
      %swap3A_464 = vector.shape_cast %get3A_460 : vector<16xf32> to vector<16xf32>
      tpu.vector_store %arg9[%swap3A_461], %swap3A_464 {strides = array<i32>} : memref<32000xf32, #tpu.memory_space<vmem>>, vector<16xf32>,
      %add3A_465 = arith.constant 16 : i32
      %add3A_466 = arith.addi %squeeze3A_457, %add3A_465 : i32
      %get3A_467 = arith.index_cast %add3A_466 : i32 to index
      %get3A_468 = tpu.vector_load %arg5[%get3A_467] {strides = array<i32>} : memref<1024xf32, #tpu.memory_space<vmem>>, vector<16xf32>,
      %get3A_469 = vector.shape_cast %get3A_468 : vector<16xf32> to vector<16xf32>
      %swap3A_470 = arith.constant 31664 : index
      %swap3A_471 = tpu.vector_load %arg9[%swap3A_470] {strides = array<i32>} : memref<32000xf32, #tpu.memory_space<vmem>>, vector<16xf32>,
      %swap3A_472 = vector.shape_cast %swap3A_471 : vector<16xf32> to vector<16xf32>
      %swap3A_473 = vector.shape_cast %get3A_469 : vector<16xf32> to vector<16xf32>
      tpu.vector_store %arg9[%swap3A_470], %swap3A_473 {strides = array<i32>} : memref<32000xf32, #tpu.memory_space<vmem>>, vector<16xf32>,
      %slice3A_474 = vector.extract_strided_slice %mul3A_365 {offsets = [6], sizes = [1], strides = [1]} : vector<16xi32> to vector<1xi32>
      %squeeze3A_475 = vector.extract %slice3A_474[0] : i32 from vector<1xi32>
      %get3A_476 = arith.index_cast %squeeze3A_475 : i32 to index
      %get3A_477 = tpu.vector_load %arg5[%get3A_476] {strides = array<i32>} : memref<1024xf32, #tpu.memory_space<vmem>>, vector<16xf32>,
      %get3A_478 = vector.shape_cast %get3A_477 : vector<16xf32> to vector<16xf32>
      %swap3A_479 = arith.constant 31680 : index
      %swap3A_480 = tpu.vector_load %arg9[%swap3A_479] {strides = array<i32>} : memref<32000xf32, #tpu.memory_space<vmem>>, vector<16xf32>,
      %swap3A_481 = vector.shape_cast %swap3A_480 : vector<16xf32> to vector<16xf32>
      %swap3A_482 = vector.shape_cast %get3A_478 : vector<16xf32> to vector<16xf32>
      tpu.vector_store %arg9[%swap3A_479], %swap3A_482 {strides = array<i32>} : memref<32000xf32, #tpu.memory_space<vmem>>, vector<16xf32>,
      %add3A_483 = arith.constant 16 : i32
      %add3A_484 = arith.addi %squeeze3A_475, %add3A_483 : i32
      %get3A_485 = arith.index_cast %add3A_484 : i32 to index
      %get3A_486 = tpu.vector_load %arg5[%get3A_485] {strides = array<i32>} : memref<1024xf32, #tpu.memory_space<vmem>>, vector<16xf32>,
      %get3A_487 = vector.shape_cast %get3A_486 : vector<16xf32> to vector<16xf32>
      %swap3A_488 = arith.constant 31696 : index
      %swap3A_489 = tpu.vector_load %arg9[%swap3A_488] {strides = array<i32>} : memref<32000xf32, #tpu.memory_space<vmem>>, vector<16xf32>,
      %swap3A_490 = vector.shape_cast %swap3A_489 : vector<16xf32> to vector<16xf32>
      %swap3A_491 = vector.shape_cast %get3A_487 : vector<16xf32> to vector<16xf32>
      tpu.vector_store %arg9[%swap3A_488], %swap3A_491 {strides = array<i32>} : memref<32000xf32, #tpu.memory_space<vmem>>, vector<16xf32>,
      %slice3A_492 = vector.extract_strided_slice %mul3A_365 {offsets = [7], sizes = [1], strides = [1]} : vector<16xi32> to vector<1xi32>
      %squeeze3A_493 = vector.extract %slice3A_492[0] : i32 from vector<1xi32>
      %get3A_494 = arith.index_cast %squeeze3A_493 : i32 to index
      %get3A_495 = tpu.vector_load %arg5[%get3A_494] {strides = array<i32>} : memref<1024xf32, #tpu.memory_space<vmem>>, vector<16xf32>,
      %get3A_496 = vector.shape_cast %get3A_495 : vector<16xf32> to vector<16xf32>
      %swap3A_497 = arith.constant 31712 : index
      %swap3A_498 = tpu.vector_load %arg9[%swap3A_497] {strides = array<i32>} : memref<32000xf32, #tpu.memory_space<vmem>>, vector<16xf32>,
      %swap3A_499 = vector.shape_cast %swap3A_498 : vector<16xf32> to vector<16xf32>
      %swap3A_500 = vector.shape_cast %get3A_496 : vector<16xf32> to vector<16xf32>
      tpu.vector_store %arg9[%swap3A_497], %swap3A_500 {strides = array<i32>} : memref<32000xf32, #tpu.memory_space<vmem>>, vector<16xf32>,
      %add3A_501 = arith.constant 16 : i32
      %add3A_502 = arith.addi %squeeze3A_493, %add3A_501 : i32
      %get3A_503 = arith.index_cast %add3A_502 : i32 to index
      %get3A_504 = tpu.vector_load %arg5[%get3A_503] {strides = array<i32>} : memref<1024xf32, #tpu.memory_space<vmem>>, vector<16xf32>,
      %get3A_505 = vector.shape_cast %get3A_504 : vector<16xf32> to vector<16xf32>
      %swap3A_506 = arith.constant 31728 : index
      %swap3A_507 = tpu.vector_load %arg9[%swap3A_506] {strides = array<i32>} : memref<32000xf32, #tpu.memory_space<vmem>>, vector<16xf32>,
      %swap3A_508 = vector.shape_cast %swap3A_507 : vector<16xf32> to vector<16xf32>
      %swap3A_509 = vector.shape_cast %get3A_505 : vector<16xf32> to vector<16xf32>
      tpu.vector_store %arg9[%swap3A_506], %swap3A_509 {strides = array<i32>} : memref<32000xf32, #tpu.memory_space<vmem>>, vector<16xf32>,
      %slice3A_510 = vector.extract_strided_slice %mul3A_365 {offsets = [8], sizes = [1], strides = [1]} : vector<16xi32> to vector<1xi32>
      %squeeze3A_511 = vector.extract %slice3A_510[0] : i32 from vector<1xi32>
      %get3A_512 = arith.index_cast %squeeze3A_511 : i32 to index
      %get3A_513 = tpu.vector_load %arg5[%get3A_512] {strides = array<i32>} : memref<1024xf32, #tpu.memory_space<vmem>>, vector<16xf32>,
      %get3A_514 = vector.shape_cast %get3A_513 : vector<16xf32> to vector<16xf32>
      %swap3A_515 = arith.constant 31744 : index
      %swap3A_516 = tpu.vector_load %arg9[%swap3A_515] {strides = array<i32>} : memref<32000xf32, #tpu.memory_space<vmem>>, vector<16xf32>,
      %swap3A_517 = vector.shape_cast %swap3A_516 : vector<16xf32> to vector<16xf32>
      %swap3A_518 = vector.shape_cast %get3A_514 : vector<16xf32> to vector<16xf32>
      tpu.vector_store %arg9[%swap3A_515], %swap3A_518 {strides = array<i32>} : memref<32000xf32, #tpu.memory_space<vmem>>, vector<16xf32>,
      %add3A_519 = arith.constant 16 : i32
      %add3A_520 = arith.addi %squeeze3A_511, %add3A_519 : i32
      %get3A_521 = arith.index_cast %add3A_520 : i32 to index
      %get3A_522 = tpu.vector_load %arg5[%get3A_521] {strides = array<i32>} : memref<1024xf32, #tpu.memory_space<vmem>>, vector<16xf32>,
      %get3A_523 = vector.shape_cast %get3A_522 : vector<16xf32> to vector<16xf32>
      %swap3A_524 = arith.constant 31760 : index
      %swap3A_525 = tpu.vector_load %arg9[%swap3A_524] {strides = array<i32>} : memref<32000xf32, #tpu.memory_space<vmem>>, vector<16xf32>,
      %swap3A_526 = vector.shape_cast %swap3A_525 : vector<16xf32> to vector<16xf32>
      %swap3A_527 = vector.shape_cast %get3A_523 : vector<16xf32> to vector<16xf32>
      tpu.vector_store %arg9[%swap3A_524], %swap3A_527 {strides = array<i32>} : memref<32000xf32, #tpu.memory_space<vmem>>, vector<16xf32>,
      %slice3A_528 = vector.extract_strided_slice %mul3A_365 {offsets = [9], sizes = [1], strides = [1]} : vector<16xi32> to vector<1xi32>
      %squeeze3A_529 = vector.extract %slice3A_528[0] : i32 from vector<1xi32>
      %get3A_530 = arith.index_cast %squeeze3A_529 : i32 to index
      %get3A_531 = tpu.vector_load %arg5[%get3A_530] {strides = array<i32>} : memref<1024xf32, #tpu.memory_space<vmem>>, vector<16xf32>,
      %get3A_532 = vector.shape_cast %get3A_531 : vector<16xf32> to vector<16xf32>
      %swap3A_533 = arith.constant 31776 : index
      %swap3A_534 = tpu.vector_load %arg9[%swap3A_533] {strides = array<i32>} : memref<32000xf32, #tpu.memory_space<vmem>>, vector<16xf32>,
      %swap3A_535 = vector.shape_cast %swap3A_534 : vector<16xf32> to vector<16xf32>
      %swap3A_536 = vector.shape_cast %get3A_532 : vector<16xf32> to vector<16xf32>
      tpu.vector_store %arg9[%swap3A_533], %swap3A_536 {strides = array<i32>} : memref<32000xf32, #tpu.memory_space<vmem>>, vector<16xf32>,
      %add3A_537 = arith.constant 16 : i32
      %add3A_538 = arith.addi %squeeze3A_529, %add3A_537 : i32
      %get3A_539 = arith.index_cast %add3A_538 : i32 to index
      %get3A_540 = tpu.vector_load %arg5[%get3A_539] {strides = array<i32>} : memref<1024xf32, #tpu.memory_space<vmem>>, vector<16xf32>,
      %get3A_541 = vector.shape_cast %get3A_540 : vector<16xf32> to vector<16xf32>
      %swap3A_542 = arith.constant 31792 : index
      %swap3A_543 = tpu.vector_load %arg9[%swap3A_542] {strides = array<i32>} : memref<32000xf32, #tpu.memory_space<vmem>>, vector<16xf32>,
      %swap3A_544 = vector.shape_cast %swap3A_543 : vector<16xf32> to vector<16xf32>
      %swap3A_545 = vector.shape_cast %get3A_541 : vector<16xf32> to vector<16xf32>
      tpu.vector_store %arg9[%swap3A_542], %swap3A_545 {strides = array<i32>} : memref<32000xf32, #tpu.memory_space<vmem>>, vector<16xf32>,
      %slice3A_546 = vector.extract_strided_slice %mul3A_365 {offsets = [10], sizes = [1], strides = [1]} : vector<16xi32> to vector<1xi32>
      %squeeze3A_547 = vector.extract %slice3A_546[0] : i32 from vector<1xi32>
      %get3A_548 = arith.index_cast %squeeze3A_547 : i32 to index
      %get3A_549 = tpu.vector_load %arg5[%get3A_548] {strides = array<i32>} : memref<1024xf32, #tpu.memory_space<vmem>>, vector<16xf32>,
      %get3A_550 = vector.shape_cast %get3A_549 : vector<16xf32> to vector<16xf32>
      %swap3A_551 = arith.constant 31808 : index
      %swap3A_552 = tpu.vector_load %arg9[%swap3A_551] {strides = array<i32>} : memref<32000xf32, #tpu.memory_space<vmem>>, vector<16xf32>,
      %swap3A_553 = vector.shape_cast %swap3A_552 : vector<16xf32> to vector<16xf32>
      %swap3A_554 = vector.shape_cast %get3A_550 : vector<16xf32> to vector<16xf32>
      tpu.vector_store %arg9[%swap3A_551], %swap3A_554 {strides = array<i32>} : memref<32000xf32, #tpu.memory_space<vmem>>, vector<16xf32>,
      %add3A_555 = arith.constant 16 : i32
      %add3A_556 = arith.addi %squeeze3A_547, %add3A_555 : i32
      %get3A_557 = arith.index_cast %add3A_556 : i32 to index
      %get3A_558 = tpu.vector_load %arg5[%get3A_557] {strides = array<i32>} : memref<1024xf32, #tpu.memory_space<vmem>>, vector<16xf32>,
      %get3A_559 = vector.shape_cast %get3A_558 : vector<16xf32> to vector<16xf32>
      %swap3A_560 = arith.constant 31824 : index
      %swap3A_561 = tpu.vector_load %arg9[%swap3A_560] {strides = array<i32>} : memref<32000xf32, #tpu.memory_space<vmem>>, vector<16xf32>,
      %swap3A_562 = vector.shape_cast %swap3A_561 : vector<16xf32> to vector<16xf32>
      %swap3A_563 = vector.shape_cast %get3A_559 : vector<16xf32> to vector<16xf32>
      tpu.vector_store %arg9[%swap3A_560], %swap3A_563 {strides = array<i32>} : memref<32000xf32, #tpu.memory_space<vmem>>, vector<16xf32>,
      %slice3A_564 = vector.extract_strided_slice %mul3A_365 {offsets = [11], sizes = [1], strides = [1]} : vector<16xi32> to vector<1xi32>
      %squeeze3A_565 = vector.extract %slice3A_564[0] : i32 from vector<1xi32>
      %get3A_566 = arith.index_cast %squeeze3A_565 : i32 to index
      %get3A_567 = tpu.vector_load %arg5[%get3A_566] {strides = array<i32>} : memref<1024xf32, #tpu.memory_space<vmem>>, vector<16xf32>,
      %get3A_568 = vector.shape_cast %get3A_567 : vector<16xf32> to vector<16xf32>
      %swap3A_569 = arith.constant 31840 : index
      %swap3A_570 = tpu.vector_load %arg9[%swap3A_569] {strides = array<i32>} : memref<32000xf32, #tpu.memory_space<vmem>>, vector<16xf32>,
      %swap3A_571 = vector.shape_cast %swap3A_570 : vector<16xf32> to vector<16xf32>
      %swap3A_572 = vector.shape_cast %get3A_568 : vector<16xf32> to vector<16xf32>
      tpu.vector_store %arg9[%swap3A_569], %swap3A_572 {strides = array<i32>} : memref<32000xf32, #tpu.memory_space<vmem>>, vector<16xf32>,
      %add3A_573 = arith.constant 16 : i32
      %add3A_574 = arith.addi %squeeze3A_565, %add3A_573 : i32
      %get3A_575 = arith.index_cast %add3A_574 : i32 to index
      %get3A_576 = tpu.vector_load %arg5[%get3A_575] {strides = array<i32>} : memref<1024xf32, #tpu.memory_space<vmem>>, vector<16xf32>,
      %get3A_577 = vector.shape_cast %get3A_576 : vector<16xf32> to vector<16xf32>
      %swap3A_578 = arith.constant 31856 : index
      %swap3A_579 = tpu.vector_load %arg9[%swap3A_578] {strides = array<i32>} : memref<32000xf32, #tpu.memory_space<vmem>>, vector<16xf32>,
      %swap3A_580 = vector.shape_cast %swap3A_579 : vector<16xf32> to vector<16xf32>
      %swap3A_581 = vector.shape_cast %get3A_577 : vector<16xf32> to vector<16xf32>
      tpu.vector_store %arg9[%swap3A_578], %swap3A_581 {strides = array<i32>} : memref<32000xf32, #tpu.memory_space<vmem>>, vector<16xf32>,
      %slice3A_582 = vector.extract_strided_slice %mul3A_365 {offsets = [12], sizes = [1], strides = [1]} : vector<16xi32> to vector<1xi32>
      %squeeze3A_583 = vector.extract %slice3A_582[0] : i32 from vector<1xi32>
      %get3A_584 = arith.index_cast %squeeze3A_583 : i32 to index
      %get3A_585 = tpu.vector_load %arg5[%get3A_584] {strides = array<i32>} : memref<1024xf32, #tpu.memory_space<vmem>>, vector<16xf32>,
      %get3A_586 = vector.shape_cast %get3A_585 : vector<16xf32> to vector<16xf32>
      %swap3A_587 = arith.constant 31872 : index
      %swap3A_588 = tpu.vector_load %arg9[%swap3A_587] {strides = array<i32>} : memref<32000xf32, #tpu.memory_space<vmem>>, vector<16xf32>,
      %swap3A_589 = vector.shape_cast %swap3A_588 : vector<16xf32> to vector<16xf32>
      %swap3A_590 = vector.shape_cast %get3A_586 : vector<16xf32> to vector<16xf32>
      tpu.vector_store %arg9[%swap3A_587], %swap3A_590 {strides = array<i32>} : memref<32000xf32, #tpu.memory_space<vmem>>, vector<16xf32>,
      %add3A_591 = arith.constant 16 : i32
      %add3A_592 = arith.addi %squeeze3A_583, %add3A_591 : i32
      %get3A_593 = arith.index_cast %add3A_592 : i32 to index
      %get3A_594 = tpu.vector_load %arg5[%get3A_593] {strides = array<i32>} : memref<1024xf32, #tpu.memory_space<vmem>>, vector<16xf32>,
      %get3A_595 = vector.shape_cast %get3A_594 : vector<16xf32> to vector<16xf32>
      %swap3A_596 = arith.constant 31888 : index
      %swap3A_597 = tpu.vector_load %arg9[%swap3A_596] {strides = array<i32>} : memref<32000xf32, #tpu.memory_space<vmem>>, vector<16xf32>,
      %swap3A_598 = vector.shape_cast %swap3A_597 : vector<16xf32> to vector<16xf32>
      %swap3A_599 = vector.shape_cast %get3A_595 : vector<16xf32> to vector<16xf32>
      tpu.vector_store %arg9[%swap3A_596], %swap3A_599 {strides = array<i32>} : memref<32000xf32, #tpu.memory_space<vmem>>, vector<16xf32>,
      %slice3A_600 = vector.extract_strided_slice %mul3A_365 {offsets = [13], sizes = [1], strides = [1]} : vector<16xi32> to vector<1xi32>
      %squeeze3A_601 = vector.extract %slice3A_600[0] : i32 from vector<1xi32>
      %get3A_602 = arith.index_cast %squeeze3A_601 : i32 to index
      %get3A_603 = tpu.vector_load %arg5[%get3A_602] {strides = array<i32>} : memref<1024xf32, #tpu.memory_space<vmem>>, vector<16xf32>,
      %get3A_604 = vector.shape_cast %get3A_603 : vector<16xf32> to vector<16xf32>
      %swap3A_605 = arith.constant 31904 : index
      %swap3A_606 = tpu.vector_load %arg9[%swap3A_605] {strides = array<i32>} : memref<32000xf32, #tpu.memory_space<vmem>>, vector<16xf32>,
      %swap3A_607 = vector.shape_cast %swap3A_606 : vector<16xf32> to vector<16xf32>
      %swap3A_608 = vector.shape_cast %get3A_604 : vector<16xf32> to vector<16xf32>
      tpu.vector_store %arg9[%swap3A_605], %swap3A_608 {strides = array<i32>} : memref<32000xf32, #tpu.memory_space<vmem>>, vector<16xf32>,
      %add3A_609 = arith.constant 16 : i32
      %add3A_610 = arith.addi %squeeze3A_601, %add3A_609 : i32
      %get3A_611 = arith.index_cast %add3A_610 : i32 to index
      %get3A_612 = tpu.vector_load %arg5[%get3A_611] {strides = array<i32>} : memref<1024xf32, #tpu.memory_space<vmem>>, vector<16xf32>,
      %get3A_613 = vector.shape_cast %get3A_612 : vector<16xf32> to vector<16xf32>
      %swap3A_614 = arith.constant 31920 : index
      %swap3A_615 = tpu.vector_load %arg9[%swap3A_614] {strides = array<i32>} : memref<32000xf32, #tpu.memory_space<vmem>>, vector<16xf32>,
      %swap3A_616 = vector.shape_cast %swap3A_615 : vector<16xf32> to vector<16xf32>
      %swap3A_617 = vector.shape_cast %get3A_613 : vector<16xf32> to vector<16xf32>
      tpu.vector_store %arg9[%swap3A_614], %swap3A_617 {strides = array<i32>} : memref<32000xf32, #tpu.memory_space<vmem>>, vector<16xf32>,
      %slice3A_618 = vector.extract_strided_slice %mul3A_365 {offsets = [14], sizes = [1], strides = [1]} : vector<16xi32> to vector<1xi32>
      %squeeze3A_619 = vector.extract %slice3A_618[0] : i32 from vector<1xi32>
      %get3A_620 = arith.index_cast %squeeze3A_619 : i32 to index
      %get3A_621 = tpu.vector_load %arg5[%get3A_620] {strides = array<i32>} : memref<1024xf32, #tpu.memory_space<vmem>>, vector<16xf32>,
      %get3A_622 = vector.shape_cast %get3A_621 : vector<16xf32> to vector<16xf32>
      %swap3A_623 = arith.constant 31936 : index
      %swap3A_624 = tpu.vector_load %arg9[%swap3A_623] {strides = array<i32>} : memref<32000xf32, #tpu.memory_space<vmem>>, vector<16xf32>,
      %swap3A_625 = vector.shape_cast %swap3A_624 : vector<16xf32> to vector<16xf32>
      %swap3A_626 = vector.shape_cast %get3A_622 : vector<16xf32> to vector<16xf32>
      tpu.vector_store %arg9[%swap3A_623], %swap3A_626 {strides = array<i32>} : memref<32000xf32, #tpu.memory_space<vmem>>, vector<16xf32>,
      %add3A_627 = arith.constant 16 : i32
      %add3A_628 = arith.addi %squeeze3A_619, %add3A_627 : i32
      %get3A_629 = arith.index_cast %add3A_628 : i32 to index
      %get3A_630 = tpu.vector_load %arg5[%get3A_629] {strides = array<i32>} : memref<1024xf32, #tpu.memory_space<vmem>>, vector<16xf32>,
      %get3A_631 = vector.shape_cast %get3A_630 : vector<16xf32> to vector<16xf32>
      %swap3A_632 = arith.constant 31952 : index
      %swap3A_633 = tpu.vector_load %arg9[%swap3A_632] {strides = array<i32>} : memref<32000xf32, #tpu.memory_space<vmem>>, vector<16xf32>,
      %swap3A_634 = vector.shape_cast %swap3A_633 : vector<16xf32> to vector<16xf32>
      %swap3A_635 = vector.shape_cast %get3A_631 : vector<16xf32> to vector<16xf32>
      tpu.vector_store %arg9[%swap3A_632], %swap3A_635 {strides = array<i32>} : memref<32000xf32, #tpu.memory_space<vmem>>, vector<16xf32>,
      %slice3A_636 = vector.extract_strided_slice %mul3A_365 {offsets = [15], sizes = [1], strides = [1]} : vector<16xi32> to vector<1xi32>
      %squeeze3A_637 = vector.extract %slice3A_636[0] : i32 from vector<1xi32>
      %get3A_638 = arith.index_cast %squeeze3A_637 : i32 to index
      %get3A_639 = tpu.vector_load %arg5[%get3A_638] {strides = array<i32>} : memref<1024xf32, #tpu.memory_space<vmem>>, vector<16xf32>,
      %get3A_640 = vector.shape_cast %get3A_639 : vector<16xf32> to vector<16xf32>
      %swap3A_641 = arith.constant 31968 : index
      %swap3A_642 = tpu.vector_load %arg9[%swap3A_641] {strides = array<i32>} : memref<32000xf32, #tpu.memory_space<vmem>>, vector<16xf32>,
      %swap3A_643 = vector.shape_cast %swap3A_642 : vector<16xf32> to vector<16xf32>
      %swap3A_644 = vector.shape_cast %get3A_640 : vector<16xf32> to vector<16xf32>
      tpu.vector_store %arg9[%swap3A_641], %swap3A_644 {strides = array<i32>} : memref<32000xf32, #tpu.memory_space<vmem>>, vector<16xf32>,
      %add3A_645 = arith.constant 16 : i32
      %add3A_646 = arith.addi %squeeze3A_637, %add3A_645 : i32
      %get3A_647 = arith.index_cast %add3A_646 : i32 to index
      %get3A_648 = tpu.vector_load %arg5[%get3A_647] {strides = array<i32>} : memref<1024xf32, #tpu.memory_space<vmem>>, vector<16xf32>,
      %get3A_649 = vector.shape_cast %get3A_648 : vector<16xf32> to vector<16xf32>
      %swap3A_650 = arith.constant 31984 : index
      %swap3A_651 = tpu.vector_load %arg9[%swap3A_650] {strides = array<i32>} : memref<32000xf32, #tpu.memory_space<vmem>>, vector<16xf32>,
      %swap3A_652 = vector.shape_cast %swap3A_651 : vector<16xf32> to vector<16xf32>
      %swap3A_653 = vector.shape_cast %get3A_649 : vector<16xf32> to vector<16xf32>
      tpu.vector_store %arg9[%swap3A_650], %swap3A_653 {strides = array<i32>} : memref<32000xf32, #tpu.memory_space<vmem>>, vector<16xf32>,
      %mul3A_654 = arith.constant 1000 : i32
      %mul3A_655 = arith.muli %add3A_346, %mul3A_654 : i32
      %add3A_656 = arith.addi %mul3A_2, %mul3A_655 : i32
      %mul3A_657 = arith.constant 32 : i32
      %mul3A_658 = arith.muli %add3A_656, %mul3A_657 : i32
      %dma_start3A_659 = tpu.memref_slice %arg4[%mul3A_658] : memref<51200000xf32, #tpu.memory_space<hbm>> -> memref<32000xf32, #tpu.memory_space<hbm>>
      %dma_start3A_660 = tpu.memref_slice %arg4[%mul3A_658] : memref<51200000xf32, #tpu.memory_space<hbm>> -> memref<32000xf32, #tpu.memory_space<hbm>>
      tpu.enqueue_dma source(%arg9 : memref<32000xf32, #tpu.memory_space<vmem>>) target(%dma_start3A_660 : memref<32000xf32, #tpu.memory_space<hbm>>) target_semaphore(%arg13 : memref<!tpu.dma_semaphore, #tpu.memory_space<semaphore_mem>>)
      %add3A_661 = arith.constant 2 : i32
      %add3A_662 = arith.addi %add3A_346, %add3A_661 : i32
      %lt3A_663 = arith.constant 50 : i32
      %lt3A_664 = arith.cmpi slt, %add3A_662, %lt3A_663 : i32
      %convert_element_type3A_665 = arith.extui %lt3A_664 : i1 to i32
      %cond3A_666 = arith.constant 0 : i32
      %cond3A_667 = arith.cmpi ne, %convert_element_type3A_665, %cond3A_666 : i32
      scf.if %cond3A_667 {
        %add3A_668 = arith.constant 2 : i32
        %add3A_669 = arith.addi %add3A_346, %add3A_668 : i32
        %mul3A_670 = arith.constant 1000 : i32
        %mul3A_671 = arith.muli %add3A_669, %mul3A_670 : i32
        %add3A_672 = arith.addi %mul3A_2, %mul3A_671 : i32
        %dma_start3A_673 = tpu.memref_slice %arg2[%add3A_672] : memref<1600000xi32, #tpu.memory_space<hbm>> -> memref<1000xi32, #tpu.memory_space<hbm>>
        %dma_start3A_674 = tpu.memref_slice %arg2[%add3A_672] : memref<1600000xi32, #tpu.memory_space<hbm>> -> memref<1000xi32, #tpu.memory_space<hbm>>
        tpu.enqueue_dma source(%dma_start3A_674 : memref<1000xi32, #tpu.memory_space<hbm>>) target(%arg7 : memref<1000xi32, #tpu.memory_space<vmem>>) target_semaphore(%arg11 : memref<!tpu.dma_semaphore, #tpu.memory_space<semaphore_mem>>)
      } else {
      }
    }
    %scan3A_14 = arith.constant 25 : i32
    %add3A_15 = arith.constant 48000 : i32
    %add3A_16 = arith.addi %mul3A_2, %add3A_15 : i32
    %mul3A_17 = arith.constant 32 : i32
    %mul3A_18 = arith.muli %add3A_16, %mul3A_17 : i32
    %dma_wait3A = tpu.memref_slice %arg4[%mul3A_18] : memref<51200000xf32, #tpu.memory_space<hbm>> -> memref<32000xf32, #tpu.memory_space<hbm>>
    %dma_wait3A_19 = tpu.memref_slice %arg4[%mul3A_18] : memref<51200000xf32, #tpu.memory_space<hbm>> -> memref<32000xf32, #tpu.memory_space<hbm>>
    tpu.wait_dma2 semaphore(%arg12 : memref<!tpu.dma_semaphore, #tpu.memory_space<semaphore_mem>>) src(%arg8 : memref<32000xf32, #tpu.memory_space<vmem>>) dst(%dma_wait3A_19 : memref<32000xf32, #tpu.memory_space<hbm>>)
    %add3A_20 = arith.constant 49000 : i32
    %add3A_21 = arith.addi %mul3A_2, %add3A_20 : i32
    %mul3A_22 = arith.constant 32 : i32
    %mul3A_23 = arith.muli %add3A_21, %mul3A_22 : i32
    %dma_wait3A_24 = tpu.memref_slice %arg4[%mul3A_23] : memref<51200000xf32, #tpu.memory_space<hbm>> -> memref<32000xf32, #tpu.memory_space<hbm>>
    %dma_wait3A_25 = tpu.memref_slice %arg4[%mul3A_23] : memref<51200000xf32, #tpu.memory_space<hbm>> -> memref<32000xf32, #tpu.memory_space<hbm>>
    tpu.wait_dma2 semaphore(%arg13 : memref<!tpu.dma_semaphore, #tpu.memory_space<semaphore_mem>>) src(%arg9 : memref<32000xf32, #tpu.memory_space<vmem>>) dst(%dma_wait3A_25 : memref<32000xf32, #tpu.memory_space<hbm>>)
    return
  }
}

</mosaic_0001>

<sc_bundles>
// kernel: kernel.3.cloned.1.call-start
scs
__scs_entry_jumppad:
0x0: {  	(pc) =	sbr.rel $0x88, $3  }
0x1: {  	(tag) =	ssettag $0x0;
	lr =	simm.s32 $0x1  }
0x2: {  	[smem:$0x3F9F] =	sst lr;
	_ =	strace $0xD0000000  }
0x3: {  	_ = 	snop  }
0x4: {  	_ = 	snop  }
0x5: {  	_ = 	snop  }
0x6: {  	_ = 	snop  }
0x7: {  	_ = 	snop  }
__scs_overlays_trampoline_lowered:
0x8: {  	[smem:$0x3FAE] =	sst s0  }
0x9: {  	[smem:$0x3FAF] =	sst s1  }
0xa: {  	[smem:$0x3FB0] =	sst s2  }
0xb: {  	[smem:$0x3FB1] =	sst s3  }
0xc: {  	[smem:$0x3FB2] =	sst s4  }
0xd: {  	[smem:$0x3FB3] =	sst s5  }
0xe: {  	[smem:$0x3FB4] =	sst s6  }
0xf: {  	[smem:$0x3FB5] =	sst s7  }
0x10: {  	[smem:$0x3FB6] =	sst s8  }
0x11: {  	[smem:$0x3FB7] =	sst s9;
	s0 =	simm.s32 @!p0 $0x0  }
0x12: {  	s1 =	sld [smem:$0x3F9D];
	s0 =	simm.s32 @p0 $0x1  }
0x13: {  	[smem:$0x3FB8] =	sst s0;
	s0 =	simm.s32 @!p1 $0x0  }
0x14: {  	s2 =	sld [smem:$0x3F9C];
	s0 =	simm.s32 @p1 $0x1  }
0x15: {  	[smem:$0x3FB9] =	sst s0;
	s0 =	simm.s32 @!p2 $0x0  }
0x16: {  	s3 =	sld [smem:$0x3FDB];
	s0 =	simm.s32 @p2 $0x1  }
0x17: {  	s4 =	simm.s32 $0x1BF5;
	[smem:$0x3FBB] =	sst s0  }
0x18: {  	s0 =	sld [smem:$0x3F9E];
	_ =	swait.ge [sflag:s4], $0x0  }
0x19: {  	s7 =	sld [smem:$0x3F9F]  }
0x1a: {  	s8 =	sadd.s32 $0xFFFFE003, lr  }
0x1b: {  	s9 =	sadd.s32 $0xFFFFFEF7, lr;
	s5 =	simm.s32 $0xFFFFFFFF;
	p2 =	slt.u32 s8, $0xFFFFF086  }
0x1c: {  	p1 =	slt.u32 s9, $0xF7A;
	s5 =	simm.s32 @!p2 $0x0  }
0x1d: {  	s5 =	simm.s32 @p1 $0x1;
	p0 =	seq.s32 s7, s2  }
0x1e: {  	s7 =	smul.u32 @!p0 $0xF7A, s2;
	p2 =	seq.s32 @!p0 s5, $0x0  }
0x1f: {  	s9 =	smul.u32 $0xF7A, s1;
	s8 =	simm.s32 @!p0 $0x1BF5;
	p2 =	por !p2, p0  }
0x20: {  	[sflag:s8] =	ssyncset.s32 @!p0 $0xFFFFF086;
	s6 =	sadd.s32 @!p0 s3, s7;
	s7 =	simm.s32 @!p0 $0x108  }
0x21: {  	s3 =	sadd.s32 s3, s9;
	s6 =	sadd.s32 @!p0 $0x88, s6;
	s7 =	simm.s32 @p2 $0x1082  }
0x22: {  	[simem:s7], [sflag:s8] =	dma.local @!p0 [hbm:s6], $0xF7A  }
0x23: {  	s9 =	sor.u32 $0xD0000000, s2;
	s6 =	simm.s32 $0x108;
	_ =	swait.ge @!p0 [sflag:s8], $0x0  }
0x24: {  	s3 =	sadd.s32 $0x88, s3;
	s6 =	simm.s32 @!p1 $0x1082;
	[sflag:s4] =	ssyncset.s32 $0xFFFFF086  }
0x25: {  	[simem:s6], [sflag:s4] =	dma.local [hbm:s3], $0xF7A  }
0x26: {  	[smem:$0x3F9F] =	sst s1;
	(tag) =	ssettag s2;
	_ =	strace s9  }
0x27: {  	s1 =	sld [smem:$0x3FAF]  }
0x28: {  	s2 =	sld [smem:$0x3FB0]  }
0x29: {  	s4 =	sld [smem:$0x3FB2]  }
0x2a: {  	p0 =	seq.s32 s5, $0x0;
	s5 =	sld [smem:$0x3FB3]  }
0x2b: {  	s6 =	sld [smem:$0x3FB4]  }
0x2c: {  	s7 =	sld [smem:$0x3FB5]  }
0x2d: {  	s3 =	simm.s32 $0x108;
	s8 =	sld [smem:$0x3FB6]  }
0x2e: {  	s3 =	simm.s32 @!p0 $0x1082;
	s9 =	sld [smem:$0x3FB7]  }
0x2f: {  	lr =	sadd.s32 s0, s3;
	s0 =	sld [smem:$0x3FAE]  }
0x30: {  	s3 =	sld [smem:$0x3FB1]  }
0x31: {  	[smem:$0x3FBA] =	sst s10  }
0x32: {  	s10 =	sld [smem:$0x3FB8];
	_ =	sdelay $0x3  }
0x33: {  	p0 =	seq.s32 s10, $0x1;
	s10 =	sld [smem:$0x3FBA];
	_ =	sdelay $0x3  }
0x34: {  	[smem:$0x3FBA] =	sst s10  }
0x35: {  	s10 =	sld [smem:$0x3FB9];
	_ =	sdelay $0x3  }
0x36: {  	p1 =	seq.s32 s10, $0x1;
	s10 =	sld [smem:$0x3FBA];
	_ =	sdelay $0x3  }
0x37: {  	[smem:$0x3FBA] =	sst s10  }
0x38: {  	s10 =	sld [smem:$0x3FBB]  }
0x39: {  	_ = 	snop;
	(pc) =	sbr.ind lr, $3  }
0x3a: {  	_ = 	snop  }
0x3b: {  	_ = 	snop  }
0x3c: {  	p2 =	seq.s32 s10, $0x1;
	s10 =	sld [smem:$0x3FBA]  }
0x3d: {  	_ =	shalt  }
0x3e: {  	_ =	shalt  }
0x3f: {  	_ =	shalt  }
0x40: {  	_ =	shalt  }
0x41: {  	_ =	shalt  }
0x42: {  	_ =	shalt  }
0x43: {  	_ =	shalt  }
0x44: {  	_ =	shalt  }
0x45: {  	_ =	shalt  }
0x46: {  	_ =	shalt  }
0x47: {  	_ =	shalt  }
0x48: {  	_ =	shalt  }
0x49: {  	_ =	shalt  }
0x4a: {  	_ =	shalt  }
0x4b: {  	_ =	shalt  }
0x4c: {  	_ =	shalt  }
0x4d: {  	_ =	shalt  }
0x4e: {  	_ =	shalt  }
0x4f: {  	_ =	shalt  }
0x50: {  	_ =	shalt  }
0x51: {  	_ =	shalt  }
0x52: {  	_ =	shalt  }
0x53: {  	_ =	shalt  }
0x54: {  	_ =	shalt  }
0x55: {  	_ =	shalt  }
0x56: {  	_ =	shalt  }
0x57: {  	_ =	shalt  }
0x58: {  	_ =	shalt  }
0x59: {  	_ =	shalt  }
0x5a: {  	_ =	shalt  }
0x5b: {  	_ =	shalt  }
0x5c: {  	_ =	shalt  }
0x5d: {  	_ =	shalt  }
0x5e: {  	_ =	shalt  }
0x5f: {  	_ =	shalt  }
0x60: {  	_ =	shalt  }
0x61: {  	_ =	shalt  }
0x62: {  	_ =	shalt  }
0x63: {  	_ =	shalt  }
0x64: {  	_ =	shalt  }
0x65: {  	_ =	shalt  }
0x66: {  	_ =	shalt  }
0x67: {  	_ =	shalt  }
0x68: {  	_ =	shalt  }
0x69: {  	_ =	shalt  }
0x6a: {  	_ =	shalt  }
0x6b: {  	_ =	shalt  }
0x6c: {  	_ =	shalt  }
0x6d: {  	_ =	shalt  }
0x6e: {  	_ =	shalt  }
0x6f: {  	_ =	shalt  }
0x70: {  	_ =	shalt  }
0x71: {  	_ =	shalt  }
0x72: {  	_ =	shalt  }
0x73: {  	_ =	shalt  }
0x74: {  	_ =	shalt  }
0x75: {  	_ =	shalt  }
0x76: {  	_ =	shalt  }
0x77: {  	_ =	shalt  }
0x78: {  	_ =	shalt  }
0x79: {  	_ =	shalt  }
0x7a: {  	_ =	shalt  }
0x7b: {  	_ =	shalt  }
0x7c: {  	_ =	shalt  }
0x7d: {  	_ =	shalt  }
0x7e: {  	_ =	shalt  }
0x7f: {  	_ =	shalt  }
0x80: {  	_ =	shalt  }
0x81: {  	_ =	shalt  }
0x82: {  	_ =	shalt  }
0x83: {  	_ =	shalt  }
0x84: {  	_ =	shalt  }
0x85: {  	_ =	shalt  }
0x86: {  	_ =	shalt  }
0x87: {  	_ =	shalt  }
.Lfunc_end0:
.L_simem_size_0:
called_computation.1_lowered:
.L_overlay_start_0:
0x88: {  	s2 =	sld [smem:$0x3FD9]  }
0x89: {  	s3 =	sld [smem:$0x3FFE];
	_ =	sdelay $0x1  }
0x8a: {  	s1 =	srdreg.scid  }
0x8b: {  	s0 =	sand.u32 $0x1, s1  }
0x8c: {  	s17 =	sshll.u32 s0, $0xA;
	s2 =	sadd.s32 s3, s2  }
0x8d: {  	s2 =	sadd.s32 s2, s17  }
0x8e: {  	[smem:$0x3FC6] =	sst s2  }
0x8f: {  	_ = 	snop  }
0x90: {  	s2 =	sld [smem:$0x3FC9]  }
0x91: {  	s18 =	sld [smem:$0x3FD0];
	(tm) =	ssettm $0x1  }
0x92: {  	s4 =	sld [smem:$0x3FFB];
	_ =	sdelay $0x3  }
0x93: {  	_ =	strace s4  }
0x94: {  	s4 =	sld [smem:$0x3FFC];
	_ =	sdelay $0x3  }
0x95: {  	_ =	strace s4  }
0x96: {  	s4 =	sld [smem:$0x3FFD];
	_ =	sdelay $0x3  }
0x97: {  	_ =	strace s4  }
0x98: {  	_ =	strace $0x8FFFFFFF  }
0x99: {  	s19 =	sld [smem:$0x3FDB];
	_ =	sdelay $0x1  }
0x9a: {  	s5 =	simm.s32 $_scs_section_size  }
0x9b: {  	s6 =	simm.s32 $_size__tile_overlayer_lowered;
	s7 =	simm.s32 $_tile_overlayer_lowered  }
0x9c: {  	s22 =	simm.s32 $0x1BFF;
	s21 =	sshll.u32 s7, $0x1;
	s4 =	sadd.s32 s5, s19  }
0x9d: {  	s8 =	simm.s32 $0x0;
	s20 =	sshll.u32 s6, $0x1;
	s6 =	sadd.s32 s21, s4  }
0x9e: {  	[timem:s8], [sflag:s22] =	dma.local [hbm:s6], s20  }
0x9f: {  	_ =	swait.ge [sflag:s22], s20  }
0xa0: {  	s5 =	ssub.s32 $0x0, s20;
	[sflag:s22] =	ssyncset.done $0x0  }
0xa1: {  	[sflag:s22] =	ssyncadd.s32 s5;
	_ =	sdelay $0x1  }
0xa2: {  	s23 =	simm.s32 $0x1B8B  }
0xa3: {  	_ =	swait.ge [sflag:s23], $0x1  }
0xa4: {  	[sflag:s23] =	ssyncset.done $0x0  }
0xa5: {  	s25 =	simm.s32 $0x1B8E;
	s24 =	sld [smem:$0x3FFE];
	[sflag:s23] =	ssyncadd.s32 $0xFFFFFFFF  }
0xa6: {  	s26 =	simm.s32 $execute0_lowered;
	[smem:$0x3FD2] =	sst s25  }
0xa7: {  	s6 =	sshll.u32 s26, $0x1;
	_ =	strace $0x80000046;
	[dreg:$0x1] =	wrdreg $0xFFFFFFFF  }
0xa8: {  	s28 =	simm.s32 $_size_execute0_lowered;
	s4 =	sadd.s32 s4, s6;
	[dreg:$0x0] =	wrdreg $0x0  }
0xa9: {  	s6 =	sshll.u32 s28, $0x1;
	[dreg:$0x2] =	wrdreg s4  }
0xaa: {  	[dreg:$0x3] =	wrdreg s6  }
0xab: {  	[dreg:$0x4] =	wrdreg $0xC0  }
0xac: {  	_ =	task [dreg:s8], $0x5FFFF  }
0xad: {  	[dreg:$0x1] =	wrdreg $0xFFFFFFFF  }
0xae: {  	[dreg:$0x0] =	wrdreg $0x60  }
0xaf: {  	[dreg:$0x2] =	wrdreg s2  }
0xb0: {  	[dreg:$0x3] =	wrdreg s24  }
0xb1: {  	[dreg:$0x4] =	wrdreg s18  }
0xb2: {  	[dreg:$0x5] =	wrdreg $0x9  }
0xb3: {  	_ =	task.clear_ibuf [dreg:s8], $0x6FFFF;
	_ =	strace $0x90000046  }
0xb4: {  	s29 =	simm.s32 $0x9;
	_ =	strace $0x80000048  }
0xb5: {  	_ =	swait.ge [sflag:s29], $0x1  }
0xb6: {  	[sflag:s29] =	ssyncadd.s32 $0xFFFFFFFF  }
0xb7: {  	_ =	strace $0x90000048  }
0xb8: {  	_ =	sfence  }
0xb9: {  	s30 =	sld [smem:$0x0];
	_ =	sdelay $0x2  }
0xba: {  	s31 =	sshll.u32 s1, $0xD;
	s1 =	sshrl.u32 s1, $0x2  }
0xbb: {  	s3 =	sand.u32 $0x4000, s31;
	s1 =	sadd.s32 s1, s30  }
0xbc: {  	s0 =	sor.u32 s3, s0;
	s1 =	sshll.u32 s1, $0x11  }
0xbd: {  	s0 =	sor.u32 s1, s0  }
0xbe: {  	s0 =	sadd.s32 $0x8F2B, s0  }
0xbf: {  	[sflag:s0] =	ssyncadd.remote.s32 $0x1  }
0xc0: {  	_ =	sfence.sel $0xFFFF  }
0xc1: {  	[dreg:$0x0] =	wrdreg $0xFFFFFFFF;
	(pc) =	sbr.abs _section_cstart, $3  }
0xc2: {  	[dreg:$0x1] =	wrdreg $0xFFFFFFFF  }
0xc3: {  	_ =	task.clear_ibuf [dreg:s8], $0x2FFFF;
	_ =	strace $0x9FFFFFFF  }
0xc4: {  	(tm) =	ssettm $0x7FFFFFFF  }
0xc5: {  	_ =	shalt  }
tec
execute0_lowered:
.L_overlay_start_1:
0x0: {  	(tag) =	ssettag $0x1  }
0x1: {  	s1 =	srdreg.scid;
	s2 =	stileid.u32  }
0x2: {  	s3 =	rddreg [dreg:$0x0];
	s1 =	sand.u32 $0x1, s1;
	s2 =	sshll.u32 s2, $0x1  }
0x3: {  	s0 =	rddreg [dreg:$0x1];
	s4 =	simm.s32 $0x0;
	s2 =	sor.u32 s1, s2  }
0x4: {  	[smem:$0x7FF] =	sst s4;
	s0 =	sadd.s32 $0x800, s0;
	s5 =	smul.u32 $0xC350, s2  }
0x5: {  	_ =	strace $0x80000047;
	s1 =	ssub.s32 $0x2, s1;
	[smem:$0x7F6] =	sst s0  }
0x6: {  	s26 =	sshrl.u32 s1, $0x1;
	s2 =	sadd.s32 $0x3E8, s5;
	[smem:$0x7FB] =	sst s5  }
0x7: {  	s0 =	ssub.s32 s1, s26;
	s30 =	sadd.s32 $0x7D0, s5;
	[smem:$0x7F7] =	sst s2  }
.Ltmp0:
0x8: {  	s31 =	sadd.s32 $0xBB8, s5;
	[smem:$0x7FA] =	sst s30;
	(pc) =	sbr.rel .LBB2_1-.Ltmp0, $4  }
0x9: {  	s28 =	sshrl.u32 s5, $0x3;
	s0 =	smax.u32 s0, $0x1;
	[smem:$0x7FC] =	sst s31  }
0xa: {  	s2 =	sshrl.u32 s2, $0x3;
	s1 =	sadd.s32 s3, s28;
	[smem:$0x7FD] =	sst s0  }
0xb: {  	[smem:$0x7F8] =	sst s1;
	s29 =	sadd.s32 s3, s2  }
0xc: {  	s2 =	simm.s32 $0x0;
	[smem:$0x7F9] =	sst s29  }
.LBB2_12:
0xd: {  	s0 =	simm.s32 $0x3  }
0xe: {  	_ =	swait.ge [sflag:s0], $0x7D00  }
0xf: {  	[sflag:s0] =	ssyncset.done $0x0  }
0x10: {  	s1 =	simm.s32 $0x4;
	[sflag:s0] =	ssyncadd.s32 $0xFFFF8300  }
0x11: {  	_ =	swait.ge [sflag:s1], $0x7D00  }
0x12: {  	s2 =	sld [smem:$0x7F5]  }
0x13: {  	s31 =	sld [smem:$0x7FD];
	_ =	sdelay $0x1  }
0x14: {  	s2 =	sadd.s32 $0x1, s2  }
0x15: {  	p0 =	sne.s32 s2, s31  }
.Ltmp1:
0x16: {  	_ = 	snop;
	(pc) =	sbr.rel @!p0 .LBB2_13-.Ltmp1, $3  }
0x17: {  	_ =	sdelay $0x1  }
0x18: {  	[sflag:s1] =	ssyncset.done $0x0  }
0x19: {  	[sflag:s1] =	ssyncadd.s32 $0xFFFF8300  }
.LBB2_1:
0x1a: {  	s0 =	sld [smem:$0x7F6];
	_ =	sdelay $0x1  }
0x1b: {  	[smem:$0x7F5] =	sst s2;
	s28 =	simm.s32 $0x5  }
0x1c: {  	[tilespmem:s4], [sflag:$0x5] =	stream.linear.gather [hbm4b:s0+s4], $0x400, $0x38;
	[tilespmem:$0x105D0] =	vst v63  }
0x1d: {  	_ =	swait.ge [sflag:s28], $0x400  }
0x1e: {  	s29 =	sld [smem:$0x7F8]  }
0x1f: {  	[sflag:s28] =	ssyncset.done $0x0  }
0x20: {  	s1 =	simm.s32 $0x400;
	s30 =	sld [smem:$0x7F9];
	[sflag:s28] =	ssyncadd.s32 $0xFFFFFC00  }
0x21: {  	[tilespmem:s1], [sflag:$0x1] =	stream.linear.gather [hbm4b:s29+s4], $0x3E8, $0x38;
	[tilespmem:$0x105D0] =	vst v63  }
0x22: {  	s31 =	simm.s32 $0x7E8;
	s1 =	simm.s32 $0x0  }
0x23: {  	[tilespmem:s31], [sflag:$0x2] =	stream.linear.gather [hbm4b:s30+s4], $0x3E8, $0x38;
	[tilespmem:$0x105D0] =	vst v63  }
.LBB2_2:
0x24: {  	[smem:$0x7F2] =	sst s1;
	s0 =	simm.s32 $0x1  }
0x25: {  	_ =	swait.ge [sflag:s0], $0x3E8  }
0x26: {  	p0 =	seq.s32 s1, $0x0;
	[sflag:s0] =	ssyncset.done $0x0  }
0x27: {  	[sflag:s0] =	ssyncadd.s32 $0xFFFFFC18;
	s0 =	simm.s32 @!p0 $0x3  }
0x28: {  	_ =	swait.ge @!p0 [sflag:s0], $0x7D00  }
0x29: {  	[sflag:s0] =	ssyncset.done @!p0 $0x0  }
0x2a: {  	s16 =	simm.s32 $0x420;
	[sflag:s0] =	ssyncadd.s32 @!p0 $0xFFFF8300  }
0x2b: {  	v0 =	vld [tilespmem:s16+$0x10];
	_ =	sdelay $0x1  }
0x2c: {  	v2 =	vld [tilespmem:s16+$0xFFFFFFF0]  }
0x2d: {  	v3 =	vld [tilespmem:s16+$0xFFFFFFE0]  }
0x2e: {  	v4 =	vld [tilespmem:s16+$0x0]  }
0x2f: {  	v1 =	vshll.u32 v0, $0x5  }
0x30: {  	(v2sf) =	vpush v1, $0x0  }
0x31: {  	v0 =	vshll.u32 v2, $0x5  }
0x32: {  	v3 =	vshll.u32 v3, $0x5;
	(v2sf) =	vpush v0, $0x0  }
0x33: {  	v2 =	vshll.u32 v4, $0x5;
	(v2sf) =	vpush v3, $0x0  }
0x34: {  	(v2sf) =	vpush v2, $0x0  }
0x35: {  	(v2sf) =	vpush v3, $0x1  }
0x36: {  	(v2sf) =	vpush v0, $0x1  }
0x37: {  	(v2sf) =	vpush v2, $0x1  }
0x38: {  	(v2sf) =	vpush v3, $0x2  }
0x39: {  	(v2sf) =	vpush v0, $0x2  }
0x3a: {  	(v2sf) =	vpush v2, $0x2  }
0x3b: {  	(v2sf) =	vpush v3, $0x3  }
0x3c: {  	(v2sf) =	vpush v1, $0x1  }
0x3d: {  	(v2sf) =	vpush v0, $0x3  }
0x3e: {  	(v2sf) =	vpush v2, $0x3  }
0x3f: {  	s17 =	spop (v2sf);
	(v2sf) =	vpush v3, $0x4  }
0x40: {  	v4 =	vld [tilespmem:s17+$0x0]  }
0x41: {  	s18 =	spop (v2sf);
	(v2sf) =	vpush v0, $0x4  }
0x42: {  	v5 =	vld [tilespmem:s18+$0x0];
	s2 =	spop (v2sf);
	(v2sf) =	vpush v2, $0x4  }
0x43: {  	(v2sf) =	vpush v3, $0x5;
	s6 =	spop (v2sf)  }
0x44: {  	s25 =	simm.s32 $0xFD0;
	v6 =	vld [tilespmem:s2+$0x0];
	s7 =	spop (v2sf);
	(v2sf) =	vpush v0, $0x5  }
0x45: {  	v7 =	vld [tilespmem:s6+$0x0];
	s8 =	spop (v2sf);
	(v2sf) =	vpush v2, $0x5;
	[tilespmem:s25+$0x200] =	vst v4  }
0x46: {  	(v2sf) =	vpush v3, $0x6;
	s19 =	spop (v2sf);
	v4 =	vld [tilespmem:s17+$0x10]  }
0x47: {  	[tilespmem:s25+$0xFFFFFE00] =	vst v5;
	s3 =	spop (v2sf);
	(v2sf) =	vpush v0, $0x6  }
0x48: {  	v5 =	vld [tilespmem:s18+$0x10];
	s5 =	spop (v2sf);
	(v2sf) =	vpush v1, $0x2  }
0x49: {  	[tilespmem:s25+$0xFFFFFC00] =	vst v6;
	s4 =	spop (v2sf);
	(v2sf) =	vpush v2, $0x6  }
0x4a: {  	v6 =	vld [tilespmem:s2+$0x10];
	[tilespmem:s25+$0x0] =	vst v7;
	s28 =	spop (v2sf);
	(v2sf) =	vpush v3, $0x7  }
0x4b: {  	v7 =	vld [tilespmem:s6+$0x10];
	s22 =	spop (v2sf);
	(v2sf) =	vpush v0, $0x7;
	[tilespmem:s25+$0x210] =	vst v4  }
0x4c: {  	s30 =	spop (v2sf);
	(v2sf) =	vpush v2, $0x7;
	v4 =	vld [tilespmem:s22+$0x0]  }
0x4d: {  	[tilespmem:s25+$0xFFFFFE10] =	vst v5;
	(v2sf) =	vpush v3, $0x8;
	s29 =	spop (v2sf)  }
0x4e: {  	v5 =	vld [tilespmem:s8+$0x0];
	s1 =	spop (v2sf);
	(v2sf) =	vpush v0, $0x8  }
0x4f: {  	[tilespmem:s25+$0xFFFFFC10] =	vst v6  }
0x50: {  	v6 =	vld [tilespmem:s7+$0x0];
	[tilespmem:s25+$0x10] =	vst v7;
	s2 =	spop (v2sf);
	(v2sf) =	vpush v2, $0x8  }
0x51: {  	v7 =	vld [tilespmem:s19+$0x0];
	(v2sf) =	vpush v3, $0x9;
	s26 =	spop (v2sf);
	[tilespmem:s25+$0x220] =	vst v4  }
0x52: {  	s20 =	spop (v2sf);
	(v2sf) =	vpush v0, $0x9;
	v4 =	vld [tilespmem:s22+$0x10]  }
0x53: {  	[tilespmem:s25+$0xFFFFFE20] =	vst v5;
	s22 =	spop (v2sf);
	(v2sf) =	vpush v2, $0x9  }
0x54: {  	v5 =	vld [tilespmem:s8+$0x10];
	s21 =	spop (v2sf);
	(v2sf) =	vpush v1, $0x3  }
0x55: {  	[tilespmem:s25+$0xFFFFFC20] =	vst v6;
	s16 =	spop (v2sf);
	(v2sf) =	vpush v3, $0xA  }
0x56: {  	v6 =	vld [tilespmem:s7+$0x10];
	[tilespmem:s25+$0x20] =	vst v7;
	s18 =	spop (v2sf);
	(v2sf) =	vpush v0, $0xA  }
0x57: {  	v7 =	vld [tilespmem:s19+$0x10];
	s23 =	spop (v2sf);
	(v2sf) =	vpush v2, $0xA;
	[tilespmem:s25+$0x230] =	vst v4  }
0x58: {  	(v2sf) =	vpush v3, $0xB;
	s19 =	spop (v2sf);
	v4 =	vld [tilespmem:s23+$0x0]  }
0x59: {  	[tilespmem:s25+$0xFFFFFE30] =	vst v5;
	s0 =	spop (v2sf);
	(v2sf) =	vpush v0, $0xB  }
0x5a: {  	v5 =	vld [tilespmem:s5+$0x0];
	s17 =	spop (v2sf);
	(v2sf) =	vpush v2, $0xB  }
0x5b: {  	[tilespmem:s25+$0xFFFFFC30] =	vst v6;
	(v2sf) =	vpush v3, $0xC;
	s14 =	spop (v2sf)  }
0x5c: {  	v6 =	vld [tilespmem:s3+$0x0];
	s11 =	spop (v2sf);
	(v2sf) =	vpush v0, $0xC  }
0x5d: {  	[tilespmem:s25+$0x240] =	vst v4;
	s13 =	spop (v2sf);
	(v2sf) =	vpush v2, $0xC  }
0x5e: {  	[tilespmem:s25+$0x30] =	vst v7;
	v4 =	vld [tilespmem:s23+$0x10];
	(v2sf) =	vpush v3, $0xD  }
0x5f: {  	v7 =	vld [tilespmem:s4+$0x0];
	[tilespmem:s25+$0xFFFFFE40] =	vst v5;
	s12 =	spop (v2sf)  }
0x60: {  	v5 =	vld [tilespmem:s5+$0x10];
	s8 =	spop (v2sf)  }
0x61: {  	[tilespmem:s25+$0xFFFFFC40] =	vst v6;
	(v2sf) =	vpush v1, $0x4;
	s9 =	spop (v2sf)  }
0x62: {  	v6 =	vld [tilespmem:s3+$0x10];
	s10 =	spop (v2sf)  }
0x63: {  	(v2sf) =	vpush v0, $0xD;
	s24 =	spop (v2sf);
	[tilespmem:s25+$0x250] =	vst v4  }
0x64: {  	[tilespmem:s25+$0x40] =	vst v7;
	s7 =	spop (v2sf);
	v4 =	vld [tilespmem:s24+$0x0]  }
0x65: {  	v7 =	vld [tilespmem:s4+$0x10];
	(v2sf) =	vpush v2, $0xD;
	[tilespmem:s25+$0xFFFFFE50] =	vst v5;
	s6 =	spop (v2sf)  }
0x66: {  	v5 =	vld [tilespmem:s30+$0x0];
	s5 =	spop (v2sf)  }
0x67: {  	(v2sf) =	vpush v3, $0xE;
	[tilespmem:s25+$0xFFFFFC50] =	vst v6;
	s15 =	spop (v2sf)  }
0x68: {  	(v2sf) =	vpush v0, $0xE;
	v6 =	vld [tilespmem:s28+$0x0];
	s4 =	spop (v2sf)  }
0x69: {  	(v2sf) =	vpush v2, $0xE;
	s3 =	spop (v2sf);
	[tilespmem:s25+$0x260] =	vst v4  }
0x6a: {  	(v2sf) =	vpush v3, $0xF;
	[tilespmem:s25+$0x50] =	vst v7;
	s23 =	spop (v2sf);
	v3 =	vld [tilespmem:s24+$0x10]  }
0x6b: {  	(v2sf) =	vpush v0, $0xF;
	v0 =	vld [tilespmem:s29+$0x0];
	s31 =	spop (v2sf);
	[tilespmem:s25+$0xFFFFFE60] =	vst v5  }
0x6c: {  	(v2sf) =	vpush v2, $0xF;
	v2 =	vld [tilespmem:s30+$0x10];
	s24 =	spop (v2sf)  }
0x6d: {  	[tilespmem:s25+$0xFFFFFC60] =	vst v6;
	s30 =	spop (v2sf)  }
0x6e: {  	[smem:$0x7EC] =	sst s30  }
0x6f: {  	v4 =	vld [tilespmem:s28+$0x10];
	[tilespmem:s25+$0x270] =	vst v3  }
0x70: {  	s28 =	spop (v2sf);
	[tilespmem:s25+$0x60] =	vst v0  }
0x71: {  	(v2sf) =	vpush v1, $0x5;
	v3 =	vld [tilespmem:s28+$0x0];
	[tilespmem:s25+$0xFFFFFE70] =	vst v2  }
0x72: {  	v0 =	vld [tilespmem:s29+$0x10];
	s29 =	spop (v2sf)  }
0x73: {  	[smem:$0x7ED] =	sst s29  }
0x74: {  	s29 =	spop (v2sf);
	[tilespmem:s25+$0xFFFFFC70] =	vst v4  }
0x75: {  	v2 =	vld [tilespmem:s2+$0x0];
	[smem:$0x7EE] =	sst s29  }
0x76: {  	s29 =	spop (v2sf);
	[tilespmem:s25+$0x280] =	vst v3  }
0x77: {  	v4 =	vld [tilespmem:s1+$0x0];
	[smem:$0x7EF] =	sst s29;
	s29 =	spop (v2sf)  }
0x78: {  	v3 =	vld [tilespmem:s28+$0x10];
	[smem:$0x7F0] =	sst s29  }
0x79: {  	s29 =	spop (v2sf);
	[tilespmem:s25+$0x70] =	vst v0  }
0x7a: {  	[smem:$0x7F1] =	sst s29;
	s29 =	spop (v2sf)  }
0x7b: {  	v0 =	vld [tilespmem:s26+$0x0];
	[dreg:$0x8] =	wrdreg s29  }
0x7c: {  	s29 =	spop (v2sf);
	[tilespmem:s25+$0xFFFFFE80] =	vst v2  }
0x7d: {  	(v2sf) =	vpush v1, $0x6;
	[dreg:$0x4] =	wrdreg s29  }
0x7e: {  	s29 =	spop (v2sf);
	[tilespmem:s25+$0xFFFFFC80] =	vst v4  }
0x7f: {  	v2 =	vld [tilespmem:s2+$0x10];
	[dreg:$0x5] =	wrdreg s29  }
0x80: {  	s2 =	spop (v2sf);
	v4 =	vld [tilespmem:s1+$0x10];
	[tilespmem:s25+$0x290] =	vst v3  }
0x81: {  	v3 =	vld [tilespmem:s2+$0x0]  }
0x82: {  	[tilespmem:s25+$0x80] =	vst v0  }
0x83: {  	v0 =	vld [tilespmem:s26+$0x10]  }
0x84: {  	[tilespmem:s25+$0xFFFFFE90] =	vst v2  }
0x85: {  	v2 =	vld [tilespmem:s22+$0x0];
	[tilespmem:s25+$0xFFFFFC90] =	vst v4  }
0x86: {  	v4 =	vld [tilespmem:s20+$0x0];
	[tilespmem:s25+$0x2A0] =	vst v3  }
0x87: {  	v3 =	vld [tilespmem:s2+$0x10]  }
0x88: {  	[tilespmem:s25+$0x90] =	vst v0  }
0x89: {  	(v2sf) =	vpush v1, $0x7;
	v0 =	vld [tilespmem:s21+$0x0]  }
0x8a: {  	[tilespmem:s25+$0xFFFFFEA0] =	vst v2  }
0x8b: {  	v2 =	vld [tilespmem:s22+$0x10];
	[tilespmem:s25+$0xFFFFFCA0] =	vst v4  }
0x8c: {  	s28 =	spop (v2sf);
	v4 =	vld [tilespmem:s20+$0x10];
	[tilespmem:s25+$0x2B0] =	vst v3  }
0x8d: {  	v3 =	vld [tilespmem:s28+$0x0]  }
0x8e: {  	[tilespmem:s25+$0xA0] =	vst v0  }
0x8f: {  	v0 =	vld [tilespmem:s21+$0x10]  }
0x90: {  	[tilespmem:s25+$0xFFFFFEB0] =	vst v2  }
0x91: {  	v2 =	vld [tilespmem:s18+$0x0];
	[tilespmem:s25+$0xFFFFFCB0] =	vst v4  }
0x92: {  	v4 =	vld [tilespmem:s16+$0x0];
	[tilespmem:s25+$0x2C0] =	vst v3  }
0x93: {  	v3 =	vld [tilespmem:s28+$0x10]  }
0x94: {  	[tilespmem:s25+$0xB0] =	vst v0  }
0x95: {  	(v2sf) =	vpush v1, $0x8;
	v0 =	vld [tilespmem:s19+$0x0]  }
0x96: {  	[tilespmem:s25+$0xFFFFFEC0] =	vst v2  }
0x97: {  	v2 =	vld [tilespmem:s18+$0x10];
	[tilespmem:s25+$0xFFFFFCC0] =	vst v4  }
0x98: {  	s29 =	spop (v2sf);
	v4 =	vld [tilespmem:s16+$0x10];
	[tilespmem:s25+$0x2D0] =	vst v3  }
0x99: {  	v3 =	vld [tilespmem:s29+$0x0]  }
0x9a: {  	[tilespmem:s25+$0xC0] =	vst v0  }
0x9b: {  	v0 =	vld [tilespmem:s19+$0x10]  }
0x9c: {  	[tilespmem:s25+$0xFFFFFED0] =	vst v2  }
0x9d: {  	v2 =	vld [tilespmem:s17+$0x0];
	[tilespmem:s25+$0xFFFFFCD0] =	vst v4  }
0x9e: {  	v4 =	vld [tilespmem:s0+$0x0];
	[tilespmem:s25+$0x2E0] =	vst v3  }
0x9f: {  	v3 =	vld [tilespmem:s29+$0x10]  }
0xa0: {  	[tilespmem:s25+$0xD0] =	vst v0  }
0xa1: {  	(v2sf) =	vpush v1, $0x9;
	v0 =	vld [tilespmem:s14+$0x0]  }
0xa2: {  	[tilespmem:s25+$0xFFFFFEE0] =	vst v2  }
0xa3: {  	v2 =	vld [tilespmem:s17+$0x10];
	[tilespmem:s25+$0xFFFFFCE0] =	vst v4  }
0xa4: {  	s1 =	spop (v2sf);
	v4 =	vld [tilespmem:s0+$0x10];
	[tilespmem:s25+$0x2F0] =	vst v3  }
0xa5: {  	v3 =	vld [tilespmem:s1+$0x0]  }
0xa6: {  	[tilespmem:s25+$0xE0] =	vst v0  }
0xa7: {  	v0 =	vld [tilespmem:s14+$0x10]  }
0xa8: {  	[tilespmem:s25+$0xFFFFFEF0] =	vst v2  }
0xa9: {  	v2 =	vld [tilespmem:s13+$0x0];
	[tilespmem:s25+$0xFFFFFCF0] =	vst v4  }
0xaa: {  	v4 =	vld [tilespmem:s11+$0x0];
	[tilespmem:s25+$0x300] =	vst v3  }
0xab: {  	v3 =	vld [tilespmem:s1+$0x10]  }
0xac: {  	[tilespmem:s25+$0xF0] =	vst v0  }
0xad: {  	(v2sf) =	vpush v1, $0xA;
	v0 =	vld [tilespmem:s12+$0x0]  }
0xae: {  	[tilespmem:s25+$0xFFFFFF00] =	vst v2  }
0xaf: {  	v2 =	vld [tilespmem:s13+$0x10];
	[tilespmem:s25+$0xFFFFFD00] =	vst v4  }
0xb0: {  	s2 =	spop (v2sf);
	v4 =	vld [tilespmem:s11+$0x10];
	[tilespmem:s25+$0x310] =	vst v3  }
0xb1: {  	s11 =	simm.s32 $0x460;
	v3 =	vld [tilespmem:s2+$0x0]  }
0xb2: {  	[tilespmem:s25+$0x100] =	vst v0;
	v0 =	vld [tilespmem:s11+$0x10]  }
0xb3: {  	v5 =	vld [tilespmem:s12+$0x10]  }
0xb4: {  	v6 =	vld [tilespmem:s11+$0xFFFFFFF0]  }
0xb5: {  	v7 =	vld [tilespmem:s11+$0xFFFFFFE0]  }
0xb6: {  	v8 =	vld [tilespmem:s11+$0x0];
	[tilespmem:s25+$0x320] =	vst v3  }
0xb7: {  	v0 =	vshll.u32 v0, $0x5;
	v9 =	vld [tilespmem:s2+$0x10]  }
0xb8: {  	[tilespmem:s25+$0xFFFFFD10] =	vst v4;
	(v2sf) =	vpush v0, $0x0  }
0xb9: {  	[tilespmem:s25+$0xFFFFFF10] =	vst v2;
	v10 =	vld [tilespmem:s8+$0x0];
	v2 =	vshll.u32 v6, $0x5;
	(v2sf) =	vpush v1, $0xB  }
0xba: {  	[tilespmem:s25+$0x110] =	vst v5;
	v5 =	vld [tilespmem:s9+$0x0];
	v4 =	vshll.u32 v7, $0x5;
	(v2sf) =	vpush v2, $0x0  }
0xbb: {  	v3 =	vshll.u32 v8, $0x5;
	v6 =	vld [tilespmem:s10+$0x0];
	(v2sf) =	vpush v4, $0x0  }
0xbc: {  	s13 =	spop (v2sf);
	(v2sf) =	vpush v3, $0x0;
	[tilespmem:s25+$0x330] =	vst v9  }
0xbd: {  	(v2sf) =	vpush v4, $0x1;
	v7 =	vld [tilespmem:s13+$0x0]  }
0xbe: {  	[tilespmem:s25+$0xFFFFFD20] =	vst v10;
	(v2sf) =	vpush v2, $0x1  }
0xbf: {  	[tilespmem:s25+$0xFFFFFF20] =	vst v5;
	v52 =	vld [tilespmem:s8+$0x10];
	(v2sf) =	vpush v3, $0x1  }
0xc0: {  	v5 =	vld [tilespmem:s9+$0x10];
	[tilespmem:s25+$0x120] =	vst v6;
	(v2sf) =	vpush v4, $0x2  }
0xc1: {  	v6 =	vld [tilespmem:s10+$0x10];
	(v2sf) =	vpush v2, $0x2  }
0xc2: {  	(v2sf) =	vpush v3, $0x2;
	[tilespmem:s25+$0x340] =	vst v7  }
0xc3: {  	(v2sf) =	vpush v4, $0x3;
	v7 =	vld [tilespmem:s13+$0x10]  }
0xc4: {  	[tilespmem:s25+$0xFFFFFD30] =	vst v52;
	(v2sf) =	vpush v0, $0x1  }
0xc5: {  	[tilespmem:s25+$0xFFFFFF30] =	vst v5;
	v8 =	vld [tilespmem:s7+$0x0];
	(v2sf) =	vpush v1, $0xC  }
0xc6: {  	v5 =	vld [tilespmem:s6+$0x0];
	[tilespmem:s25+$0x130] =	vst v6;
	(v2sf) =	vpush v2, $0x3  }
0xc7: {  	v6 =	vld [tilespmem:s5+$0x0];
	(v2sf) =	vpush v3, $0x3;
	s14 =	spop (v2sf)  }
0xc8: {  	v53 =	vld [tilespmem:s14+$0x0];
	(v2sf) =	vpush v4, $0x4;
	s16 =	spop (v2sf);
	[tilespmem:s25+$0x350] =	vst v7  }
0xc9: {  	s17 =	spop (v2sf);
	(v2sf) =	vpush v2, $0x4;
	v7 =	vld [tilespmem:s16+$0x0]  }
0xca: {  	[tilespmem:s25+$0xFFFFFD40] =	vst v8;
	v54 =	vld [tilespmem:s17+$0x0];
	s18 =	spop (v2sf);
	(v2sf) =	vpush v3, $0x4  }
0xcb: {  	[tilespmem:s25+$0xFFFFFF40] =	vst v5;
	v5 =	vld [tilespmem:s18+$0x0];
	(v2sf) =	vpush v4, $0x5;
	s19 =	spop (v2sf)  }
0xcc: {  	s30 =	simm.s32 $0x17D0;
	[tilespmem:s25+$0x140] =	vst v6;
	v55 =	vld [tilespmem:s7+$0x10];
	s20 =	spop (v2sf);
	(v2sf) =	vpush v2, $0x5  }
0xcd: {  	v6 =	vld [tilespmem:s19+$0x0];
	[tilespmem:s30+$0x200] =	vst v53;
	s21 =	spop (v2sf);
	(v2sf) =	vpush v3, $0x5  }
0xce: {  	v56 =	vld [tilespmem:s14+$0x10];
	(v2sf) =	vpush v4, $0x6;
	s22 =	spop (v2sf);
	[tilespmem:s25+$0x360] =	vst v7  }
0xcf: {  	[tilespmem:s30+$0xFFFFFE00] =	vst v54;
	s7 =	spop (v2sf);
	(v2sf) =	vpush v2, $0x6;
	v7 =	vld [tilespmem:s16+$0x10]  }
0xd0: {  	[tilespmem:s30+$0xFFFFFC00] =	vst v5;
	v5 =	vld [tilespmem:s17+$0x10];
	s10 =	spop (v2sf);
	(v2sf) =	vpush v0, $0x2  }
0xd1: {  	[tilespmem:s25+$0xFFFFFD50] =	vst v55;
	v57 =	vld [tilespmem:s18+$0x10];
	s11 =	spop (v2sf);
	(v2sf) =	vpush v1, $0xD  }
0xd2: {  	v58 =	vld [tilespmem:s6+$0x10];
	[tilespmem:s30+$0x0] =	vst v6;
	s17 =	spop (v2sf);
	(v2sf) =	vpush v3, $0x6  }
0xd3: {  	v6 =	vld [tilespmem:s19+$0x10];
	[tilespmem:s30+$0x210] =	vst v56;
	(v2sf) =	vpush v4, $0x7;
	s28 =	spop (v2sf)  }
0xd4: {  	v10 =	vld [tilespmem:s28+$0x0];
	(v2sf) =	vpush v2, $0x7;
	s29 =	spop (v2sf);
	[tilespmem:s25+$0x370] =	vst v7  }
0xd5: {  	[tilespmem:s30+$0xFFFFFE10] =	vst v5;
	(v2sf) =	vpush v3, $0x7;
	s0 =	spop (v2sf);
	v5 =	vld [tilespmem:s29+$0x0]  }
0xd6: {  	[tilespmem:s30+$0xFFFFFC10] =	vst v57;
	v7 =	vld [tilespmem:s21+$0x0];
	(v2sf) =	vpush v4, $0x8;
	s1 =	spop (v2sf)  }
0xd7: {  	[tilespmem:s25+$0xFFFFFF50] =	vst v58;
	v8 =	vld [tilespmem:s20+$0x0];
	(v2sf) =	vpush v2, $0x8;
	s16 =	spop (v2sf)  }
0xd8: {  	v59 =	vld [tilespmem:s5+$0x10];
	[tilespmem:s30+$0x10] =	vst v6;
	(v2sf) =	vpush v3, $0x8;
	s2 =	spop (v2sf)  }
0xd9: {  	v6 =	vld [tilespmem:s22+$0x0];
	[tilespmem:s30+$0x220] =	vst v10;
	(v2sf) =	vpush v4, $0x9;
	s18 =	spop (v2sf)  }
0xda: {  	v10 =	vld [tilespmem:s28+$0x10];
	s26 =	spop (v2sf);
	[tilespmem:s25+$0x380] =	vst v5  }
0xdb: {  	(v2sf) =	vpush v2, $0x9;
	[tilespmem:s30+$0xFFFFFE20] =	vst v7;
	v5 =	vld [tilespmem:s29+$0x10];
	s29 =	spop (v2sf)  }
0xdc: {  	v7 =	vld [tilespmem:s21+$0x10];
	[tilespmem:s30+$0xFFFFFC20] =	vst v8;
	s28 =	spop (v2sf)  }
0xdd: {  	[tilespmem:s25+$0x150] =	vst v59;
	(v2sf) =	vpush v3, $0x9;
	v8 =	vld [tilespmem:s20+$0x10];
	s14 =	spop (v2sf)  }
0xde: {  	v60 =	vld [tilespmem:s15+$0x0];
	[tilespmem:s30+$0x20] =	vst v6;
	s21 =	spop (v2sf)  }
0xdf: {  	(v2sf) =	vpush v0, $0x3;
	v6 =	vld [tilespmem:s22+$0x10];
	[tilespmem:s30+$0x230] =	vst v10;
	s9 =	spop (v2sf)  }
0xe0: {  	(v2sf) =	vpush v1, $0xE;
	v10 =	vld [tilespmem:s9+$0x0];
	[tilespmem:s25+$0x390] =	vst v5;
	s19 =	spop (v2sf)  }
0xe1: {  	(v2sf) =	vpush v4, $0xA;
	[tilespmem:s30+$0xFFFFFE30] =	vst v7;
	v5 =	vld [tilespmem:s19+$0x0];
	s22 =	spop (v2sf)  }
0xe2: {  	[tilespmem:s30+$0xFFFFFC30] =	vst v8;
	v7 =	vld [tilespmem:s10+$0x0];
	s12 =	spop (v2sf)  }
0xe3: {  	[tilespmem:s25+$0xFFFFFD60] =	vst v60;
	(v2sf) =	vpush v2, $0xA;
	v8 =	vld [tilespmem:s7+$0x0];
	s20 =	spop (v2sf)  }
0xe4: {  	(v2sf) =	vpush v3, $0xA;
	[tilespmem:s30+$0x30] =	vst v6;
	s13 =	spop (v2sf)  }
0xe5: {  	(v2sf) =	vpush v4, $0xB;
	v6 =	vld [tilespmem:s11+$0x0];
	[tilespmem:s30+$0x240] =	vst v10;
	s6 =	spop (v2sf)  }
0xe6: {  	v61 =	vld [tilespmem:s4+$0x0];
	(v2sf) =	vpush v2, $0xB;
	[tilespmem:s25+$0x3A0] =	vst v5;
	s8 =	spop (v2sf)  }
0xe7: {  	(v2sf) =	vpush v3, $0xB;
	v10 =	vld [tilespmem:s9+$0x10];
	[tilespmem:s30+$0xFFFFFE40] =	vst v7;
	s9 =	spop (v2sf)  }
0xe8: {  	(v2sf) =	vpush v4, $0xC;
	v7 =	vld [tilespmem:s10+$0x10];
	[tilespmem:s30+$0xFFFFFC40] =	vst v8;
	s10 =	spop (v2sf)  }
0xe9: {  	(v2sf) =	vpush v2, $0xC;
	v5 =	vld [tilespmem:s19+$0x10];
	[dreg:$0x19] =	wrdreg s10  }
0xea: {  	(v2sf) =	vpush v3, $0xC;
	s19 =	spop (v2sf);
	[tilespmem:s30+$0x40] =	vst v6  }
0xeb: {  	(v2sf) =	vpush v4, $0xD;
	v8 =	vld [tilespmem:s7+$0x10];
	[dreg:$0x17] =	wrdreg s19  }
0xec: {  	(v2sf) =	vpush v0, $0x4;
	s7 =	spop (v2sf);
	[tilespmem:s25+$0xFFFFFF60] =	vst v61  }
0xed: {  	(v2sf) =	vpush v1, $0xF;
	v1 =	vld [tilespmem:s11+$0x10];
	[dreg:$0x1a] =	wrdreg s7  }
0xee: {  	s11 =	spop (v2sf);
	[tilespmem:s30+$0x250] =	vst v10  }
0xef: {  	s19 =	spop (v2sf);
	v6 =	vld [tilespmem:s3+$0x0];
	[tilespmem:s25+$0x3B0] =	vst v5  }
0xf0: {  	[tilespmem:s30+$0xFFFFFE50] =	vst v7;
	s10 =	spop (v2sf);
	v62 =	vld [tilespmem:s11+$0x0]  }
0xf1: {  	v5 =	vld [tilespmem:s19+$0x0];
	[dreg:$0x15] =	wrdreg s10  }
0xf2: {  	s7 =	spop (v2sf);
	[tilespmem:s30+$0xFFFFFC50] =	vst v8  }
0xf3: {  	v7 =	vld [tilespmem:s0+$0x0];
	[dreg:$0x13] =	wrdreg s7  }
0xf4: {  	s10 =	spop (v2sf);
	[tilespmem:s30+$0x50] =	vst v1  }
0xf5: {  	v8 =	vld [tilespmem:s17+$0x0];
	[dreg:$0x11] =	wrdreg s10  }
0xf6: {  	s7 =	spop (v2sf);
	[tilespmem:s25+$0x160] =	vst v6  }
0xf7: {  	(v2sf) =	vpush v2, $0xD;
	v1 =	vld [tilespmem:s1+$0x0];
	[dreg:$0xb] =	wrdreg s7  }
0xf8: {  	(v2sf) =	vpush v3, $0xD;
	s10 =	spop (v2sf);
	[tilespmem:s30+$0x260] =	vst v62  }
0xf9: {  	(v2sf) =	vpush v4, $0xE;
	v6 =	vld [tilespmem:s15+$0x10];
	[dreg:$0xd] =	wrdreg s10  }
0xfa: {  	(v2sf) =	vpush v2, $0xE;
	s15 =	spop (v2sf);
	[tilespmem:s25+$0x3C0] =	vst v5  }
0xfb: {  	(v2sf) =	vpush v3, $0xE;
	v9 =	vld [tilespmem:s11+$0x10];
	[dreg:$0xe] =	wrdreg s15  }
0xfc: {  	(v2sf) =	vpush v4, $0xF;
	v4 =	vld [tilespmem:s19+$0x10];
	[tilespmem:s30+$0xFFFFFE60] =	vst v7;
	s19 =	spop (v2sf)  }
0xfd: {  	(v2sf) =	vpush v2, $0xF;
	[dreg:$0xa] =	wrdreg s19  }
0xfe: {  	(v2sf) =	vpush v3, $0xF;
	s11 =	spop (v2sf);
	v2 =	vld [tilespmem:s0+$0x10];
	[tilespmem:s30+$0xFFFFFC60] =	vst v8  }
0xff: {  	(v2sf) =	vpush v0, $0x5;
	[tilespmem:s30+$0x60] =	vst v1;
	s19 =	spop (v2sf);
	v5 =	vld [tilespmem:s4+$0x10]  }
0x100: {  	[tilespmem:s25+$0xFFFFFD70] =	vst v6;
	v3 =	vld [tilespmem:s17+$0x10];
	s5 =	spop (v2sf)  }
0x101: {  	v1 =	vld [tilespmem:s1+$0x10];
	[tilespmem:s30+$0x270] =	vst v9;
	s7 =	spop (v2sf)  }
0x102: {  	v6 =	vld [tilespmem:s7+$0x0];
	[tilespmem:s25+$0x3D0] =	vst v4;
	s10 =	spop (v2sf)  }
0x103: {  	[tilespmem:s30+$0xFFFFFE70] =	vst v2;
	v2 =	vld [tilespmem:s10+$0x0]  }
0x104: {  	[tilespmem:s25+$0xFFFFFF70] =	vst v5;
	v5 =	vld [tilespmem:s3+$0x10]  }
0x105: {  	[tilespmem:s30+$0xFFFFFC70] =	vst v3;
	v3 =	vld [tilespmem:s2+$0x0]  }
0x106: {  	s17 =	spop (v2sf);
	[tilespmem:s30+$0x70] =	vst v1;
	v4 =	vld [tilespmem:s16+$0x0]  }
0x107: {  	s15 =	spop (v2sf);
	v1 =	vld [tilespmem:s18+$0x0];
	[tilespmem:s30+$0x280] =	vst v6  }
0x108: {  	s4 =	spop (v2sf);
	v6 =	vld [tilespmem:s7+$0x10];
	[tilespmem:s25+$0x3E0] =	vst v2  }
0x109: {  	s7 =	spop (v2sf);
	[tilespmem:s25+$0x170] =	vst v5;
	v5 =	vld [tilespmem:s23+$0x0]  }
0x10a: {  	v2 =	vld [tilespmem:s10+$0x10];
	[tilespmem:s30+$0xFFFFFE80] =	vst v3;
	s10 =	spop (v2sf)  }
0x10b: {  	(v2sf) =	vpush v0, $0x6;
	v3 =	vld [tilespmem:s2+$0x10];
	[tilespmem:s30+$0xFFFFFC80] =	vst v4;
	s1 =	spop (v2sf)  }
0x10c: {  	[tilespmem:s30+$0x80] =	vst v1;
	v4 =	vld [tilespmem:s16+$0x10];
	s3 =	spop (v2sf)  }
0x10d: {  	v1 =	vld [tilespmem:s18+$0x10];
	[tilespmem:s30+$0x290] =	vst v6;
	s18 =	spop (v2sf)  }
0x10e: {  	v6 =	vld [tilespmem:s31+$0x0];
	s16 =	spop (v2sf);
	[tilespmem:s25+$0xFFFFFD80] =	vst v5  }
0x10f: {  	[tilespmem:s25+$0x3F0] =	vst v2;
	v2 =	vld [tilespmem:s16+$0x0]  }
0x110: {  	v5 =	vld [tilespmem:s24+$0x0];
	[tilespmem:s30+$0xFFFFFE90] =	vst v3  }
0x111: {  	[tilespmem:s30+$0xFFFFFC90] =	vst v4;
	v3 =	vld [tilespmem:s29+$0x0]  }
0x112: {  	[tilespmem:s30+$0x90] =	vst v1;
	v4 =	vld [tilespmem:s26+$0x0]  }
0x113: {  	v1 =	vld [tilespmem:s28+$0x0];
	[tilespmem:s25+$0xFFFFFF80] =	vst v6  }
0x114: {  	v6 =	vld [tilespmem:s23+$0x10];
	[tilespmem:s30+$0x2A0] =	vst v2  }
0x115: {  	[tilespmem:s25+$0x180] =	vst v5;
	v2 =	vld [tilespmem:s16+$0x10]  }
0x116: {  	v5 =	vld [tilespmem:s31+$0x10];
	[tilespmem:s30+$0xFFFFFEA0] =	vst v3  }
0x117: {  	v3 =	vld [tilespmem:s29+$0x10];
	[tilespmem:s30+$0xFFFFFCA0] =	vst v4  }
0x118: {  	[tilespmem:s30+$0xA0] =	vst v1;
	v4 =	vld [tilespmem:s26+$0x10]  }
0x119: {  	[tilespmem:s25+$0xFFFFFD90] =	vst v6;
	v1 =	vld [tilespmem:s28+$0x10]  }
0x11a: {  	v6 =	vld [tilespmem:s24+$0x10];
	s29 =	spop (v2sf);
	[tilespmem:s30+$0x2B0] =	vst v2  }
0x11b: {  	[tilespmem:s25+$0xFFFFFF90] =	vst v5;
	v2 =	vld [tilespmem:s29+$0x0]  }
0x11c: {  	[tilespmem:s30+$0xFFFFFEB0] =	vst v3  }
0x11d: {  	[tilespmem:s30+$0xFFFFFCB0] =	vst v4  }
0x11e: {  	(v2sf) =	vpush v0, $0x7;
	[tilespmem:s30+$0xB0] =	vst v1  }
0x11f: {  	s31 =	smov.u32 s1;
	s1 =	sld [smem:$0x7EC];
	[tilespmem:s25+$0x190] =	vst v6  }
0x120: {  	v3 =	vld [tilespmem:s21+$0x0];
	[tilespmem:s30+$0x2C0] =	vst v2  }
0x121: {  	v4 =	vld [tilespmem:s14+$0x0];
	s2 =	sld [smem:$0x7ED]  }
0x122: {  	v1 =	vld [tilespmem:s22+$0x0]  }
0x123: {  	v5 =	vld [tilespmem:s1+$0x0]  }
0x124: {  	v2 =	vld [tilespmem:s2+$0x0]  }
0x125: {  	[tilespmem:s30+$0xFFFFFEC0] =	vst v3  }
0x126: {  	[tilespmem:s30+$0xFFFFFCC0] =	vst v4  }
0x127: {  	[tilespmem:s30+$0xC0] =	vst v1  }
0x128: {  	v6 =	vld [tilespmem:s29+$0x10];
	[tilespmem:s25+$0xFFFFFDA0] =	vst v5  }
0x129: {  	v3 =	vld [tilespmem:s21+$0x10];
	[tilespmem:s25+$0xFFFFFFA0] =	vst v2  }
0x12a: {  	v4 =	vld [tilespmem:s14+$0x10];
	s14 =	sld [smem:$0x7EE]  }
0x12b: {  	v1 =	vld [tilespmem:s22+$0x10]  }
0x12c: {  	v5 =	vld [tilespmem:s1+$0x10]  }
0x12d: {  	s16 =	spop (v2sf);
	[tilespmem:s30+$0x2D0] =	vst v6;
	v2 =	vld [tilespmem:s14+$0x0]  }
0x12e: {  	[tilespmem:s30+$0xFFFFFED0] =	vst v3;
	v3 =	vld [tilespmem:s16+$0x0]  }
0x12f: {  	[tilespmem:s30+$0xFFFFFCD0] =	vst v4;
	v4 =	vld [tilespmem:s20+$0x0]  }
0x130: {  	[tilespmem:s30+$0xD0] =	vst v1;
	v6 =	vld [tilespmem:s12+$0x0]  }
0x131: {  	(v2sf) =	vpush v0, $0x8;
	v1 =	vld [tilespmem:s13+$0x0];
	[tilespmem:s25+$0xFFFFFDB0] =	vst v5  }
0x132: {  	[tilespmem:s25+$0x1A0] =	vst v2;
	v2 =	vld [tilespmem:s2+$0x10]  }
0x133: {  	[tilespmem:s30+$0x2E0] =	vst v3;
	v5 =	vld [tilespmem:s14+$0x10]  }
0x134: {  	[tilespmem:s30+$0xFFFFFEE0] =	vst v4;
	v3 =	vld [tilespmem:s16+$0x10]  }
0x135: {  	[tilespmem:s30+$0xFFFFFCE0] =	vst v6  }
0x136: {  	[tilespmem:s30+$0xE0] =	vst v1  }
0x137: {  	[tilespmem:s25+$0xFFFFFFB0] =	vst v2  }
0x138: {  	v4 =	vld [tilespmem:s20+$0x10];
	s20 =	sld [smem:$0x7EF];
	[tilespmem:s25+$0x1B0] =	vst v5  }
0x139: {  	[tilespmem:s30+$0x2F0] =	vst v3  }
0x13a: {  	v6 =	vld [tilespmem:s12+$0x10];
	s21 =	sld [smem:$0x7F0]  }
0x13b: {  	v1 =	vld [tilespmem:s13+$0x10]  }
0x13c: {  	v2 =	vld [tilespmem:s20+$0x0]  }
0x13d: {  	v3 =	vld [tilespmem:s21+$0x0]  }
0x13e: {  	[tilespmem:s30+$0xFFFFFEF0] =	vst v4  }
0x13f: {  	[tilespmem:s30+$0xFFFFFCF0] =	vst v6  }
0x140: {  	s22 =	spop (v2sf);
	[tilespmem:s30+$0xF0] =	vst v1  }
0x141: {  	(v2sf) =	vpush v0, $0x9;
	v4 =	vld [tilespmem:s22+$0x0];
	[tilespmem:s25+$0xFFFFFDC0] =	vst v2  }
0x142: {  	v5 =	vld [tilespmem:s8+$0x0];
	[tilespmem:s25+$0xFFFFFFC0] =	vst v3  }
0x143: {  	v6 =	vld [tilespmem:s6+$0x0];
	s23 =	sld [smem:$0x7F1]  }
0x144: {  	v1 =	vld [tilespmem:s9+$0x0]  }
0x145: {  	v7 =	vld [tilespmem:s20+$0x10]  }
0x146: {  	[tilespmem:s30+$0x300] =	vst v4;
	v2 =	vld [tilespmem:s23+$0x0]  }
0x147: {  	[tilespmem:s30+$0xFFFFFF00] =	vst v5;
	v63 =	vld [tilespmem:s22+$0x10]  }
0x148: {  	[tilespmem:s30+$0xFFFFFD00] =	vst v6;
	v5 =	vld [tilespmem:s8+$0x10]  }
0x149: {  	[tilespmem:s30+$0x100] =	vst v1  }
0x14a: {  	[tilespmem:s25+$0xFFFFFDD0] =	vst v7  }
0x14b: {  	[tilespmem:s25+$0x1C0] =	vst v2  }
0x14c: {  	s26 =	sld [smem:$0x7F2];
	[tilespmem:s30+$0x310] =	vst v63  }
0x14d: {  	v1 =	vld [tilespmem:s21+$0x10];
	[tilespmem:s30+$0xFFFFFF10] =	vst v5  }
0x14e: {  	v3 =	vld [tilespmem:s6+$0x10];
	s29 =	sld [smem:$0x7FB]  }
0x14f: {  	v4 =	vld [tilespmem:s9+$0x10];
	s28 =	smul.u32 $0x7D0, s26  }
0x150: {  	s0 =	spop (v2sf);
	v2 =	vld [tilespmem:s23+$0x10]  }
0x151: {  	s24 =	smov.u32 s3;
	v5 =	vld [tilespmem:s0+$0x0];
	[smem:$0x7F3] =	sst s28;
	s1 =	sadd.s32 s29, s28  }
0x152: {  	s3 =	simm.s32 $0x4A0;
	(v2sf) =	vpush v0, $0xA;
	s26 =	simm.s32 $0x4;
	[smem:$0x7F4] =	sst s1  }
.LBB2_3:
0x153: {  	_ =	sdelay $0x2  }
0x154: {  	v6 =	vld [tilespmem:s3+$0x10];
	[tilespmem:s30+$0x110] =	vst v4  }
0x155: {  	[tilespmem:s30+$0xFFFFFD10] =	vst v3;
	v3 =	vld [tilespmem:s3+$0xFFFFFFF0]  }
0x156: {  	v7 =	vld [tilespmem:s3+$0x0]  }
0x157: {  	s6 =	rddreg [dreg:$0x19];
	v8 =	vld [tilespmem:s3+$0xFFFFFFE0]  }
0x158: {  	v9 =	vld [tilespmem:s6+$0x0]  }
0x159: {  	s1 =	rddreg [dreg:$0x17];
	[tilespmem:s25+$0xFFFFFFD0] =	vst v1;
	v4 =	vshll.u32 v6, $0x5  }
0x15a: {  	[smem:$0x7E4] =	sst s5;
	[tilespmem:s30+$0x320] =	vst v5;
	v6 =	vld [tilespmem:s1+$0x0];
	(v2sf) =	vpush v4, $0x0  }
0x15b: {  	s8 =	rddreg [dreg:$0x1a];
	[tilespmem:s25+$0x1D0] =	vst v2;
	v5 =	vld [tilespmem:s0+$0x10];
	(v2sf) =	vpush v0, $0xB;
	v2 =	vshll.u32 v3, $0x5  }
0x15c: {  	s5 =	rddreg [dreg:$0x8];
	v1 =	vshll.u32 v7, $0x5;
	v7 =	vld [tilespmem:s8+$0x0];
	v3 =	vshll.u32 v8, $0x5;
	(v2sf) =	vpush v2, $0x0  }
0x15d: {  	v50 =	vld [tilespmem:s5+$0x0];
	[tilespmem:s30+$0xFFFFFD20] =	vst v9;
	(v2sf) =	vpush v3, $0x0  }
0x15e: {  	s2 =	rddreg [dreg:$0x4];
	v10 =	vld [tilespmem:s6+$0x10];
	(v2sf) =	vpush v1, $0x0  }
0x15f: {  	[smem:$0x7E6] =	sst s7;
	v51 =	vld [tilespmem:s2+$0x0];
	[tilespmem:s30+$0xFFFFFF20] =	vst v6;
	s7 =	spop (v2sf);
	(v2sf) =	vpush v3, $0x1  }
0x160: {  	[tilespmem:s30+$0x330] =	vst v5;
	v6 =	vld [tilespmem:s1+$0x10];
	(v2sf) =	vpush v2, $0x1  }
0x161: {  	[tilespmem:s30+$0x120] =	vst v7;
	v5 =	vld [tilespmem:s7+$0x0];
	(v2sf) =	vpush v1, $0x1  }
0x162: {  	[tilespmem:s25+$0xFFFFFDE0] =	vst v50;
	v7 =	vld [tilespmem:s8+$0x10];
	s8 =	rddreg [dreg:$0x5];
	(v2sf) =	vpush v3, $0x2  }
0x163: {  	v52 =	vld [tilespmem:s8+$0x0];
	[tilespmem:s30+$0xFFFFFD30] =	vst v10;
	(v2sf) =	vpush v2, $0x2  }
0x164: {  	s13 =	rddreg [dreg:$0x15];
	[tilespmem:s25+$0xFFFFFFE0] =	vst v51;
	v53 =	vld [tilespmem:s5+$0x10];
	(v2sf) =	vpush v1, $0x2  }
0x165: {  	s12 =	rddreg [dreg:$0x13];
	[tilespmem:s30+$0xFFFFFF30] =	vst v6;
	v10 =	vld [tilespmem:s13+$0x0];
	(v2sf) =	vpush v3, $0x3  }
0x166: {  	[smem:$0x7EA] =	sst s10;
	v6 =	vld [tilespmem:s12+$0x0];
	[tilespmem:s30+$0x340] =	vst v5;
	(v2sf) =	vpush v4, $0x1  }
0x167: {  	s10 =	rddreg [dreg:$0x11];
	[tilespmem:s30+$0x130] =	vst v7;
	v5 =	vld [tilespmem:s7+$0x10];
	(v2sf) =	vpush v0, $0xC  }
0x168: {  	v7 =	vld [tilespmem:s10+$0x0];
	[tilespmem:s25+$0x1E0] =	vst v52;
	(v2sf) =	vpush v2, $0x3  }
0x169: {  	v54 =	vld [tilespmem:s2+$0x10];
	s16 =	spop (v2sf);
	[tilespmem:s25+$0xFFFFFDF0] =	vst v53;
	(v2sf) =	vpush v1, $0x3  }
0x16a: {  	[tilespmem:s30+$0xFFFFFD40] =	vst v10;
	v55 =	vld [tilespmem:s8+$0x10];
	s21 =	spop (v2sf);
	(v2sf) =	vpush v3, $0x4  }
0x16b: {  	v56 =	vld [tilespmem:s16+$0x0];
	[tilespmem:s30+$0xFFFFFF40] =	vst v6;
	s22 =	spop (v2sf);
	(v2sf) =	vpush v2, $0x4  }
0x16c: {  	s9 =	smov.u32 s31;
	[tilespmem:s30+$0x350] =	vst v5;
	v6 =	vld [tilespmem:s22+$0x0];
	s23 =	spop (v2sf);
	(v2sf) =	vpush v1, $0x4  }
0x16d: {  	[dreg:$0x8] =	wrdreg s9;
	[tilespmem:s30+$0x140] =	vst v7;
	v5 =	vld [tilespmem:s21+$0x0];
	s9 =	spop (v2sf);
	(v2sf) =	vpush v3, $0x5  }
0x16e: {  	s14 =	smov.u32 s24;
	[tilespmem:s25+$0xFFFFFFF0] =	vst v54;
	v7 =	vld [tilespmem:s23+$0x0];
	s24 =	spop (v2sf);
	(v2sf) =	vpush v2, $0x5  }
0x16f: {  	v57 =	vld [tilespmem:s9+$0x0];
	[tilespmem:s25+$0x1F0] =	vst v55;
	s25 =	smov.u32 s30;
	s30 =	sadd.s32 $0x800, s30;
	s28 =	spop (v2sf);
	(v2sf) =	vpush v1, $0x5  }
0x170: {  	v58 =	vld [tilespmem:s13+$0x10];
	[tilespmem:s30+$0x200] =	vst v56;
	(v2sf) =	vpush v3, $0x6;
	s29 =	spop (v2sf)  }
0x171: {  	v10 =	vld [tilespmem:s16+$0x10];
	[tilespmem:s30+$0xFFFFFE00] =	vst v6;
	s5 =	spop (v2sf);
	(v2sf) =	vpush v2, $0x6  }
0x172: {  	[tilespmem:s25+$0x360] =	vst v5;
	v6 =	vld [tilespmem:s22+$0x10];
	s7 =	spop (v2sf);
	(v2sf) =	vpush v4, $0x2  }
0x173: {  	[smem:$0x7E3] =	sst s11;
	[tilespmem:s30+$0xFFFFFC00] =	vst v7;
	v5 =	vld [tilespmem:s21+$0x10];
	s11 =	spop (v2sf);
	(v2sf) =	vpush v0, $0xD  }
0x174: {  	[dreg:$0x1e] =	wrdreg s4;
	v7 =	vld [tilespmem:s23+$0x10];
	[tilespmem:s30+$0x0] =	vst v57;
	s4 =	spop (v2sf);
	(v2sf) =	vpush v1, $0x6  }
0x175: {  	v8 =	vld [tilespmem:s9+$0x10];
	(v2sf) =	vpush v3, $0x7;
	s9 =	spop (v2sf)  }
0x176: {  	s20 =	smov.u32 s18;
	[dreg:$0x4] =	wrdreg s14;
	[tilespmem:s30+$0x210] =	vst v10;
	(v2sf) =	vpush v2, $0x7;
	s14 =	spop (v2sf)  }
0x177: {  	[dreg:$0x5] =	wrdreg s20;
	[tilespmem:s25+$0xFFFFFD50] =	vst v58;
	v10 =	vld [tilespmem:s9+$0x0];
	s20 =	spop (v2sf);
	(v2sf) =	vpush v1, $0x7  }
0x178: {  	v59 =	vld [tilespmem:s12+$0x10];
	[tilespmem:s25+$0x370] =	vst v5;
	(v2sf) =	vpush v3, $0x8;
	s16 =	spop (v2sf)  }
0x179: {  	[tilespmem:s30+$0xFFFFFE10] =	vst v6;
	v5 =	vld [tilespmem:s14+$0x0];
	s12 =	spop (v2sf)  }
0x17a: {  	[tilespmem:s30+$0xFFFFFC10] =	vst v7;
	v6 =	vld [tilespmem:s28+$0x0];
	s18 =	spop (v2sf)  }
0x17b: {  	v7 =	vld [tilespmem:s24+$0x0];
	[tilespmem:s30+$0x10] =	vst v8;
	(v2sf) =	vpush v2, $0x8;
	s13 =	spop (v2sf)  }
0x17c: {  	v8 =	vld [tilespmem:s29+$0x0];
	(v2sf) =	vpush v1, $0x8;
	[tilespmem:s30+$0x220] =	vst v10;
	s6 =	spop (v2sf)  }
0x17d: {  	[tilespmem:s25+$0xFFFFFF50] =	vst v59;
	(v2sf) =	vpush v3, $0x9;
	v10 =	vld [tilespmem:s9+$0x10];
	s8 =	spop (v2sf)  }
0x17e: {  	v60 =	vld [tilespmem:s10+$0x10];
	(v2sf) =	vpush v2, $0x9;
	[tilespmem:s25+$0x380] =	vst v5;
	s9 =	spop (v2sf)  }
0x17f: {  	[tilespmem:s30+$0xFFFFFE20] =	vst v6;
	(v2sf) =	vpush v1, $0x9;
	v5 =	vld [tilespmem:s14+$0x10];
	s22 =	spop (v2sf)  }
0x180: {  	[tilespmem:s30+$0xFFFFFC20] =	vst v7;
	v6 =	vld [tilespmem:s28+$0x10];
	(v2sf) =	vpush v4, $0x3;
	s2 =	spop (v2sf)  }
0x181: {  	v7 =	vld [tilespmem:s24+$0x10];
	[tilespmem:s30+$0x20] =	vst v8;
	(v2sf) =	vpush v0, $0xE;
	s10 =	spop (v2sf)  }
0x182: {  	s23 =	smov.u32 s15;
	v8 =	vld [tilespmem:s29+$0x10];
	(v2sf) =	vpush v3, $0xA;
	[tilespmem:s30+$0x230] =	vst v10;
	s15 =	spop (v2sf)  }
0x183: {  	s0 =	rddreg [dreg:$0xb];
	[tilespmem:s25+$0x150] =	vst v60;
	(v2sf) =	vpush v2, $0xA;
	v10 =	vld [tilespmem:s10+$0x0];
	s14 =	spop (v2sf)  }
0x184: {  	v61 =	vld [tilespmem:s0+$0x0];
	(v2sf) =	vpush v1, $0xA;
	[tilespmem:s25+$0x390] =	vst v5;
	s21 =	spop (v2sf)  }
0x185: {  	[tilespmem:s30+$0xFFFFFE30] =	vst v6;
	(v2sf) =	vpush v3, $0xB;
	v5 =	vld [tilespmem:s15+$0x0];
	s29 =	spop (v2sf)  }
0x186: {  	[tilespmem:s30+$0xFFFFFC30] =	vst v7;
	v6 =	vld [tilespmem:s7+$0x0];
	(v2sf) =	vpush v2, $0xB;
	s28 =	spop (v2sf)  }
0x187: {  	v7 =	vld [tilespmem:s5+$0x0];
	[tilespmem:s30+$0x30] =	vst v8;
	(v2sf) =	vpush v1, $0xB;
	s24 =	spop (v2sf)  }
0x188: {  	v8 =	vld [tilespmem:s11+$0x0];
	(v2sf) =	vpush v3, $0xC;
	[tilespmem:s30+$0x240] =	vst v10;
	[smem:$0x7E8] =	sst s24  }
0x189: {  	[tilespmem:s25+$0xFFFFFD60] =	vst v61;
	(v2sf) =	vpush v2, $0xC;
	s24 =	rddreg [dreg:$0xd];
	v10 =	vld [tilespmem:s10+$0x10]  }
0x18a: {  	[smem:$0x7E5] =	sst s21;
	s21 =	spop (v2sf);
	(v2sf) =	vpush v1, $0xC;
	v62 =	vld [tilespmem:s24+$0x0];
	[tilespmem:s25+$0x3A0] =	vst v5  }
0x18b: {  	[tilespmem:s30+$0xFFFFFE40] =	vst v6;
	(v2sf) =	vpush v3, $0xD;
	s10 =	spop (v2sf);
	v5 =	vld [tilespmem:s15+$0x10]  }
0x18c: {  	[smem:$0x7E7] =	sst s21;
	[tilespmem:s30+$0xFFFFFC40] =	vst v7;
	v6 =	vld [tilespmem:s7+$0x10];
	s21 =	spop (v2sf);
	(v2sf) =	vpush v4, $0x4  }
0x18d: {  	v7 =	vld [tilespmem:s5+$0x10];
	[tilespmem:s30+$0x40] =	vst v8;
	s5 =	spop (v2sf);
	(v2sf) =	vpush v0, $0xF  }
0x18e: {  	s31 =	rddreg [dreg:$0xe];
	v0 =	vmov v4;
	v4 =	vld [tilespmem:s11+$0x10];
	(v2sf) =	vpush v2, $0xD;
	s7 =	spop (v2sf);
	[tilespmem:s30+$0x250] =	vst v10  }
0x18f: {  	v8 =	vld [tilespmem:s31+$0x0];
	(v2sf) =	vpush v1, $0xD;
	s11 =	spop (v2sf);
	[tilespmem:s25+$0xFFFFFF60] =	vst v62  }
0x190: {  	v63 =	vld [tilespmem:s11+$0x0];
	(v2sf) =	vpush v3, $0xE;
	s15 =	spop (v2sf);
	[tilespmem:s25+$0x3B0] =	vst v5  }
0x191: {  	[smem:$0x7E9] =	sst s10;
	[tilespmem:s30+$0xFFFFFE50] =	vst v6;
	s10 =	spop (v2sf);
	(v2sf) =	vpush v2, $0xE;
	v5 =	vld [tilespmem:s15+$0x0]  }
0x192: {  	[dreg:$0x19] =	wrdreg s21;
	[tilespmem:s30+$0xFFFFFC50] =	vst v7;
	v6 =	vld [tilespmem:s20+$0x0];
	s21 =	spop (v2sf);
	(v2sf) =	vpush v1, $0xE  }
0x193: {  	[dreg:$0x17] =	wrdreg s5;
	v7 =	vld [tilespmem:s4+$0x0];
	[tilespmem:s30+$0x50] =	vst v4;
	(v2sf) =	vpush v3, $0xF;
	s5 =	spop (v2sf)  }
0x194: {  	[dreg:$0x1a] =	wrdreg s7;
	v3 =	vld [tilespmem:s16+$0x0];
	[tilespmem:s25+$0x160] =	vst v8;
	s7 =	spop (v2sf);
	(v2sf) =	vpush v2, $0xF  }
0x195: {  	[dreg:$0x13] =	wrdreg s21;
	[tilespmem:s30+$0x260] =	vst v63;
	s21 =	spop (v2sf);
	(v2sf) =	vpush v1, $0xF;
	v1 =	vld [tilespmem:s0+$0x10]  }
0x196: {  	[dreg:$0x15] =	wrdreg s10;
	s10 =	smov.u32 s7;
	v2 =	vld [tilespmem:s11+$0x10];
	s7 =	spop (v2sf);
	[tilespmem:s25+$0x3C0] =	vst v5  }
0x197: {  	[tilespmem:s30+$0xFFFFFE60] =	vst v6;
	s11 =	spop (v2sf);
	v4 =	vld [tilespmem:s15+$0x10]  }
0x198: {  	[tilespmem:s30+$0xFFFFFC60] =	vst v7;
	v5 =	vld [tilespmem:s20+$0x10];
	s0 =	spop (v2sf)  }
0x199: {  	v6 =	vld [tilespmem:s4+$0x10];
	[tilespmem:s30+$0x60] =	vst v3;
	s4 =	spop (v2sf);
	(v2sf) =	vpush v0, $0x5  }
0x19a: {  	s1 =	smov.u32 s17;
	v3 =	vld [tilespmem:s16+$0x10];
	s17 =	spop (v2sf);
	[tilespmem:s25+$0xFFFFFD70] =	vst v1  }
0x19b: {  	[dreg:$0x11] =	wrdreg s5;
	v1 =	vld [tilespmem:s24+$0x10];
	[tilespmem:s30+$0x270] =	vst v2;
	s5 =	spop (v2sf)  }
0x19c: {  	[dreg:$0xb] =	wrdreg s10;
	v2 =	vld [tilespmem:s5+$0x0];
	s10 =	spop (v2sf);
	[tilespmem:s25+$0x3D0] =	vst v4  }
0x19d: {  	[tilespmem:s30+$0xFFFFFE70] =	vst v5;
	v4 =	vld [tilespmem:s10+$0x0]  }
0x19e: {  	s15 =	spop (v2sf);
	[tilespmem:s30+$0xFFFFFC70] =	vst v6;
	v5 =	vld [tilespmem:s18+$0x0]  }
0x19f: {  	s16 =	spop (v2sf);
	v6 =	vld [tilespmem:s12+$0x0];
	[tilespmem:s30+$0x70] =	vst v3  }
0x1a0: {  	s20 =	spop (v2sf);
	v3 =	vld [tilespmem:s13+$0x0];
	[tilespmem:s25+$0xFFFFFF70] =	vst v1  }
0x1a1: {  	s24 =	smov.u32 s21;
	v1 =	vld [tilespmem:s31+$0x10];
	s21 =	spop (v2sf);
	[tilespmem:s30+$0x280] =	vst v2  }
0x1a2: {  	[dreg:$0xd] =	wrdreg s24;
	s24 =	spop (v2sf);
	v2 =	vld [tilespmem:s5+$0x10];
	[tilespmem:s25+$0x3E0] =	vst v4  }
0x1a3: {  	[smem:$0x7EB] =	sst s24;
	s24 =	smov.u32 s7;
	s31 =	spop (v2sf);
	[tilespmem:s30+$0xFFFFFE80] =	vst v5;
	v4 =	vld [tilespmem:s10+$0x10]  }
0x1a4: {  	[dreg:$0xe] =	wrdreg s24;
	s24 =	spop (v2sf);
	[tilespmem:s30+$0xFFFFFC80] =	vst v6;
	v5 =	vld [tilespmem:s18+$0x10]  }
0x1a5: {  	s18 =	spop (v2sf);
	v6 =	vld [tilespmem:s12+$0x10];
	[tilespmem:s30+$0x80] =	vst v3;
	(v2sf) =	vpush v0, $0x6;
	s12 =	sld [smem:$0x7E3]  }
0x1a6: {  	s5 =	rddreg [dreg:$0xa];
	v3 =	vld [tilespmem:s13+$0x10];
	[tilespmem:s25+$0x170] =	vst v1  }
0x1a7: {  	v1 =	vld [tilespmem:s5+$0x0];
	[tilespmem:s30+$0x290] =	vst v2  }
0x1a8: {  	v2 =	vld [tilespmem:s12+$0x0];
	s10 =	spop (v2sf);
	[tilespmem:s25+$0x3F0] =	vst v4  }
0x1a9: {  	[tilespmem:s30+$0xFFFFFE90] =	vst v5;
	v4 =	vld [tilespmem:s10+$0x0]  }
0x1aa: {  	[tilespmem:s30+$0xFFFFFC90] =	vst v6;
	v5 =	vld [tilespmem:s8+$0x0]  }
0x1ab: {  	v6 =	vld [tilespmem:s6+$0x0];
	[tilespmem:s30+$0x90] =	vst v3  }
0x1ac: {  	[tilespmem:s25+$0xFFFFFD80] =	vst v1;
	v3 =	vld [tilespmem:s9+$0x0]  }
0x1ad: {  	v1 =	vld [tilespmem:s19+$0x0];
	[tilespmem:s25+$0xFFFFFF80] =	vst v2  }
0x1ae: {  	v2 =	vld [tilespmem:s5+$0x10];
	[tilespmem:s30+$0x2A0] =	vst v4  }
0x1af: {  	[tilespmem:s30+$0xFFFFFEA0] =	vst v5;
	v4 =	vld [tilespmem:s10+$0x10]  }
0x1b0: {  	[tilespmem:s30+$0xFFFFFCA0] =	vst v6;
	v5 =	vld [tilespmem:s8+$0x10]  }
0x1b1: {  	(v2sf) =	vpush v0, $0x7;
	v6 =	vld [tilespmem:s6+$0x10];
	[tilespmem:s30+$0xA0] =	vst v3  }
0x1b2: {  	v3 =	vld [tilespmem:s9+$0x10];
	[tilespmem:s25+$0x180] =	vst v1  }
0x1b3: {  	[tilespmem:s25+$0xFFFFFD90] =	vst v2;
	v1 =	vld [tilespmem:s12+$0x10]  }
0x1b4: {  	v2 =	vld [tilespmem:s19+$0x10];
	s7 =	spop (v2sf);
	[tilespmem:s30+$0x2B0] =	vst v4  }
0x1b5: {  	[tilespmem:s30+$0xFFFFFEB0] =	vst v5;
	v4 =	vld [tilespmem:s7+$0x0]  }
0x1b6: {  	s8 =	sld [smem:$0x7E4];
	[tilespmem:s30+$0xFFFFFCB0] =	vst v6;
	v5 =	vld [tilespmem:s2+$0x0]  }
0x1b7: {  	v6 =	vld [tilespmem:s22+$0x0];
	[tilespmem:s30+$0xB0] =	vst v3  }
0x1b8: {  	[tilespmem:s25+$0xFFFFFF90] =	vst v1;
	v3 =	vld [tilespmem:s14+$0x0]  }
0x1b9: {  	v1 =	vld [tilespmem:s8+$0x0];
	[tilespmem:s25+$0x190] =	vst v2  }
0x1ba: {  	v2 =	vld [tilespmem:s1+$0x0];
	[tilespmem:s30+$0x2C0] =	vst v4  }
0x1bb: {  	[tilespmem:s30+$0xFFFFFEC0] =	vst v5;
	v4 =	vld [tilespmem:s7+$0x10]  }
0x1bc: {  	[tilespmem:s30+$0xFFFFFCC0] =	vst v6;
	v5 =	vld [tilespmem:s2+$0x10]  }
0x1bd: {  	(v2sf) =	vpush v0, $0x8;
	v6 =	vld [tilespmem:s22+$0x10];
	[tilespmem:s30+$0xC0] =	vst v3  }
0x1be: {  	[tilespmem:s25+$0xFFFFFDA0] =	vst v1;
	v3 =	vld [tilespmem:s14+$0x10]  }
0x1bf: {  	[tilespmem:s25+$0xFFFFFFA0] =	vst v2;
	v2 =	vld [tilespmem:s8+$0x10]  }
0x1c0: {  	s10 =	sld [smem:$0x7E5];
	s9 =	spop (v2sf);
	v1 =	vld [tilespmem:s23+$0x0];
	[tilespmem:s30+$0x2D0] =	vst v4  }
0x1c1: {  	[tilespmem:s30+$0xFFFFFED0] =	vst v5;
	v4 =	vld [tilespmem:s9+$0x0]  }
0x1c2: {  	[tilespmem:s30+$0xFFFFFCD0] =	vst v6;
	v5 =	vld [tilespmem:s29+$0x0]  }
0x1c3: {  	v6 =	vld [tilespmem:s10+$0x0];
	[tilespmem:s30+$0xD0] =	vst v3  }
0x1c4: {  	[tilespmem:s25+$0xFFFFFDB0] =	vst v2;
	v3 =	vld [tilespmem:s28+$0x0]  }
0x1c5: {  	[tilespmem:s25+$0x1A0] =	vst v1;
	v1 =	vld [tilespmem:s1+$0x10]  }
0x1c6: {  	v2 =	vld [tilespmem:s23+$0x10];
	[tilespmem:s30+$0x2E0] =	vst v4  }
0x1c7: {  	s13 =	smov.u32 s11;
	[tilespmem:s30+$0xFFFFFEE0] =	vst v5;
	v4 =	vld [tilespmem:s9+$0x10]  }
0x1c8: {  	[dreg:$0xa] =	wrdreg s13;
	[tilespmem:s30+$0xFFFFFCE0] =	vst v6;
	v5 =	vld [tilespmem:s29+$0x10]  }
0x1c9: {  	(v2sf) =	vpush v0, $0x9;
	s14 =	sld [smem:$0x7E6];
	v6 =	vld [tilespmem:s10+$0x10];
	[tilespmem:s30+$0xE0] =	vst v3  }
0x1ca: {  	s5 =	smov.u32 s17;
	s12 =	rddreg [dreg:$0x1e];
	[tilespmem:s25+$0xFFFFFFB0] =	vst v1;
	v3 =	vld [tilespmem:s28+$0x10]  }
0x1cb: {  	s17 =	smov.u32 s15;
	s15 =	smov.u32 s16;
	s16 =	sld [smem:$0x7E7];
	v1 =	vld [tilespmem:s12+$0x0];
	[tilespmem:s25+$0x1B0] =	vst v2  }
0x1cc: {  	s22 =	sld [smem:$0x7E8];
	s13 =	spop (v2sf);
	v2 =	vld [tilespmem:s14+$0x0];
	[tilespmem:s30+$0x2F0] =	vst v4  }
0x1cd: {  	s23 =	sld [smem:$0x7E9];
	[tilespmem:s30+$0xFFFFFEF0] =	vst v5;
	v4 =	vld [tilespmem:s13+$0x0]  }
0x1ce: {  	[tilespmem:s30+$0xFFFFFCF0] =	vst v6;
	v5 =	vld [tilespmem:s16+$0x0]  }
0x1cf: {  	s28 =	sld [smem:$0x7EA];
	v6 =	vld [tilespmem:s22+$0x0];
	[tilespmem:s30+$0xF0] =	vst v3  }
0x1d0: {  	[tilespmem:s25+$0xFFFFFDC0] =	vst v1;
	v7 =	vld [tilespmem:s23+$0x0]  }
0x1d1: {  	[tilespmem:s25+$0xFFFFFFC0] =	vst v2;
	v2 =	vld [tilespmem:s12+$0x10]  }
0x1d2: {  	v1 =	vld [tilespmem:s28+$0x0];
	[tilespmem:s30+$0x300] =	vst v4  }
0x1d3: {  	s26 =	sadd.s32 $0x4, s26;
	[tilespmem:s30+$0xFFFFFF00] =	vst v5;
	v5 =	vld [tilespmem:s13+$0x10]  }
0x1d4: {  	p1 =	slt.u32 s26, $0x38;
	[tilespmem:s30+$0xFFFFFD00] =	vst v6;
	v6 =	vld [tilespmem:s16+$0x10]  }
.Ltmp2:
0x1d5: {  	v3 =	vld [tilespmem:s22+$0x10];
	[tilespmem:s30+$0x100] =	vst v7;
	(pc) =	sbr.rel @p1 .LBB2_3-.Ltmp2, $4  }
0x1d6: {  	s29 =	sld [smem:$0x7EB];
	[tilespmem:s25+$0xFFFFFDD0] =	vst v2;
	v4 =	vld [tilespmem:s23+$0x10]  }
0x1d7: {  	s3 =	sadd.s32 $0x40, s3;
	[tilespmem:s25+$0x1C0] =	vst v1;
	v1 =	vld [tilespmem:s14+$0x10]  }
0x1d8: {  	s11 =	smov.u32 s0;
	s19 =	smov.u32 s4;
	s0 =	spop (v2sf);
	v2 =	vld [tilespmem:s28+$0x10];
	[tilespmem:s30+$0x310] =	vst v5  }
0x1d9: {  	s4 =	smov.u32 s20;
	s7 =	smov.u32 s21;
	(v2sf) =	vpush v0, $0xA;
	s10 =	smov.u32 s29;
	[tilespmem:s30+$0xFFFFFF10] =	vst v6;
	v5 =	vld [tilespmem:s0+$0x0]  }
0x1da: {  	_ = 	snop  }
0x1db: {  	[tilespmem:s30+$0xFFFFFD10] =	vst v3  }
0x1dc: {  	s2 =	rddreg [dreg:$0x19];
	[tilespmem:s30+$0x110] =	vst v4  }
0x1dd: {  	v3 =	vld [tilespmem:s2+$0x0];
	s1 =	rddreg [dreg:$0x17]  }
0x1de: {  	s3 =	rddreg [dreg:$0x1a];
	v51 =	vld [tilespmem:s1+$0x0]  }
0x1df: {  	v6 =	vld [tilespmem:s3+$0x0];
	_ =	sdelay $0x1  }
0x1e0: {  	[tilespmem:s30+$0x320] =	vst v5  }
0x1e1: {  	v5 =	vld [tilespmem:s0+$0x10];
	[tilespmem:s30+$0xFFFFFD20] =	vst v3  }
0x1e2: {  	v3 =	vld [tilespmem:s2+$0x10];
	[tilespmem:s30+$0xFFFFFF20] =	vst v51  }
0x1e3: {  	[tilespmem:s30+$0x120] =	vst v6;
	v4 =	vld [tilespmem:s1+$0x10]  }
0x1e4: {  	v6 =	vld [tilespmem:s3+$0x10];
	_ =	sdelay $0x1  }
0x1e5: {  	(v2sf) =	vpush v0, $0xB;
	[tilespmem:s30+$0x330] =	vst v5  }
0x1e6: {  	[tilespmem:s30+$0xFFFFFD30] =	vst v3;
	s1 =	spop (v2sf)  }
0x1e7: {  	s2 =	rddreg [dreg:$0x15];
	[tilespmem:s30+$0xFFFFFF30] =	vst v4;
	v5 =	vld [tilespmem:s1+$0x0]  }
0x1e8: {  	v3 =	vld [tilespmem:s2+$0x0];
	s6 =	rddreg [dreg:$0x13];
	[tilespmem:s30+$0x130] =	vst v6  }
0x1e9: {  	v4 =	vld [tilespmem:s6+$0x0];
	s8 =	rddreg [dreg:$0x11]  }
0x1ea: {  	v6 =	vld [tilespmem:s8+$0x0];
	_ =	sdelay $0x1  }
0x1eb: {  	[tilespmem:s30+$0x340] =	vst v5  }
0x1ec: {  	[tilespmem:s30+$0xFFFFFD40] =	vst v3;
	v5 =	vld [tilespmem:s1+$0x10]  }
0x1ed: {  	v3 =	vld [tilespmem:s2+$0x10];
	[tilespmem:s30+$0xFFFFFF40] =	vst v4  }
0x1ee: {  	v4 =	vld [tilespmem:s6+$0x10];
	[tilespmem:s30+$0x140] =	vst v6  }
0x1ef: {  	v6 =	vld [tilespmem:s8+$0x10];
	_ =	sdelay $0x1  }
0x1f0: {  	(v2sf) =	vpush v0, $0xC;
	[tilespmem:s30+$0x350] =	vst v5  }
0x1f1: {  	[tilespmem:s30+$0xFFFFFD50] =	vst v3  }
0x1f2: {  	s9 =	spop (v2sf);
	[tilespmem:s30+$0xFFFFFF50] =	vst v4  }
0x1f3: {  	v5 =	vld [tilespmem:s9+$0x0];
	s12 =	rddreg [dreg:$0xb];
	[tilespmem:s30+$0x150] =	vst v6  }
0x1f4: {  	v3 =	vld [tilespmem:s12+$0x0];
	s13 =	rddreg [dreg:$0xd]  }
0x1f5: {  	v4 =	vld [tilespmem:s13+$0x0]  }
0x1f6: {  	s14 =	rddreg [dreg:$0xe]  }
0x1f7: {  	v6 =	vld [tilespmem:s14+$0x0]  }
0x1f8: {  	[tilespmem:s30+$0x360] =	vst v5  }
0x1f9: {  	v5 =	vld [tilespmem:s9+$0x10];
	[tilespmem:s30+$0xFFFFFD60] =	vst v3  }
0x1fa: {  	v3 =	vld [tilespmem:s12+$0x10];
	[tilespmem:s30+$0xFFFFFF60] =	vst v4  }
0x1fb: {  	v4 =	vld [tilespmem:s13+$0x10]  }
0x1fc: {  	(v2sf) =	vpush v0, $0xD;
	[tilespmem:s30+$0x160] =	vst v6  }
0x1fd: {  	v6 =	vld [tilespmem:s14+$0x10]  }
0x1fe: {  	[tilespmem:s30+$0x370] =	vst v5  }
0x1ff: {  	s16 =	spop (v2sf);
	[tilespmem:s30+$0xFFFFFD70] =	vst v3  }
0x200: {  	v5 =	vld [tilespmem:s16+$0x0];
	[tilespmem:s30+$0xFFFFFF70] =	vst v4  }
0x201: {  	s20 =	rddreg [dreg:$0xa];
	v4 =	vld [tilespmem:s11+$0x0]  }
0x202: {  	[tilespmem:s30+$0x170] =	vst v6;
	v3 =	vld [tilespmem:s20+$0x0]  }
0x203: {  	v6 =	vld [tilespmem:s19+$0x0];
	_ =	sdelay $0x1  }
0x204: {  	[tilespmem:s30+$0x380] =	vst v5  }
0x205: {  	v5 =	vld [tilespmem:s16+$0x10];
	[tilespmem:s30+$0xFFFFFF80] =	vst v4  }
0x206: {  	[tilespmem:s30+$0xFFFFFD80] =	vst v3;
	v4 =	vld [tilespmem:s11+$0x10]  }
0x207: {  	(v2sf) =	vpush v0, $0xE;
	[tilespmem:s30+$0x180] =	vst v6;
	v3 =	vld [tilespmem:s20+$0x10]  }
0x208: {  	v6 =	vld [tilespmem:s19+$0x10];
	_ =	sdelay $0x1  }
0x209: {  	s21 =	spop (v2sf);
	[tilespmem:s30+$0x390] =	vst v5  }
0x20a: {  	v5 =	vld [tilespmem:s21+$0x0];
	[tilespmem:s30+$0xFFFFFF90] =	vst v4  }
0x20b: {  	[tilespmem:s30+$0xFFFFFD90] =	vst v3;
	v4 =	vld [tilespmem:s17+$0x0]  }
0x20c: {  	[tilespmem:s30+$0x190] =	vst v6;
	v3 =	vld [tilespmem:s5+$0x0]  }
0x20d: {  	v6 =	vld [tilespmem:s15+$0x0];
	_ =	sdelay $0x1  }
0x20e: {  	[tilespmem:s30+$0x3A0] =	vst v5  }
0x20f: {  	v5 =	vld [tilespmem:s21+$0x10];
	[tilespmem:s30+$0xFFFFFFA0] =	vst v4  }
0x210: {  	[tilespmem:s30+$0xFFFFFDA0] =	vst v3;
	v4 =	vld [tilespmem:s17+$0x10]  }
0x211: {  	[tilespmem:s30+$0x1A0] =	vst v6;
	v3 =	vld [tilespmem:s5+$0x10]  }
0x212: {  	(v2sf) =	vpush v0, $0xF;
	[tilespmem:s25+$0xFFFFFFD0] =	vst v1;
	v52 =	vld [tilespmem:s15+$0x10]  }
0x213: {  	[tilespmem:s25+$0x1D0] =	vst v2  }
0x214: {  	s22 =	spop (v2sf);
	[tilespmem:s30+$0x3B0] =	vst v5  }
0x215: {  	v5 =	vld [tilespmem:s22+$0x0];
	[tilespmem:s30+$0xFFFFFFB0] =	vst v4  }
0x216: {  	[tilespmem:s30+$0xFFFFFDB0] =	vst v3;
	v53 =	vld [tilespmem:s7+$0x0]  }
0x217: {  	[tilespmem:s30+$0x1B0] =	vst v52;
	v3 =	vld [tilespmem:s4+$0x0]  }
0x218: {  	v54 =	vld [tilespmem:s10+$0x0];
	s23 =	rddreg [dreg:$0x8]  }
0x219: {  	s26 =	rddreg [dreg:$0x4];
	v55 =	vld [tilespmem:s23+$0x0]  }
0x21a: {  	v56 =	vld [tilespmem:s26+$0x0];
	[tilespmem:s30+$0x3C0] =	vst v5  }
0x21b: {  	[tilespmem:s30+$0xFFFFFFC0] =	vst v53  }
0x21c: {  	v5 =	vld [tilespmem:s22+$0x10];
	[tilespmem:s30+$0xFFFFFDC0] =	vst v3  }
0x21d: {  	v0 =	vld [tilespmem:s7+$0x10];
	[tilespmem:s30+$0x1C0] =	vst v54  }
0x21e: {  	v3 =	vld [tilespmem:s4+$0x10];
	[tilespmem:s25+$0xFFFFFDE0] =	vst v55  }
0x21f: {  	v1 =	vld [tilespmem:s10+$0x10];
	[tilespmem:s25+$0xFFFFFFE0] =	vst v56  }
0x220: {  	s28 =	rddreg [dreg:$0x5];
	v58 =	vld [tilespmem:s23+$0x10]  }
0x221: {  	s29 =	spop (v2sf);
	[tilespmem:s30+$0x3D0] =	vst v5;
	v57 =	vld [tilespmem:s28+$0x0]  }
0x222: {  	v5 =	vld [tilespmem:s29+$0x0];
	[tilespmem:s30+$0xFFFFFFD0] =	vst v0  }
0x223: {  	[tilespmem:s30+$0xFFFFFDD0] =	vst v3;
	v60 =	vld [tilespmem:s24+$0x0]  }
0x224: {  	[tilespmem:s30+$0x1D0] =	vst v1;
	v59 =	vld [tilespmem:s31+$0x0]  }
0x225: {  	v61 =	vld [tilespmem:s18+$0x0];
	[tilespmem:s25+$0xFFFFFDF0] =	vst v58  }
0x226: {  	v62 =	vld [tilespmem:s26+$0x10];
	[tilespmem:s25+$0x1E0] =	vst v57  }
0x227: {  	[tilespmem:s30+$0x3E0] =	vst v5;
	v63 =	vld [tilespmem:s28+$0x10]  }
0x228: {  	v5 =	vld [tilespmem:s29+$0x10];
	[tilespmem:s30+$0xFFFFFFE0] =	vst v60  }
0x229: {  	[tilespmem:s30+$0xFFFFFDE0] =	vst v59;
	v1 =	vld [tilespmem:s24+$0x10]  }
0x22a: {  	[tilespmem:s30+$0x1E0] =	vst v61;
	v0 =	vld [tilespmem:s31+$0x10]  }
0x22b: {  	[tilespmem:s25+$0xFFFFFFF0] =	vst v62;
	v2 =	vld [tilespmem:s18+$0x10]  }
0x22c: {  	[tilespmem:s25+$0x1F0] =	vst v63  }
0x22d: {  	[tilespmem:s30+$0x3F0] =	vst v5  }
0x22e: {  	[tilespmem:s30+$0xFFFFFFF0] =	vst v1  }
0x22f: {  	[tilespmem:s30+$0xFFFFFDF0] =	vst v0  }
0x230: {  	s0 =	simm.s32 $0x0;
	s1 =	simm.s32 $0x7C0;
	s4 =	simm.s32 $0x0;
	[tilespmem:s30+$0x1F0] =	vst v2  }
.LBB2_5:
0x231: {  	v0 =	vld [tilespmem:s1+$0x0];
	_ =	sdelay $0x4  }
0x232: {  	v0 =	vshll.u32 v0, $0x5  }
0x233: {  	(v2sf) =	vpush v0, $0x0;
	_ =	sdelay $0xb  }
0x234: {  	(v2sf) =	vpush v0, $0x1;
	_ =	sdelay $0x2  }
0x235: {  	s3 =	spop (v2sf)  }
0x236: {  	v1 =	vld [tilespmem:s3+$0x0];
	_ =	sdelay $0x3  }
0x237: {  	s2 =	sshra.s32 s0, $0x2  }
0x238: {  	[tilespmem:s2+$0x83D0] =	vst v1  }
0x239: {  	v1 =	vld [tilespmem:s3+$0x10];
	_ =	sdelay $0x1  }
0x23a: {  	(v2sf) =	vpush v0, $0x2;
	_ =	sdelay $0x2  }
0x23b: {  	s16 =	spop (v2sf);
	[tilespmem:s2+$0x83E0] =	vst v1  }
0x23c: {  	v1 =	vld [tilespmem:s16+$0x0];
	_ =	sdelay $0x4  }
0x23d: {  	[tilespmem:s2+$0x83F0] =	vst v1  }
0x23e: {  	v1 =	vld [tilespmem:s16+$0x10];
	_ =	sdelay $0x1  }
0x23f: {  	(v2sf) =	vpush v0, $0x3;
	_ =	sdelay $0x2  }
0x240: {  	s17 =	spop (v2sf);
	[tilespmem:s2+$0x8400] =	vst v1  }
0x241: {  	v1 =	vld [tilespmem:s17+$0x0];
	_ =	sdelay $0x4  }
0x242: {  	[tilespmem:s2+$0x8410] =	vst v1  }
0x243: {  	v1 =	vld [tilespmem:s17+$0x10];
	_ =	sdelay $0x1  }
0x244: {  	(v2sf) =	vpush v0, $0x4;
	_ =	sdelay $0x2  }
0x245: {  	s18 =	spop (v2sf);
	[tilespmem:s2+$0x8420] =	vst v1  }
0x246: {  	v1 =	vld [tilespmem:s18+$0x0];
	_ =	sdelay $0x4  }
0x247: {  	[tilespmem:s2+$0x8430] =	vst v1  }
0x248: {  	v1 =	vld [tilespmem:s18+$0x10];
	_ =	sdelay $0x1  }
0x249: {  	(v2sf) =	vpush v0, $0x5;
	_ =	sdelay $0x2  }
0x24a: {  	s19 =	spop (v2sf);
	[tilespmem:s2+$0x8440] =	vst v1  }
0x24b: {  	v1 =	vld [tilespmem:s19+$0x0];
	_ =	sdelay $0x4  }
0x24c: {  	[tilespmem:s2+$0x8450] =	vst v1  }
0x24d: {  	v1 =	vld [tilespmem:s19+$0x10];
	_ =	sdelay $0x1  }
0x24e: {  	(v2sf) =	vpush v0, $0x6;
	_ =	sdelay $0x2  }
0x24f: {  	s20 =	spop (v2sf);
	[tilespmem:s2+$0x8460] =	vst v1  }
0x250: {  	v1 =	vld [tilespmem:s20+$0x0];
	_ =	sdelay $0x4  }
0x251: {  	[tilespmem:s2+$0x8470] =	vst v1  }
0x252: {  	v1 =	vld [tilespmem:s20+$0x10];
	_ =	sdelay $0x1  }
0x253: {  	(v2sf) =	vpush v0, $0x7;
	_ =	sdelay $0x2  }
0x254: {  	s21 =	spop (v2sf);
	[tilespmem:s2+$0x8480] =	vst v1  }
0x255: {  	v1 =	vld [tilespmem:s21+$0x0];
	_ =	sdelay $0x4  }
0x256: {  	[tilespmem:s2+$0x8490] =	vst v1  }
0x257: {  	v1 =	vld [tilespmem:s21+$0x10];
	_ =	sdelay $0x1  }
0x258: {  	(v2sf) =	vpush v0, $0x8;
	_ =	sdelay $0x2  }
0x259: {  	s22 =	spop (v2sf);
	[tilespmem:s2+$0x84A0] =	vst v1  }
0x25a: {  	v1 =	vld [tilespmem:s22+$0x0];
	_ =	sdelay $0x4  }
0x25b: {  	[tilespmem:s2+$0x84B0] =	vst v1  }
0x25c: {  	v1 =	vld [tilespmem:s22+$0x10];
	_ =	sdelay $0x1  }
0x25d: {  	(v2sf) =	vpush v0, $0x9;
	_ =	sdelay $0x2  }
0x25e: {  	s23 =	spop (v2sf);
	[tilespmem:s2+$0x84C0] =	vst v1  }
0x25f: {  	v1 =	vld [tilespmem:s23+$0x0];
	_ =	sdelay $0x4  }
0x260: {  	[tilespmem:s2+$0x84D0] =	vst v1  }
0x261: {  	v1 =	vld [tilespmem:s23+$0x10];
	_ =	sdelay $0x1  }
0x262: {  	(v2sf) =	vpush v0, $0xA;
	_ =	sdelay $0x2  }
0x263: {  	s24 =	spop (v2sf);
	[tilespmem:s2+$0x84E0] =	vst v1  }
0x264: {  	v1 =	vld [tilespmem:s24+$0x0];
	_ =	sdelay $0x4  }
0x265: {  	[tilespmem:s2+$0x84F0] =	vst v1  }
0x266: {  	v1 =	vld [tilespmem:s24+$0x10];
	_ =	sdelay $0x1  }
0x267: {  	(v2sf) =	vpush v0, $0xB;
	_ =	sdelay $0x2  }
0x268: {  	s25 =	spop (v2sf);
	[tilespmem:s2+$0x8500] =	vst v1  }
0x269: {  	v1 =	vld [tilespmem:s25+$0x0];
	_ =	sdelay $0x4  }
0x26a: {  	[tilespmem:s2+$0x8510] =	vst v1  }
0x26b: {  	v1 =	vld [tilespmem:s25+$0x10];
	_ =	sdelay $0x1  }
0x26c: {  	(v2sf) =	vpush v0, $0xC;
	_ =	sdelay $0x2  }
0x26d: {  	s26 =	spop (v2sf);
	[tilespmem:s2+$0x8520] =	vst v1  }
0x26e: {  	v1 =	vld [tilespmem:s26+$0x0];
	_ =	sdelay $0x4  }
0x26f: {  	[tilespmem:s2+$0x8530] =	vst v1  }
0x270: {  	v1 =	vld [tilespmem:s26+$0x10];
	_ =	sdelay $0x1  }
0x271: {  	(v2sf) =	vpush v0, $0xD;
	_ =	sdelay $0x2  }
0x272: {  	s28 =	spop (v2sf);
	[tilespmem:s2+$0x8540] =	vst v1  }
0x273: {  	v1 =	vld [tilespmem:s28+$0x0];
	_ =	sdelay $0x4  }
0x274: {  	[tilespmem:s2+$0x8550] =	vst v1  }
0x275: {  	v1 =	vld [tilespmem:s28+$0x10];
	_ =	sdelay $0x1  }
0x276: {  	(v2sf) =	vpush v0, $0xE;
	_ =	sdelay $0x2  }
0x277: {  	s29 =	spop (v2sf);
	[tilespmem:s2+$0x8560] =	vst v1  }
0x278: {  	v1 =	vld [tilespmem:s29+$0x0];
	_ =	sdelay $0x4  }
0x279: {  	[tilespmem:s2+$0x8570] =	vst v1  }
0x27a: {  	v1 =	vld [tilespmem:s29+$0x10];
	_ =	sdelay $0x1  }
0x27b: {  	(v2sf) =	vpush v0, $0xF;
	_ =	sdelay $0x2  }
0x27c: {  	s30 =	spop (v2sf);
	[tilespmem:s2+$0x8580] =	vst v1  }
0x27d: {  	v63 =	vld [tilespmem:s30+$0x0];
	_ =	sdelay $0x4  }
0x27e: {  	[tilespmem:s2+$0x8590] =	vst v63  }
0x27f: {  	v0 =	vld [tilespmem:s30+$0x10];
	_ =	sdelay $0x4  }
0x280: {  	s31 =	spop (v2sf);
	[tilespmem:s2+$0x85A0] =	vst v0  }
0x281: {  	v0 =	vld [tilespmem:s31+$0x0];
	_ =	sdelay $0x4  }
0x282: {  	[tilespmem:s2+$0x85B0] =	vst v0  }
0x283: {  	p1 =	sne.s32 s0, $0x800;
	v0 =	vld [tilespmem:s31+$0x10]  }
.Ltmp3:
0x284: {  	_ = 	snop;
	(pc) =	sbr.rel @p1 .LBB2_5-.Ltmp3, $2  }
0x285: {  	_ =	sdelay $0x2  }
0x286: {  	s1 =	sadd.s32 $0x10, s1;
	s0 =	sadd.s32 $0x800, s0;
	[tilespmem:s2+$0x85C0] =	vst v0  }
0x287: {  	v0 =	vld [tilespmem:$0x7D8];
	_ =	sdelay $0x4  }
0x288: {  	v0 =	vshll.u32 v0, $0x5  }
0x289: {  	(v2sf) =	vpush v0, $0x0;
	_ =	sdelay $0xb  }
0x28a: {  	(v2sf) =	vpush v0, $0x1;
	_ =	sdelay $0x2  }
0x28b: {  	s0 =	spop (v2sf)  }
0x28c: {  	v1 =	vld [tilespmem:s0+$0x0];
	_ =	sdelay $0x4  }
0x28d: {  	[tilespmem:$0x86D0] =	vst v1  }
0x28e: {  	v1 =	vld [tilespmem:s0+$0x10];
	_ =	sdelay $0x1  }
0x28f: {  	(v2sf) =	vpush v0, $0x2;
	_ =	sdelay $0x2  }
0x290: {  	s9 =	spop (v2sf);
	[tilespmem:$0x86E0] =	vst v1  }
0x291: {  	v1 =	vld [tilespmem:s9+$0x0];
	_ =	sdelay $0x4  }
0x292: {  	[tilespmem:$0x86F0] =	vst v1  }
0x293: {  	v1 =	vld [tilespmem:s9+$0x10];
	_ =	sdelay $0x1  }
0x294: {  	(v2sf) =	vpush v0, $0x3;
	_ =	sdelay $0x2  }
0x295: {  	s10 =	spop (v2sf);
	[tilespmem:$0x8700] =	vst v1  }
0x296: {  	v1 =	vld [tilespmem:s10+$0x0];
	_ =	sdelay $0x4  }
0x297: {  	[tilespmem:$0x8710] =	vst v1  }
0x298: {  	v1 =	vld [tilespmem:s10+$0x10];
	_ =	sdelay $0x1  }
0x299: {  	(v2sf) =	vpush v0, $0x4;
	_ =	sdelay $0x2  }
0x29a: {  	s11 =	spop (v2sf);
	[tilespmem:$0x8720] =	vst v1  }
0x29b: {  	v1 =	vld [tilespmem:s11+$0x0];
	_ =	sdelay $0x4  }
0x29c: {  	[tilespmem:$0x8730] =	vst v1  }
0x29d: {  	v1 =	vld [tilespmem:s11+$0x10];
	_ =	sdelay $0x1  }
0x29e: {  	(v2sf) =	vpush v0, $0x5;
	_ =	sdelay $0x2  }
0x29f: {  	s12 =	spop (v2sf);
	[tilespmem:$0x8740] =	vst v1  }
0x2a0: {  	v1 =	vld [tilespmem:s12+$0x0];
	_ =	sdelay $0x4  }
0x2a1: {  	[tilespmem:$0x8750] =	vst v1  }
0x2a2: {  	v1 =	vld [tilespmem:s12+$0x10];
	_ =	sdelay $0x1  }
0x2a3: {  	(v2sf) =	vpush v0, $0x6;
	_ =	sdelay $0x2  }
0x2a4: {  	s13 =	spop (v2sf);
	[tilespmem:$0x8760] =	vst v1  }
0x2a5: {  	v1 =	vld [tilespmem:s13+$0x0];
	_ =	sdelay $0x4  }
0x2a6: {  	[tilespmem:$0x8770] =	vst v1  }
0x2a7: {  	v1 =	vld [tilespmem:s13+$0x10];
	_ =	sdelay $0x1  }
0x2a8: {  	(v2sf) =	vpush v0, $0x7;
	_ =	sdelay $0x2  }
0x2a9: {  	s14 =	spop (v2sf);
	[tilespmem:$0x8780] =	vst v1  }
0x2aa: {  	v1 =	vld [tilespmem:s14+$0x0];
	_ =	sdelay $0x4  }
0x2ab: {  	[tilespmem:$0x8790] =	vst v1  }
0x2ac: {  	v1 =	vld [tilespmem:s14+$0x10];
	_ =	sdelay $0x1  }
0x2ad: {  	(v2sf) =	vpush v0, $0x8;
	_ =	sdelay $0x2  }
0x2ae: {  	s15 =	spop (v2sf);
	[tilespmem:$0x87A0] =	vst v1  }
0x2af: {  	v1 =	vld [tilespmem:s15+$0x0];
	_ =	sdelay $0x4  }
0x2b0: {  	[tilespmem:$0x87B0] =	vst v1  }
0x2b1: {  	v1 =	vld [tilespmem:s15+$0x10];
	_ =	sdelay $0x1  }
0x2b2: {  	(v2sf) =	vpush v0, $0x9;
	_ =	sdelay $0x2  }
0x2b3: {  	s16 =	spop (v2sf);
	[tilespmem:$0x87C0] =	vst v1  }
0x2b4: {  	v1 =	vld [tilespmem:s16+$0x0];
	_ =	sdelay $0x4  }
0x2b5: {  	[tilespmem:$0x87D0] =	vst v1  }
0x2b6: {  	v1 =	vld [tilespmem:s16+$0x10];
	_ =	sdelay $0x1  }
0x2b7: {  	(v2sf) =	vpush v0, $0xA;
	_ =	sdelay $0x2  }
0x2b8: {  	s17 =	spop (v2sf);
	[tilespmem:$0x87E0] =	vst v1  }
0x2b9: {  	v1 =	vld [tilespmem:s17+$0x0];
	_ =	sdelay $0x4  }
0x2ba: {  	[tilespmem:$0x87F0] =	vst v1  }
0x2bb: {  	v1 =	vld [tilespmem:s17+$0x10];
	_ =	sdelay $0x1  }
0x2bc: {  	(v2sf) =	vpush v0, $0xB;
	_ =	sdelay $0x2  }
0x2bd: {  	s18 =	spop (v2sf);
	[tilespmem:$0x8800] =	vst v1  }
0x2be: {  	v1 =	vld [tilespmem:s18+$0x0];
	_ =	sdelay $0x4  }
0x2bf: {  	[tilespmem:$0x8810] =	vst v1  }
0x2c0: {  	v1 =	vld [tilespmem:s18+$0x10];
	_ =	sdelay $0x1  }
0x2c1: {  	(v2sf) =	vpush v0, $0xC;
	_ =	sdelay $0x2  }
0x2c2: {  	s19 =	spop (v2sf);
	[tilespmem:$0x8820] =	vst v1  }
0x2c3: {  	v1 =	vld [tilespmem:s19+$0x0];
	_ =	sdelay $0x4  }
0x2c4: {  	[tilespmem:$0x8830] =	vst v1  }
0x2c5: {  	v1 =	vld [tilespmem:s19+$0x10];
	_ =	sdelay $0x1  }
0x2c6: {  	(v2sf) =	vpush v0, $0xD;
	_ =	sdelay $0x2  }
0x2c7: {  	s20 =	spop (v2sf);
	[tilespmem:$0x8840] =	vst v1  }
0x2c8: {  	v1 =	vld [tilespmem:s20+$0x0];
	_ =	sdelay $0x4  }
0x2c9: {  	[tilespmem:$0x8850] =	vst v1  }
0x2ca: {  	v1 =	vld [tilespmem:s20+$0x10];
	_ =	sdelay $0x1  }
0x2cb: {  	(v2sf) =	vpush v0, $0xE;
	_ =	sdelay $0x2  }
0x2cc: {  	s21 =	spop (v2sf);
	[tilespmem:$0x8860] =	vst v1  }
0x2cd: {  	v1 =	vld [tilespmem:s21+$0x0];
	_ =	sdelay $0x4  }
0x2ce: {  	[tilespmem:$0x8870] =	vst v1  }
0x2cf: {  	v1 =	vld [tilespmem:s21+$0x10];
	_ =	sdelay $0x1  }
0x2d0: {  	(v2sf) =	vpush v0, $0xF;
	_ =	sdelay $0x2  }
0x2d1: {  	s22 =	spop (v2sf);
	[tilespmem:$0x8880] =	vst v1  }
0x2d2: {  	v0 =	vld [tilespmem:s22+$0x0];
	_ =	sdelay $0x4  }
0x2d3: {  	[tilespmem:$0x8890] =	vst v0  }
0x2d4: {  	v0 =	vld [tilespmem:s22+$0x10];
	_ =	sdelay $0x4  }
0x2d5: {  	s23 =	spop (v2sf);
	[tilespmem:$0x88A0] =	vst v0  }
0x2d6: {  	v0 =	vld [tilespmem:s23+$0x0];
	_ =	sdelay $0x4  }
0x2d7: {  	[tilespmem:$0x88B0] =	vst v0  }
0x2d8: {  	v0 =	vld [tilespmem:s23+$0x10]  }
0x2d9: {  	s24 =	sld [smem:$0x7F4];
	_ =	sdelay $0x1  }
0x2da: {  	s1 =	rddreg [dreg:$0x2]  }
0x2db: {  	s26 =	sld [smem:$0x7F2];
	s0 =	sshll.u32 s24, $0x2  }
0x2dc: {  	s25 =	simm.s32 $0xBD0;
	s0 =	sadd.s32 s1, s0;
	s1 =	sld [smem:$0x7F3];
	[tilespmem:$0x88C0] =	vst v0  }
0x2dd: {  	[hbm4b:s0+s4] =	stream.linear.scatter [tilespmem:s25], [sflag:$0x3], $0x7D00, $0x38;
	[tilespmem:$0x105D0] =	vst v63  }
0x2de: {  	s0 =	sld [smem:$0x7FA];
	_ =	sdelay $0x1  }
0x2df: {  	p1 =	seq.s32 s26, $0x18  }
0x2e0: {  	s0 =	sadd.s32 @!p1 s1, s0  }
0x2e1: {  	s29 =	simm.s32 $0x2;
	s1 =	rddreg [dreg:$0x0];
	s0 =	sshrl.u32 @!p1 s0, $0x3  }
0x2e2: {  	s2 =	simm.s32 @!p1 $0x400;
	s0 =	sadd.s32 @!p1 s1, s0;
	s1 =	simm.s32 @!p1 $0x0  }
0x2e3: {  	[tilespmem:s2], [sflag:$0x1] =	stream.linear.gather @!p1 [hbm4b:s0+s1], $0x3E8, $0x38;
	[tilespmem:$0x105D0] =	vst v63  }
0x2e4: {  	_ =	swait.ge [sflag:s29], $0x3E8  }
0x2e5: {  	[sflag:s29] =	ssyncset.done $0x0  }
0x2e6: {  	s0 =	simm.s32 @!p0 $0x4;
	[sflag:s29] =	ssyncadd.s32 $0xFFFFFC18  }
0x2e7: {  	_ =	swait.ge @!p0 [sflag:s0], $0x7D00  }
0x2e8: {  	[sflag:s0] =	ssyncset.done @!p0 $0x0  }
0x2e9: {  	s1 =	simm.s32 $0x808;
	[sflag:s0] =	ssyncadd.s32 @!p0 $0xFFFF8300  }
0x2ea: {  	v0 =	vld [tilespmem:s1+$0x10]  }
0x2eb: {  	v2 =	vld [tilespmem:s1+$0xFFFFFFF0]  }
0x2ec: {  	v3 =	vld [tilespmem:s1+$0xFFFFFFE0]  }
0x2ed: {  	v4 =	vld [tilespmem:s1+$0x0];
	_ =	sdelay $0x1  }
0x2ee: {  	v1 =	vshll.u32 v0, $0x5  }
0x2ef: {  	v0 =	vshll.u32 v2, $0x5;
	(v2sf) =	vpush v1, $0x0  }
0x2f0: {  	v3 =	vshll.u32 v3, $0x5;
	(v2sf) =	vpush v0, $0x0  }
0x2f1: {  	v2 =	vshll.u32 v4, $0x5;
	(v2sf) =	vpush v3, $0x0  }
0x2f2: {  	(v2sf) =	vpush v2, $0x0  }
0x2f3: {  	(v2sf) =	vpush v3, $0x1  }
0x2f4: {  	(v2sf) =	vpush v0, $0x1  }
0x2f5: {  	(v2sf) =	vpush v2, $0x1  }
0x2f6: {  	(v2sf) =	vpush v3, $0x2  }
0x2f7: {  	(v2sf) =	vpush v0, $0x2  }
0x2f8: {  	(v2sf) =	vpush v2, $0x2  }
0x2f9: {  	(v2sf) =	vpush v3, $0x3  }
0x2fa: {  	(v2sf) =	vpush v1, $0x1  }
0x2fb: {  	(v2sf) =	vpush v0, $0x3  }
0x2fc: {  	(v2sf) =	vpush v2, $0x3  }
0x2fd: {  	(v2sf) =	vpush v3, $0x4  }
0x2fe: {  	s2 =	spop (v2sf)  }
0x2ff: {  	(v2sf) =	vpush v0, $0x4;
	v4 =	vld [tilespmem:s2+$0x0];
	s4 =	spop (v2sf)  }
0x300: {  	v5 =	vld [tilespmem:s4+$0x0];
	s3 =	spop (v2sf);
	(v2sf) =	vpush v2, $0x4  }
0x301: {  	v6 =	vld [tilespmem:s3+$0x0];
	(v2sf) =	vpush v3, $0x5;
	s5 =	spop (v2sf)  }
0x302: {  	s6 =	spop (v2sf);
	(v2sf) =	vpush v0, $0x5  }
0x303: {  	s25 =	simm.s32 $0x8CD0;
	v7 =	vld [tilespmem:s5+$0x0];
	s7 =	spop (v2sf);
	(v2sf) =	vpush v2, $0x5  }
0x304: {  	[tilespmem:s25+$0x200] =	vst v4;
	(v2sf) =	vpush v3, $0x6;
	s8 =	spop (v2sf)  }
0x305: {  	v4 =	vld [tilespmem:s2+$0x10];
	[tilespmem:s25+$0xFFFFFE00] =	vst v5;
	s9 =	spop (v2sf);
	(v2sf) =	vpush v0, $0x6  }
0x306: {  	[tilespmem:s25+$0xFFFFFC00] =	vst v6;
	v5 =	vld [tilespmem:s4+$0x10];
	s10 =	spop (v2sf);
	(v2sf) =	vpush v1, $0x2  }
0x307: {  	v6 =	vld [tilespmem:s3+$0x10];
	s24 =	spop (v2sf);
	(v2sf) =	vpush v2, $0x6  }
0x308: {  	[tilespmem:s25+$0x0] =	vst v7;
	s28 =	spop (v2sf);
	(v2sf) =	vpush v3, $0x7  }
0x309: {  	v7 =	vld [tilespmem:s5+$0x10];
	s21 =	spop (v2sf);
	(v2sf) =	vpush v0, $0x7  }
0x30a: {  	[tilespmem:s25+$0x210] =	vst v4;
	s30 =	spop (v2sf);
	(v2sf) =	vpush v2, $0x7  }
0x30b: {  	v4 =	vld [tilespmem:s21+$0x0];
	[tilespmem:s25+$0xFFFFFE10] =	vst v5;
	(v2sf) =	vpush v3, $0x8;
	s29 =	spop (v2sf)  }
0x30c: {  	[tilespmem:s25+$0xFFFFFC10] =	vst v6;
	v5 =	vld [tilespmem:s7+$0x0];
	s22 =	spop (v2sf);
	(v2sf) =	vpush v0, $0x8  }
0x30d: {  	v6 =	vld [tilespmem:s6+$0x0]  }
0x30e: {  	[tilespmem:s25+$0x10] =	vst v7;
	s1 =	spop (v2sf);
	(v2sf) =	vpush v2, $0x8  }
0x30f: {  	v7 =	vld [tilespmem:s8+$0x0];
	(v2sf) =	vpush v3, $0x9;
	s26 =	spop (v2sf)  }
0x310: {  	(v2sf) =	vpush v0, $0x9;
	[tilespmem:s25+$0x220] =	vst v4;
	s19 =	spop (v2sf)  }
0x311: {  	v4 =	vld [tilespmem:s21+$0x10];
	[tilespmem:s25+$0xFFFFFE20] =	vst v5;
	s21 =	spop (v2sf);
	(v2sf) =	vpush v2, $0x9  }
0x312: {  	[tilespmem:s25+$0xFFFFFC20] =	vst v6;
	v5 =	vld [tilespmem:s7+$0x10];
	s20 =	spop (v2sf);
	(v2sf) =	vpush v1, $0x3  }
0x313: {  	v6 =	vld [tilespmem:s6+$0x10];
	s15 =	spop (v2sf);
	(v2sf) =	vpush v3, $0xA  }
0x314: {  	[tilespmem:s25+$0x20] =	vst v7;
	s17 =	spop (v2sf);
	(v2sf) =	vpush v0, $0xA  }
0x315: {  	v7 =	vld [tilespmem:s8+$0x10];
	s23 =	spop (v2sf);
	(v2sf) =	vpush v2, $0xA  }
0x316: {  	[tilespmem:s25+$0x230] =	vst v4;
	(v2sf) =	vpush v3, $0xB;
	s18 =	spop (v2sf)  }
0x317: {  	v4 =	vld [tilespmem:s23+$0x0];
	[tilespmem:s25+$0xFFFFFE30] =	vst v5;
	s0 =	spop (v2sf);
	(v2sf) =	vpush v0, $0xB  }
0x318: {  	[tilespmem:s25+$0xFFFFFC30] =	vst v6;
	v5 =	vld [tilespmem:s10+$0x0];
	s16 =	spop (v2sf);
	(v2sf) =	vpush v2, $0xB  }
0x319: {  	v6 =	vld [tilespmem:s9+$0x0];
	(v2sf) =	vpush v3, $0xC;
	s14 =	spop (v2sf)  }
0x31a: {  	[tilespmem:s25+$0x30] =	vst v7;
	s11 =	spop (v2sf);
	(v2sf) =	vpush v0, $0xC  }
0x31b: {  	v7 =	vld [tilespmem:s24+$0x0];
	s13 =	spop (v2sf);
	(v2sf) =	vpush v2, $0xC  }
0x31c: {  	[tilespmem:s25+$0x240] =	vst v4;
	(v2sf) =	vpush v3, $0xD  }
0x31d: {  	s12 =	spop (v2sf);
	v4 =	vld [tilespmem:s23+$0x10];
	[tilespmem:s25+$0xFFFFFE40] =	vst v5  }
0x31e: {  	s8 =	spop (v2sf);
	[tilespmem:s25+$0xFFFFFC40] =	vst v6;
	v5 =	vld [tilespmem:s10+$0x10]  }
0x31f: {  	(v2sf) =	vpush v1, $0x4;
	v6 =	vld [tilespmem:s9+$0x10];
	s9 =	spop (v2sf)  }
0x320: {  	[tilespmem:s25+$0x40] =	vst v7;
	s10 =	spop (v2sf)  }
0x321: {  	(v2sf) =	vpush v0, $0xD;
	v7 =	vld [tilespmem:s24+$0x10];
	s24 =	spop (v2sf)  }
0x322: {  	[tilespmem:s25+$0x250] =	vst v4;
	s7 =	spop (v2sf)  }
0x323: {  	(v2sf) =	vpush v2, $0xD;
	v4 =	vld [tilespmem:s24+$0x0];
	s6 =	spop (v2sf)  }
0x324: {  	[tilespmem:s25+$0xFFFFFE50] =	vst v5;
	s5 =	spop (v2sf)  }
0x325: {  	(v2sf) =	vpush v3, $0xE;
	[tilespmem:s25+$0xFFFFFC50] =	vst v6;
	v5 =	vld [tilespmem:s30+$0x0];
	s2 =	spop (v2sf)  }
0x326: {  	v6 =	vld [tilespmem:s28+$0x0];
	s4 =	spop (v2sf)  }
0x327: {  	(v2sf) =	vpush v0, $0xE;
	s3 =	spop (v2sf)  }
0x328: {  	(v2sf) =	vpush v2, $0xE;
	[tilespmem:s25+$0x260] =	vst v4;
	s23 =	spop (v2sf)  }
0x329: {  	(v2sf) =	vpush v3, $0xF;
	[tilespmem:s25+$0x50] =	vst v7;
	v3 =	vld [tilespmem:s24+$0x10];
	s31 =	spop (v2sf)  }
0x32a: {  	(v2sf) =	vpush v0, $0xF;
	v0 =	vld [tilespmem:s29+$0x0];
	[tilespmem:s25+$0xFFFFFE60] =	vst v5;
	s24 =	spop (v2sf)  }
0x32b: {  	(v2sf) =	vpush v2, $0xF;
	v2 =	vld [tilespmem:s30+$0x10];
	[tilespmem:s25+$0xFFFFFC60] =	vst v6;
	s30 =	spop (v2sf)  }
0x32c: {  	[smem:$0x7DC] =	sst s30  }
0x32d: {  	v4 =	vld [tilespmem:s28+$0x10]  }
0x32e: {  	s28 =	spop (v2sf);
	[tilespmem:s25+$0x270] =	vst v3  }
0x32f: {  	(v2sf) =	vpush v1, $0x5;
	[tilespmem:s25+$0x60] =	vst v0;
	v3 =	vld [tilespmem:s28+$0x0]  }
0x330: {  	v0 =	vld [tilespmem:s29+$0x10];
	[tilespmem:s25+$0xFFFFFE70] =	vst v2;
	s29 =	spop (v2sf)  }
0x331: {  	[smem:$0x7DD] =	sst s29  }
0x332: {  	s29 =	spop (v2sf);
	[tilespmem:s25+$0xFFFFFC70] =	vst v4  }
0x333: {  	v2 =	vld [tilespmem:s1+$0x0];
	[smem:$0x7DE] =	sst s29  }
0x334: {  	s29 =	spop (v2sf);
	[tilespmem:s25+$0x280] =	vst v3  }
0x335: {  	v4 =	vld [tilespmem:s22+$0x0];
	[smem:$0x7DF] =	sst s29  }
0x336: {  	v3 =	vld [tilespmem:s28+$0x10];
	s28 =	spop (v2sf)  }
0x337: {  	[smem:$0x7E0] =	sst s28  }
0x338: {  	s28 =	spop (v2sf);
	[tilespmem:s25+$0x70] =	vst v0  }
0x339: {  	[smem:$0x7E1] =	sst s28;
	s28 =	spop (v2sf)  }
0x33a: {  	v0 =	vld [tilespmem:s26+$0x0];
	[dreg:$0x9] =	wrdreg s28  }
0x33b: {  	s28 =	spop (v2sf);
	[tilespmem:s25+$0xFFFFFE80] =	vst v2  }
0x33c: {  	(v2sf) =	vpush v1, $0x6;
	[dreg:$0x6] =	wrdreg s28  }
0x33d: {  	s29 =	spop (v2sf);
	[tilespmem:s25+$0xFFFFFC80] =	vst v4  }
0x33e: {  	v2 =	vld [tilespmem:s1+$0x10];
	[dreg:$0x7] =	wrdreg s29  }
0x33f: {  	s29 =	spop (v2sf);
	v4 =	vld [tilespmem:s22+$0x10];
	[tilespmem:s25+$0x290] =	vst v3  }
0x340: {  	v3 =	vld [tilespmem:s29+$0x0]  }
0x341: {  	[tilespmem:s25+$0x80] =	vst v0  }
0x342: {  	v0 =	vld [tilespmem:s26+$0x10]  }
0x343: {  	[tilespmem:s25+$0xFFFFFE90] =	vst v2  }
0x344: {  	v2 =	vld [tilespmem:s21+$0x0];
	[tilespmem:s25+$0xFFFFFC90] =	vst v4  }
0x345: {  	v4 =	vld [tilespmem:s19+$0x0];
	[tilespmem:s25+$0x2A0] =	vst v3  }
0x346: {  	v3 =	vld [tilespmem:s29+$0x10]  }
0x347: {  	[tilespmem:s25+$0x90] =	vst v0  }
0x348: {  	(v2sf) =	vpush v1, $0x7;
	v0 =	vld [tilespmem:s20+$0x0]  }
0x349: {  	[tilespmem:s25+$0xFFFFFEA0] =	vst v2  }
0x34a: {  	v2 =	vld [tilespmem:s21+$0x10];
	[tilespmem:s25+$0xFFFFFCA0] =	vst v4  }
0x34b: {  	s21 =	spop (v2sf);
	v4 =	vld [tilespmem:s19+$0x10];
	[tilespmem:s25+$0x2B0] =	vst v3  }
0x34c: {  	v3 =	vld [tilespmem:s21+$0x0]  }
0x34d: {  	[tilespmem:s25+$0xA0] =	vst v0  }
0x34e: {  	v0 =	vld [tilespmem:s20+$0x10]  }
0x34f: {  	[tilespmem:s25+$0xFFFFFEB0] =	vst v2  }
0x350: {  	v2 =	vld [tilespmem:s17+$0x0];
	[tilespmem:s25+$0xFFFFFCB0] =	vst v4  }
0x351: {  	v4 =	vld [tilespmem:s15+$0x0];
	[tilespmem:s25+$0x2C0] =	vst v3  }
0x352: {  	v3 =	vld [tilespmem:s21+$0x10]  }
0x353: {  	[tilespmem:s25+$0xB0] =	vst v0  }
0x354: {  	(v2sf) =	vpush v1, $0x8;
	v0 =	vld [tilespmem:s18+$0x0]  }
0x355: {  	[tilespmem:s25+$0xFFFFFEC0] =	vst v2  }
0x356: {  	v2 =	vld [tilespmem:s17+$0x10];
	[tilespmem:s25+$0xFFFFFCC0] =	vst v4  }
0x357: {  	s22 =	spop (v2sf);
	v4 =	vld [tilespmem:s15+$0x10];
	[tilespmem:s25+$0x2D0] =	vst v3  }
0x358: {  	v3 =	vld [tilespmem:s22+$0x0]  }
0x359: {  	[tilespmem:s25+$0xC0] =	vst v0  }
0x35a: {  	v0 =	vld [tilespmem:s18+$0x10]  }
0x35b: {  	[tilespmem:s25+$0xFFFFFED0] =	vst v2  }
0x35c: {  	v2 =	vld [tilespmem:s16+$0x0];
	[tilespmem:s25+$0xFFFFFCD0] =	vst v4  }
0x35d: {  	v4 =	vld [tilespmem:s0+$0x0];
	[tilespmem:s25+$0x2E0] =	vst v3  }
0x35e: {  	v3 =	vld [tilespmem:s22+$0x10]  }
0x35f: {  	[tilespmem:s25+$0xD0] =	vst v0  }
0x360: {  	(v2sf) =	vpush v1, $0x9;
	v0 =	vld [tilespmem:s14+$0x0]  }
0x361: {  	[tilespmem:s25+$0xFFFFFEE0] =	vst v2  }
0x362: {  	v2 =	vld [tilespmem:s16+$0x10];
	[tilespmem:s25+$0xFFFFFCE0] =	vst v4  }
0x363: {  	s26 =	spop (v2sf);
	v4 =	vld [tilespmem:s0+$0x10];
	[tilespmem:s25+$0x2F0] =	vst v3  }
0x364: {  	v3 =	vld [tilespmem:s26+$0x0]  }
0x365: {  	[tilespmem:s25+$0xE0] =	vst v0  }
0x366: {  	v0 =	vld [tilespmem:s14+$0x10]  }
0x367: {  	[tilespmem:s25+$0xFFFFFEF0] =	vst v2  }
0x368: {  	v2 =	vld [tilespmem:s13+$0x0];
	[tilespmem:s25+$0xFFFFFCF0] =	vst v4  }
0x369: {  	v4 =	vld [tilespmem:s11+$0x0];
	[tilespmem:s25+$0x300] =	vst v3  }
0x36a: {  	v3 =	vld [tilespmem:s26+$0x10]  }
0x36b: {  	[tilespmem:s25+$0xF0] =	vst v0  }
0x36c: {  	(v2sf) =	vpush v1, $0xA;
	v0 =	vld [tilespmem:s12+$0x0]  }
0x36d: {  	[tilespmem:s25+$0xFFFFFF00] =	vst v2  }
0x36e: {  	v2 =	vld [tilespmem:s13+$0x10];
	[tilespmem:s25+$0xFFFFFD00] =	vst v4  }
0x36f: {  	s29 =	spop (v2sf);
	v4 =	vld [tilespmem:s11+$0x10];
	[tilespmem:s25+$0x310] =	vst v3  }
0x370: {  	s11 =	simm.s32 $0x848;
	v3 =	vld [tilespmem:s29+$0x0]  }
0x371: {  	[tilespmem:s25+$0x100] =	vst v0;
	v0 =	vld [tilespmem:s11+$0x10]  }
0x372: {  	v5 =	vld [tilespmem:s12+$0x10]  }
0x373: {  	v6 =	vld [tilespmem:s11+$0xFFFFFFF0]  }
0x374: {  	v7 =	vld [tilespmem:s11+$0xFFFFFFE0]  }
0x375: {  	v8 =	vld [tilespmem:s11+$0x0];
	[tilespmem:s25+$0x320] =	vst v3  }
0x376: {  	v0 =	vshll.u32 v0, $0x5;
	v9 =	vld [tilespmem:s29+$0x10]  }
0x377: {  	[tilespmem:s25+$0xFFFFFD10] =	vst v4;
	(v2sf) =	vpush v0, $0x0  }
0x378: {  	[tilespmem:s25+$0xFFFFFF10] =	vst v2;
	v10 =	vld [tilespmem:s8+$0x0];
	v2 =	vshll.u32 v6, $0x5;
	(v2sf) =	vpush v1, $0xB  }
0x379: {  	[tilespmem:s25+$0x110] =	vst v5;
	v5 =	vld [tilespmem:s9+$0x0];
	v4 =	vshll.u32 v7, $0x5;
	(v2sf) =	vpush v2, $0x0  }
0x37a: {  	v3 =	vshll.u32 v8, $0x5;
	v6 =	vld [tilespmem:s10+$0x0];
	(v2sf) =	vpush v4, $0x0  }
0x37b: {  	s13 =	spop (v2sf);
	(v2sf) =	vpush v3, $0x0;
	[tilespmem:s25+$0x330] =	vst v9  }
0x37c: {  	(v2sf) =	vpush v4, $0x1;
	v7 =	vld [tilespmem:s13+$0x0]  }
0x37d: {  	[tilespmem:s25+$0xFFFFFD20] =	vst v10;
	(v2sf) =	vpush v2, $0x1  }
0x37e: {  	[tilespmem:s25+$0xFFFFFF20] =	vst v5;
	v52 =	vld [tilespmem:s8+$0x10];
	(v2sf) =	vpush v3, $0x1  }
0x37f: {  	v5 =	vld [tilespmem:s9+$0x10];
	[tilespmem:s25+$0x120] =	vst v6;
	(v2sf) =	vpush v4, $0x2  }
0x380: {  	v6 =	vld [tilespmem:s10+$0x10];
	(v2sf) =	vpush v2, $0x2  }
0x381: {  	(v2sf) =	vpush v3, $0x2;
	[tilespmem:s25+$0x340] =	vst v7  }
0x382: {  	(v2sf) =	vpush v4, $0x3;
	v7 =	vld [tilespmem:s13+$0x10]  }
0x383: {  	[tilespmem:s25+$0xFFFFFD30] =	vst v52;
	(v2sf) =	vpush v0, $0x1  }
0x384: {  	[tilespmem:s25+$0xFFFFFF30] =	vst v5;
	v8 =	vld [tilespmem:s7+$0x0];
	(v2sf) =	vpush v1, $0xC  }
0x385: {  	v5 =	vld [tilespmem:s6+$0x0];
	[tilespmem:s25+$0x130] =	vst v6;
	(v2sf) =	vpush v2, $0x3  }
0x386: {  	v6 =	vld [tilespmem:s5+$0x0];
	(v2sf) =	vpush v3, $0x3;
	s14 =	spop (v2sf)  }
0x387: {  	v53 =	vld [tilespmem:s14+$0x0];
	(v2sf) =	vpush v4, $0x4;
	s15 =	spop (v2sf);
	[tilespmem:s25+$0x350] =	vst v7  }
0x388: {  	s16 =	spop (v2sf);
	(v2sf) =	vpush v2, $0x4;
	v7 =	vld [tilespmem:s15+$0x0]  }
0x389: {  	[tilespmem:s25+$0xFFFFFD40] =	vst v8;
	v54 =	vld [tilespmem:s16+$0x0];
	s17 =	spop (v2sf);
	(v2sf) =	vpush v3, $0x4  }
0x38a: {  	[tilespmem:s25+$0xFFFFFF40] =	vst v5;
	v5 =	vld [tilespmem:s17+$0x0];
	(v2sf) =	vpush v4, $0x5;
	s18 =	spop (v2sf)  }
0x38b: {  	s30 =	simm.s32 $0x94D0;
	[tilespmem:s25+$0x140] =	vst v6;
	v55 =	vld [tilespmem:s7+$0x10];
	s19 =	spop (v2sf);
	(v2sf) =	vpush v2, $0x5  }
0x38c: {  	v6 =	vld [tilespmem:s18+$0x0];
	[tilespmem:s30+$0x200] =	vst v53;
	s20 =	spop (v2sf);
	(v2sf) =	vpush v3, $0x5  }
0x38d: {  	v56 =	vld [tilespmem:s14+$0x10];
	(v2sf) =	vpush v4, $0x6;
	s21 =	spop (v2sf);
	[tilespmem:s25+$0x360] =	vst v7  }
0x38e: {  	[tilespmem:s30+$0xFFFFFE00] =	vst v54;
	s7 =	spop (v2sf);
	(v2sf) =	vpush v2, $0x6;
	v7 =	vld [tilespmem:s15+$0x10]  }
0x38f: {  	[tilespmem:s30+$0xFFFFFC00] =	vst v5;
	v5 =	vld [tilespmem:s16+$0x10];
	s11 =	spop (v2sf);
	(v2sf) =	vpush v0, $0x2  }
0x390: {  	[tilespmem:s25+$0xFFFFFD50] =	vst v55;
	v57 =	vld [tilespmem:s17+$0x10];
	s10 =	spop (v2sf);
	(v2sf) =	vpush v1, $0xD  }
0x391: {  	v58 =	vld [tilespmem:s6+$0x10];
	[tilespmem:s30+$0x0] =	vst v6;
	s17 =	spop (v2sf);
	(v2sf) =	vpush v3, $0x6  }
0x392: {  	v6 =	vld [tilespmem:s18+$0x10];
	[tilespmem:s30+$0x210] =	vst v56;
	(v2sf) =	vpush v4, $0x7;
	s26 =	spop (v2sf)  }
0x393: {  	v10 =	vld [tilespmem:s26+$0x0];
	(v2sf) =	vpush v2, $0x7;
	s29 =	spop (v2sf);
	[tilespmem:s25+$0x370] =	vst v7  }
0x394: {  	[tilespmem:s30+$0xFFFFFE10] =	vst v5;
	(v2sf) =	vpush v3, $0x7;
	s0 =	spop (v2sf);
	v5 =	vld [tilespmem:s29+$0x0]  }
0x395: {  	[tilespmem:s30+$0xFFFFFC10] =	vst v57;
	v7 =	vld [tilespmem:s20+$0x0];
	(v2sf) =	vpush v4, $0x8;
	s22 =	spop (v2sf)  }
0x396: {  	[tilespmem:s25+$0xFFFFFF50] =	vst v58;
	v8 =	vld [tilespmem:s19+$0x0];
	(v2sf) =	vpush v2, $0x8;
	s16 =	spop (v2sf)  }
0x397: {  	v59 =	vld [tilespmem:s5+$0x10];
	[tilespmem:s30+$0x10] =	vst v6;
	(v2sf) =	vpush v3, $0x8;
	s1 =	spop (v2sf)  }
0x398: {  	v6 =	vld [tilespmem:s21+$0x0];
	[tilespmem:s30+$0x220] =	vst v10;
	(v2sf) =	vpush v4, $0x9;
	s18 =	spop (v2sf)  }
0x399: {  	v10 =	vld [tilespmem:s26+$0x10];
	s26 =	spop (v2sf);
	[tilespmem:s25+$0x380] =	vst v5  }
0x39a: {  	(v2sf) =	vpush v2, $0x9;
	[tilespmem:s30+$0xFFFFFE20] =	vst v7;
	v5 =	vld [tilespmem:s29+$0x10];
	s29 =	spop (v2sf)  }
0x39b: {  	v7 =	vld [tilespmem:s20+$0x10];
	[tilespmem:s30+$0xFFFFFC20] =	vst v8;
	s28 =	spop (v2sf)  }
0x39c: {  	[tilespmem:s25+$0x150] =	vst v59;
	(v2sf) =	vpush v3, $0x9;
	v8 =	vld [tilespmem:s19+$0x10];
	s14 =	spop (v2sf)  }
0x39d: {  	v60 =	vld [tilespmem:s2+$0x0];
	[tilespmem:s30+$0x20] =	vst v6;
	s15 =	spop (v2sf)  }
0x39e: {  	(v2sf) =	vpush v0, $0x3;
	v6 =	vld [tilespmem:s21+$0x10];
	[tilespmem:s30+$0x230] =	vst v10;
	s9 =	spop (v2sf)  }
0x39f: {  	(v2sf) =	vpush v1, $0xE;
	v10 =	vld [tilespmem:s9+$0x0];
	[tilespmem:s25+$0x390] =	vst v5;
	s19 =	spop (v2sf)  }
0x3a0: {  	(v2sf) =	vpush v4, $0xA;
	[tilespmem:s30+$0xFFFFFE30] =	vst v7;
	v5 =	vld [tilespmem:s19+$0x0];
	s21 =	spop (v2sf)  }
0x3a1: {  	[tilespmem:s30+$0xFFFFFC30] =	vst v8;
	v7 =	vld [tilespmem:s11+$0x0];
	s12 =	spop (v2sf)  }
0x3a2: {  	[tilespmem:s25+$0xFFFFFD60] =	vst v60;
	(v2sf) =	vpush v2, $0xA;
	v8 =	vld [tilespmem:s7+$0x0];
	s20 =	spop (v2sf)  }
0x3a3: {  	(v2sf) =	vpush v3, $0xA;
	[tilespmem:s30+$0x30] =	vst v6;
	s13 =	spop (v2sf)  }
0x3a4: {  	(v2sf) =	vpush v4, $0xB;
	v6 =	vld [tilespmem:s10+$0x0];
	[tilespmem:s30+$0x240] =	vst v10;
	s6 =	spop (v2sf)  }
0x3a5: {  	v61 =	vld [tilespmem:s4+$0x0];
	(v2sf) =	vpush v2, $0xB;
	[tilespmem:s25+$0x3A0] =	vst v5;
	s8 =	spop (v2sf)  }
0x3a6: {  	(v2sf) =	vpush v3, $0xB;
	v10 =	vld [tilespmem:s9+$0x10];
	[tilespmem:s30+$0xFFFFFE40] =	vst v7;
	s9 =	spop (v2sf)  }
0x3a7: {  	(v2sf) =	vpush v4, $0xC;
	v7 =	vld [tilespmem:s11+$0x10];
	[tilespmem:s30+$0xFFFFFC40] =	vst v8;
	s11 =	spop (v2sf)  }
0x3a8: {  	(v2sf) =	vpush v2, $0xC;
	v5 =	vld [tilespmem:s19+$0x10];
	[dreg:$0x1b] =	wrdreg s11  }
0x3a9: {  	(v2sf) =	vpush v3, $0xC;
	s19 =	spop (v2sf);
	[tilespmem:s30+$0x40] =	vst v6  }
0x3aa: {  	(v2sf) =	vpush v4, $0xD;
	v8 =	vld [tilespmem:s7+$0x10];
	[dreg:$0x18] =	wrdreg s19  }
0x3ab: {  	(v2sf) =	vpush v0, $0x4;
	s7 =	spop (v2sf);
	[tilespmem:s25+$0xFFFFFF60] =	vst v61  }
0x3ac: {  	(v2sf) =	vpush v1, $0xF;
	v1 =	vld [tilespmem:s10+$0x10];
	[dreg:$0x1c] =	wrdreg s7  }
0x3ad: {  	s11 =	spop (v2sf);
	[tilespmem:s30+$0x250] =	vst v10  }
0x3ae: {  	s19 =	spop (v2sf);
	v6 =	vld [tilespmem:s3+$0x0];
	[tilespmem:s25+$0x3B0] =	vst v5  }
0x3af: {  	s10 =	spop (v2sf);
	[tilespmem:s30+$0xFFFFFE50] =	vst v7;
	v62 =	vld [tilespmem:s11+$0x0]  }
0x3b0: {  	v5 =	vld [tilespmem:s19+$0x0];
	[dreg:$0x16] =	wrdreg s10  }
0x3b1: {  	s7 =	spop (v2sf);
	[tilespmem:s30+$0xFFFFFC50] =	vst v8  }
0x3b2: {  	v7 =	vld [tilespmem:s0+$0x0];
	[dreg:$0x14] =	wrdreg s7  }
0x3b3: {  	s10 =	spop (v2sf);
	[tilespmem:s30+$0x50] =	vst v1  }
0x3b4: {  	v8 =	vld [tilespmem:s17+$0x0];
	[dreg:$0x12] =	wrdreg s10  }
0x3b5: {  	(v2sf) =	vpush v2, $0xD;
	s7 =	spop (v2sf);
	[tilespmem:s25+$0x160] =	vst v6  }
0x3b6: {  	(v2sf) =	vpush v3, $0xD;
	v1 =	vld [tilespmem:s22+$0x0];
	[dreg:$0xc] =	wrdreg s7  }
0x3b7: {  	(v2sf) =	vpush v4, $0xE;
	s10 =	spop (v2sf);
	[tilespmem:s30+$0x260] =	vst v62  }
0x3b8: {  	(v2sf) =	vpush v2, $0xE;
	v6 =	vld [tilespmem:s2+$0x10];
	[dreg:$0xf] =	wrdreg s10  }
0x3b9: {  	(v2sf) =	vpush v3, $0xE;
	v9 =	vld [tilespmem:s11+$0x10];
	[tilespmem:s25+$0x3C0] =	vst v5;
	s11 =	spop (v2sf)  }
0x3ba: {  	(v2sf) =	vpush v4, $0xF;
	[dreg:$0x10] =	wrdreg s11  }
0x3bb: {  	(v2sf) =	vpush v2, $0xF;
	s10 =	spop (v2sf);
	v4 =	vld [tilespmem:s19+$0x10];
	[tilespmem:s30+$0xFFFFFE60] =	vst v7  }
0x3bc: {  	(v2sf) =	vpush v3, $0xF;
	[tilespmem:s30+$0xFFFFFC60] =	vst v8;
	s11 =	spop (v2sf);
	v5 =	vld [tilespmem:s4+$0x10]  }
0x3bd: {  	(v2sf) =	vpush v0, $0x5;
	[tilespmem:s30+$0x60] =	vst v1;
	v2 =	vld [tilespmem:s0+$0x10];
	s19 =	spop (v2sf)  }
0x3be: {  	v3 =	vld [tilespmem:s17+$0x10];
	[tilespmem:s25+$0xFFFFFD70] =	vst v6;
	s5 =	spop (v2sf)  }
0x3bf: {  	v1 =	vld [tilespmem:s22+$0x10];
	[tilespmem:s30+$0x270] =	vst v9;
	s4 =	spop (v2sf)  }
0x3c0: {  	v6 =	vld [tilespmem:s4+$0x0];
	[tilespmem:s25+$0x3D0] =	vst v4  }
0x3c1: {  	s7 =	spop (v2sf);
	[tilespmem:s25+$0xFFFFFF70] =	vst v5;
	v5 =	vld [tilespmem:s3+$0x10]  }
0x3c2: {  	[tilespmem:s30+$0xFFFFFE70] =	vst v2;
	v2 =	vld [tilespmem:s7+$0x0]  }
0x3c3: {  	[tilespmem:s30+$0xFFFFFC70] =	vst v3;
	v3 =	vld [tilespmem:s1+$0x0]  }
0x3c4: {  	s17 =	spop (v2sf);
	[tilespmem:s30+$0x70] =	vst v1;
	v4 =	vld [tilespmem:s16+$0x0]  }
0x3c5: {  	s22 =	spop (v2sf);
	v1 =	vld [tilespmem:s18+$0x0];
	[tilespmem:s30+$0x280] =	vst v6  }
0x3c6: {  	v6 =	vld [tilespmem:s4+$0x10];
	s4 =	spop (v2sf);
	[tilespmem:s25+$0x170] =	vst v5  }
0x3c7: {  	v5 =	vld [tilespmem:s23+$0x0];
	[tilespmem:s25+$0x3E0] =	vst v2;
	s2 =	spop (v2sf)  }
0x3c8: {  	v2 =	vld [tilespmem:s7+$0x10];
	[tilespmem:s30+$0xFFFFFE80] =	vst v3;
	s7 =	spop (v2sf)  }
0x3c9: {  	(v2sf) =	vpush v0, $0x6;
	[tilespmem:s30+$0xFFFFFC80] =	vst v4;
	v3 =	vld [tilespmem:s1+$0x10];
	s3 =	spop (v2sf)  }
0x3ca: {  	[tilespmem:s30+$0x80] =	vst v1;
	v4 =	vld [tilespmem:s16+$0x10];
	s1 =	spop (v2sf)  }
0x3cb: {  	v1 =	vld [tilespmem:s18+$0x10];
	[tilespmem:s30+$0x290] =	vst v6;
	s18 =	spop (v2sf)  }
0x3cc: {  	v6 =	vld [tilespmem:s31+$0x0];
	[tilespmem:s25+$0xFFFFFD80] =	vst v5;
	s16 =	spop (v2sf)  }
0x3cd: {  	[tilespmem:s25+$0x3F0] =	vst v2;
	v2 =	vld [tilespmem:s16+$0x0]  }
0x3ce: {  	v5 =	vld [tilespmem:s24+$0x0];
	[tilespmem:s30+$0xFFFFFE90] =	vst v3  }
0x3cf: {  	[tilespmem:s30+$0xFFFFFC90] =	vst v4;
	v3 =	vld [tilespmem:s29+$0x0]  }
0x3d0: {  	[tilespmem:s30+$0x90] =	vst v1;
	v4 =	vld [tilespmem:s26+$0x0]  }
0x3d1: {  	v1 =	vld [tilespmem:s28+$0x0];
	[tilespmem:s25+$0xFFFFFF80] =	vst v6  }
0x3d2: {  	v6 =	vld [tilespmem:s23+$0x10];
	[tilespmem:s30+$0x2A0] =	vst v2  }
0x3d3: {  	[tilespmem:s25+$0x180] =	vst v5;
	v2 =	vld [tilespmem:s16+$0x10]  }
0x3d4: {  	v5 =	vld [tilespmem:s31+$0x10];
	[tilespmem:s30+$0xFFFFFEA0] =	vst v3  }
0x3d5: {  	[tilespmem:s30+$0xFFFFFCA0] =	vst v4;
	v3 =	vld [tilespmem:s29+$0x10]  }
0x3d6: {  	[tilespmem:s30+$0xA0] =	vst v1;
	v4 =	vld [tilespmem:s26+$0x10]  }
0x3d7: {  	v1 =	vld [tilespmem:s28+$0x10];
	[tilespmem:s25+$0xFFFFFD90] =	vst v6  }
0x3d8: {  	v6 =	vld [tilespmem:s24+$0x10];
	s29 =	spop (v2sf);
	[tilespmem:s30+$0x2B0] =	vst v2  }
0x3d9: {  	[tilespmem:s25+$0xFFFFFF90] =	vst v5;
	v2 =	vld [tilespmem:s29+$0x0]  }
0x3da: {  	[tilespmem:s30+$0xFFFFFEB0] =	vst v3  }
0x3db: {  	[tilespmem:s30+$0xFFFFFCB0] =	vst v4  }
0x3dc: {  	(v2sf) =	vpush v0, $0x7;
	[tilespmem:s30+$0xB0] =	vst v1  }
0x3dd: {  	s24 =	smov.u32 s1;
	s1 =	sld [smem:$0x7DC];
	[tilespmem:s25+$0x190] =	vst v6  }
0x3de: {  	v3 =	vld [tilespmem:s15+$0x0];
	[tilespmem:s30+$0x2C0] =	vst v2  }
0x3df: {  	s31 =	smov.u32 s3;
	v4 =	vld [tilespmem:s14+$0x0];
	s3 =	sld [smem:$0x7DD]  }
0x3e0: {  	v1 =	vld [tilespmem:s21+$0x0]  }
0x3e1: {  	v5 =	vld [tilespmem:s1+$0x0]  }
0x3e2: {  	v2 =	vld [tilespmem:s3+$0x0]  }
0x3e3: {  	[tilespmem:s30+$0xFFFFFEC0] =	vst v3  }
0x3e4: {  	[tilespmem:s30+$0xFFFFFCC0] =	vst v4  }
0x3e5: {  	[tilespmem:s30+$0xC0] =	vst v1  }
0x3e6: {  	v6 =	vld [tilespmem:s29+$0x10];
	[tilespmem:s25+$0xFFFFFDA0] =	vst v5  }
0x3e7: {  	v3 =	vld [tilespmem:s15+$0x10];
	[tilespmem:s25+$0xFFFFFFA0] =	vst v2  }
0x3e8: {  	v4 =	vld [tilespmem:s14+$0x10];
	s14 =	sld [smem:$0x7DE]  }
0x3e9: {  	v1 =	vld [tilespmem:s21+$0x10]  }
0x3ea: {  	v5 =	vld [tilespmem:s1+$0x10]  }
0x3eb: {  	s15 =	spop (v2sf);
	[tilespmem:s30+$0x2D0] =	vst v6;
	v2 =	vld [tilespmem:s14+$0x0]  }
0x3ec: {  	(v2sf) =	vpush v0, $0x8;
	[tilespmem:s30+$0xFFFFFED0] =	vst v3;
	v3 =	vld [tilespmem:s15+$0x0]  }
0x3ed: {  	[tilespmem:s30+$0xFFFFFCD0] =	vst v4;
	v4 =	vld [tilespmem:s20+$0x0]  }
0x3ee: {  	[tilespmem:s30+$0xD0] =	vst v1;
	v6 =	vld [tilespmem:s12+$0x0]  }
0x3ef: {  	v1 =	vld [tilespmem:s13+$0x0];
	[tilespmem:s25+$0xFFFFFDB0] =	vst v5  }
0x3f0: {  	[tilespmem:s25+$0x1A0] =	vst v2;
	v2 =	vld [tilespmem:s3+$0x10]  }
0x3f1: {  	[tilespmem:s30+$0x2E0] =	vst v3;
	v5 =	vld [tilespmem:s14+$0x10]  }
0x3f2: {  	[tilespmem:s30+$0xFFFFFEE0] =	vst v4;
	v3 =	vld [tilespmem:s15+$0x10]  }
0x3f3: {  	[tilespmem:s30+$0xFFFFFCE0] =	vst v6  }
0x3f4: {  	[tilespmem:s30+$0xE0] =	vst v1  }
0x3f5: {  	[tilespmem:s25+$0xFFFFFFB0] =	vst v2  }
0x3f6: {  	s16 =	sld [smem:$0x7DF];
	[tilespmem:s25+$0x1B0] =	vst v5  }
0x3f7: {  	v4 =	vld [tilespmem:s20+$0x10];
	[tilespmem:s30+$0x2F0] =	vst v3  }
0x3f8: {  	v6 =	vld [tilespmem:s12+$0x10];
	s20 =	sld [smem:$0x7E0]  }
0x3f9: {  	v1 =	vld [tilespmem:s13+$0x10]  }
0x3fa: {  	v2 =	vld [tilespmem:s16+$0x0]  }
0x3fb: {  	s21 =	spop (v2sf);
	v3 =	vld [tilespmem:s20+$0x0]  }
0x3fc: {  	[tilespmem:s30+$0xFFFFFEF0] =	vst v4;
	v4 =	vld [tilespmem:s21+$0x0]  }
0x3fd: {  	[tilespmem:s30+$0xFFFFFCF0] =	vst v6;
	v5 =	vld [tilespmem:s8+$0x0]  }
0x3fe: {  	(v2sf) =	vpush v0, $0x9;
	[tilespmem:s30+$0xF0] =	vst v1  }
0x3ff: {  	v6 =	vld [tilespmem:s6+$0x0];
	[tilespmem:s25+$0xFFFFFDC0] =	vst v2  }
0x400: {  	v1 =	vld [tilespmem:s9+$0x0];
	[tilespmem:s25+$0xFFFFFFC0] =	vst v3  }
0x401: {  	v7 =	vld [tilespmem:s16+$0x10];
	s23 =	sld [smem:$0x7E1];
	[tilespmem:s30+$0x300] =	vst v4  }
0x402: {  	[tilespmem:s30+$0xFFFFFF00] =	vst v5;
	v63 =	vld [tilespmem:s21+$0x10]  }
0x403: {  	v5 =	vld [tilespmem:s8+$0x10]  }
0x404: {  	[tilespmem:s30+$0xFFFFFD00] =	vst v6;
	v2 =	vld [tilespmem:s23+$0x0]  }
0x405: {  	[tilespmem:s30+$0x100] =	vst v1  }
0x406: {  	[tilespmem:s25+$0xFFFFFDD0] =	vst v7  }
0x407: {  	[tilespmem:s30+$0x310] =	vst v63  }
0x408: {  	[tilespmem:s30+$0xFFFFFF10] =	vst v5  }
0x409: {  	[tilespmem:s25+$0x1C0] =	vst v2  }
0x40a: {  	s26 =	sld [smem:$0x7F7]  }
0x40b: {  	v1 =	vld [tilespmem:s20+$0x10];
	s29 =	sld [smem:$0x7F3]  }
0x40c: {  	v3 =	vld [tilespmem:s6+$0x10]  }
0x40d: {  	s0 =	spop (v2sf);
	v4 =	vld [tilespmem:s9+$0x10]  }
0x40e: {  	v5 =	vld [tilespmem:s0+$0x0];
	s1 =	sadd.s32 s29, s26  }
0x40f: {  	s28 =	simm.s32 $0x4;
	(v2sf) =	vpush v0, $0xA;
	s3 =	simm.s32 $0x888;
	v2 =	vld [tilespmem:s23+$0x10];
	[smem:$0x7E2] =	sst s1  }
.LBB2_7:
0x410: {  	_ =	sdelay $0x2  }
0x411: {  	v6 =	vld [tilespmem:s3+$0x10];
	[tilespmem:s30+$0x110] =	vst v4  }
0x412: {  	[tilespmem:s30+$0xFFFFFD10] =	vst v3;
	v3 =	vld [tilespmem:s3+$0xFFFFFFF0]  }
0x413: {  	v7 =	vld [tilespmem:s3+$0x0]  }
0x414: {  	s6 =	rddreg [dreg:$0x1b];
	v8 =	vld [tilespmem:s3+$0xFFFFFFE0]  }
0x415: {  	v9 =	vld [tilespmem:s6+$0x0]  }
0x416: {  	s1 =	rddreg [dreg:$0x18];
	[tilespmem:s25+$0xFFFFFFD0] =	vst v1;
	v4 =	vshll.u32 v6, $0x5  }
0x417: {  	[smem:$0x7D4] =	sst s22;
	[tilespmem:s30+$0x320] =	vst v5;
	v6 =	vld [tilespmem:s1+$0x0];
	(v2sf) =	vpush v4, $0x0  }
0x418: {  	s8 =	rddreg [dreg:$0x1c];
	[tilespmem:s25+$0x1D0] =	vst v2;
	v5 =	vld [tilespmem:s0+$0x10];
	(v2sf) =	vpush v0, $0xB;
	v2 =	vshll.u32 v3, $0x5  }
0x419: {  	s22 =	rddreg [dreg:$0x9];
	v1 =	vshll.u32 v7, $0x5;
	v7 =	vld [tilespmem:s8+$0x0];
	v3 =	vshll.u32 v8, $0x5;
	(v2sf) =	vpush v2, $0x0  }
0x41a: {  	v50 =	vld [tilespmem:s22+$0x0];
	[tilespmem:s30+$0xFFFFFD20] =	vst v9;
	(v2sf) =	vpush v3, $0x0  }
0x41b: {  	s23 =	rddreg [dreg:$0x6];
	v10 =	vld [tilespmem:s6+$0x10];
	(v2sf) =	vpush v1, $0x0  }
0x41c: {  	v51 =	vld [tilespmem:s23+$0x0];
	[tilespmem:s30+$0xFFFFFF20] =	vst v6;
	s26 =	spop (v2sf);
	(v2sf) =	vpush v3, $0x1  }
0x41d: {  	[tilespmem:s30+$0x330] =	vst v5;
	v6 =	vld [tilespmem:s1+$0x10];
	(v2sf) =	vpush v2, $0x1  }
0x41e: {  	[tilespmem:s30+$0x120] =	vst v7;
	v5 =	vld [tilespmem:s26+$0x0];
	(v2sf) =	vpush v1, $0x1  }
0x41f: {  	s29 =	rddreg [dreg:$0x7];
	[tilespmem:s25+$0xFFFFFDE0] =	vst v50;
	v7 =	vld [tilespmem:s8+$0x10];
	(v2sf) =	vpush v3, $0x2  }
0x420: {  	v52 =	vld [tilespmem:s29+$0x0];
	[tilespmem:s30+$0xFFFFFD30] =	vst v10;
	(v2sf) =	vpush v2, $0x2  }
0x421: {  	s13 =	rddreg [dreg:$0x16];
	[tilespmem:s25+$0xFFFFFFE0] =	vst v51;
	v53 =	vld [tilespmem:s22+$0x10];
	(v2sf) =	vpush v1, $0x2  }
0x422: {  	s12 =	rddreg [dreg:$0x14];
	[tilespmem:s30+$0xFFFFFF30] =	vst v6;
	v10 =	vld [tilespmem:s13+$0x0];
	(v2sf) =	vpush v3, $0x3  }
0x423: {  	v6 =	vld [tilespmem:s12+$0x0];
	[tilespmem:s30+$0x340] =	vst v5;
	(v2sf) =	vpush v4, $0x1  }
0x424: {  	s6 =	rddreg [dreg:$0x12];
	[tilespmem:s30+$0x130] =	vst v7;
	v5 =	vld [tilespmem:s26+$0x10];
	(v2sf) =	vpush v0, $0xC  }
0x425: {  	v7 =	vld [tilespmem:s6+$0x0];
	[tilespmem:s25+$0x1E0] =	vst v52;
	(v2sf) =	vpush v2, $0x3  }
0x426: {  	v54 =	vld [tilespmem:s23+$0x10];
	s8 =	spop (v2sf);
	[tilespmem:s25+$0xFFFFFDF0] =	vst v53;
	(v2sf) =	vpush v1, $0x3  }
0x427: {  	[tilespmem:s30+$0xFFFFFD40] =	vst v10;
	v55 =	vld [tilespmem:s29+$0x10];
	s15 =	spop (v2sf);
	(v2sf) =	vpush v3, $0x4  }
0x428: {  	v56 =	vld [tilespmem:s8+$0x0];
	[tilespmem:s30+$0xFFFFFF40] =	vst v6;
	s16 =	spop (v2sf);
	(v2sf) =	vpush v2, $0x4  }
0x429: {  	s14 =	smov.u32 s18;
	[tilespmem:s30+$0x350] =	vst v5;
	v6 =	vld [tilespmem:s16+$0x0];
	s18 =	spop (v2sf);
	(v2sf) =	vpush v1, $0x4  }
0x42a: {  	[tilespmem:s30+$0x140] =	vst v7;
	v5 =	vld [tilespmem:s15+$0x0];
	s9 =	spop (v2sf);
	(v2sf) =	vpush v3, $0x5  }
0x42b: {  	[tilespmem:s25+$0xFFFFFFF0] =	vst v54;
	v7 =	vld [tilespmem:s18+$0x0];
	s20 =	spop (v2sf);
	(v2sf) =	vpush v2, $0x5  }
0x42c: {  	v57 =	vld [tilespmem:s9+$0x0];
	[tilespmem:s25+$0x1F0] =	vst v55;
	s25 =	smov.u32 s30;
	s30 =	sadd.s32 $0x800, s30;
	s21 =	spop (v2sf);
	(v2sf) =	vpush v1, $0x5  }
0x42d: {  	[smem:$0x7DA] =	sst s7;
	s7 =	smov.u32 s24;
	v58 =	vld [tilespmem:s13+$0x10];
	[tilespmem:s30+$0x200] =	vst v56;
	(v2sf) =	vpush v3, $0x6;
	s22 =	spop (v2sf)  }
0x42e: {  	[dreg:$0x6] =	wrdreg s7;
	v10 =	vld [tilespmem:s8+$0x10];
	[tilespmem:s30+$0xFFFFFE00] =	vst v6;
	s7 =	spop (v2sf);
	(v2sf) =	vpush v2, $0x6  }
0x42f: {  	[smem:$0x7D3] =	sst s5;
	[tilespmem:s25+$0x360] =	vst v5;
	v6 =	vld [tilespmem:s16+$0x10];
	s5 =	spop (v2sf);
	(v2sf) =	vpush v4, $0x2  }
0x430: {  	s23 =	smov.u32 s10;
	[tilespmem:s30+$0xFFFFFC00] =	vst v7;
	v5 =	vld [tilespmem:s15+$0x10];
	s10 =	spop (v2sf);
	(v2sf) =	vpush v0, $0xD  }
0x431: {  	[dreg:$0x1f] =	wrdreg s4;
	v7 =	vld [tilespmem:s18+$0x10];
	[tilespmem:s30+$0x0] =	vst v57;
	s4 =	spop (v2sf);
	(v2sf) =	vpush v1, $0x6  }
0x432: {  	[tilespmem:s25+$0xFFFFFD50] =	vst v58;
	v8 =	vld [tilespmem:s9+$0x10];
	(v2sf) =	vpush v3, $0x7;
	s24 =	spop (v2sf)  }
0x433: {  	v59 =	vld [tilespmem:s12+$0x10];
	[tilespmem:s30+$0x210] =	vst v10;
	(v2sf) =	vpush v2, $0x7;
	s26 =	spop (v2sf)  }
0x434: {  	v10 =	vld [tilespmem:s24+$0x0];
	[tilespmem:s30+$0xFFFFFE10] =	vst v6;
	s16 =	spop (v2sf);
	(v2sf) =	vpush v1, $0x7  }
0x435: {  	[tilespmem:s25+$0x370] =	vst v5;
	v6 =	vld [tilespmem:s21+$0x0];
	(v2sf) =	vpush v3, $0x8;
	s15 =	spop (v2sf)  }
0x436: {  	[tilespmem:s30+$0xFFFFFC10] =	vst v7;
	v5 =	vld [tilespmem:s26+$0x0];
	s12 =	spop (v2sf)  }
0x437: {  	v7 =	vld [tilespmem:s20+$0x0];
	[tilespmem:s30+$0x10] =	vst v8;
	s18 =	spop (v2sf)  }
0x438: {  	[tilespmem:s25+$0xFFFFFF50] =	vst v59;
	(v2sf) =	vpush v2, $0x8;
	v8 =	vld [tilespmem:s22+$0x0];
	s13 =	spop (v2sf)  }
0x439: {  	[dreg:$0x7] =	wrdreg s14;
	v60 =	vld [tilespmem:s6+$0x10];
	(v2sf) =	vpush v1, $0x8;
	[tilespmem:s30+$0x220] =	vst v10;
	s14 =	spop (v2sf)  }
0x43a: {  	(v2sf) =	vpush v3, $0x9;
	v10 =	vld [tilespmem:s24+$0x10];
	[tilespmem:s30+$0xFFFFFE20] =	vst v6;
	s8 =	spop (v2sf)  }
0x43b: {  	(v2sf) =	vpush v2, $0x9;
	[tilespmem:s25+$0x380] =	vst v5;
	v6 =	vld [tilespmem:s21+$0x10];
	s9 =	spop (v2sf)  }
0x43c: {  	(v2sf) =	vpush v1, $0x9;
	v5 =	vld [tilespmem:s26+$0x10];
	s21 =	spop (v2sf)  }
0x43d: {  	[dreg:$0x1d] =	wrdreg s2;
	[tilespmem:s30+$0xFFFFFC20] =	vst v7;
	(v2sf) =	vpush v4, $0x3;
	s2 =	spop (v2sf)  }
0x43e: {  	s0 =	smov.u32 s11;
	v7 =	vld [tilespmem:s20+$0x10];
	[tilespmem:s30+$0x20] =	vst v8;
	(v2sf) =	vpush v0, $0xE;
	s11 =	spop (v2sf)  }
0x43f: {  	s26 =	smov.u32 s17;
	v8 =	vld [tilespmem:s22+$0x10];
	(v2sf) =	vpush v3, $0xA;
	[tilespmem:s30+$0x230] =	vst v10;
	s17 =	spop (v2sf)  }
0x440: {  	[tilespmem:s25+$0x150] =	vst v60;
	s22 =	rddreg [dreg:$0xc];
	(v2sf) =	vpush v2, $0xA;
	v10 =	vld [tilespmem:s11+$0x0];
	s6 =	spop (v2sf)  }
0x441: {  	v61 =	vld [tilespmem:s22+$0x0];
	(v2sf) =	vpush v1, $0xA;
	[tilespmem:s25+$0x390] =	vst v5;
	s29 =	spop (v2sf)  }
0x442: {  	[tilespmem:s30+$0xFFFFFE30] =	vst v6;
	(v2sf) =	vpush v3, $0xB;
	v5 =	vld [tilespmem:s17+$0x0];
	[smem:$0x7D5] =	sst s29;
	s29 =	spop (v2sf)  }
0x443: {  	[tilespmem:s30+$0xFFFFFC30] =	vst v7;
	v6 =	vld [tilespmem:s5+$0x0];
	(v2sf) =	vpush v2, $0xB;
	s20 =	spop (v2sf)  }
0x444: {  	v7 =	vld [tilespmem:s7+$0x0];
	[tilespmem:s30+$0x30] =	vst v8;
	(v2sf) =	vpush v1, $0xB;
	s24 =	spop (v2sf)  }
0x445: {  	v8 =	vld [tilespmem:s10+$0x0];
	(v2sf) =	vpush v3, $0xC;
	[tilespmem:s30+$0x240] =	vst v10;
	[smem:$0x7D8] =	sst s24  }
0x446: {  	[tilespmem:s25+$0xFFFFFD60] =	vst v61;
	(v2sf) =	vpush v2, $0xC;
	s24 =	rddreg [dreg:$0xf];
	v10 =	vld [tilespmem:s11+$0x10]  }
0x447: {  	s11 =	spop (v2sf);
	(v2sf) =	vpush v1, $0xC;
	v62 =	vld [tilespmem:s24+$0x0];
	[tilespmem:s25+$0x3A0] =	vst v5  }
0x448: {  	[smem:$0x7D6] =	sst s20;
	[tilespmem:s30+$0xFFFFFE40] =	vst v6;
	(v2sf) =	vpush v3, $0xD;
	s20 =	spop (v2sf);
	v5 =	vld [tilespmem:s17+$0x10]  }
0x449: {  	[tilespmem:s30+$0xFFFFFC40] =	vst v7;
	v6 =	vld [tilespmem:s5+$0x10];
	s5 =	spop (v2sf);
	(v2sf) =	vpush v4, $0x4  }
0x44a: {  	[smem:$0x7D7] =	sst s11;
	v7 =	vld [tilespmem:s7+$0x10];
	[tilespmem:s30+$0x40] =	vst v8;
	s11 =	spop (v2sf);
	(v2sf) =	vpush v0, $0xF  }
0x44b: {  	s1 =	smov.u32 s31;
	s31 =	rddreg [dreg:$0x10];
	v0 =	vmov v4;
	v4 =	vld [tilespmem:s10+$0x10];
	(v2sf) =	vpush v2, $0xD;
	s17 =	spop (v2sf);
	[tilespmem:s30+$0x250] =	vst v10  }
0x44c: {  	v8 =	vld [tilespmem:s31+$0x0];
	[dreg:$0x18] =	wrdreg s11;
	(v2sf) =	vpush v1, $0xD;
	s11 =	spop (v2sf);
	[tilespmem:s25+$0xFFFFFF60] =	vst v62  }
0x44d: {  	[dreg:$0x1c] =	wrdreg s17;
	v63 =	vld [tilespmem:s11+$0x0];
	(v2sf) =	vpush v3, $0xE;
	s17 =	spop (v2sf);
	[tilespmem:s25+$0x3B0] =	vst v5  }
0x44e: {  	[smem:$0x7D9] =	sst s20;
	[tilespmem:s30+$0xFFFFFE50] =	vst v6;
	s20 =	spop (v2sf);
	(v2sf) =	vpush v2, $0xE;
	v5 =	vld [tilespmem:s17+$0x0]  }
0x44f: {  	[dreg:$0x1b] =	wrdreg s5;
	[tilespmem:s30+$0xFFFFFC50] =	vst v7;
	v6 =	vld [tilespmem:s16+$0x0];
	s5 =	spop (v2sf);
	(v2sf) =	vpush v1, $0xE  }
0x450: {  	v7 =	vld [tilespmem:s4+$0x0];
	[tilespmem:s30+$0x50] =	vst v4;
	(v2sf) =	vpush v3, $0xF;
	s7 =	spop (v2sf)  }
0x451: {  	v3 =	vld [tilespmem:s15+$0x0];
	[tilespmem:s25+$0x160] =	vst v8;
	s10 =	spop (v2sf);
	(v2sf) =	vpush v2, $0xF  }
0x452: {  	[dreg:$0x16] =	wrdreg s20;
	[tilespmem:s30+$0x260] =	vst v63;
	s20 =	spop (v2sf);
	(v2sf) =	vpush v1, $0xF;
	v1 =	vld [tilespmem:s22+$0x10]  }
0x453: {  	[dreg:$0x12] =	wrdreg s7;
	v2 =	vld [tilespmem:s11+$0x10];
	s7 =	spop (v2sf);
	[tilespmem:s25+$0x3C0] =	vst v5  }
0x454: {  	[tilespmem:s30+$0xFFFFFE60] =	vst v6;
	s11 =	spop (v2sf);
	v4 =	vld [tilespmem:s17+$0x10]  }
0x455: {  	[dreg:$0x9] =	wrdreg s1;
	s1 =	smov.u32 s19;
	[tilespmem:s30+$0xFFFFFC60] =	vst v7;
	v5 =	vld [tilespmem:s16+$0x10];
	s19 =	spop (v2sf)  }
0x456: {  	v6 =	vld [tilespmem:s4+$0x10];
	[tilespmem:s30+$0x60] =	vst v3;
	s4 =	spop (v2sf);
	(v2sf) =	vpush v0, $0x5  }
0x457: {  	v3 =	vld [tilespmem:s15+$0x10];
	s17 =	spop (v2sf);
	[tilespmem:s25+$0xFFFFFD70] =	vst v1  }
0x458: {  	[dreg:$0x14] =	wrdreg s5;
	v1 =	vld [tilespmem:s24+$0x10];
	[tilespmem:s30+$0x270] =	vst v2;
	s5 =	spop (v2sf)  }
0x459: {  	s22 =	smov.u32 s10;
	v2 =	vld [tilespmem:s5+$0x0];
	s10 =	spop (v2sf);
	[tilespmem:s25+$0x3D0] =	vst v4  }
0x45a: {  	[tilespmem:s30+$0xFFFFFE70] =	vst v5;
	v4 =	vld [tilespmem:s10+$0x0]  }
0x45b: {  	[dreg:$0xc] =	wrdreg s22;
	s22 =	spop (v2sf);
	[tilespmem:s30+$0xFFFFFC70] =	vst v6;
	v5 =	vld [tilespmem:s18+$0x0]  }
0x45c: {  	s16 =	spop (v2sf);
	v6 =	vld [tilespmem:s12+$0x0];
	[tilespmem:s30+$0x70] =	vst v3  }
0x45d: {  	s15 =	spop (v2sf);
	v3 =	vld [tilespmem:s13+$0x0];
	[tilespmem:s25+$0xFFFFFF70] =	vst v1  }
0x45e: {  	s24 =	smov.u32 s20;
	v1 =	vld [tilespmem:s31+$0x10];
	s20 =	spop (v2sf);
	[tilespmem:s30+$0x280] =	vst v2  }
0x45f: {  	[dreg:$0xf] =	wrdreg s24;
	s24 =	spop (v2sf);
	v2 =	vld [tilespmem:s5+$0x10];
	[tilespmem:s25+$0x3E0] =	vst v4  }
0x460: {  	[smem:$0x7DB] =	sst s24;
	s24 =	smov.u32 s7;
	s31 =	spop (v2sf);
	[tilespmem:s30+$0xFFFFFE80] =	vst v5;
	v4 =	vld [tilespmem:s10+$0x10]  }
0x461: {  	[dreg:$0x10] =	wrdreg s24;
	s24 =	spop (v2sf);
	[tilespmem:s30+$0xFFFFFC80] =	vst v6;
	v5 =	vld [tilespmem:s18+$0x10]  }
0x462: {  	s18 =	spop (v2sf);
	v6 =	vld [tilespmem:s12+$0x10];
	[tilespmem:s30+$0x80] =	vst v3;
	(v2sf) =	vpush v0, $0x6  }
0x463: {  	v3 =	vld [tilespmem:s13+$0x10];
	[tilespmem:s25+$0x170] =	vst v1  }
0x464: {  	v1 =	vld [tilespmem:s23+$0x0];
	[tilespmem:s30+$0x290] =	vst v2  }
0x465: {  	v2 =	vld [tilespmem:s0+$0x0];
	s13 =	spop (v2sf);
	[tilespmem:s25+$0x3F0] =	vst v4  }
0x466: {  	[tilespmem:s30+$0xFFFFFE90] =	vst v5;
	v4 =	vld [tilespmem:s13+$0x0]  }
0x467: {  	[tilespmem:s30+$0xFFFFFC90] =	vst v6;
	v5 =	vld [tilespmem:s8+$0x0]  }
0x468: {  	v6 =	vld [tilespmem:s14+$0x0];
	[tilespmem:s30+$0x90] =	vst v3  }
0x469: {  	[tilespmem:s25+$0xFFFFFD80] =	vst v1;
	v3 =	vld [tilespmem:s9+$0x0]  }
0x46a: {  	v1 =	vld [tilespmem:s1+$0x0];
	[tilespmem:s25+$0xFFFFFF80] =	vst v2  }
0x46b: {  	v2 =	vld [tilespmem:s23+$0x10];
	[tilespmem:s30+$0x2A0] =	vst v4  }
0x46c: {  	[tilespmem:s30+$0xFFFFFEA0] =	vst v5;
	v4 =	vld [tilespmem:s13+$0x10]  }
0x46d: {  	[tilespmem:s30+$0xFFFFFCA0] =	vst v6;
	v5 =	vld [tilespmem:s8+$0x10]  }
0x46e: {  	v6 =	vld [tilespmem:s14+$0x10];
	[tilespmem:s30+$0xA0] =	vst v3  }
0x46f: {  	(v2sf) =	vpush v0, $0x7;
	v3 =	vld [tilespmem:s9+$0x10];
	[tilespmem:s25+$0x180] =	vst v1  }
0x470: {  	[tilespmem:s25+$0xFFFFFD90] =	vst v2;
	v1 =	vld [tilespmem:s0+$0x10]  }
0x471: {  	v2 =	vld [tilespmem:s1+$0x10];
	s0 =	spop (v2sf);
	[tilespmem:s30+$0x2B0] =	vst v4  }
0x472: {  	s10 =	smov.u32 s11;
	[tilespmem:s30+$0xFFFFFEB0] =	vst v5;
	v4 =	vld [tilespmem:s0+$0x0]  }
0x473: {  	s11 =	smov.u32 s19;
	s19 =	smov.u32 s4;
	s4 =	sld [smem:$0x7D3];
	[tilespmem:s30+$0xFFFFFCB0] =	vst v6;
	v5 =	vld [tilespmem:s2+$0x0]  }
0x474: {  	v6 =	vld [tilespmem:s21+$0x0];
	[tilespmem:s30+$0xB0] =	vst v3  }
0x475: {  	[tilespmem:s25+$0xFFFFFF90] =	vst v1;
	v3 =	vld [tilespmem:s6+$0x0]  }
0x476: {  	v1 =	vld [tilespmem:s4+$0x0];
	[tilespmem:s25+$0x190] =	vst v2  }
0x477: {  	v2 =	vld [tilespmem:s26+$0x0];
	[tilespmem:s30+$0x2C0] =	vst v4  }
0x478: {  	[tilespmem:s30+$0xFFFFFEC0] =	vst v5;
	v4 =	vld [tilespmem:s0+$0x10]  }
0x479: {  	[tilespmem:s30+$0xFFFFFCC0] =	vst v6;
	v5 =	vld [tilespmem:s2+$0x10]  }
0x47a: {  	v6 =	vld [tilespmem:s21+$0x10];
	[tilespmem:s30+$0xC0] =	vst v3  }
0x47b: {  	(v2sf) =	vpush v0, $0x8;
	v3 =	vld [tilespmem:s6+$0x10];
	s6 =	sld [smem:$0x7D4]  }
0x47c: {  	[tilespmem:s25+$0xFFFFFDA0] =	vst v1  }
0x47d: {  	[tilespmem:s25+$0xFFFFFFA0] =	vst v2;
	v2 =	vld [tilespmem:s4+$0x10]  }
0x47e: {  	s8 =	sld [smem:$0x7D5];
	s7 =	spop (v2sf);
	v1 =	vld [tilespmem:s6+$0x0];
	[tilespmem:s30+$0x2D0] =	vst v4  }
0x47f: {  	s9 =	sld [smem:$0x7D6];
	[tilespmem:s30+$0xFFFFFED0] =	vst v5;
	v4 =	vld [tilespmem:s7+$0x0]  }
0x480: {  	[tilespmem:s30+$0xFFFFFCD0] =	vst v6;
	v5 =	vld [tilespmem:s29+$0x0]  }
0x481: {  	v6 =	vld [tilespmem:s8+$0x0];
	[tilespmem:s30+$0xD0] =	vst v3  }
0x482: {  	[tilespmem:s25+$0xFFFFFDB0] =	vst v2;
	v3 =	vld [tilespmem:s9+$0x0]  }
0x483: {  	[tilespmem:s25+$0x1A0] =	vst v1;
	v1 =	vld [tilespmem:s26+$0x10]  }
0x484: {  	v2 =	vld [tilespmem:s6+$0x10];
	[tilespmem:s30+$0x2E0] =	vst v4  }
0x485: {  	[tilespmem:s30+$0xFFFFFEE0] =	vst v5;
	v4 =	vld [tilespmem:s7+$0x10]  }
0x486: {  	s5 =	smov.u32 s17;
	[tilespmem:s30+$0xFFFFFCE0] =	vst v6;
	v5 =	vld [tilespmem:s29+$0x10]  }
0x487: {  	s17 =	smov.u32 s22;
	s22 =	smov.u32 s16;
	s16 =	sld [smem:$0x7D7];
	(v2sf) =	vpush v0, $0x9;
	v6 =	vld [tilespmem:s8+$0x10];
	[tilespmem:s30+$0xE0] =	vst v3  }
0x488: {  	s12 =	rddreg [dreg:$0x1f];
	v3 =	vld [tilespmem:s9+$0x10];
	[tilespmem:s25+$0xFFFFFFB0] =	vst v1  }
0x489: {  	s14 =	rddreg [dreg:$0x1d];
	v1 =	vld [tilespmem:s12+$0x0];
	[tilespmem:s25+$0x1B0] =	vst v2  }
0x48a: {  	s21 =	sld [smem:$0x7D8];
	s13 =	spop (v2sf);
	v2 =	vld [tilespmem:s14+$0x0];
	[tilespmem:s30+$0x2F0] =	vst v4  }
0x48b: {  	s23 =	sld [smem:$0x7D9];
	[tilespmem:s30+$0xFFFFFEF0] =	vst v5;
	v4 =	vld [tilespmem:s13+$0x0]  }
0x48c: {  	s26 =	sld [smem:$0x7DA];
	[tilespmem:s30+$0xFFFFFCF0] =	vst v6;
	v5 =	vld [tilespmem:s16+$0x0]  }
0x48d: {  	v6 =	vld [tilespmem:s21+$0x0];
	[tilespmem:s30+$0xF0] =	vst v3  }
0x48e: {  	v7 =	vld [tilespmem:s23+$0x0];
	[tilespmem:s25+$0xFFFFFDC0] =	vst v1  }
0x48f: {  	v1 =	vld [tilespmem:s26+$0x0];
	[tilespmem:s25+$0xFFFFFFC0] =	vst v2  }
0x490: {  	v2 =	vld [tilespmem:s12+$0x10];
	[tilespmem:s30+$0x300] =	vst v4  }
0x491: {  	s28 =	sadd.s32 $0x4, s28;
	[tilespmem:s30+$0xFFFFFF00] =	vst v5;
	v5 =	vld [tilespmem:s13+$0x10]  }
0x492: {  	p0 =	slt.u32 s28, $0x38;
	[tilespmem:s30+$0xFFFFFD00] =	vst v6;
	v6 =	vld [tilespmem:s16+$0x10]  }
.Ltmp4:
0x493: {  	v3 =	vld [tilespmem:s21+$0x10];
	[tilespmem:s30+$0x100] =	vst v7;
	(pc) =	sbr.rel @p0 .LBB2_7-.Ltmp4, $4  }
0x494: {  	s29 =	sld [smem:$0x7DB];
	v4 =	vld [tilespmem:s23+$0x10];
	[tilespmem:s25+$0x1C0] =	vst v1  }
0x495: {  	[tilespmem:s25+$0xFFFFFDD0] =	vst v2;
	v1 =	vld [tilespmem:s14+$0x10]  }
0x496: {  	s3 =	sadd.s32 $0x40, s3;
	s0 =	spop (v2sf);
	v2 =	vld [tilespmem:s26+$0x10];
	[tilespmem:s30+$0x310] =	vst v5  }
0x497: {  	s2 =	smov.u32 s20;
	s4 =	smov.u32 s15;
	(v2sf) =	vpush v0, $0xA;
	s7 =	smov.u32 s29;
	[tilespmem:s30+$0xFFFFFF10] =	vst v6;
	v5 =	vld [tilespmem:s0+$0x0]  }
0x498: {  	_ = 	snop  }
0x499: {  	[tilespmem:s30+$0xFFFFFD10] =	vst v3  }
0x49a: {  	s3 =	rddreg [dreg:$0x1b];
	[tilespmem:s30+$0x110] =	vst v4  }
0x49b: {  	v3 =	vld [tilespmem:s3+$0x0];
	s1 =	rddreg [dreg:$0x18]  }
0x49c: {  	s6 =	rddreg [dreg:$0x1c];
	v51 =	vld [tilespmem:s1+$0x0]  }
0x49d: {  	v6 =	vld [tilespmem:s6+$0x0];
	_ =	sdelay $0x1  }
0x49e: {  	[tilespmem:s30+$0x320] =	vst v5  }
0x49f: {  	v5 =	vld [tilespmem:s0+$0x10];
	[tilespmem:s30+$0xFFFFFD20] =	vst v3  }
0x4a0: {  	v3 =	vld [tilespmem:s3+$0x10];
	[tilespmem:s30+$0xFFFFFF20] =	vst v51  }
0x4a1: {  	[tilespmem:s30+$0x120] =	vst v6;
	v4 =	vld [tilespmem:s1+$0x10]  }
0x4a2: {  	v6 =	vld [tilespmem:s6+$0x10];
	_ =	sdelay $0x1  }
0x4a3: {  	(v2sf) =	vpush v0, $0xB;
	[tilespmem:s30+$0x330] =	vst v5  }
0x4a4: {  	[tilespmem:s30+$0xFFFFFD30] =	vst v3;
	s6 =	spop (v2sf)  }
0x4a5: {  	s8 =	rddreg [dreg:$0x16];
	[tilespmem:s30+$0xFFFFFF30] =	vst v4;
	v5 =	vld [tilespmem:s6+$0x0]  }
0x4a6: {  	v3 =	vld [tilespmem:s8+$0x0];
	s9 =	rddreg [dreg:$0x14];
	[tilespmem:s30+$0x130] =	vst v6  }
0x4a7: {  	v4 =	vld [tilespmem:s9+$0x0];
	s12 =	rddreg [dreg:$0x12]  }
0x4a8: {  	v6 =	vld [tilespmem:s12+$0x0];
	_ =	sdelay $0x1  }
0x4a9: {  	[tilespmem:s30+$0x340] =	vst v5  }
0x4aa: {  	[tilespmem:s30+$0xFFFFFD40] =	vst v3;
	v5 =	vld [tilespmem:s6+$0x10]  }
0x4ab: {  	v3 =	vld [tilespmem:s8+$0x10];
	[tilespmem:s30+$0xFFFFFF40] =	vst v4  }
0x4ac: {  	v4 =	vld [tilespmem:s9+$0x10];
	[tilespmem:s30+$0x140] =	vst v6  }
0x4ad: {  	v6 =	vld [tilespmem:s12+$0x10]  }
0x4ae: {  	(v2sf) =	vpush v0, $0xC  }
0x4af: {  	[tilespmem:s30+$0x350] =	vst v5  }
0x4b0: {  	[tilespmem:s30+$0xFFFFFD50] =	vst v3  }
0x4b1: {  	s13 =	spop (v2sf);
	[tilespmem:s30+$0xFFFFFF50] =	vst v4  }
0x4b2: {  	v5 =	vld [tilespmem:s13+$0x0];
	s14 =	rddreg [dreg:$0xc];
	[tilespmem:s30+$0x150] =	vst v6  }
0x4b3: {  	v3 =	vld [tilespmem:s14+$0x0];
	s15 =	rddreg [dreg:$0xf]  }
0x4b4: {  	s16 =	rddreg [dreg:$0x10];
	v4 =	vld [tilespmem:s15+$0x0]  }
0x4b5: {  	v6 =	vld [tilespmem:s16+$0x0];
	_ =	sdelay $0x1  }
0x4b6: {  	[tilespmem:s30+$0x360] =	vst v5  }
0x4b7: {  	v5 =	vld [tilespmem:s13+$0x10];
	[tilespmem:s30+$0xFFFFFD60] =	vst v3  }
0x4b8: {  	v3 =	vld [tilespmem:s14+$0x10];
	[tilespmem:s30+$0xFFFFFF60] =	vst v4  }
0x4b9: {  	(v2sf) =	vpush v0, $0xD;
	[tilespmem:s30+$0x160] =	vst v6;
	v4 =	vld [tilespmem:s15+$0x10]  }
0x4ba: {  	v6 =	vld [tilespmem:s16+$0x10];
	_ =	sdelay $0x1  }
0x4bb: {  	s20 =	spop (v2sf);
	[tilespmem:s30+$0x370] =	vst v5  }
0x4bc: {  	v5 =	vld [tilespmem:s20+$0x0];
	[tilespmem:s30+$0xFFFFFD70] =	vst v3  }
0x4bd: {  	[tilespmem:s30+$0xFFFFFF70] =	vst v4;
	v3 =	vld [tilespmem:s10+$0x0]  }
0x4be: {  	[tilespmem:s30+$0x170] =	vst v6;
	v4 =	vld [tilespmem:s11+$0x0]  }
0x4bf: {  	v6 =	vld [tilespmem:s19+$0x0];
	_ =	sdelay $0x1  }
0x4c0: {  	[tilespmem:s30+$0x380] =	vst v5  }
0x4c1: {  	v5 =	vld [tilespmem:s20+$0x10];
	[tilespmem:s30+$0xFFFFFD80] =	vst v3  }
0x4c2: {  	v3 =	vld [tilespmem:s10+$0x10];
	[tilespmem:s30+$0xFFFFFF80] =	vst v4  }
0x4c3: {  	(v2sf) =	vpush v0, $0xE;
	[tilespmem:s30+$0x180] =	vst v6;
	v4 =	vld [tilespmem:s11+$0x10]  }
0x4c4: {  	v6 =	vld [tilespmem:s19+$0x10];
	_ =	sdelay $0x1  }
0x4c5: {  	s21 =	spop (v2sf);
	[tilespmem:s30+$0x390] =	vst v5  }
0x4c6: {  	v5 =	vld [tilespmem:s21+$0x0];
	[tilespmem:s30+$0xFFFFFD90] =	vst v3  }
0x4c7: {  	[tilespmem:s30+$0xFFFFFF90] =	vst v4;
	v3 =	vld [tilespmem:s5+$0x0]  }
0x4c8: {  	[tilespmem:s30+$0x190] =	vst v6;
	v4 =	vld [tilespmem:s17+$0x0]  }
0x4c9: {  	v6 =	vld [tilespmem:s22+$0x0];
	_ =	sdelay $0x1  }
0x4ca: {  	[tilespmem:s30+$0x3A0] =	vst v5  }
0x4cb: {  	v5 =	vld [tilespmem:s21+$0x10];
	[tilespmem:s30+$0xFFFFFDA0] =	vst v3  }
0x4cc: {  	v3 =	vld [tilespmem:s5+$0x10];
	[tilespmem:s30+$0xFFFFFFA0] =	vst v4  }
0x4cd: {  	[tilespmem:s30+$0x1A0] =	vst v6;
	v4 =	vld [tilespmem:s17+$0x10]  }
0x4ce: {  	[tilespmem:s25+$0xFFFFFFD0] =	vst v1;
	(v2sf) =	vpush v0, $0xF;
	v52 =	vld [tilespmem:s22+$0x10]  }
0x4cf: {  	[tilespmem:s25+$0x1D0] =	vst v2  }
0x4d0: {  	s22 =	spop (v2sf);
	[tilespmem:s30+$0x3B0] =	vst v5  }
0x4d1: {  	v5 =	vld [tilespmem:s22+$0x0];
	[tilespmem:s30+$0xFFFFFDB0] =	vst v3  }
0x4d2: {  	[tilespmem:s30+$0xFFFFFFB0] =	vst v4;
	v3 =	vld [tilespmem:s4+$0x0]  }
0x4d3: {  	[tilespmem:s30+$0x1B0] =	vst v52;
	v53 =	vld [tilespmem:s2+$0x0]  }
0x4d4: {  	v54 =	vld [tilespmem:s7+$0x0];
	s23 =	rddreg [dreg:$0x9]  }
0x4d5: {  	s26 =	rddreg [dreg:$0x6];
	v55 =	vld [tilespmem:s23+$0x0]  }
0x4d6: {  	v56 =	vld [tilespmem:s26+$0x0];
	[tilespmem:s30+$0x3C0] =	vst v5  }
0x4d7: {  	[tilespmem:s30+$0xFFFFFDC0] =	vst v3  }
0x4d8: {  	v5 =	vld [tilespmem:s22+$0x10];
	[tilespmem:s30+$0xFFFFFFC0] =	vst v53  }
0x4d9: {  	v3 =	vld [tilespmem:s4+$0x10];
	[tilespmem:s30+$0x1C0] =	vst v54  }
0x4da: {  	v0 =	vld [tilespmem:s2+$0x10];
	[tilespmem:s25+$0xFFFFFDE0] =	vst v55  }
0x4db: {  	v1 =	vld [tilespmem:s7+$0x10];
	[tilespmem:s25+$0xFFFFFFE0] =	vst v56  }
0x4dc: {  	s28 =	rddreg [dreg:$0x7];
	v58 =	vld [tilespmem:s23+$0x10]  }
0x4dd: {  	s29 =	spop (v2sf);
	v57 =	vld [tilespmem:s28+$0x0];
	[tilespmem:s30+$0x3D0] =	vst v5  }
0x4de: {  	v5 =	vld [tilespmem:s29+$0x0];
	[tilespmem:s30+$0xFFFFFDD0] =	vst v3  }
0x4df: {  	[tilespmem:s30+$0xFFFFFFD0] =	vst v0;
	v59 =	vld [tilespmem:s31+$0x0]  }
0x4e0: {  	[tilespmem:s30+$0x1D0] =	vst v1;
	v60 =	vld [tilespmem:s24+$0x0]  }
0x4e1: {  	v61 =	vld [tilespmem:s18+$0x0];
	[tilespmem:s25+$0xFFFFFDF0] =	vst v58  }
0x4e2: {  	v62 =	vld [tilespmem:s26+$0x10];
	[tilespmem:s25+$0x1E0] =	vst v57  }
0x4e3: {  	v63 =	vld [tilespmem:s28+$0x10];
	[tilespmem:s30+$0x3E0] =	vst v5  }
0x4e4: {  	v5 =	vld [tilespmem:s29+$0x10];
	[tilespmem:s30+$0xFFFFFDE0] =	vst v59  }
0x4e5: {  	v0 =	vld [tilespmem:s31+$0x10];
	[tilespmem:s30+$0xFFFFFFE0] =	vst v60  }
0x4e6: {  	[tilespmem:s30+$0x1E0] =	vst v61;
	v1 =	vld [tilespmem:s24+$0x10]  }
0x4e7: {  	[tilespmem:s25+$0xFFFFFFF0] =	vst v62;
	v2 =	vld [tilespmem:s18+$0x10]  }
0x4e8: {  	[tilespmem:s25+$0x1F0] =	vst v63  }
0x4e9: {  	[tilespmem:s30+$0x3F0] =	vst v5  }
0x4ea: {  	[tilespmem:s30+$0xFFFFFDF0] =	vst v0  }
0x4eb: {  	[tilespmem:s30+$0xFFFFFFF0] =	vst v1  }
0x4ec: {  	s0 =	simm.s32 $0x0;
	s1 =	simm.s32 $0xBA8;
	[tilespmem:s30+$0x1F0] =	vst v2  }
.LBB2_9:
0x4ed: {  	v0 =	vld [tilespmem:s1+$0x0];
	_ =	sdelay $0x4  }
0x4ee: {  	v0 =	vshll.u32 v0, $0x5  }
0x4ef: {  	(v2sf) =	vpush v0, $0x0;
	_ =	sdelay $0xb  }
0x4f0: {  	(v2sf) =	vpush v0, $0x1;
	_ =	sdelay $0x2  }
0x4f1: {  	s3 =	spop (v2sf)  }
0x4f2: {  	v1 =	vld [tilespmem:s3+$0x0];
	_ =	sdelay $0x3  }
0x4f3: {  	s2 =	sshra.s32 s0, $0x2  }
0x4f4: {  	[tilespmem:s2+$0x100D0] =	vst v1  }
0x4f5: {  	v1 =	vld [tilespmem:s3+$0x10];
	_ =	sdelay $0x1  }
0x4f6: {  	(v2sf) =	vpush v0, $0x2;
	_ =	sdelay $0x2  }
0x4f7: {  	s16 =	spop (v2sf);
	[tilespmem:s2+$0x100E0] =	vst v1  }
0x4f8: {  	v1 =	vld [tilespmem:s16+$0x0];
	_ =	sdelay $0x4  }
0x4f9: {  	[tilespmem:s2+$0x100F0] =	vst v1  }
0x4fa: {  	v1 =	vld [tilespmem:s16+$0x10];
	_ =	sdelay $0x1  }
0x4fb: {  	(v2sf) =	vpush v0, $0x3;
	_ =	sdelay $0x2  }
0x4fc: {  	s17 =	spop (v2sf);
	[tilespmem:s2+$0x10100] =	vst v1  }
0x4fd: {  	v1 =	vld [tilespmem:s17+$0x0];
	_ =	sdelay $0x4  }
0x4fe: {  	[tilespmem:s2+$0x10110] =	vst v1  }
0x4ff: {  	v1 =	vld [tilespmem:s17+$0x10];
	_ =	sdelay $0x1  }
0x500: {  	(v2sf) =	vpush v0, $0x4;
	_ =	sdelay $0x2  }
0x501: {  	s18 =	spop (v2sf);
	[tilespmem:s2+$0x10120] =	vst v1  }
0x502: {  	v1 =	vld [tilespmem:s18+$0x0];
	_ =	sdelay $0x4  }
0x503: {  	[tilespmem:s2+$0x10130] =	vst v1  }
0x504: {  	v1 =	vld [tilespmem:s18+$0x10];
	_ =	sdelay $0x1  }
0x505: {  	(v2sf) =	vpush v0, $0x5;
	_ =	sdelay $0x2  }
0x506: {  	s19 =	spop (v2sf);
	[tilespmem:s2+$0x10140] =	vst v1  }
0x507: {  	v1 =	vld [tilespmem:s19+$0x0];
	_ =	sdelay $0x4  }
0x508: {  	[tilespmem:s2+$0x10150] =	vst v1  }
0x509: {  	v1 =	vld [tilespmem:s19+$0x10];
	_ =	sdelay $0x1  }
0x50a: {  	(v2sf) =	vpush v0, $0x6;
	_ =	sdelay $0x2  }
0x50b: {  	s20 =	spop (v2sf);
	[tilespmem:s2+$0x10160] =	vst v1  }
0x50c: {  	v1 =	vld [tilespmem:s20+$0x0];
	_ =	sdelay $0x4  }
0x50d: {  	[tilespmem:s2+$0x10170] =	vst v1  }
0x50e: {  	v1 =	vld [tilespmem:s20+$0x10];
	_ =	sdelay $0x1  }
0x50f: {  	(v2sf) =	vpush v0, $0x7;
	_ =	sdelay $0x2  }
0x510: {  	s21 =	spop (v2sf);
	[tilespmem:s2+$0x10180] =	vst v1  }
0x511: {  	v1 =	vld [tilespmem:s21+$0x0];
	_ =	sdelay $0x4  }
0x512: {  	[tilespmem:s2+$0x10190] =	vst v1  }
0x513: {  	v1 =	vld [tilespmem:s21+$0x10];
	_ =	sdelay $0x1  }
0x514: {  	(v2sf) =	vpush v0, $0x8;
	_ =	sdelay $0x2  }
0x515: {  	s22 =	spop (v2sf);
	[tilespmem:s2+$0x101A0] =	vst v1  }
0x516: {  	v1 =	vld [tilespmem:s22+$0x0];
	_ =	sdelay $0x4  }
0x517: {  	[tilespmem:s2+$0x101B0] =	vst v1  }
0x518: {  	v1 =	vld [tilespmem:s22+$0x10];
	_ =	sdelay $0x1  }
0x519: {  	(v2sf) =	vpush v0, $0x9;
	_ =	sdelay $0x2  }
0x51a: {  	s23 =	spop (v2sf);
	[tilespmem:s2+$0x101C0] =	vst v1  }
0x51b: {  	v1 =	vld [tilespmem:s23+$0x0];
	_ =	sdelay $0x4  }
0x51c: {  	[tilespmem:s2+$0x101D0] =	vst v1  }
0x51d: {  	v1 =	vld [tilespmem:s23+$0x10];
	_ =	sdelay $0x1  }
0x51e: {  	(v2sf) =	vpush v0, $0xA;
	_ =	sdelay $0x2  }
0x51f: {  	s24 =	spop (v2sf);
	[tilespmem:s2+$0x101E0] =	vst v1  }
0x520: {  	v1 =	vld [tilespmem:s24+$0x0];
	_ =	sdelay $0x4  }
0x521: {  	[tilespmem:s2+$0x101F0] =	vst v1  }
0x522: {  	v1 =	vld [tilespmem:s24+$0x10];
	_ =	sdelay $0x1  }
0x523: {  	(v2sf) =	vpush v0, $0xB;
	_ =	sdelay $0x2  }
0x524: {  	s25 =	spop (v2sf);
	[tilespmem:s2+$0x10200] =	vst v1  }
0x525: {  	v1 =	vld [tilespmem:s25+$0x0];
	_ =	sdelay $0x4  }
0x526: {  	[tilespmem:s2+$0x10210] =	vst v1  }
0x527: {  	v1 =	vld [tilespmem:s25+$0x10];
	_ =	sdelay $0x1  }
0x528: {  	(v2sf) =	vpush v0, $0xC;
	_ =	sdelay $0x2  }
0x529: {  	s26 =	spop (v2sf);
	[tilespmem:s2+$0x10220] =	vst v1  }
0x52a: {  	v1 =	vld [tilespmem:s26+$0x0];
	_ =	sdelay $0x4  }
0x52b: {  	[tilespmem:s2+$0x10230] =	vst v1  }
0x52c: {  	v1 =	vld [tilespmem:s26+$0x10];
	_ =	sdelay $0x1  }
0x52d: {  	(v2sf) =	vpush v0, $0xD;
	_ =	sdelay $0x2  }
0x52e: {  	s28 =	spop (v2sf);
	[tilespmem:s2+$0x10240] =	vst v1  }
0x52f: {  	v1 =	vld [tilespmem:s28+$0x0];
	_ =	sdelay $0x4  }
0x530: {  	[tilespmem:s2+$0x10250] =	vst v1  }
0x531: {  	v1 =	vld [tilespmem:s28+$0x10];
	_ =	sdelay $0x1  }
0x532: {  	(v2sf) =	vpush v0, $0xE;
	_ =	sdelay $0x2  }
0x533: {  	s29 =	spop (v2sf);
	[tilespmem:s2+$0x10260] =	vst v1  }
0x534: {  	v1 =	vld [tilespmem:s29+$0x0];
	_ =	sdelay $0x4  }
0x535: {  	[tilespmem:s2+$0x10270] =	vst v1  }
0x536: {  	v1 =	vld [tilespmem:s29+$0x10];
	_ =	sdelay $0x1  }
0x537: {  	(v2sf) =	vpush v0, $0xF;
	_ =	sdelay $0x2  }
0x538: {  	s30 =	spop (v2sf);
	[tilespmem:s2+$0x10280] =	vst v1  }
0x539: {  	v63 =	vld [tilespmem:s30+$0x0];
	_ =	sdelay $0x4  }
0x53a: {  	[tilespmem:s2+$0x10290] =	vst v63  }
0x53b: {  	v0 =	vld [tilespmem:s30+$0x10];
	_ =	sdelay $0x4  }
0x53c: {  	s31 =	spop (v2sf);
	[tilespmem:s2+$0x102A0] =	vst v0  }
0x53d: {  	v0 =	vld [tilespmem:s31+$0x0];
	_ =	sdelay $0x4  }
0x53e: {  	[tilespmem:s2+$0x102B0] =	vst v0  }
0x53f: {  	p0 =	sne.s32 s0, $0x800;
	v0 =	vld [tilespmem:s31+$0x10]  }
.Ltmp5:
0x540: {  	_ = 	snop;
	(pc) =	sbr.rel @p0 .LBB2_9-.Ltmp5, $2  }
0x541: {  	_ =	sdelay $0x2  }
0x542: {  	s1 =	sadd.s32 $0x10, s1;
	s0 =	sadd.s32 $0x800, s0;
	[tilespmem:s2+$0x102C0] =	vst v0  }
0x543: {  	v0 =	vld [tilespmem:$0xBC0];
	_ =	sdelay $0x4  }
0x544: {  	v0 =	vshll.u32 v0, $0x5  }
0x545: {  	(v2sf) =	vpush v0, $0x0;
	_ =	sdelay $0xb  }
0x546: {  	(v2sf) =	vpush v0, $0x1;
	_ =	sdelay $0x2  }
0x547: {  	s0 =	spop (v2sf)  }
0x548: {  	v1 =	vld [tilespmem:s0+$0x0];
	_ =	sdelay $0x4  }
0x549: {  	[tilespmem:$0x103D0] =	vst v1  }
0x54a: {  	v1 =	vld [tilespmem:s0+$0x10];
	_ =	sdelay $0x1  }
0x54b: {  	(v2sf) =	vpush v0, $0x2;
	_ =	sdelay $0x2  }
0x54c: {  	s14 =	spop (v2sf);
	[tilespmem:$0x103E0] =	vst v1  }
0x54d: {  	v1 =	vld [tilespmem:s14+$0x0];
	_ =	sdelay $0x4  }
0x54e: {  	[tilespmem:$0x103F0] =	vst v1  }
0x54f: {  	v1 =	vld [tilespmem:s14+$0x10];
	_ =	sdelay $0x1  }
0x550: {  	(v2sf) =	vpush v0, $0x3;
	_ =	sdelay $0x2  }
0x551: {  	s15 =	spop (v2sf);
	[tilespmem:$0x10400] =	vst v1  }
0x552: {  	v1 =	vld [tilespmem:s15+$0x0];
	_ =	sdelay $0x4  }
0x553: {  	[tilespmem:$0x10410] =	vst v1  }
0x554: {  	v1 =	vld [tilespmem:s15+$0x10];
	_ =	sdelay $0x1  }
0x555: {  	(v2sf) =	vpush v0, $0x4;
	_ =	sdelay $0x2  }
0x556: {  	s16 =	spop (v2sf);
	[tilespmem:$0x10420] =	vst v1  }
0x557: {  	v1 =	vld [tilespmem:s16+$0x0];
	_ =	sdelay $0x4  }
0x558: {  	[tilespmem:$0x10430] =	vst v1  }
0x559: {  	v1 =	vld [tilespmem:s16+$0x10];
	_ =	sdelay $0x1  }
0x55a: {  	(v2sf) =	vpush v0, $0x5;
	_ =	sdelay $0x2  }
0x55b: {  	s17 =	spop (v2sf);
	[tilespmem:$0x10440] =	vst v1  }
0x55c: {  	v1 =	vld [tilespmem:s17+$0x0];
	_ =	sdelay $0x4  }
0x55d: {  	[tilespmem:$0x10450] =	vst v1  }
0x55e: {  	v1 =	vld [tilespmem:s17+$0x10];
	_ =	sdelay $0x1  }
0x55f: {  	(v2sf) =	vpush v0, $0x6;
	_ =	sdelay $0x2  }
0x560: {  	s18 =	spop (v2sf);
	[tilespmem:$0x10460] =	vst v1  }
0x561: {  	v1 =	vld [tilespmem:s18+$0x0];
	_ =	sdelay $0x4  }
0x562: {  	[tilespmem:$0x10470] =	vst v1  }
0x563: {  	v1 =	vld [tilespmem:s18+$0x10];
	_ =	sdelay $0x1  }
0x564: {  	(v2sf) =	vpush v0, $0x7;
	_ =	sdelay $0x2  }
0x565: {  	s19 =	spop (v2sf);
	[tilespmem:$0x10480] =	vst v1  }
0x566: {  	v1 =	vld [tilespmem:s19+$0x0];
	_ =	sdelay $0x4  }
0x567: {  	[tilespmem:$0x10490] =	vst v1  }
0x568: {  	v1 =	vld [tilespmem:s19+$0x10];
	_ =	sdelay $0x1  }
0x569: {  	(v2sf) =	vpush v0, $0x8;
	_ =	sdelay $0x2  }
0x56a: {  	s20 =	spop (v2sf);
	[tilespmem:$0x104A0] =	vst v1  }
0x56b: {  	v1 =	vld [tilespmem:s20+$0x0];
	_ =	sdelay $0x4  }
0x56c: {  	[tilespmem:$0x104B0] =	vst v1  }
0x56d: {  	v1 =	vld [tilespmem:s20+$0x10];
	_ =	sdelay $0x1  }
0x56e: {  	(v2sf) =	vpush v0, $0x9;
	_ =	sdelay $0x2  }
0x56f: {  	s21 =	spop (v2sf);
	[tilespmem:$0x104C0] =	vst v1  }
0x570: {  	v1 =	vld [tilespmem:s21+$0x0];
	_ =	sdelay $0x4  }
0x571: {  	[tilespmem:$0x104D0] =	vst v1  }
0x572: {  	v1 =	vld [tilespmem:s21+$0x10];
	_ =	sdelay $0x1  }
0x573: {  	(v2sf) =	vpush v0, $0xA;
	_ =	sdelay $0x2  }
0x574: {  	s22 =	spop (v2sf);
	[tilespmem:$0x104E0] =	vst v1  }
0x575: {  	v1 =	vld [tilespmem:s22+$0x0];
	_ =	sdelay $0x4  }
0x576: {  	[tilespmem:$0x104F0] =	vst v1  }
0x577: {  	v1 =	vld [tilespmem:s22+$0x10];
	_ =	sdelay $0x1  }
0x578: {  	(v2sf) =	vpush v0, $0xB;
	_ =	sdelay $0x2  }
0x579: {  	s23 =	spop (v2sf);
	[tilespmem:$0x10500] =	vst v1  }
0x57a: {  	v1 =	vld [tilespmem:s23+$0x0];
	_ =	sdelay $0x4  }
0x57b: {  	[tilespmem:$0x10510] =	vst v1  }
0x57c: {  	v1 =	vld [tilespmem:s23+$0x10];
	_ =	sdelay $0x1  }
0x57d: {  	(v2sf) =	vpush v0, $0xC;
	_ =	sdelay $0x2  }
0x57e: {  	s24 =	spop (v2sf);
	[tilespmem:$0x10520] =	vst v1  }
0x57f: {  	v1 =	vld [tilespmem:s24+$0x0];
	_ =	sdelay $0x4  }
0x580: {  	[tilespmem:$0x10530] =	vst v1  }
0x581: {  	v1 =	vld [tilespmem:s24+$0x10];
	_ =	sdelay $0x1  }
0x582: {  	(v2sf) =	vpush v0, $0xD;
	_ =	sdelay $0x2  }
0x583: {  	s25 =	spop (v2sf);
	[tilespmem:$0x10540] =	vst v1  }
0x584: {  	v1 =	vld [tilespmem:s25+$0x0];
	_ =	sdelay $0x4  }
0x585: {  	[tilespmem:$0x10550] =	vst v1  }
0x586: {  	v1 =	vld [tilespmem:s25+$0x10];
	_ =	sdelay $0x1  }
0x587: {  	(v2sf) =	vpush v0, $0xE;
	_ =	sdelay $0x2  }
0x588: {  	s26 =	spop (v2sf);
	[tilespmem:$0x10560] =	vst v1  }
0x589: {  	v1 =	vld [tilespmem:s26+$0x0];
	_ =	sdelay $0x4  }
0x58a: {  	[tilespmem:$0x10570] =	vst v1  }
0x58b: {  	v1 =	vld [tilespmem:s26+$0x10];
	_ =	sdelay $0x1  }
0x58c: {  	(v2sf) =	vpush v0, $0xF;
	_ =	sdelay $0x2  }
0x58d: {  	s28 =	spop (v2sf);
	[tilespmem:$0x10580] =	vst v1  }
0x58e: {  	v63 =	vld [tilespmem:s28+$0x0];
	_ =	sdelay $0x4  }
0x58f: {  	[tilespmem:$0x10590] =	vst v63  }
0x590: {  	v0 =	vld [tilespmem:s28+$0x10];
	_ =	sdelay $0x4  }
0x591: {  	s29 =	spop (v2sf);
	[tilespmem:$0x105A0] =	vst v0  }
0x592: {  	v0 =	vld [tilespmem:s29+$0x0];
	_ =	sdelay $0x4  }
0x593: {  	[tilespmem:$0x105B0] =	vst v0  }
0x594: {  	s30 =	sld [smem:$0x7E2];
	v0 =	vld [tilespmem:s29+$0x10];
	_ =	sdelay $0x1  }
.Ltmp6:
0x595: {  	_ = 	snop;
	(pc) =	sbr.rel @p1 .LBB2_12-.Ltmp6, $4  }
0x596: {  	s0 =	sshll.u32 s30, $0x2  }
0x597: {  	s1 =	rddreg [dreg:$0x2];
	s0 =	sand.u32 $0x1FFFFFE0, s0  }
0x598: {  	s4 =	simm.s32 $0x0;
	s31 =	simm.s32 $0x88D0;
	s0 =	sadd.s32 s1, s0;
	[tilespmem:$0x105C0] =	vst v0  }
0x599: {  	[hbm4b:s0+s4] =	stream.linear.scatter [tilespmem:s31], [sflag:$0x4], $0x7D00, $0x38;
	[tilespmem:$0x105D0] =	vst v63  }
0x59a: {  	s0 =	sld [smem:$0x7FC]  }
0x59b: {  	s1 =	sld [smem:$0x7F3];
	_ =	sdelay $0x1  }
.Ltmp7:
0x59c: {  	s31 =	sld [smem:$0x7F2];
	(pc) =	sbr.rel .LBB2_2-.Ltmp7, $4  }
0x59d: {  	s0 =	sadd.s32 s1, s0  }
0x59e: {  	s29 =	rddreg [dreg:$0x0];
	s0 =	sshrl.u32 s0, $0x3  }
0x59f: {  	s30 =	simm.s32 $0x7E8;
	s1 =	sadd.s32 $0x1, s31;
	s0 =	sadd.s32 s29, s0  }
0x5a0: {  	[tilespmem:s30], [sflag:$0x2] =	stream.linear.gather [hbm4b:s0+s4], $0x3E8, $0x38;
	[tilespmem:$0x105D0] =	vst v63  }
.LBB2_13:
0x5a1: {  	_ =	sfence.sel $0x180000  }
0x5a2: {  	[bflag:$0x0] =	sbarrier.arrive $0xFFFF  }
0x5a3: {  	_ =	strace $0x90000047  }
0x5a4: {  	s0 =	stileid.u32;
	[bflag:$0x2] =	sbarrier.arrive $0xFFFF  }
0x5a5: {  	p0 =	sne.s32 s0, $0x0;
	s0 =	rddreg [dreg:$0x3]  }
0x5a6: {  	s0 =	sadd.s32 @!p0 $0x100000, s0  }
0x5a7: {  	[sflag:s0] =	ssyncadd.tile.s32 @!p0 $0x1;
	_ =	shalt  }
.Lfunc_end2:
_tile_overlayer_lowered:
.L_overlay_start_2:
0x5a8: {  	(tag) =	ssettag $0x2  }
0x5a9: {  	s0 =	rddreg [dreg:$0x0];
	s2 =	stileid.u32  }
0x5aa: {  	s1 =	rddreg [dreg:$0x1];
	p0 =	sne.s32 s2, $0x0  }
0x5ab: {  	s3 =	rddreg [dreg:$0x2];
	[bflag:$0x3] =	sbarrier.arrive $0xFFFF;
	s2 =	simm.s32 @!p0 $0x1C05  }
0x5ac: {  	[timem:s3], [sflag:s2] =	dma.local @!p0 [hbm:s0], s1  }
0x5ad: {  	s0 =	simm.s32 @!p0 $0x5  }
0x5ae: {  	_ =	swait.ge @!p0 [sflag:s0], s1  }
0x5af: {  	s1 =	ssub.s32 @!p0 $0x0, s1;
	[sflag:s0] =	ssyncset.done @!p0 $0x0  }
0x5b0: {  	[sflag:s0] =	ssyncadd.s32 @!p0 s1  }
0x5b1: {  	[bflag:$0x3] =	sbarrier.arrive $0xFFFF  }
0x5b2: {  	_ =	shalt  }

// kernel: sparse-core-data-format-call.cloned.1.call-start
scs
called_computation_lowered:
.L_overlay_start_0:
0x0: {  	s2 =	sld [smem:$0x3FD9]  }
0x1: {  	s3 =	sld [smem:$0x3FFE];
	_ =	sdelay $0x1  }
0x2: {  	s1 =	srdreg.scid  }
0x3: {  	s0 =	sand.u32 $0x1, s1  }
0x4: {  	s18 =	sshll.u32 s0, $0xA;
	s2 =	sadd.s32 s3, s2  }
0x5: {  	s2 =	sadd.s32 s2, s18  }
0x6: {  	[smem:$0x3FC6] =	sst s2  }
0x7: {  	_ = 	snop  }
0x8: {  	s2 =	sld [smem:$0x3FD0];
	(tm) =	ssettm $0x1  }
0x9: {  	s19 =	sld [smem:$0x3FFB];
	_ =	sdelay $0x3  }
0xa: {  	_ =	strace s19  }
0xb: {  	s3 =	sld [smem:$0x3FFC];
	_ =	sdelay $0x3  }
0xc: {  	_ =	strace s3  }
0xd: {  	s3 =	sld [smem:$0x3FFD];
	_ =	sdelay $0x3  }
0xe: {  	_ =	strace s3  }
0xf: {  	_ =	strace $0x8FFFFFFF  }
0x10: {  	s20 =	sld [smem:$0x3FDB];
	_ =	sdelay $0x1  }
0x11: {  	s4 =	simm.s32 $_scs_section_size  }
0x12: {  	s5 =	simm.s32 $_size__tile_overlayer_lowered;
	s6 =	simm.s32 $_tile_overlayer_lowered  }
0x13: {  	s23 =	simm.s32 $0x1BFF;
	s22 =	sshll.u32 s6, $0x1;
	s3 =	sadd.s32 s4, s20  }
0x14: {  	s7 =	simm.s32 $0x0;
	s21 =	sshll.u32 s5, $0x1;
	s5 =	sadd.s32 s22, s3  }
0x15: {  	[timem:s7], [sflag:s23] =	dma.local [hbm:s5], s21  }
0x16: {  	_ =	swait.ge [sflag:s23], s21  }
0x17: {  	s4 =	ssub.s32 $0x0, s21;
	[sflag:s23] =	ssyncset.done $0x0  }
0x18: {  	[sflag:s23] =	ssyncadd.s32 s4;
	_ =	sdelay $0x1  }
0x19: {  	s24 =	simm.s32 $0x1B8B  }
0x1a: {  	_ =	swait.ge [sflag:s24], $0x1  }
0x1b: {  	[sflag:s24] =	ssyncset.done $0x0  }
0x1c: {  	s26 =	simm.s32 $0x1B8E;
	s25 =	sld [smem:$0x3FFE];
	[sflag:s24] =	ssyncadd.s32 $0xFFFFFFFF  }
0x1d: {  	s27 =	simm.s32 $execute0_lowered;
	[smem:$0x3FD2] =	sst s26  }
0x1e: {  	s5 =	sshll.u32 s27, $0x1;
	_ =	strace $0x80000049;
	[dreg:$0x1] =	wrdreg $0xFFFFFFFF  }
0x1f: {  	s28 =	simm.s32 $_size_execute0_lowered;
	s3 =	sadd.s32 s3, s5;
	[dreg:$0x0] =	wrdreg $0x0  }
0x20: {  	s5 =	sshll.u32 s28, $0x1;
	[dreg:$0x2] =	wrdreg s3  }
0x21: {  	[dreg:$0x3] =	wrdreg s5  }
0x22: {  	[dreg:$0x4] =	wrdreg $0xC0  }
0x23: {  	_ =	task [dreg:s7], $0x5FFFF  }
0x24: {  	[dreg:$0x1] =	wrdreg $0xFFFFFFFF  }
0x25: {  	[dreg:$0x0] =	wrdreg $0x60  }
0x26: {  	[dreg:$0x2] =	wrdreg s25  }
0x27: {  	[dreg:$0x3] =	wrdreg s2  }
0x28: {  	[dreg:$0x4] =	wrdreg $0x9  }
0x29: {  	_ =	task.clear_ibuf [dreg:s7], $0x5FFFF;
	_ =	strace $0x90000049  }
0x2a: {  	s29 =	simm.s32 $0x9;
	_ =	strace $0x8000004B  }
0x2b: {  	_ =	swait.ge [sflag:s29], $0x1  }
0x2c: {  	[sflag:s29] =	ssyncadd.s32 $0xFFFFFFFF  }
0x2d: {  	_ =	strace $0x9000004B  }
0x2e: {  	_ =	sfence  }
0x2f: {  	s30 =	sld [smem:$0x0];
	_ =	sdelay $0x2  }
0x30: {  	s31 =	sshll.u32 s1, $0xD;
	s1 =	sshrl.u32 s1, $0x2  }
0x31: {  	s3 =	sand.u32 $0x4000, s31;
	s1 =	sadd.s32 s1, s30  }
0x32: {  	s0 =	sor.u32 s3, s0;
	s1 =	sshll.u32 s1, $0x11  }
0x33: {  	s0 =	sor.u32 s1, s0  }
0x34: {  	s0 =	sadd.s32 $0x8F2B, s0  }
0x35: {  	[sflag:s0] =	ssyncadd.remote.s32 $0x1  }
0x36: {  	_ =	sfence.sel $0xFFFF  }
0x37: {  	[dreg:$0x0] =	wrdreg $0xFFFFFFFF;
	(pc) =	sbr.abs _section_cstart, $3  }
0x38: {  	[dreg:$0x1] =	wrdreg $0xFFFFFFFF  }
0x39: {  	_ =	task.clear_ibuf [dreg:s7], $0x2FFFF;
	_ =	strace $0x9FFFFFFF  }
0x3a: {  	(tm) =	ssettm $0x7FFFFFFF  }
0x3b: {  	_ =	shalt  }
tec
execute0_lowered:
.L_overlay_start_1:
0x0: {  	(tag) =	ssettag $0x1  }
0x1: {  	s0 =	srdreg.scid  }
0x2: {  	s1 =	sshll.u32 s0, $0x4  }
0x3: {  	s4 =	rddreg [dreg:$0x0];
	s0 =	stileid.u32;
	s1 =	sand.u32 $0x10, s1  }
0x4: {  	s2 =	rddreg [dreg:$0x1];
	s7 =	simm.s32 $0x1;
	s1 =	sor.u32 s0, s1  }
0x5: {  	s8 =	simm.s32 $0x2;
	s11 =	simm.s32 $0x0;
	s3 =	sshll.u32 s1, $0x7  }
0x6: {  	s10 =	simm.s32 $0x0;
	s4 =	sadd.s32 $0x800, s4;
	s6 =	ssub.s32 $0x186A00, s3  }
.Ltmp0:
0x7: {  	s1 =	rddreg [dreg:$0x2];
	s5 =	sand.u32 $0xF80, s6;
	(pc) =	sbr.rel .LBB1_1-.Ltmp0, $4  }
0x8: {  	_ =	strace $0x8000004A;
	s9 =	smov.u32 s3;
	p0 =	sne.s32 s5, $0x0  }
0x9: {  	s6 =	sshrl.u32 s6, $0xC;
	s5 =	simm.s32 $0x1;
	s7 =	simm.s32 @!p0 $0x0  }
0xa: {  	[sflag:s5] =	ssyncpa.u1 $0x0;
	p0 =	por $0x0, $0x0;
	s6 =	sadd.s32 s7, s6  }
0xb: {  	[sflag:s8] =	ssyncpa.u1 $0x0;
	s8 =	simm.s32 $0xC35000;
	s7 =	sadd.s32 $0x1, s6  }
.LBB1_4:
0xc: {  	s14 =	sshll.u32 s11, $0x3  }
0xd: {  	s14 =	sand.u32 $0xFFFFFC00, s14  }
0xe: {  	s15 =	sshrl.u32 s14, $0x9  }
0xf: {  	s15 =	smulhi.u32 $0xA7C5AD, s15;
	_ =	sdelay $0x1  }
0x10: {  	s15 =	sshrl.u32 s15, $0x3  }
0x11: {  	s28 =	sand.u32 $0x7F, s11;
	s16 =	smul.u32 $0x186A00, s15  }
0x12: {  	s11 =	sor.u32 s28, s14  }
0x13: {  	s29 =	sand.u32 $0x1F, s15;
	s11 =	ssub.s32 s11, s16  }
0x14: {  	s14 =	smul.u32 $0x30D40, s29;
	s30 =	sshrl.u32 s11, $0x3;
	s11 =	sand.u32 $0x7, s11  }
0x15: {  	s15 =	sadd.s32 s2, s30;
	s11 =	sshll.u32 s11, $0x12  }
0x16: {  	[tilespmem:s13+$0x0 ss:$0x81] =	vst.msk $0xffff, v0;
	s31 =	sadd.s32 s14, s15;
	s11 =	sor.u32 $0x400, s11  }
0x17: {  	[hbm4b:s31+s11] =	stream.strided.scatter [tilespmem:s12], [sflag:$0x2], $0x1000, s8, s11, $0x20;
	[tilespmem:$0x4040] =	vst v63  }
.LBB1_5:
0x18: {  	s13 =	sadd.s32 $0x1000, s9  }
0x19: {  	p2 =	sgt.s32 s13, $0x1869FF  }
0x1a: {  	s13 =	smov.u32 @p2 s3;
	p2 =	sne.s32 s10, s7  }
.Ltmp1:
0x1b: {  	p1 =	slt.u32 s10, $0x2;
	(pc) =	sbr.rel @!p2 .LBB1_6-.Ltmp1, $4  }
0x1c: {  	s12 =	simm.s32 @!p1 $0x2  }
0x1d: {  	s14 =	sadd.s32 $0x1, s10;
	_ =	swait.ge @!p1 [sflag:s12], $0x1000  }
0x1e: {  	s11 =	smov.u32 s9;
	p0 =	por !p0, !p0;
	[sflag:s12] =	ssyncset.done @!p1 $0x0  }
0x1f: {  	s10 =	smov.u32 s14;
	s9 =	smov.u32 s13;
	[sflag:s12] =	ssyncadd.s32 @!p1 $0xFFFFF000  }
.LBB1_1:
0x20: {  	p1 =	sge.u32 s10, s6  }
0x21: {  	s12 =	sand.u32 @!p1 $0x1FFFFFF, s9  }
0x22: {  	s13 =	smulhi.u32 @!p1 $0x14F8B59, s12;
	_ =	sdelay $0x1  }
0x23: {  	s13 =	sshrl.u32 @!p1 s13, $0xD  }
0x24: {  	s13 =	smul.u32 @!p1 $0x186A00, s13;
	_ =	sdelay $0x1  }
0x25: {  	s31 =	sadd.s32 $0xFFFFFFFF, s10;
	s14 =	sxor.u32 @!p1 $0xFFFFFFFF, s10;
	s12 =	ssub.s32 @!p1 s12, s13  }
0x26: {  	s15 =	simm.s32 @!p1 $0x80;
	s14 =	sshll.u32 @!p1 s14, $0xC;
	s12 =	sshll.u32 @!p1 s12, $0x4  }
0x27: {  	s13 =	sand.u32 @!p1 $0x1000, s14;
	s14 =	simm.s32 @!p1 $0x20;
	s12 =	sadd.s32 @!p1 s4, s12  }
0x28: {  	[tilespmem:s13], [sflag:$0x1] =	stream.strided.gather @!p1 [hbm4b:s12+s14], $0x1000, s15, s14, $0x38;
	[tilespmem:$0x4040] =	vst v63  }
0x29: {  	p1 =	sge.u32 s31, s6  }
.Ltmp2:
0x2a: {  	_ = 	snop;
	(pc) =	sbr.rel @p1 .LBB1_5-.Ltmp2, $1  }
0x2b: {  	_ =	sdelay $0x3  }
0x2c: {  	s12 =	simm.s32 $0x1  }
0x2d: {  	_ =	swait.ge [sflag:s5], $0x1000;
	s12 =	simm.s32 @!p0 $0x0  }
0x2e: {  	[sflag:s5] =	ssyncset.done $0x0;
	s13 =	sshll.u32 s12, $0xC  }
0x2f: {  	[sflag:s5] =	ssyncadd.s32 $0xFFFFF000;
	s16 =	sor.u32 $0x10, s13  }
0x30: {  	s12 =	smul.u32 $0x4080, s12;
	v1 =	vld [tilespmem:s16+$0x0]  }
0x31: {  	s30 =	sand.u32 $0x1, s10;
	v0 =	vld [tilespmem:s16+$0xFFFFFFF0]  }
0x32: {  	s13 =	smul.u32 $0x4080, s30;
	s12 =	sshrl.u32 s12, $0x2  }
0x33: {  	s14 =	sor.u32 $0x2000, s12  }
0x34: {  	s31 =	sshrl.u32 s13, $0x2;
	s13 =	sadd.s32 $0x0, s14  }
0x35: {  	s15 =	simm.s32 $0x4;
	s16 =	sadd.s32 $0x20, s16;
	s12 =	sor.u32 $0x2000, s31;
	[tilespmem:s13+$0x810 ss:$0x81] =	vst.msk $0xffff, v1  }
.LBB1_3:
0x36: {  	v1 =	vld [tilespmem:s16+$0x0];
	p1 =	sne.s32 s15, $0x1FC;
	[tilespmem:s13+$0x0 ss:$0x81] =	vst.msk $0xffff, v0;
	s13 =	smov.u32 s15;
	s15 =	sadd.s32 $0x4, s15  }
.Ltmp3:
0x37: {  	v0 =	vld [tilespmem:s16+$0xFFFFFFF0];
	(pc) =	sbr.rel @p1 .LBB1_3-.Ltmp3, $4  }
0x38: {  	_ = 	snop  }
0x39: {  	s13 =	sshra.s32 s13, $0x2  }
0x3a: {  	s13 =	sadd.s32 s13, s14  }
0x3b: {  	s16 =	sadd.s32 $0x20, s16;
	[tilespmem:s13+$0x810 ss:$0x81] =	vst.msk $0xffff, v1  }
.Ltmp4:
0x3c: {  	_ = 	snop;
	(pc) =	sbr.rel .LBB1_4-.Ltmp4, $1  }
0x3d: {  	_ =	sdelay $0x3  }
.LBB1_6:
0x3e: {  	_ =	sfence.sel $0x180000  }
0x3f: {  	s2 =	simm.s32 $0x1;
	[bflag:$0x0] =	sbarrier.arrive $0xFFFF  }
0x40: {  	s31 =	simm.s32 $0x2;
	[sflag:s2] =	ssyncpa.u1 $0x1  }
0x41: {  	[sflag:s31] =	ssyncpa.u1 $0x1  }
0x42: {  	p0 =	sne.s32 s0, $0x0;
	_ =	strace $0x9000004A  }
0x43: {  	s0 =	sadd.s32 @!p0 $0x100000, s1;
	[bflag:$0x2] =	sbarrier.arrive $0xFFFF  }
0x44: {  	[sflag:s0] =	ssyncadd.tile.s32 @!p0 $0x1;
	_ =	shalt  }
.Lfunc_end1:
_tile_overlayer_lowered:
.L_overlay_start_2:
0x45: {  	(tag) =	ssettag $0x2  }
0x46: {  	s0 =	rddreg [dreg:$0x0];
	s2 =	stileid.u32  }
0x47: {  	s1 =	rddreg [dreg:$0x1];
	p0 =	sne.s32 s2, $0x0  }
0x48: {  	s3 =	rddreg [dreg:$0x2];
	[bflag:$0x3] =	sbarrier.arrive $0xFFFF;
	s2 =	simm.s32 @!p0 $0x1C01  }
0x49: {  	[timem:s3], [sflag:s2] =	dma.local @!p0 [hbm:s0], s1  }
0x4a: {  	s0 =	simm.s32 @!p0 $0x1  }
0x4b: {  	_ =	swait.ge @!p0 [sflag:s0], s1  }
0x4c: {  	s1 =	ssub.s32 @!p0 $0x0, s1;
	[sflag:s0] =	ssyncset.done @!p0 $0x0  }
0x4d: {  	[sflag:s0] =	ssyncadd.s32 @!p0 s1  }
0x4e: {  	[bflag:$0x3] =	sbarrier.arrive $0xFFFF  }
0x4f: {  	_ =	shalt  }

</sc_bundles>
